<compile_context>
chip_gen: v7x
topology: tpu7x:2x2x1
jax: 0.10.2.dev20260603
libtpu: 0.0.44.dev20260713+nightly
codegen_flags: <defaults>
</compile_context>

<pallas_src>
import jax
import jax.numpy as jnp
from jax import lax
from jax.experimental import pallas as pl
from jax.experimental.pallas import tpu as pltpu
from jax.experimental.pallas import tpu_sc as plsc

S = 131072
A = 4
E = 128
L = 16
NC = 2
NS = 16
NW = NC * NS
ROWS_PER_W = S // NW
C = 128
NCHUNK = ROWS_PER_W // C
EJ = E // L
NSLOT = 4


def _dna_body(inputs_hbm, emb_hbm, pos_hbm, out_hbm,
              emb_v, win_v, out_v, sem_in, sem_win, sem_out):
    wid = lax.axis_index("s") * NC + lax.axis_index("c")
    base = wid * ROWS_PER_W

    pltpu.sync_copy(emb_hbm, emb_v)

    WPAIR = 2 * C * A // 128

    def start_pos(g, slot):
        row0 = base + g * C
        pltpu.make_async_copy(pos_hbm.at[pl.ds(row0, C)],
                              out_v.at[slot], sem_in.at[slot]).start()

    def start_win(p, ws):
        row0 = wid * (ROWS_PER_W * A // 128) + p * WPAIR
        pltpu.make_async_copy(inputs_hbm.at[pl.ds(row0, WPAIR)],
                              win_v.at[ws], sem_win.at[ws]).start()

    start_pos(0, 0)
    start_pos(1, 1)
    start_win(0, 0)
    start_win(1, 1)

    def chunk_body(g, _):
        slot = lax.rem(g, NSLOT)
        parity = lax.rem(g, 2)
        ws = lax.rem(g // 2, 2)

        @pl.when(g + 2 < NCHUNK)
        def _():
            nslot = lax.rem(g + 2, NSLOT)

            @pl.when(g >= 2)
            def _():
                pltpu.make_async_copy(out_v.at[nslot],
                                      out_hbm.at[pl.ds(base, C)],
                                      sem_out.at[nslot]).wait()

            start_pos(g + 2, nslot)

        pltpu.make_async_copy(pos_hbm.at[pl.ds(base, C)],
                              out_v.at[slot], sem_in.at[slot]).wait()

        @pl.when(parity == 0)
        def _():
            pltpu.make_async_copy(inputs_hbm.at[pl.ds(base, WPAIR)],
                                  win_v.at[ws], sem_win.at[ws]).wait()

        wbase = parity * 4

        @plsc.parallel_loop(0, C // 16, unroll=1)
        def grp_body(m):
            wvs = [win_v[ws, wbase + a, pl.ds(16 * m, 16)]
                   for a in range(A)]
            for jh in range(2):
                jlo = jh * EJ // 2
                emb_regs = [[emb_v[a, pl.ds(L * (jlo + jj), L)]
                             for jj in range(EJ // 2)] for a in range(A)]
                for k in range(16):
                    r = m * 16 + k
                    w0 = wvs[0][k]
                    w1 = wvs[1][k]
                    w2 = wvs[2][k]
                    w3 = wvs[3][k]
                    for jj in range(EJ // 2):
                        j = jlo + jj
                        t01 = w0 * emb_regs[0][jj] + w1 * emb_regs[1][jj]
                        t23 = w2 * emb_regs[2][jj] + w3 * emb_regs[3][jj]
                        plsc.addupdate(
                            out_v.at[slot, r, pl.ds(L * j, L)], t01 + t23)

        row0 = base + g * C
        pltpu.make_async_copy(out_v.at[slot],
                              out_hbm.at[pl.ds(row0, C)],
                              sem_out.at[slot]).start()

        @pl.when(jnp.logical_and(parity == 1, g + 3 < NCHUNK))
        def _():
            start_win(g // 2 + 2, ws)

        return 0

    lax.fori_loop(0, NCHUNK, chunk_body, 0)

    for slot in range(NSLOT - 2):
        pltpu.make_async_copy(out_v.at[slot],
                              out_hbm.at[pl.ds(base, C)],
                              sem_out.at[slot]).wait()
    for slot in range(NSLOT - 2, NSLOT):
        pltpu.make_async_copy(out_v.at[slot],
                              out_hbm.at[pl.ds(base, C)],
                              sem_out.at[slot]).wait()


@jax.jit
def _dna_decode(inputs, emb_table, pos_table):
    mesh = plsc.VectorSubcoreMesh(core_axis_name="c", subcore_axis_name="s",
                                  num_cores=NC, num_subcores=NS)
    return pl.kernel(
        _dna_body,
        out_type=jax.ShapeDtypeStruct((S, E), jnp.float32),
        mesh=mesh,
        scratch_types=[
            pltpu.VMEM((A, E), jnp.float32),
            pltpu.VMEM((2, 2 * C * A // 128, 128), jnp.float32),
            pltpu.VMEM((NSLOT, C, E), jnp.float32),
            pltpu.SemaphoreType.DMA((NSLOT,)),
            pltpu.SemaphoreType.DMA((2,)),
            pltpu.SemaphoreType.DMA((NSLOT,)),
        ],
    )(inputs, emb_table, pos_table)


def kernel(inputs, emb_table, pos_table):
    w_planes = (inputs.reshape(S // 128, 128, A)
                .transpose(0, 2, 1)
                .reshape(S * A // 128, 128))
    return _dna_decode(w_planes, emb_table, pos_table)

# --- scband reference (transcript-rebuilt; emitter-appended) ---
"""Pipeline reference for scband-dnadecoder-44289702756948 (READ-ONLY COPY).

The authoritative reference and input builder live on the scoring server;
editing this copy changes nothing except your own understanding.
"""

import jax, jax.numpy as jnp
import numpy as np

S = 131072  # sequence_length
A = 4       # alphabet_size
E = 128     # embedding_size


def setup_inputs(seed: int = 0) -> dict:
    key = jax.random.key(seed)
    k1, k2, k3 = jax.random.split(key, 3)
    # forward arg: one-hot-like (soft) DNA input distribution [S, A]
    inputs = jax.random.uniform(k1, (S, A), dtype=jnp.float32)
    # learned params, sized per init_kwargs
    emb_table = jax.random.normal(k2, (A, E), dtype=jnp.float32) * 0.02
    pos_table = jax.random.normal(k3, (S, E), dtype=jnp.float32) * 0.02
    return {"inputs": inputs, "emb_table": emb_table, "pos_table": pos_table}


def reference(inputs, emb_table, pos_table):
    # DNADecoder.__call__ with input_is_distribution=False:
    # reshape flat input if needed, embed one-hot via matmul with the
    # alphabet embedding table, then add learned position embeddings.
    if inputs.ndim == 1:
        inputs = inputs.reshape(S, A)
    x = inputs @ emb_table            # Embedding(one_hot) == one_hot @ table
    out = x + pos_table[: x.shape[0]] # PositionEmbedding: add learned table
    return out

if __name__ == "__main__":
    import jax
    _d = setup_inputs()
    print(jax.jit(kernel)(*tuple(_d.values())))

</pallas_src>

<mosaic_0001>
#map = affine_map<(d0, d1) -> (0, 0)>
module attributes {stable_mosaic.version = 14 : i64} {
  func.func @_dna_body(%arg0: i32, %arg1: i32, %arg2: memref<4096x128xf32, #tpu.memory_space<hbm>>, %arg3: memref<4x128xf32, #tpu.memory_space<hbm>>, %arg4: memref<131072x128xf32, #tpu.memory_space<hbm>>, %arg5: memref<131072x128xf32, #tpu.memory_space<hbm>>, %arg6: memref<4x128xf32, #tpu.memory_space<vmem>>, %arg7: memref<2x8x128xf32, #tpu.memory_space<vmem>>, %arg8: memref<4x128x128xf32, #tpu.memory_space<vmem>>, %arg9: memref<4x!tpu.dma_semaphore, #tpu.memory_space<semaphore_mem>>, %arg10: memref<2x!tpu.dma_semaphore, #tpu.memory_space<semaphore_mem>>, %arg11: memref<4x!tpu.dma_semaphore, #tpu.memory_space<semaphore_mem>>) attributes {dimension_semantics = [#tpu.dimension_semantics<core_parallel>, #tpu.dimension_semantics<subcore_parallel>], iteration_bounds = array<i64: 2, 16>, scalar_prefetch = 0 : i64, scratch_operands = 6 : i64, tpu.core_type = #tpu.core_type<sc_vector_subcore>, window_params = [{transform_indices = #map}, {transform_indices = #map}, {transform_indices = #map}, {transform_indices = #map}]} {
    %mul3A = arith.constant 2 : i32
    %mul3A_0 = arith.muli %arg1, %mul3A : i32
    %add3A = arith.addi %mul3A_0, %arg0 : i32
    %mul3A_1 = arith.constant 4096 : i32
    %mul3A_2 = arith.muli %add3A, %mul3A_1 : i32
    "tpu.region"() ({
      %run_scoped3A = tpu.sem_alloc : memref<!tpu.dma_semaphore, #tpu.memory_space<semaphore_mem>>
      tpu.enqueue_dma source(%arg3 : memref<4x128xf32, #tpu.memory_space<hbm>>) target(%arg6 : memref<4x128xf32, #tpu.memory_space<vmem>>) target_semaphore(%run_scoped3A : memref<!tpu.dma_semaphore, #tpu.memory_space<semaphore_mem>>)
      tpu.wait_dma2 semaphore(%run_scoped3A : memref<!tpu.dma_semaphore, #tpu.memory_space<semaphore_mem>>) src(%arg3 : memref<4x128xf32, #tpu.memory_space<hbm>>) dst(%arg6 : memref<4x128xf32, #tpu.memory_space<vmem>>)
      tpu.yield
    }) : () -> ()
    %add3A_3 = arith.constant 0 : i32
    %add3A_4 = arith.addi %mul3A_2, %add3A_3 : i32
    %dma_start3A = arith.constant 0 : i32
    %dma_start3A_5 = arith.constant 0 : i32
    %dma_start3A_6 = arith.constant 0 : i32
    %dma_start3A_7 = arith.constant 0 : i32
    %dma_start3A_8 = tpu.memref_slice %arg8[%dma_start3A, %dma_start3A_6, %dma_start3A_7] : memref<4x128x128xf32, #tpu.memory_space<vmem>> -> memref<1x128x128xf32, #tpu.memory_space<vmem>>
    %dma_start3A_9 = tpu.memref_squeeze %dma_start3A_8 : memref<1x128x128xf32, #tpu.memory_space<vmem>> -> memref<128x128xf32, #tpu.memory_space<vmem>>
    %dma_start3A_10 = arith.constant 0 : i32
    %dma_start3A_11 = tpu.memref_slice %arg4[%add3A_4, %dma_start3A_10] : memref<131072x128xf32, #tpu.memory_space<hbm>> -> memref<128x128xf32, #tpu.memory_space<hbm>>
    %dma_start3A_12 = tpu.memref_slice %arg9[%dma_start3A_5] : memref<4x!tpu.dma_semaphore, #tpu.memory_space<semaphore_mem>> -> memref<1x!tpu.dma_semaphore, #tpu.memory_space<semaphore_mem>>
    %dma_start3A_13 = tpu.memref_squeeze %dma_start3A_12 : memref<1x!tpu.dma_semaphore, #tpu.memory_space<semaphore_mem>> -> memref<!tpu.dma_semaphore, #tpu.memory_space<semaphore_mem>>
    %dma_start3A_14 = arith.constant 0 : i32
    %dma_start3A_15 = arith.constant 0 : i32
    %dma_start3A_16 = tpu.memref_slice %arg8[%dma_start3A, %dma_start3A_14, %dma_start3A_15] : memref<4x128x128xf32, #tpu.memory_space<vmem>> -> memref<1x128x128xf32, #tpu.memory_space<vmem>>
    %dma_start3A_17 = tpu.memref_squeeze %dma_start3A_16 : memref<1x128x128xf32, #tpu.memory_space<vmem>> -> memref<128x128xf32, #tpu.memory_space<vmem>>
    %dma_start3A_18 = arith.constant 0 : i32
    %dma_start3A_19 = tpu.memref_slice %arg4[%add3A_4, %dma_start3A_18] : memref<131072x128xf32, #tpu.memory_space<hbm>> -> memref<128x128xf32, #tpu.memory_space<hbm>>
    tpu.enqueue_dma source(%dma_start3A_19 : memref<128x128xf32, #tpu.memory_space<hbm>>) target(%dma_start3A_17 : memref<128x128xf32, #tpu.memory_space<vmem>>) target_semaphore(%dma_start3A_13 : memref<!tpu.dma_semaphore, #tpu.memory_space<semaphore_mem>>)
    %add3A_20 = arith.constant 128 : i32
    %add3A_21 = arith.addi %mul3A_2, %add3A_20 : i32
    %dma_start3A_22 = arith.constant 1 : i32
    %dma_start3A_23 = arith.constant 1 : i32
    %dma_start3A_24 = arith.constant 0 : i32
    %dma_start3A_25 = arith.constant 0 : i32
    %dma_start3A_26 = tpu.memref_slice %arg8[%dma_start3A_22, %dma_start3A_24, %dma_start3A_25] : memref<4x128x128xf32, #tpu.memory_space<vmem>> -> memref<1x128x128xf32, #tpu.memory_space<vmem>>
    %dma_start3A_27 = tpu.memref_squeeze %dma_start3A_26 : memref<1x128x128xf32, #tpu.memory_space<vmem>> -> memref<128x128xf32, #tpu.memory_space<vmem>>
    %dma_start3A_28 = arith.constant 0 : i32
    %dma_start3A_29 = tpu.memref_slice %arg4[%add3A_21, %dma_start3A_28] : memref<131072x128xf32, #tpu.memory_space<hbm>> -> memref<128x128xf32, #tpu.memory_space<hbm>>
    %dma_start3A_30 = tpu.memref_slice %arg9[%dma_start3A_23] : memref<4x!tpu.dma_semaphore, #tpu.memory_space<semaphore_mem>> -> memref<1x!tpu.dma_semaphore, #tpu.memory_space<semaphore_mem>>
    %dma_start3A_31 = tpu.memref_squeeze %dma_start3A_30 : memref<1x!tpu.dma_semaphore, #tpu.memory_space<semaphore_mem>> -> memref<!tpu.dma_semaphore, #tpu.memory_space<semaphore_mem>>
    %dma_start3A_32 = arith.constant 0 : i32
    %dma_start3A_33 = arith.constant 0 : i32
    %dma_start3A_34 = tpu.memref_slice %arg8[%dma_start3A_22, %dma_start3A_32, %dma_start3A_33] : memref<4x128x128xf32, #tpu.memory_space<vmem>> -> memref<1x128x128xf32, #tpu.memory_space<vmem>>
    %dma_start3A_35 = tpu.memref_squeeze %dma_start3A_34 : memref<1x128x128xf32, #tpu.memory_space<vmem>> -> memref<128x128xf32, #tpu.memory_space<vmem>>
    %dma_start3A_36 = arith.constant 0 : i32
    %dma_start3A_37 = tpu.memref_slice %arg4[%add3A_21, %dma_start3A_36] : memref<131072x128xf32, #tpu.memory_space<hbm>> -> memref<128x128xf32, #tpu.memory_space<hbm>>
    tpu.enqueue_dma source(%dma_start3A_37 : memref<128x128xf32, #tpu.memory_space<hbm>>) target(%dma_start3A_35 : memref<128x128xf32, #tpu.memory_space<vmem>>) target_semaphore(%dma_start3A_31 : memref<!tpu.dma_semaphore, #tpu.memory_space<semaphore_mem>>)
    %mul3A_38 = arith.constant 128 : i32
    %mul3A_39 = arith.muli %add3A, %mul3A_38 : i32
    %add3A_40 = arith.constant 0 : i32
    %add3A_41 = arith.addi %mul3A_39, %add3A_40 : i32
    %dma_start3A_42 = arith.constant 0 : i32
    %dma_start3A_43 = arith.constant 0 : i32
    %dma_start3A_44 = arith.constant 0 : i32
    %dma_start3A_45 = arith.constant 0 : i32
    %dma_start3A_46 = tpu.memref_slice %arg7[%dma_start3A_42, %dma_start3A_44, %dma_start3A_45] : memref<2x8x128xf32, #tpu.memory_space<vmem>> -> memref<1x8x128xf32, #tpu.memory_space<vmem>>
    %dma_start3A_47 = tpu.memref_squeeze %dma_start3A_46 : memref<1x8x128xf32, #tpu.memory_space<vmem>> -> memref<8x128xf32, #tpu.memory_space<vmem>>
    %dma_start3A_48 = arith.constant 0 : i32
    %dma_start3A_49 = tpu.memref_slice %arg2[%add3A_41, %dma_start3A_48] : memref<4096x128xf32, #tpu.memory_space<hbm>> -> memref<8x128xf32, #tpu.memory_space<hbm>>
    %dma_start3A_50 = tpu.memref_slice %arg10[%dma_start3A_43] : memref<2x!tpu.dma_semaphore, #tpu.memory_space<semaphore_mem>> -> memref<1x!tpu.dma_semaphore, #tpu.memory_space<semaphore_mem>>
    %dma_start3A_51 = tpu.memref_squeeze %dma_start3A_50 : memref<1x!tpu.dma_semaphore, #tpu.memory_space<semaphore_mem>> -> memref<!tpu.dma_semaphore, #tpu.memory_space<semaphore_mem>>
    %dma_start3A_52 = arith.constant 0 : i32
    %dma_start3A_53 = arith.constant 0 : i32
    %dma_start3A_54 = tpu.memref_slice %arg7[%dma_start3A_42, %dma_start3A_52, %dma_start3A_53] : memref<2x8x128xf32, #tpu.memory_space<vmem>> -> memref<1x8x128xf32, #tpu.memory_space<vmem>>
    %dma_start3A_55 = tpu.memref_squeeze %dma_start3A_54 : memref<1x8x128xf32, #tpu.memory_space<vmem>> -> memref<8x128xf32, #tpu.memory_space<vmem>>
    %dma_start3A_56 = arith.constant 0 : i32
    %dma_start3A_57 = tpu.memref_slice %arg2[%add3A_41, %dma_start3A_56] : memref<4096x128xf32, #tpu.memory_space<hbm>> -> memref<8x128xf32, #tpu.memory_space<hbm>>
    tpu.enqueue_dma source(%dma_start3A_57 : memref<8x128xf32, #tpu.memory_space<hbm>>) target(%dma_start3A_55 : memref<8x128xf32, #tpu.memory_space<vmem>>) target_semaphore(%dma_start3A_51 : memref<!tpu.dma_semaphore, #tpu.memory_space<semaphore_mem>>)
    %mul3A_58 = arith.constant 128 : i32
    %mul3A_59 = arith.muli %add3A, %mul3A_58 : i32
    %add3A_60 = arith.constant 8 : i32
    %add3A_61 = arith.addi %mul3A_59, %add3A_60 : i32
    %dma_start3A_62 = arith.constant 1 : i32
    %dma_start3A_63 = arith.constant 1 : i32
    %dma_start3A_64 = arith.constant 0 : i32
    %dma_start3A_65 = arith.constant 0 : i32
    %dma_start3A_66 = tpu.memref_slice %arg7[%dma_start3A_62, %dma_start3A_64, %dma_start3A_65] : memref<2x8x128xf32, #tpu.memory_space<vmem>> -> memref<1x8x128xf32, #tpu.memory_space<vmem>>
    %dma_start3A_67 = tpu.memref_squeeze %dma_start3A_66 : memref<1x8x128xf32, #tpu.memory_space<vmem>> -> memref<8x128xf32, #tpu.memory_space<vmem>>
    %dma_start3A_68 = arith.constant 0 : i32
    %dma_start3A_69 = tpu.memref_slice %arg2[%add3A_61, %dma_start3A_68] : memref<4096x128xf32, #tpu.memory_space<hbm>> -> memref<8x128xf32, #tpu.memory_space<hbm>>
    %dma_start3A_70 = tpu.memref_slice %arg10[%dma_start3A_63] : memref<2x!tpu.dma_semaphore, #tpu.memory_space<semaphore_mem>> -> memref<1x!tpu.dma_semaphore, #tpu.memory_space<semaphore_mem>>
    %dma_start3A_71 = tpu.memref_squeeze %dma_start3A_70 : memref<1x!tpu.dma_semaphore, #tpu.memory_space<semaphore_mem>> -> memref<!tpu.dma_semaphore, #tpu.memory_space<semaphore_mem>>
    %dma_start3A_72 = arith.constant 0 : i32
    %dma_start3A_73 = arith.constant 0 : i32
    %dma_start3A_74 = tpu.memref_slice %arg7[%dma_start3A_62, %dma_start3A_72, %dma_start3A_73] : memref<2x8x128xf32, #tpu.memory_space<vmem>> -> memref<1x8x128xf32, #tpu.memory_space<vmem>>
    %dma_start3A_75 = tpu.memref_squeeze %dma_start3A_74 : memref<1x8x128xf32, #tpu.memory_space<vmem>> -> memref<8x128xf32, #tpu.memory_space<vmem>>
    %dma_start3A_76 = arith.constant 0 : i32
    %dma_start3A_77 = tpu.memref_slice %arg2[%add3A_61, %dma_start3A_76] : memref<4096x128xf32, #tpu.memory_space<hbm>> -> memref<8x128xf32, #tpu.memory_space<hbm>>
    tpu.enqueue_dma source(%dma_start3A_77 : memref<8x128xf32, #tpu.memory_space<hbm>>) target(%dma_start3A_75 : memref<8x128xf32, #tpu.memory_space<vmem>>) target_semaphore(%dma_start3A_71 : memref<!tpu.dma_semaphore, #tpu.memory_space<semaphore_mem>>)
    %scan3A = arith.constant 0 : i32
    %scan3A_78 = arith.constant 0 : i32
    %scan3A_79 = arith.constant 32 : i32
    %scan3A_80 = arith.addi %scan3A_78, %scan3A_79 : i32
    %scan3A_81 = arith.constant 1 : i32
    %scan3A_82 = scf.for %scan3A_147 = %scan3A_78 to %scan3A_80 step %scan3A_81 iter_args(%scan3A_148 = %scan3A) -> (i32)  : i32 {
      %rem3A = arith.constant 4 : i32
      %rem3A_149 = arith.remsi %scan3A_147, %rem3A : i32
      %rem3A_150 = arith.constant 2 : i32
      %rem3A_151 = arith.remsi %scan3A_147, %rem3A_150 : i32
      %jit3A = arith.constant 2 : i32
      %div3A = arith.divsi %scan3A_147, %jit3A : i32
      %sign3A = arith.constant 0 : i32
      %sign3A_152 = arith.cmpi sgt, %scan3A_147, %sign3A : i32
      %sign3A_153 = arith.extui %sign3A_152 : i1 to i32
      %sign3A_154 = arith.constant 0 : i32
      %sign3A_155 = arith.cmpi slt, %scan3A_147, %sign3A_154 : i32
      %sign3A_156 = arith.extui %sign3A_155 : i1 to i32
      %sign3A_157 = arith.subi %sign3A_153, %sign3A_156 : i32
      %sign3A_158 = arith.constant 0 : i32
      %sign3A_159 = arith.cmpi sgt, %jit3A, %sign3A_158 : i32
      %sign3A_160 = arith.extui %sign3A_159 : i1 to i32
      %sign3A_161 = arith.constant 0 : i32
      %sign3A_162 = arith.cmpi slt, %jit3A, %sign3A_161 : i32
      %sign3A_163 = arith.extui %sign3A_162 : i1 to i32
      %sign3A_164 = arith.subi %sign3A_160, %sign3A_163 : i32
      %ne3A = arith.cmpi ne, %sign3A_157, %sign3A_164 : i32
      %rem3A_165 = arith.remsi %scan3A_147, %jit3A : i32
      %ne3A_166 = arith.constant 0 : i32
      %ne3A_167 = arith.cmpi ne, %rem3A_165, %ne3A_166 : i32
      %and3A = arith.andi %ne3A, %ne3A_167 : i1
      %sub3A = arith.constant 1 : i32
      %sub3A_168 = arith.subi %div3A, %sub3A : i32
      %select_n3A = arith.select %and3A, %sub3A_168, %div3A : i32
      %rem3A_169 = arith.constant 2 : i32
      %rem3A_170 = arith.remsi %select_n3A, %rem3A_169 : i32
      %add3A_171 = arith.constant 2 : i32
      %add3A_172 = arith.addi %scan3A_147, %add3A_171 : i32
      %lt3A = arith.constant 32 : i32
      %lt3A_173 = arith.cmpi slt, %add3A_172, %lt3A : i32
      %convert_element_type3A = arith.extui %lt3A_173 : i1 to i32
      %cond3A = arith.constant 0 : i32
      %cond3A_174 = arith.cmpi ne, %convert_element_type3A, %cond3A : i32
      scf.if %cond3A_174 {
        %add3A_225 = arith.constant 2 : i32
        %add3A_226 = arith.addi %scan3A_147, %add3A_225 : i32
        %rem3A_227 = arith.constant 4 : i32
        %rem3A_228 = arith.remsi %add3A_226, %rem3A_227 : i32
        %ge3A = arith.constant 2 : i32
        %ge3A_229 = arith.cmpi sge, %scan3A_147, %ge3A : i32
        %convert_element_type3A_230 = arith.extui %ge3A_229 : i1 to i32
        %cond3A_231 = arith.constant 0 : i32
        %cond3A_232 = arith.cmpi ne, %convert_element_type3A_230, %cond3A_231 : i32
        scf.if %cond3A_232 {
          %dma_wait3A_252 = arith.constant 0 : i32
          %dma_wait3A_253 = arith.constant 0 : i32
          %dma_wait3A_254 = tpu.memref_slice %arg8[%rem3A_228, %dma_wait3A_252, %dma_wait3A_253] : memref<4x128x128xf32, #tpu.memory_space<vmem>> -> memref<1x128x128xf32, #tpu.memory_space<vmem>>
          %dma_wait3A_255 = tpu.memref_squeeze %dma_wait3A_254 : memref<1x128x128xf32, #tpu.memory_space<vmem>> -> memref<128x128xf32, #tpu.memory_space<vmem>>
          %dma_wait3A_256 = arith.constant 0 : i32
          %dma_wait3A_257 = tpu.memref_slice %arg5[%mul3A_2, %dma_wait3A_256] : memref<131072x128xf32, #tpu.memory_space<hbm>> -> memref<128x128xf32, #tpu.memory_space<hbm>>
          %dma_wait3A_258 = tpu.memref_slice %arg11[%rem3A_228] : memref<4x!tpu.dma_semaphore, #tpu.memory_space<semaphore_mem>> -> memref<1x!tpu.dma_semaphore, #tpu.memory_space<semaphore_mem>>
          %dma_wait3A_259 = tpu.memref_squeeze %dma_wait3A_258 : memref<1x!tpu.dma_semaphore, #tpu.memory_space<semaphore_mem>> -> memref<!tpu.dma_semaphore, #tpu.memory_space<semaphore_mem>>
          %dma_wait3A_260 = arith.constant 0 : i32
          %dma_wait3A_261 = tpu.memref_slice %arg5[%mul3A_2, %dma_wait3A_260] : memref<131072x128xf32, #tpu.memory_space<hbm>> -> memref<128x128xf32, #tpu.memory_space<hbm>>
          %dma_wait3A_262 = arith.constant 0 : i32
          %dma_wait3A_263 = arith.constant 0 : i32
          %dma_wait3A_264 = tpu.memref_slice %arg8[%rem3A_228, %dma_wait3A_262, %dma_wait3A_263] : memref<4x128x128xf32, #tpu.memory_space<vmem>> -> memref<1x128x128xf32, #tpu.memory_space<vmem>>
          %dma_wait3A_265 = tpu.memref_squeeze %dma_wait3A_264 : memref<1x128x128xf32, #tpu.memory_space<vmem>> -> memref<128x128xf32, #tpu.memory_space<vmem>>
          tpu.wait_dma2 semaphore(%dma_wait3A_259 : memref<!tpu.dma_semaphore, #tpu.memory_space<semaphore_mem>>) src(%dma_wait3A_265 : memref<128x128xf32, #tpu.memory_space<vmem>>) dst(%dma_wait3A_261 : memref<128x128xf32, #tpu.memory_space<hbm>>)
        } else {
        }
        %add3A_233 = arith.constant 2 : i32
        %add3A_234 = arith.addi %scan3A_147, %add3A_233 : i32
        %mul3A_235 = arith.constant 128 : i32
        %mul3A_236 = arith.muli %add3A_234, %mul3A_235 : i32
        %add3A_237 = arith.addi %mul3A_2, %mul3A_236 : i32
        %dma_start3A_238 = arith.constant 0 : i32
        %dma_start3A_239 = arith.constant 0 : i32
        %dma_start3A_240 = tpu.memref_slice %arg8[%rem3A_228, %dma_start3A_238, %dma_start3A_239] : memref<4x128x128xf32, #tpu.memory_space<vmem>> -> memref<1x128x128xf32, #tpu.memory_space<vmem>>
        %dma_start3A_241 = tpu.memref_squeeze %dma_start3A_240 : memref<1x128x128xf32, #tpu.memory_space<vmem>> -> memref<128x128xf32, #tpu.memory_space<vmem>>
        %dma_start3A_242 = arith.constant 0 : i32
        %dma_start3A_243 = tpu.memref_slice %arg4[%add3A_237, %dma_start3A_242] : memref<131072x128xf32, #tpu.memory_space<hbm>> -> memref<128x128xf32, #tpu.memory_space<hbm>>
        %dma_start3A_244 = tpu.memref_slice %arg9[%rem3A_228] : memref<4x!tpu.dma_semaphore, #tpu.memory_space<semaphore_mem>> -> memref<1x!tpu.dma_semaphore, #tpu.memory_space<semaphore_mem>>
        %dma_start3A_245 = tpu.memref_squeeze %dma_start3A_244 : memref<1x!tpu.dma_semaphore, #tpu.memory_space<semaphore_mem>> -> memref<!tpu.dma_semaphore, #tpu.memory_space<semaphore_mem>>
        %dma_start3A_246 = arith.constant 0 : i32
        %dma_start3A_247 = arith.constant 0 : i32
        %dma_start3A_248 = tpu.memref_slice %arg8[%rem3A_228, %dma_start3A_246, %dma_start3A_247] : memref<4x128x128xf32, #tpu.memory_space<vmem>> -> memref<1x128x128xf32, #tpu.memory_space<vmem>>
        %dma_start3A_249 = tpu.memref_squeeze %dma_start3A_248 : memref<1x128x128xf32, #tpu.memory_space<vmem>> -> memref<128x128xf32, #tpu.memory_space<vmem>>
        %dma_start3A_250 = arith.constant 0 : i32
        %dma_start3A_251 = tpu.memref_slice %arg4[%add3A_237, %dma_start3A_250] : memref<131072x128xf32, #tpu.memory_space<hbm>> -> memref<128x128xf32, #tpu.memory_space<hbm>>
        tpu.enqueue_dma source(%dma_start3A_251 : memref<128x128xf32, #tpu.memory_space<hbm>>) target(%dma_start3A_249 : memref<128x128xf32, #tpu.memory_space<vmem>>) target_semaphore(%dma_start3A_245 : memref<!tpu.dma_semaphore, #tpu.memory_space<semaphore_mem>>)
      } else {
      }
      %dma_wait3A_175 = arith.constant 0 : i32
      %dma_wait3A_176 = arith.constant 0 : i32
      %dma_wait3A_177 = tpu.memref_slice %arg8[%rem3A_149, %dma_wait3A_175, %dma_wait3A_176] : memref<4x128x128xf32, #tpu.memory_space<vmem>> -> memref<1x128x128xf32, #tpu.memory_space<vmem>>
      %dma_wait3A_178 = tpu.memref_squeeze %dma_wait3A_177 : memref<1x128x128xf32, #tpu.memory_space<vmem>> -> memref<128x128xf32, #tpu.memory_space<vmem>>
      %dma_wait3A_179 = arith.constant 0 : i32
      %dma_wait3A_180 = tpu.memref_slice %arg4[%mul3A_2, %dma_wait3A_179] : memref<131072x128xf32, #tpu.memory_space<hbm>> -> memref<128x128xf32, #tpu.memory_space<hbm>>
      %dma_wait3A_181 = tpu.memref_slice %arg9[%rem3A_149] : memref<4x!tpu.dma_semaphore, #tpu.memory_space<semaphore_mem>> -> memref<1x!tpu.dma_semaphore, #tpu.memory_space<semaphore_mem>>
      %dma_wait3A_182 = tpu.memref_squeeze %dma_wait3A_181 : memref<1x!tpu.dma_semaphore, #tpu.memory_space<semaphore_mem>> -> memref<!tpu.dma_semaphore, #tpu.memory_space<semaphore_mem>>
      %dma_wait3A_183 = arith.constant 0 : i32
      %dma_wait3A_184 = arith.constant 0 : i32
      %dma_wait3A_185 = tpu.memref_slice %arg8[%rem3A_149, %dma_wait3A_183, %dma_wait3A_184] : memref<4x128x128xf32, #tpu.memory_space<vmem>> -> memref<1x128x128xf32, #tpu.memory_space<vmem>>
      %dma_wait3A_186 = tpu.memref_squeeze %dma_wait3A_185 : memref<1x128x128xf32, #tpu.memory_space<vmem>> -> memref<128x128xf32, #tpu.memory_space<vmem>>
      %dma_wait3A_187 = arith.constant 0 : i32
      %dma_wait3A_188 = tpu.memref_slice %arg4[%mul3A_2, %dma_wait3A_187] : memref<131072x128xf32, #tpu.memory_space<hbm>> -> memref<128x128xf32, #tpu.memory_space<hbm>>
      tpu.wait_dma2 semaphore(%dma_wait3A_182 : memref<!tpu.dma_semaphore, #tpu.memory_space<semaphore_mem>>) src(%dma_wait3A_188 : memref<128x128xf32, #tpu.memory_space<hbm>>) dst(%dma_wait3A_186 : memref<128x128xf32, #tpu.memory_space<vmem>>)
      %eq3A = arith.constant 0 : i32
      %eq3A_189 = arith.cmpi eq, %rem3A_151, %eq3A : i32
      %convert_element_type3A_190 = arith.extui %eq3A_189 : i1 to i32
      %cond3A_191 = arith.constant 0 : i32
      %cond3A_192 = arith.cmpi ne, %convert_element_type3A_190, %cond3A_191 : i32
      scf.if %cond3A_192 {
        %dma_wait3A_225 = arith.constant 0 : i32
        %dma_wait3A_226 = arith.constant 0 : i32
        %dma_wait3A_227 = tpu.memref_slice %arg7[%rem3A_170, %dma_wait3A_225, %dma_wait3A_226] : memref<2x8x128xf32, #tpu.memory_space<vmem>> -> memref<1x8x128xf32, #tpu.memory_space<vmem>>
        %dma_wait3A_228 = tpu.memref_squeeze %dma_wait3A_227 : memref<1x8x128xf32, #tpu.memory_space<vmem>> -> memref<8x128xf32, #tpu.memory_space<vmem>>
        %dma_wait3A_229 = arith.constant 0 : i32
        %dma_wait3A_230 = tpu.memref_slice %arg2[%mul3A_2, %dma_wait3A_229] : memref<4096x128xf32, #tpu.memory_space<hbm>> -> memref<8x128xf32, #tpu.memory_space<hbm>>
        %dma_wait3A_231 = tpu.memref_slice %arg10[%rem3A_170] : memref<2x!tpu.dma_semaphore, #tpu.memory_space<semaphore_mem>> -> memref<1x!tpu.dma_semaphore, #tpu.memory_space<semaphore_mem>>
        %dma_wait3A_232 = tpu.memref_squeeze %dma_wait3A_231 : memref<1x!tpu.dma_semaphore, #tpu.memory_space<semaphore_mem>> -> memref<!tpu.dma_semaphore, #tpu.memory_space<semaphore_mem>>
        %dma_wait3A_233 = arith.constant 0 : i32
        %dma_wait3A_234 = arith.constant 0 : i32
        %dma_wait3A_235 = tpu.memref_slice %arg7[%rem3A_170, %dma_wait3A_233, %dma_wait3A_234] : memref<2x8x128xf32, #tpu.memory_space<vmem>> -> memref<1x8x128xf32, #tpu.memory_space<vmem>>
        %dma_wait3A_236 = tpu.memref_squeeze %dma_wait3A_235 : memref<1x8x128xf32, #tpu.memory_space<vmem>> -> memref<8x128xf32, #tpu.memory_space<vmem>>
        %dma_wait3A_237 = arith.constant 0 : i32
        %dma_wait3A_238 = tpu.memref_slice %arg2[%mul3A_2, %dma_wait3A_237] : memref<4096x128xf32, #tpu.memory_space<hbm>> -> memref<8x128xf32, #tpu.memory_space<hbm>>
        tpu.wait_dma2 semaphore(%dma_wait3A_232 : memref<!tpu.dma_semaphore, #tpu.memory_space<semaphore_mem>>) src(%dma_wait3A_238 : memref<8x128xf32, #tpu.memory_space<hbm>>) dst(%dma_wait3A_236 : memref<8x128xf32, #tpu.memory_space<vmem>>)
      } else {
      }
      %mul3A_193 = arith.constant 4 : i32
      %mul3A_194 = arith.muli %rem3A_151, %mul3A_193 : i32
      %parallel_loop3A = arith.constant 0 : i32
      %parallel_loop3A_195 = arith.constant 8 : i32
      %parallel_loop3A_196 = arith.constant 1 : i32
      scf.for %parallel_loop3A_225 = %parallel_loop3A to %parallel_loop3A_195 step %parallel_loop3A_196  : i32 {
        %parallel_loop3A_226 = arith.constant 0 : i32
        %parallel_loop3A_227 = arith.addi %mul3A_194, %parallel_loop3A_226 : i32
        %parallel_loop3A_228 = arith.constant 16 : i32
        %parallel_loop3A_229 = arith.muli %parallel_loop3A_228, %parallel_loop3A_225 : i32
        %parallel_loop3A_230 = arith.index_cast %rem3A_170 : i32 to index
        %parallel_loop3A_231 = arith.index_cast %parallel_loop3A_227 : i32 to index
        %parallel_loop3A_232 = arith.index_cast %parallel_loop3A_229 : i32 to index
        %parallel_loop3A_233 = tpu.vector_load %arg7[%parallel_loop3A_230, %parallel_loop3A_231, %parallel_loop3A_232] {strides = array<i32>} : memref<2x8x128xf32, #tpu.memory_space<vmem>>, vector<1x1x16xf32>,
        %parallel_loop3A_234 = vector.shape_cast %parallel_loop3A_233 : vector<1x1x16xf32> to vector<16xf32>
        %parallel_loop3A_235 = arith.constant 1 : i32
        %parallel_loop3A_236 = arith.addi %mul3A_194, %parallel_loop3A_235 : i32
        %parallel_loop3A_237 = arith.constant 16 : i32
        %parallel_loop3A_238 = arith.muli %parallel_loop3A_237, %parallel_loop3A_225 : i32
        %parallel_loop3A_239 = arith.index_cast %rem3A_170 : i32 to index
        %parallel_loop3A_240 = arith.index_cast %parallel_loop3A_236 : i32 to index
        %parallel_loop3A_241 = arith.index_cast %parallel_loop3A_238 : i32 to index
        %parallel_loop3A_242 = tpu.vector_load %arg7[%parallel_loop3A_239, %parallel_loop3A_240, %parallel_loop3A_241] {strides = array<i32>} : memref<2x8x128xf32, #tpu.memory_space<vmem>>, vector<1x1x16xf32>,
        %parallel_loop3A_243 = vector.shape_cast %parallel_loop3A_242 : vector<1x1x16xf32> to vector<16xf32>
        %parallel_loop3A_244 = arith.constant 2 : i32
        %parallel_loop3A_245 = arith.addi %mul3A_194, %parallel_loop3A_244 : i32
        %parallel_loop3A_246 = arith.constant 16 : i32
        %parallel_loop3A_247 = arith.muli %parallel_loop3A_246, %parallel_loop3A_225 : i32
        %parallel_loop3A_248 = arith.index_cast %rem3A_170 : i32 to index
        %parallel_loop3A_249 = arith.index_cast %parallel_loop3A_245 : i32 to index
        %parallel_loop3A_250 = arith.index_cast %parallel_loop3A_247 : i32 to index
        %parallel_loop3A_251 = tpu.vector_load %arg7[%parallel_loop3A_248, %parallel_loop3A_249, %parallel_loop3A_250] {strides = array<i32>} : memref<2x8x128xf32, #tpu.memory_space<vmem>>, vector<1x1x16xf32>,
        %parallel_loop3A_252 = vector.shape_cast %parallel_loop3A_251 : vector<1x1x16xf32> to vector<16xf32>
        %parallel_loop3A_253 = arith.constant 3 : i32
        %parallel_loop3A_254 = arith.addi %mul3A_194, %parallel_loop3A_253 : i32
        %parallel_loop3A_255 = arith.constant 16 : i32
        %parallel_loop3A_256 = arith.muli %parallel_loop3A_255, %parallel_loop3A_225 : i32
        %parallel_loop3A_257 = arith.index_cast %rem3A_170 : i32 to index
        %parallel_loop3A_258 = arith.index_cast %parallel_loop3A_254 : i32 to index
        %parallel_loop3A_259 = arith.index_cast %parallel_loop3A_256 : i32 to index
        %parallel_loop3A_260 = tpu.vector_load %arg7[%parallel_loop3A_257, %parallel_loop3A_258, %parallel_loop3A_259] {strides = array<i32>} : memref<2x8x128xf32, #tpu.memory_space<vmem>>, vector<1x1x16xf32>,
        %parallel_loop3A_261 = vector.shape_cast %parallel_loop3A_260 : vector<1x1x16xf32> to vector<16xf32>
        %parallel_loop3A_262 = arith.constant 0 : i32
        %parallel_loop3A_263 = arith.index_cast %parallel_loop3A_262 : i32 to index
        %parallel_loop3A_264 = arith.constant 0 : index
        %parallel_loop3A_265 = tpu.vector_load %arg6[%parallel_loop3A_263, %parallel_loop3A_264] {strides = array<i32>} : memref<4x128xf32, #tpu.memory_space<vmem>>, vector<1x16xf32>,
        %parallel_loop3A_266 = vector.shape_cast %parallel_loop3A_265 : vector<1x16xf32> to vector<16xf32>
        %parallel_loop3A_267 = arith.constant 0 : i32
        %parallel_loop3A_268 = arith.index_cast %parallel_loop3A_267 : i32 to index
        %parallel_loop3A_269 = arith.constant 16 : index
        %parallel_loop3A_270 = tpu.vector_load %arg6[%parallel_loop3A_268, %parallel_loop3A_269] {strides = array<i32>} : memref<4x128xf32, #tpu.memory_space<vmem>>, vector<1x16xf32>,
        %parallel_loop3A_271 = vector.shape_cast %parallel_loop3A_270 : vector<1x16xf32> to vector<16xf32>
        %parallel_loop3A_272 = arith.constant 0 : i32
        %parallel_loop3A_273 = arith.index_cast %parallel_loop3A_272 : i32 to index
        %parallel_loop3A_274 = arith.constant 32 : index
        %parallel_loop3A_275 = tpu.vector_load %arg6[%parallel_loop3A_273, %parallel_loop3A_274] {strides = array<i32>} : memref<4x128xf32, #tpu.memory_space<vmem>>, vector<1x16xf32>,
        %parallel_loop3A_276 = vector.shape_cast %parallel_loop3A_275 : vector<1x16xf32> to vector<16xf32>
        %parallel_loop3A_277 = arith.constant 0 : i32
        %parallel_loop3A_278 = arith.index_cast %parallel_loop3A_277 : i32 to index
        %parallel_loop3A_279 = arith.constant 48 : index
        %parallel_loop3A_280 = tpu.vector_load %arg6[%parallel_loop3A_278, %parallel_loop3A_279] {strides = array<i32>} : memref<4x128xf32, #tpu.memory_space<vmem>>, vector<1x16xf32>,
        %parallel_loop3A_281 = vector.shape_cast %parallel_loop3A_280 : vector<1x16xf32> to vector<16xf32>
        %parallel_loop3A_282 = arith.constant 1 : i32
        %parallel_loop3A_283 = arith.index_cast %parallel_loop3A_282 : i32 to index
        %parallel_loop3A_284 = arith.constant 0 : index
        %parallel_loop3A_285 = tpu.vector_load %arg6[%parallel_loop3A_283, %parallel_loop3A_284] {strides = array<i32>} : memref<4x128xf32, #tpu.memory_space<vmem>>, vector<1x16xf32>,
        %parallel_loop3A_286 = vector.shape_cast %parallel_loop3A_285 : vector<1x16xf32> to vector<16xf32>
        %parallel_loop3A_287 = arith.constant 1 : i32
        %parallel_loop3A_288 = arith.index_cast %parallel_loop3A_287 : i32 to index
        %parallel_loop3A_289 = arith.constant 16 : index
        %parallel_loop3A_290 = tpu.vector_load %arg6[%parallel_loop3A_288, %parallel_loop3A_289] {strides = array<i32>} : memref<4x128xf32, #tpu.memory_space<vmem>>, vector<1x16xf32>,
        %parallel_loop3A_291 = vector.shape_cast %parallel_loop3A_290 : vector<1x16xf32> to vector<16xf32>
        %parallel_loop3A_292 = arith.constant 1 : i32
        %parallel_loop3A_293 = arith.index_cast %parallel_loop3A_292 : i32 to index
        %parallel_loop3A_294 = arith.constant 32 : index
        %parallel_loop3A_295 = tpu.vector_load %arg6[%parallel_loop3A_293, %parallel_loop3A_294] {strides = array<i32>} : memref<4x128xf32, #tpu.memory_space<vmem>>, vector<1x16xf32>,
        %parallel_loop3A_296 = vector.shape_cast %parallel_loop3A_295 : vector<1x16xf32> to vector<16xf32>
        %parallel_loop3A_297 = arith.constant 1 : i32
        %parallel_loop3A_298 = arith.index_cast %parallel_loop3A_297 : i32 to index
        %parallel_loop3A_299 = arith.constant 48 : index
        %parallel_loop3A_300 = tpu.vector_load %arg6[%parallel_loop3A_298, %parallel_loop3A_299] {strides = array<i32>} : memref<4x128xf32, #tpu.memory_space<vmem>>, vector<1x16xf32>,
        %parallel_loop3A_301 = vector.shape_cast %parallel_loop3A_300 : vector<1x16xf32> to vector<16xf32>
        %parallel_loop3A_302 = arith.constant 2 : i32
        %parallel_loop3A_303 = arith.index_cast %parallel_loop3A_302 : i32 to index
        %parallel_loop3A_304 = arith.constant 0 : index
        %parallel_loop3A_305 = tpu.vector_load %arg6[%parallel_loop3A_303, %parallel_loop3A_304] {strides = array<i32>} : memref<4x128xf32, #tpu.memory_space<vmem>>, vector<1x16xf32>,
        %parallel_loop3A_306 = vector.shape_cast %parallel_loop3A_305 : vector<1x16xf32> to vector<16xf32>
        %parallel_loop3A_307 = arith.constant 2 : i32
        %parallel_loop3A_308 = arith.index_cast %parallel_loop3A_307 : i32 to index
        %parallel_loop3A_309 = arith.constant 16 : index
        %parallel_loop3A_310 = tpu.vector_load %arg6[%parallel_loop3A_308, %parallel_loop3A_309] {strides = array<i32>} : memref<4x128xf32, #tpu.memory_space<vmem>>, vector<1x16xf32>,
        %parallel_loop3A_311 = vector.shape_cast %parallel_loop3A_310 : vector<1x16xf32> to vector<16xf32>
        %parallel_loop3A_312 = arith.constant 2 : i32
        %parallel_loop3A_313 = arith.index_cast %parallel_loop3A_312 : i32 to index
        %parallel_loop3A_314 = arith.constant 32 : index
        %parallel_loop3A_315 = tpu.vector_load %arg6[%parallel_loop3A_313, %parallel_loop3A_314] {strides = array<i32>} : memref<4x128xf32, #tpu.memory_space<vmem>>, vector<1x16xf32>,
        %parallel_loop3A_316 = vector.shape_cast %parallel_loop3A_315 : vector<1x16xf32> to vector<16xf32>
        %parallel_loop3A_317 = arith.constant 2 : i32
        %parallel_loop3A_318 = arith.index_cast %parallel_loop3A_317 : i32 to index
        %parallel_loop3A_319 = arith.constant 48 : index
        %parallel_loop3A_320 = tpu.vector_load %arg6[%parallel_loop3A_318, %parallel_loop3A_319] {strides = array<i32>} : memref<4x128xf32, #tpu.memory_space<vmem>>, vector<1x16xf32>,
        %parallel_loop3A_321 = vector.shape_cast %parallel_loop3A_320 : vector<1x16xf32> to vector<16xf32>
        %parallel_loop3A_322 = arith.constant 3 : i32
        %parallel_loop3A_323 = arith.index_cast %parallel_loop3A_322 : i32 to index
        %parallel_loop3A_324 = arith.constant 0 : index
        %parallel_loop3A_325 = tpu.vector_load %arg6[%parallel_loop3A_323, %parallel_loop3A_324] {strides = array<i32>} : memref<4x128xf32, #tpu.memory_space<vmem>>, vector<1x16xf32>,
        %parallel_loop3A_326 = vector.shape_cast %parallel_loop3A_325 : vector<1x16xf32> to vector<16xf32>
        %parallel_loop3A_327 = arith.constant 3 : i32
        %parallel_loop3A_328 = arith.index_cast %parallel_loop3A_327 : i32 to index
        %parallel_loop3A_329 = arith.constant 16 : index
        %parallel_loop3A_330 = tpu.vector_load %arg6[%parallel_loop3A_328, %parallel_loop3A_329] {strides = array<i32>} : memref<4x128xf32, #tpu.memory_space<vmem>>, vector<1x16xf32>,
        %parallel_loop3A_331 = vector.shape_cast %parallel_loop3A_330 : vector<1x16xf32> to vector<16xf32>
        %parallel_loop3A_332 = arith.constant 3 : i32
        %parallel_loop3A_333 = arith.index_cast %parallel_loop3A_332 : i32 to index
        %parallel_loop3A_334 = arith.constant 32 : index
        %parallel_loop3A_335 = tpu.vector_load %arg6[%parallel_loop3A_333, %parallel_loop3A_334] {strides = array<i32>} : memref<4x128xf32, #tpu.memory_space<vmem>>, vector<1x16xf32>,
        %parallel_loop3A_336 = vector.shape_cast %parallel_loop3A_335 : vector<1x16xf32> to vector<16xf32>
        %parallel_loop3A_337 = arith.constant 3 : i32
        %parallel_loop3A_338 = arith.index_cast %parallel_loop3A_337 : i32 to index
        %parallel_loop3A_339 = arith.constant 48 : index
        %parallel_loop3A_340 = tpu.vector_load %arg6[%parallel_loop3A_338, %parallel_loop3A_339] {strides = array<i32>} : memref<4x128xf32, #tpu.memory_space<vmem>>, vector<1x16xf32>,
        %parallel_loop3A_341 = vector.shape_cast %parallel_loop3A_340 : vector<1x16xf32> to vector<16xf32>
        %parallel_loop3A_342 = arith.constant 16 : i32
        %parallel_loop3A_343 = arith.muli %parallel_loop3A_225, %parallel_loop3A_342 : i32
        %parallel_loop3A_344 = arith.constant 0 : i32
        %parallel_loop3A_345 = arith.addi %parallel_loop3A_343, %parallel_loop3A_344 : i32
        %parallel_loop3A_346 = vector.extract_strided_slice %parallel_loop3A_234 {offsets = [0], sizes = [1], strides = [1]} : vector<16xf32> to vector<1xf32>
        %parallel_loop3A_347 = vector.extract %parallel_loop3A_346[0] : f32 from vector<1xf32>
        %parallel_loop3A_348 = vector.extract_strided_slice %parallel_loop3A_243 {offsets = [0], sizes = [1], strides = [1]} : vector<16xf32> to vector<1xf32>
        %parallel_loop3A_349 = vector.extract %parallel_loop3A_348[0] : f32 from vector<1xf32>
        %parallel_loop3A_350 = vector.extract_strided_slice %parallel_loop3A_252 {offsets = [0], sizes = [1], strides = [1]} : vector<16xf32> to vector<1xf32>
        %parallel_loop3A_351 = vector.extract %parallel_loop3A_350[0] : f32 from vector<1xf32>
        %parallel_loop3A_352 = vector.extract_strided_slice %parallel_loop3A_261 {offsets = [0], sizes = [1], strides = [1]} : vector<16xf32> to vector<1xf32>
        %parallel_loop3A_353 = vector.extract %parallel_loop3A_352[0] : f32 from vector<1xf32>
        %parallel_loop3A_354 = vector.broadcast %parallel_loop3A_347 : f32 to vector<16xf32>
        %parallel_loop3A_355 = arith.mulf %parallel_loop3A_354, %parallel_loop3A_266 : vector<16xf32>
        %parallel_loop3A_356 = vector.broadcast %parallel_loop3A_349 : f32 to vector<16xf32>
        %parallel_loop3A_357 = arith.mulf %parallel_loop3A_356, %parallel_loop3A_286 : vector<16xf32>
        %parallel_loop3A_358 = arith.addf %parallel_loop3A_355, %parallel_loop3A_357 : vector<16xf32>
        %parallel_loop3A_359 = vector.broadcast %parallel_loop3A_351 : f32 to vector<16xf32>
        %parallel_loop3A_360 = arith.mulf %parallel_loop3A_359, %parallel_loop3A_306 : vector<16xf32>
        %parallel_loop3A_361 = vector.broadcast %parallel_loop3A_353 : f32 to vector<16xf32>
        %parallel_loop3A_362 = arith.mulf %parallel_loop3A_361, %parallel_loop3A_326 : vector<16xf32>
        %parallel_loop3A_363 = arith.addf %parallel_loop3A_360, %parallel_loop3A_362 : vector<16xf32>
        %parallel_loop3A_364 = arith.addf %parallel_loop3A_358, %parallel_loop3A_363 : vector<16xf32>
        %parallel_loop3A_365 = arith.index_cast %rem3A_149 : i32 to index
        %parallel_loop3A_366 = arith.index_cast %parallel_loop3A_345 : i32 to index
        %parallel_loop3A_367 = arith.constant 0 : index
        %parallel_loop3A_368 = tpu.vector_load %arg8[%parallel_loop3A_365, %parallel_loop3A_366, %parallel_loop3A_367] {strides = array<i32>} : memref<4x128x128xf32, #tpu.memory_space<vmem>>, vector<1x1x16xf32>,
        %parallel_loop3A_369 = vector.shape_cast %parallel_loop3A_368 : vector<1x1x16xf32> to vector<16xf32>
        %parallel_loop3A_370 = vector.shape_cast %parallel_loop3A_364 : vector<16xf32> to vector<1x1x16xf32>
        tpu.vector_store %arg8[%parallel_loop3A_365, %parallel_loop3A_366, %parallel_loop3A_367], %parallel_loop3A_370 {add = true, strides = array<i32>} : memref<4x128x128xf32, #tpu.memory_space<vmem>>, vector<1x1x16xf32>,
        %parallel_loop3A_371 = vector.broadcast %parallel_loop3A_347 : f32 to vector<16xf32>
        %parallel_loop3A_372 = arith.mulf %parallel_loop3A_371, %parallel_loop3A_271 : vector<16xf32>
        %parallel_loop3A_373 = vector.broadcast %parallel_loop3A_349 : f32 to vector<16xf32>
        %parallel_loop3A_374 = arith.mulf %parallel_loop3A_373, %parallel_loop3A_291 : vector<16xf32>
        %parallel_loop3A_375 = arith.addf %parallel_loop3A_372, %parallel_loop3A_374 : vector<16xf32>
        %parallel_loop3A_376 = vector.broadcast %parallel_loop3A_351 : f32 to vector<16xf32>
        %parallel_loop3A_377 = arith.mulf %parallel_loop3A_376, %parallel_loop3A_311 : vector<16xf32>
        %parallel_loop3A_378 = vector.broadcast %parallel_loop3A_353 : f32 to vector<16xf32>
        %parallel_loop3A_379 = arith.mulf %parallel_loop3A_378, %parallel_loop3A_331 : vector<16xf32>
        %parallel_loop3A_380 = arith.addf %parallel_loop3A_377, %parallel_loop3A_379 : vector<16xf32>
        %parallel_loop3A_381 = arith.addf %parallel_loop3A_375, %parallel_loop3A_380 : vector<16xf32>
        %parallel_loop3A_382 = arith.index_cast %rem3A_149 : i32 to index
        %parallel_loop3A_383 = arith.index_cast %parallel_loop3A_345 : i32 to index
        %parallel_loop3A_384 = arith.constant 16 : index
        %parallel_loop3A_385 = tpu.vector_load %arg8[%parallel_loop3A_382, %parallel_loop3A_383, %parallel_loop3A_384] {strides = array<i32>} : memref<4x128x128xf32, #tpu.memory_space<vmem>>, vector<1x1x16xf32>,
        %parallel_loop3A_386 = vector.shape_cast %parallel_loop3A_385 : vector<1x1x16xf32> to vector<16xf32>
        %parallel_loop3A_387 = vector.shape_cast %parallel_loop3A_381 : vector<16xf32> to vector<1x1x16xf32>
        tpu.vector_store %arg8[%parallel_loop3A_382, %parallel_loop3A_383, %parallel_loop3A_384], %parallel_loop3A_387 {add = true, strides = array<i32>} : memref<4x128x128xf32, #tpu.memory_space<vmem>>, vector<1x1x16xf32>,
        %parallel_loop3A_388 = vector.broadcast %parallel_loop3A_347 : f32 to vector<16xf32>
        %parallel_loop3A_389 = arith.mulf %parallel_loop3A_388, %parallel_loop3A_276 : vector<16xf32>
        %parallel_loop3A_390 = vector.broadcast %parallel_loop3A_349 : f32 to vector<16xf32>
        %parallel_loop3A_391 = arith.mulf %parallel_loop3A_390, %parallel_loop3A_296 : vector<16xf32>
        %parallel_loop3A_392 = arith.addf %parallel_loop3A_389, %parallel_loop3A_391 : vector<16xf32>
        %parallel_loop3A_393 = vector.broadcast %parallel_loop3A_351 : f32 to vector<16xf32>
        %parallel_loop3A_394 = arith.mulf %parallel_loop3A_393, %parallel_loop3A_316 : vector<16xf32>
        %parallel_loop3A_395 = vector.broadcast %parallel_loop3A_353 : f32 to vector<16xf32>
        %parallel_loop3A_396 = arith.mulf %parallel_loop3A_395, %parallel_loop3A_336 : vector<16xf32>
        %parallel_loop3A_397 = arith.addf %parallel_loop3A_394, %parallel_loop3A_396 : vector<16xf32>
        %parallel_loop3A_398 = arith.addf %parallel_loop3A_392, %parallel_loop3A_397 : vector<16xf32>
        %parallel_loop3A_399 = arith.index_cast %rem3A_149 : i32 to index
        %parallel_loop3A_400 = arith.index_cast %parallel_loop3A_345 : i32 to index
        %parallel_loop3A_401 = arith.constant 32 : index
        %parallel_loop3A_402 = tpu.vector_load %arg8[%parallel_loop3A_399, %parallel_loop3A_400, %parallel_loop3A_401] {strides = array<i32>} : memref<4x128x128xf32, #tpu.memory_space<vmem>>, vector<1x1x16xf32>,
        %parallel_loop3A_403 = vector.shape_cast %parallel_loop3A_402 : vector<1x1x16xf32> to vector<16xf32>
        %parallel_loop3A_404 = vector.shape_cast %parallel_loop3A_398 : vector<16xf32> to vector<1x1x16xf32>
        tpu.vector_store %arg8[%parallel_loop3A_399, %parallel_loop3A_400, %parallel_loop3A_401], %parallel_loop3A_404 {add = true, strides = array<i32>} : memref<4x128x128xf32, #tpu.memory_space<vmem>>, vector<1x1x16xf32>,
        %parallel_loop3A_405 = vector.broadcast %parallel_loop3A_347 : f32 to vector<16xf32>
        %parallel_loop3A_406 = arith.mulf %parallel_loop3A_405, %parallel_loop3A_281 : vector<16xf32>
        %parallel_loop3A_407 = vector.broadcast %parallel_loop3A_349 : f32 to vector<16xf32>
        %parallel_loop3A_408 = arith.mulf %parallel_loop3A_407, %parallel_loop3A_301 : vector<16xf32>
        %parallel_loop3A_409 = arith.addf %parallel_loop3A_406, %parallel_loop3A_408 : vector<16xf32>
        %parallel_loop3A_410 = vector.broadcast %parallel_loop3A_351 : f32 to vector<16xf32>
        %parallel_loop3A_411 = arith.mulf %parallel_loop3A_410, %parallel_loop3A_321 : vector<16xf32>
        %parallel_loop3A_412 = vector.broadcast %parallel_loop3A_353 : f32 to vector<16xf32>
        %parallel_loop3A_413 = arith.mulf %parallel_loop3A_412, %parallel_loop3A_341 : vector<16xf32>
        %parallel_loop3A_414 = arith.addf %parallel_loop3A_411, %parallel_loop3A_413 : vector<16xf32>
        %parallel_loop3A_415 = arith.addf %parallel_loop3A_409, %parallel_loop3A_414 : vector<16xf32>
        %parallel_loop3A_416 = arith.index_cast %rem3A_149 : i32 to index
        %parallel_loop3A_417 = arith.index_cast %parallel_loop3A_345 : i32 to index
        %parallel_loop3A_418 = arith.constant 48 : index
        %parallel_loop3A_419 = tpu.vector_load %arg8[%parallel_loop3A_416, %parallel_loop3A_417, %parallel_loop3A_418] {strides = array<i32>} : memref<4x128x128xf32, #tpu.memory_space<vmem>>, vector<1x1x16xf32>,
        %parallel_loop3A_420 = vector.shape_cast %parallel_loop3A_419 : vector<1x1x16xf32> to vector<16xf32>
        %parallel_loop3A_421 = vector.shape_cast %parallel_loop3A_415 : vector<16xf32> to vector<1x1x16xf32>
        tpu.vector_store %arg8[%parallel_loop3A_416, %parallel_loop3A_417, %parallel_loop3A_418], %parallel_loop3A_421 {add = true, strides = array<i32>} : memref<4x128x128xf32, #tpu.memory_space<vmem>>, vector<1x1x16xf32>,
        %parallel_loop3A_422 = arith.constant 16 : i32
        %parallel_loop3A_423 = arith.muli %parallel_loop3A_225, %parallel_loop3A_422 : i32
        %parallel_loop3A_424 = arith.constant 1 : i32
        %parallel_loop3A_425 = arith.addi %parallel_loop3A_423, %parallel_loop3A_424 : i32
        %parallel_loop3A_426 = vector.extract_strided_slice %parallel_loop3A_234 {offsets = [1], sizes = [1], strides = [1]} : vector<16xf32> to vector<1xf32>
        %parallel_loop3A_427 = vector.extract %parallel_loop3A_426[0] : f32 from vector<1xf32>
        %parallel_loop3A_428 = vector.extract_strided_slice %parallel_loop3A_243 {offsets = [1], sizes = [1], strides = [1]} : vector<16xf32> to vector<1xf32>
        %parallel_loop3A_429 = vector.extract %parallel_loop3A_428[0] : f32 from vector<1xf32>
        %parallel_loop3A_430 = vector.extract_strided_slice %parallel_loop3A_252 {offsets = [1], sizes = [1], strides = [1]} : vector<16xf32> to vector<1xf32>
        %parallel_loop3A_431 = vector.extract %parallel_loop3A_430[0] : f32 from vector<1xf32>
        %parallel_loop3A_432 = vector.extract_strided_slice %parallel_loop3A_261 {offsets = [1], sizes = [1], strides = [1]} : vector<16xf32> to vector<1xf32>
        %parallel_loop3A_433 = vector.extract %parallel_loop3A_432[0] : f32 from vector<1xf32>
        %parallel_loop3A_434 = vector.broadcast %parallel_loop3A_427 : f32 to vector<16xf32>
        %parallel_loop3A_435 = arith.mulf %parallel_loop3A_434, %parallel_loop3A_266 : vector<16xf32>
        %parallel_loop3A_436 = vector.broadcast %parallel_loop3A_429 : f32 to vector<16xf32>
        %parallel_loop3A_437 = arith.mulf %parallel_loop3A_436, %parallel_loop3A_286 : vector<16xf32>
        %parallel_loop3A_438 = arith.addf %parallel_loop3A_435, %parallel_loop3A_437 : vector<16xf32>
        %parallel_loop3A_439 = vector.broadcast %parallel_loop3A_431 : f32 to vector<16xf32>
        %parallel_loop3A_440 = arith.mulf %parallel_loop3A_439, %parallel_loop3A_306 : vector<16xf32>
        %parallel_loop3A_441 = vector.broadcast %parallel_loop3A_433 : f32 to vector<16xf32>
        %parallel_loop3A_442 = arith.mulf %parallel_loop3A_441, %parallel_loop3A_326 : vector<16xf32>
        %parallel_loop3A_443 = arith.addf %parallel_loop3A_440, %parallel_loop3A_442 : vector<16xf32>
        %parallel_loop3A_444 = arith.addf %parallel_loop3A_438, %parallel_loop3A_443 : vector<16xf32>
        %parallel_loop3A_445 = arith.index_cast %rem3A_149 : i32 to index
        %parallel_loop3A_446 = arith.index_cast %parallel_loop3A_425 : i32 to index
        %parallel_loop3A_447 = arith.constant 0 : index
        %parallel_loop3A_448 = tpu.vector_load %arg8[%parallel_loop3A_445, %parallel_loop3A_446, %parallel_loop3A_447] {strides = array<i32>} : memref<4x128x128xf32, #tpu.memory_space<vmem>>, vector<1x1x16xf32>,
        %parallel_loop3A_449 = vector.shape_cast %parallel_loop3A_448 : vector<1x1x16xf32> to vector<16xf32>
        %parallel_loop3A_450 = vector.shape_cast %parallel_loop3A_444 : vector<16xf32> to vector<1x1x16xf32>
        tpu.vector_store %arg8[%parallel_loop3A_445, %parallel_loop3A_446, %parallel_loop3A_447], %parallel_loop3A_450 {add = true, strides = array<i32>} : memref<4x128x128xf32, #tpu.memory_space<vmem>>, vector<1x1x16xf32>,
        %parallel_loop3A_451 = vector.broadcast %parallel_loop3A_427 : f32 to vector<16xf32>
        %parallel_loop3A_452 = arith.mulf %parallel_loop3A_451, %parallel_loop3A_271 : vector<16xf32>
        %parallel_loop3A_453 = vector.broadcast %parallel_loop3A_429 : f32 to vector<16xf32>
        %parallel_loop3A_454 = arith.mulf %parallel_loop3A_453, %parallel_loop3A_291 : vector<16xf32>
        %parallel_loop3A_455 = arith.addf %parallel_loop3A_452, %parallel_loop3A_454 : vector<16xf32>
        %parallel_loop3A_456 = vector.broadcast %parallel_loop3A_431 : f32 to vector<16xf32>
        %parallel_loop3A_457 = arith.mulf %parallel_loop3A_456, %parallel_loop3A_311 : vector<16xf32>
        %parallel_loop3A_458 = vector.broadcast %parallel_loop3A_433 : f32 to vector<16xf32>
        %parallel_loop3A_459 = arith.mulf %parallel_loop3A_458, %parallel_loop3A_331 : vector<16xf32>
        %parallel_loop3A_460 = arith.addf %parallel_loop3A_457, %parallel_loop3A_459 : vector<16xf32>
        %parallel_loop3A_461 = arith.addf %parallel_loop3A_455, %parallel_loop3A_460 : vector<16xf32>
        %parallel_loop3A_462 = arith.index_cast %rem3A_149 : i32 to index
        %parallel_loop3A_463 = arith.index_cast %parallel_loop3A_425 : i32 to index
        %parallel_loop3A_464 = arith.constant 16 : index
        %parallel_loop3A_465 = tpu.vector_load %arg8[%parallel_loop3A_462, %parallel_loop3A_463, %parallel_loop3A_464] {strides = array<i32>} : memref<4x128x128xf32, #tpu.memory_space<vmem>>, vector<1x1x16xf32>,
        %parallel_loop3A_466 = vector.shape_cast %parallel_loop3A_465 : vector<1x1x16xf32> to vector<16xf32>
        %parallel_loop3A_467 = vector.shape_cast %parallel_loop3A_461 : vector<16xf32> to vector<1x1x16xf32>
        tpu.vector_store %arg8[%parallel_loop3A_462, %parallel_loop3A_463, %parallel_loop3A_464], %parallel_loop3A_467 {add = true, strides = array<i32>} : memref<4x128x128xf32, #tpu.memory_space<vmem>>, vector<1x1x16xf32>,
        %parallel_loop3A_468 = vector.broadcast %parallel_loop3A_427 : f32 to vector<16xf32>
        %parallel_loop3A_469 = arith.mulf %parallel_loop3A_468, %parallel_loop3A_276 : vector<16xf32>
        %parallel_loop3A_470 = vector.broadcast %parallel_loop3A_429 : f32 to vector<16xf32>
        %parallel_loop3A_471 = arith.mulf %parallel_loop3A_470, %parallel_loop3A_296 : vector<16xf32>
        %parallel_loop3A_472 = arith.addf %parallel_loop3A_469, %parallel_loop3A_471 : vector<16xf32>
        %parallel_loop3A_473 = vector.broadcast %parallel_loop3A_431 : f32 to vector<16xf32>
        %parallel_loop3A_474 = arith.mulf %parallel_loop3A_473, %parallel_loop3A_316 : vector<16xf32>
        %parallel_loop3A_475 = vector.broadcast %parallel_loop3A_433 : f32 to vector<16xf32>
        %parallel_loop3A_476 = arith.mulf %parallel_loop3A_475, %parallel_loop3A_336 : vector<16xf32>
        %parallel_loop3A_477 = arith.addf %parallel_loop3A_474, %parallel_loop3A_476 : vector<16xf32>
        %parallel_loop3A_478 = arith.addf %parallel_loop3A_472, %parallel_loop3A_477 : vector<16xf32>
        %parallel_loop3A_479 = arith.index_cast %rem3A_149 : i32 to index
        %parallel_loop3A_480 = arith.index_cast %parallel_loop3A_425 : i32 to index
        %parallel_loop3A_481 = arith.constant 32 : index
        %parallel_loop3A_482 = tpu.vector_load %arg8[%parallel_loop3A_479, %parallel_loop3A_480, %parallel_loop3A_481] {strides = array<i32>} : memref<4x128x128xf32, #tpu.memory_space<vmem>>, vector<1x1x16xf32>,
        %parallel_loop3A_483 = vector.shape_cast %parallel_loop3A_482 : vector<1x1x16xf32> to vector<16xf32>
        %parallel_loop3A_484 = vector.shape_cast %parallel_loop3A_478 : vector<16xf32> to vector<1x1x16xf32>
        tpu.vector_store %arg8[%parallel_loop3A_479, %parallel_loop3A_480, %parallel_loop3A_481], %parallel_loop3A_484 {add = true, strides = array<i32>} : memref<4x128x128xf32, #tpu.memory_space<vmem>>, vector<1x1x16xf32>,
        %parallel_loop3A_485 = vector.broadcast %parallel_loop3A_427 : f32 to vector<16xf32>
        %parallel_loop3A_486 = arith.mulf %parallel_loop3A_485, %parallel_loop3A_281 : vector<16xf32>
        %parallel_loop3A_487 = vector.broadcast %parallel_loop3A_429 : f32 to vector<16xf32>
        %parallel_loop3A_488 = arith.mulf %parallel_loop3A_487, %parallel_loop3A_301 : vector<16xf32>
        %parallel_loop3A_489 = arith.addf %parallel_loop3A_486, %parallel_loop3A_488 : vector<16xf32>
        %parallel_loop3A_490 = vector.broadcast %parallel_loop3A_431 : f32 to vector<16xf32>
        %parallel_loop3A_491 = arith.mulf %parallel_loop3A_490, %parallel_loop3A_321 : vector<16xf32>
        %parallel_loop3A_492 = vector.broadcast %parallel_loop3A_433 : f32 to vector<16xf32>
        %parallel_loop3A_493 = arith.mulf %parallel_loop3A_492, %parallel_loop3A_341 : vector<16xf32>
        %parallel_loop3A_494 = arith.addf %parallel_loop3A_491, %parallel_loop3A_493 : vector<16xf32>
        %parallel_loop3A_495 = arith.addf %parallel_loop3A_489, %parallel_loop3A_494 : vector<16xf32>
        %parallel_loop3A_496 = arith.index_cast %rem3A_149 : i32 to index
        %parallel_loop3A_497 = arith.index_cast %parallel_loop3A_425 : i32 to index
        %parallel_loop3A_498 = arith.constant 48 : index
        %parallel_loop3A_499 = tpu.vector_load %arg8[%parallel_loop3A_496, %parallel_loop3A_497, %parallel_loop3A_498] {strides = array<i32>} : memref<4x128x128xf32, #tpu.memory_space<vmem>>, vector<1x1x16xf32>,
        %parallel_loop3A_500 = vector.shape_cast %parallel_loop3A_499 : vector<1x1x16xf32> to vector<16xf32>
        %parallel_loop3A_501 = vector.shape_cast %parallel_loop3A_495 : vector<16xf32> to vector<1x1x16xf32>
        tpu.vector_store %arg8[%parallel_loop3A_496, %parallel_loop3A_497, %parallel_loop3A_498], %parallel_loop3A_501 {add = true, strides = array<i32>} : memref<4x128x128xf32, #tpu.memory_space<vmem>>, vector<1x1x16xf32>,
        %parallel_loop3A_502 = arith.constant 16 : i32
        %parallel_loop3A_503 = arith.muli %parallel_loop3A_225, %parallel_loop3A_502 : i32
        %parallel_loop3A_504 = arith.constant 2 : i32
        %parallel_loop3A_505 = arith.addi %parallel_loop3A_503, %parallel_loop3A_504 : i32
        %parallel_loop3A_506 = vector.extract_strided_slice %parallel_loop3A_234 {offsets = [2], sizes = [1], strides = [1]} : vector<16xf32> to vector<1xf32>
        %parallel_loop3A_507 = vector.extract %parallel_loop3A_506[0] : f32 from vector<1xf32>
        %parallel_loop3A_508 = vector.extract_strided_slice %parallel_loop3A_243 {offsets = [2], sizes = [1], strides = [1]} : vector<16xf32> to vector<1xf32>
        %parallel_loop3A_509 = vector.extract %parallel_loop3A_508[0] : f32 from vector<1xf32>
        %parallel_loop3A_510 = vector.extract_strided_slice %parallel_loop3A_252 {offsets = [2], sizes = [1], strides = [1]} : vector<16xf32> to vector<1xf32>
        %parallel_loop3A_511 = vector.extract %parallel_loop3A_510[0] : f32 from vector<1xf32>
        %parallel_loop3A_512 = vector.extract_strided_slice %parallel_loop3A_261 {offsets = [2], sizes = [1], strides = [1]} : vector<16xf32> to vector<1xf32>
        %parallel_loop3A_513 = vector.extract %parallel_loop3A_512[0] : f32 from vector<1xf32>
        %parallel_loop3A_514 = vector.broadcast %parallel_loop3A_507 : f32 to vector<16xf32>
        %parallel_loop3A_515 = arith.mulf %parallel_loop3A_514, %parallel_loop3A_266 : vector<16xf32>
        %parallel_loop3A_516 = vector.broadcast %parallel_loop3A_509 : f32 to vector<16xf32>
        %parallel_loop3A_517 = arith.mulf %parallel_loop3A_516, %parallel_loop3A_286 : vector<16xf32>
        %parallel_loop3A_518 = arith.addf %parallel_loop3A_515, %parallel_loop3A_517 : vector<16xf32>
        %parallel_loop3A_519 = vector.broadcast %parallel_loop3A_511 : f32 to vector<16xf32>
        %parallel_loop3A_520 = arith.mulf %parallel_loop3A_519, %parallel_loop3A_306 : vector<16xf32>
        %parallel_loop3A_521 = vector.broadcast %parallel_loop3A_513 : f32 to vector<16xf32>
        %parallel_loop3A_522 = arith.mulf %parallel_loop3A_521, %parallel_loop3A_326 : vector<16xf32>
        %parallel_loop3A_523 = arith.addf %parallel_loop3A_520, %parallel_loop3A_522 : vector<16xf32>
        %parallel_loop3A_524 = arith.addf %parallel_loop3A_518, %parallel_loop3A_523 : vector<16xf32>
        %parallel_loop3A_525 = arith.index_cast %rem3A_149 : i32 to index
        %parallel_loop3A_526 = arith.index_cast %parallel_loop3A_505 : i32 to index
        %parallel_loop3A_527 = arith.constant 0 : index
        %parallel_loop3A_528 = tpu.vector_load %arg8[%parallel_loop3A_525, %parallel_loop3A_526, %parallel_loop3A_527] {strides = array<i32>} : memref<4x128x128xf32, #tpu.memory_space<vmem>>, vector<1x1x16xf32>,
        %parallel_loop3A_529 = vector.shape_cast %parallel_loop3A_528 : vector<1x1x16xf32> to vector<16xf32>
        %parallel_loop3A_530 = vector.shape_cast %parallel_loop3A_524 : vector<16xf32> to vector<1x1x16xf32>
        tpu.vector_store %arg8[%parallel_loop3A_525, %parallel_loop3A_526, %parallel_loop3A_527], %parallel_loop3A_530 {add = true, strides = array<i32>} : memref<4x128x128xf32, #tpu.memory_space<vmem>>, vector<1x1x16xf32>,
        %parallel_loop3A_531 = vector.broadcast %parallel_loop3A_507 : f32 to vector<16xf32>
        %parallel_loop3A_532 = arith.mulf %parallel_loop3A_531, %parallel_loop3A_271 : vector<16xf32>
        %parallel_loop3A_533 = vector.broadcast %parallel_loop3A_509 : f32 to vector<16xf32>
        %parallel_loop3A_534 = arith.mulf %parallel_loop3A_533, %parallel_loop3A_291 : vector<16xf32>
        %parallel_loop3A_535 = arith.addf %parallel_loop3A_532, %parallel_loop3A_534 : vector<16xf32>
        %parallel_loop3A_536 = vector.broadcast %parallel_loop3A_511 : f32 to vector<16xf32>
        %parallel_loop3A_537 = arith.mulf %parallel_loop3A_536, %parallel_loop3A_311 : vector<16xf32>
        %parallel_loop3A_538 = vector.broadcast %parallel_loop3A_513 : f32 to vector<16xf32>
        %parallel_loop3A_539 = arith.mulf %parallel_loop3A_538, %parallel_loop3A_331 : vector<16xf32>
        %parallel_loop3A_540 = arith.addf %parallel_loop3A_537, %parallel_loop3A_539 : vector<16xf32>
        %parallel_loop3A_541 = arith.addf %parallel_loop3A_535, %parallel_loop3A_540 : vector<16xf32>
        %parallel_loop3A_542 = arith.index_cast %rem3A_149 : i32 to index
        %parallel_loop3A_543 = arith.index_cast %parallel_loop3A_505 : i32 to index
        %parallel_loop3A_544 = arith.constant 16 : index
        %parallel_loop3A_545 = tpu.vector_load %arg8[%parallel_loop3A_542, %parallel_loop3A_543, %parallel_loop3A_544] {strides = array<i32>} : memref<4x128x128xf32, #tpu.memory_space<vmem>>, vector<1x1x16xf32>,
        %parallel_loop3A_546 = vector.shape_cast %parallel_loop3A_545 : vector<1x1x16xf32> to vector<16xf32>
        %parallel_loop3A_547 = vector.shape_cast %parallel_loop3A_541 : vector<16xf32> to vector<1x1x16xf32>
        tpu.vector_store %arg8[%parallel_loop3A_542, %parallel_loop3A_543, %parallel_loop3A_544], %parallel_loop3A_547 {add = true, strides = array<i32>} : memref<4x128x128xf32, #tpu.memory_space<vmem>>, vector<1x1x16xf32>,
        %parallel_loop3A_548 = vector.broadcast %parallel_loop3A_507 : f32 to vector<16xf32>
        %parallel_loop3A_549 = arith.mulf %parallel_loop3A_548, %parallel_loop3A_276 : vector<16xf32>
        %parallel_loop3A_550 = vector.broadcast %parallel_loop3A_509 : f32 to vector<16xf32>
        %parallel_loop3A_551 = arith.mulf %parallel_loop3A_550, %parallel_loop3A_296 : vector<16xf32>
        %parallel_loop3A_552 = arith.addf %parallel_loop3A_549, %parallel_loop3A_551 : vector<16xf32>
        %parallel_loop3A_553 = vector.broadcast %parallel_loop3A_511 : f32 to vector<16xf32>
        %parallel_loop3A_554 = arith.mulf %parallel_loop3A_553, %parallel_loop3A_316 : vector<16xf32>
        %parallel_loop3A_555 = vector.broadcast %parallel_loop3A_513 : f32 to vector<16xf32>
        %parallel_loop3A_556 = arith.mulf %parallel_loop3A_555, %parallel_loop3A_336 : vector<16xf32>
        %parallel_loop3A_557 = arith.addf %parallel_loop3A_554, %parallel_loop3A_556 : vector<16xf32>
        %parallel_loop3A_558 = arith.addf %parallel_loop3A_552, %parallel_loop3A_557 : vector<16xf32>
        %parallel_loop3A_559 = arith.index_cast %rem3A_149 : i32 to index
        %parallel_loop3A_560 = arith.index_cast %parallel_loop3A_505 : i32 to index
        %parallel_loop3A_561 = arith.constant 32 : index
        %parallel_loop3A_562 = tpu.vector_load %arg8[%parallel_loop3A_559, %parallel_loop3A_560, %parallel_loop3A_561] {strides = array<i32>} : memref<4x128x128xf32, #tpu.memory_space<vmem>>, vector<1x1x16xf32>,
        %parallel_loop3A_563 = vector.shape_cast %parallel_loop3A_562 : vector<1x1x16xf32> to vector<16xf32>
        %parallel_loop3A_564 = vector.shape_cast %parallel_loop3A_558 : vector<16xf32> to vector<1x1x16xf32>
        tpu.vector_store %arg8[%parallel_loop3A_559, %parallel_loop3A_560, %parallel_loop3A_561], %parallel_loop3A_564 {add = true, strides = array<i32>} : memref<4x128x128xf32, #tpu.memory_space<vmem>>, vector<1x1x16xf32>,
        %parallel_loop3A_565 = vector.broadcast %parallel_loop3A_507 : f32 to vector<16xf32>
        %parallel_loop3A_566 = arith.mulf %parallel_loop3A_565, %parallel_loop3A_281 : vector<16xf32>
        %parallel_loop3A_567 = vector.broadcast %parallel_loop3A_509 : f32 to vector<16xf32>
        %parallel_loop3A_568 = arith.mulf %parallel_loop3A_567, %parallel_loop3A_301 : vector<16xf32>
        %parallel_loop3A_569 = arith.addf %parallel_loop3A_566, %parallel_loop3A_568 : vector<16xf32>
        %parallel_loop3A_570 = vector.broadcast %parallel_loop3A_511 : f32 to vector<16xf32>
        %parallel_loop3A_571 = arith.mulf %parallel_loop3A_570, %parallel_loop3A_321 : vector<16xf32>
        %parallel_loop3A_572 = vector.broadcast %parallel_loop3A_513 : f32 to vector<16xf32>
        %parallel_loop3A_573 = arith.mulf %parallel_loop3A_572, %parallel_loop3A_341 : vector<16xf32>
        %parallel_loop3A_574 = arith.addf %parallel_loop3A_571, %parallel_loop3A_573 : vector<16xf32>
        %parallel_loop3A_575 = arith.addf %parallel_loop3A_569, %parallel_loop3A_574 : vector<16xf32>
        %parallel_loop3A_576 = arith.index_cast %rem3A_149 : i32 to index
        %parallel_loop3A_577 = arith.index_cast %parallel_loop3A_505 : i32 to index
        %parallel_loop3A_578 = arith.constant 48 : index
        %parallel_loop3A_579 = tpu.vector_load %arg8[%parallel_loop3A_576, %parallel_loop3A_577, %parallel_loop3A_578] {strides = array<i32>} : memref<4x128x128xf32, #tpu.memory_space<vmem>>, vector<1x1x16xf32>,
        %parallel_loop3A_580 = vector.shape_cast %parallel_loop3A_579 : vector<1x1x16xf32> to vector<16xf32>
        %parallel_loop3A_581 = vector.shape_cast %parallel_loop3A_575 : vector<16xf32> to vector<1x1x16xf32>
        tpu.vector_store %arg8[%parallel_loop3A_576, %parallel_loop3A_577, %parallel_loop3A_578], %parallel_loop3A_581 {add = true, strides = array<i32>} : memref<4x128x128xf32, #tpu.memory_space<vmem>>, vector<1x1x16xf32>,
        %parallel_loop3A_582 = arith.constant 16 : i32
        %parallel_loop3A_583 = arith.muli %parallel_loop3A_225, %parallel_loop3A_582 : i32
        %parallel_loop3A_584 = arith.constant 3 : i32
        %parallel_loop3A_585 = arith.addi %parallel_loop3A_583, %parallel_loop3A_584 : i32
        %parallel_loop3A_586 = vector.extract_strided_slice %parallel_loop3A_234 {offsets = [3], sizes = [1], strides = [1]} : vector<16xf32> to vector<1xf32>
        %parallel_loop3A_587 = vector.extract %parallel_loop3A_586[0] : f32 from vector<1xf32>
        %parallel_loop3A_588 = vector.extract_strided_slice %parallel_loop3A_243 {offsets = [3], sizes = [1], strides = [1]} : vector<16xf32> to vector<1xf32>
        %parallel_loop3A_589 = vector.extract %parallel_loop3A_588[0] : f32 from vector<1xf32>
        %parallel_loop3A_590 = vector.extract_strided_slice %parallel_loop3A_252 {offsets = [3], sizes = [1], strides = [1]} : vector<16xf32> to vector<1xf32>
        %parallel_loop3A_591 = vector.extract %parallel_loop3A_590[0] : f32 from vector<1xf32>
        %parallel_loop3A_592 = vector.extract_strided_slice %parallel_loop3A_261 {offsets = [3], sizes = [1], strides = [1]} : vector<16xf32> to vector<1xf32>
        %parallel_loop3A_593 = vector.extract %parallel_loop3A_592[0] : f32 from vector<1xf32>
        %parallel_loop3A_594 = vector.broadcast %parallel_loop3A_587 : f32 to vector<16xf32>
        %parallel_loop3A_595 = arith.mulf %parallel_loop3A_594, %parallel_loop3A_266 : vector<16xf32>
        %parallel_loop3A_596 = vector.broadcast %parallel_loop3A_589 : f32 to vector<16xf32>
        %parallel_loop3A_597 = arith.mulf %parallel_loop3A_596, %parallel_loop3A_286 : vector<16xf32>
        %parallel_loop3A_598 = arith.addf %parallel_loop3A_595, %parallel_loop3A_597 : vector<16xf32>
        %parallel_loop3A_599 = vector.broadcast %parallel_loop3A_591 : f32 to vector<16xf32>
        %parallel_loop3A_600 = arith.mulf %parallel_loop3A_599, %parallel_loop3A_306 : vector<16xf32>
        %parallel_loop3A_601 = vector.broadcast %parallel_loop3A_593 : f32 to vector<16xf32>
        %parallel_loop3A_602 = arith.mulf %parallel_loop3A_601, %parallel_loop3A_326 : vector<16xf32>
        %parallel_loop3A_603 = arith.addf %parallel_loop3A_600, %parallel_loop3A_602 : vector<16xf32>
        %parallel_loop3A_604 = arith.addf %parallel_loop3A_598, %parallel_loop3A_603 : vector<16xf32>
        %parallel_loop3A_605 = arith.index_cast %rem3A_149 : i32 to index
        %parallel_loop3A_606 = arith.index_cast %parallel_loop3A_585 : i32 to index
        %parallel_loop3A_607 = arith.constant 0 : index
        %parallel_loop3A_608 = tpu.vector_load %arg8[%parallel_loop3A_605, %parallel_loop3A_606, %parallel_loop3A_607] {strides = array<i32>} : memref<4x128x128xf32, #tpu.memory_space<vmem>>, vector<1x1x16xf32>,
        %parallel_loop3A_609 = vector.shape_cast %parallel_loop3A_608 : vector<1x1x16xf32> to vector<16xf32>
        %parallel_loop3A_610 = vector.shape_cast %parallel_loop3A_604 : vector<16xf32> to vector<1x1x16xf32>
        tpu.vector_store %arg8[%parallel_loop3A_605, %parallel_loop3A_606, %parallel_loop3A_607], %parallel_loop3A_610 {add = true, strides = array<i32>} : memref<4x128x128xf32, #tpu.memory_space<vmem>>, vector<1x1x16xf32>,
        %parallel_loop3A_611 = vector.broadcast %parallel_loop3A_587 : f32 to vector<16xf32>
        %parallel_loop3A_612 = arith.mulf %parallel_loop3A_611, %parallel_loop3A_271 : vector<16xf32>
        %parallel_loop3A_613 = vector.broadcast %parallel_loop3A_589 : f32 to vector<16xf32>
        %parallel_loop3A_614 = arith.mulf %parallel_loop3A_613, %parallel_loop3A_291 : vector<16xf32>
        %parallel_loop3A_615 = arith.addf %parallel_loop3A_612, %parallel_loop3A_614 : vector<16xf32>
        %parallel_loop3A_616 = vector.broadcast %parallel_loop3A_591 : f32 to vector<16xf32>
        %parallel_loop3A_617 = arith.mulf %parallel_loop3A_616, %parallel_loop3A_311 : vector<16xf32>
        %parallel_loop3A_618 = vector.broadcast %parallel_loop3A_593 : f32 to vector<16xf32>
        %parallel_loop3A_619 = arith.mulf %parallel_loop3A_618, %parallel_loop3A_331 : vector<16xf32>
        %parallel_loop3A_620 = arith.addf %parallel_loop3A_617, %parallel_loop3A_619 : vector<16xf32>
        %parallel_loop3A_621 = arith.addf %parallel_loop3A_615, %parallel_loop3A_620 : vector<16xf32>
        %parallel_loop3A_622 = arith.index_cast %rem3A_149 : i32 to index
        %parallel_loop3A_623 = arith.index_cast %parallel_loop3A_585 : i32 to index
        %parallel_loop3A_624 = arith.constant 16 : index
        %parallel_loop3A_625 = tpu.vector_load %arg8[%parallel_loop3A_622, %parallel_loop3A_623, %parallel_loop3A_624] {strides = array<i32>} : memref<4x128x128xf32, #tpu.memory_space<vmem>>, vector<1x1x16xf32>,
        %parallel_loop3A_626 = vector.shape_cast %parallel_loop3A_625 : vector<1x1x16xf32> to vector<16xf32>
        %parallel_loop3A_627 = vector.shape_cast %parallel_loop3A_621 : vector<16xf32> to vector<1x1x16xf32>
        tpu.vector_store %arg8[%parallel_loop3A_622, %parallel_loop3A_623, %parallel_loop3A_624], %parallel_loop3A_627 {add = true, strides = array<i32>} : memref<4x128x128xf32, #tpu.memory_space<vmem>>, vector<1x1x16xf32>,
        %parallel_loop3A_628 = vector.broadcast %parallel_loop3A_587 : f32 to vector<16xf32>
        %parallel_loop3A_629 = arith.mulf %parallel_loop3A_628, %parallel_loop3A_276 : vector<16xf32>
        %parallel_loop3A_630 = vector.broadcast %parallel_loop3A_589 : f32 to vector<16xf32>
        %parallel_loop3A_631 = arith.mulf %parallel_loop3A_630, %parallel_loop3A_296 : vector<16xf32>
        %parallel_loop3A_632 = arith.addf %parallel_loop3A_629, %parallel_loop3A_631 : vector<16xf32>
        %parallel_loop3A_633 = vector.broadcast %parallel_loop3A_591 : f32 to vector<16xf32>
        %parallel_loop3A_634 = arith.mulf %parallel_loop3A_633, %parallel_loop3A_316 : vector<16xf32>
        %parallel_loop3A_635 = vector.broadcast %parallel_loop3A_593 : f32 to vector<16xf32>
        %parallel_loop3A_636 = arith.mulf %parallel_loop3A_635, %parallel_loop3A_336 : vector<16xf32>
        %parallel_loop3A_637 = arith.addf %parallel_loop3A_634, %parallel_loop3A_636 : vector<16xf32>
        %parallel_loop3A_638 = arith.addf %parallel_loop3A_632, %parallel_loop3A_637 : vector<16xf32>
        %parallel_loop3A_639 = arith.index_cast %rem3A_149 : i32 to index
        %parallel_loop3A_640 = arith.index_cast %parallel_loop3A_585 : i32 to index
        %parallel_loop3A_641 = arith.constant 32 : index
        %parallel_loop3A_642 = tpu.vector_load %arg8[%parallel_loop3A_639, %parallel_loop3A_640, %parallel_loop3A_641] {strides = array<i32>} : memref<4x128x128xf32, #tpu.memory_space<vmem>>, vector<1x1x16xf32>,
        %parallel_loop3A_643 = vector.shape_cast %parallel_loop3A_642 : vector<1x1x16xf32> to vector<16xf32>
        %parallel_loop3A_644 = vector.shape_cast %parallel_loop3A_638 : vector<16xf32> to vector<1x1x16xf32>
        tpu.vector_store %arg8[%parallel_loop3A_639, %parallel_loop3A_640, %parallel_loop3A_641], %parallel_loop3A_644 {add = true, strides = array<i32>} : memref<4x128x128xf32, #tpu.memory_space<vmem>>, vector<1x1x16xf32>,
        %parallel_loop3A_645 = vector.broadcast %parallel_loop3A_587 : f32 to vector<16xf32>
        %parallel_loop3A_646 = arith.mulf %parallel_loop3A_645, %parallel_loop3A_281 : vector<16xf32>
        %parallel_loop3A_647 = vector.broadcast %parallel_loop3A_589 : f32 to vector<16xf32>
        %parallel_loop3A_648 = arith.mulf %parallel_loop3A_647, %parallel_loop3A_301 : vector<16xf32>
        %parallel_loop3A_649 = arith.addf %parallel_loop3A_646, %parallel_loop3A_648 : vector<16xf32>
        %parallel_loop3A_650 = vector.broadcast %parallel_loop3A_591 : f32 to vector<16xf32>
        %parallel_loop3A_651 = arith.mulf %parallel_loop3A_650, %parallel_loop3A_321 : vector<16xf32>
        %parallel_loop3A_652 = vector.broadcast %parallel_loop3A_593 : f32 to vector<16xf32>
        %parallel_loop3A_653 = arith.mulf %parallel_loop3A_652, %parallel_loop3A_341 : vector<16xf32>
        %parallel_loop3A_654 = arith.addf %parallel_loop3A_651, %parallel_loop3A_653 : vector<16xf32>
        %parallel_loop3A_655 = arith.addf %parallel_loop3A_649, %parallel_loop3A_654 : vector<16xf32>
        %parallel_loop3A_656 = arith.index_cast %rem3A_149 : i32 to index
        %parallel_loop3A_657 = arith.index_cast %parallel_loop3A_585 : i32 to index
        %parallel_loop3A_658 = arith.constant 48 : index
        %parallel_loop3A_659 = tpu.vector_load %arg8[%parallel_loop3A_656, %parallel_loop3A_657, %parallel_loop3A_658] {strides = array<i32>} : memref<4x128x128xf32, #tpu.memory_space<vmem>>, vector<1x1x16xf32>,
        %parallel_loop3A_660 = vector.shape_cast %parallel_loop3A_659 : vector<1x1x16xf32> to vector<16xf32>
        %parallel_loop3A_661 = vector.shape_cast %parallel_loop3A_655 : vector<16xf32> to vector<1x1x16xf32>
        tpu.vector_store %arg8[%parallel_loop3A_656, %parallel_loop3A_657, %parallel_loop3A_658], %parallel_loop3A_661 {add = true, strides = array<i32>} : memref<4x128x128xf32, #tpu.memory_space<vmem>>, vector<1x1x16xf32>,
        %parallel_loop3A_662 = arith.constant 16 : i32
        %parallel_loop3A_663 = arith.muli %parallel_loop3A_225, %parallel_loop3A_662 : i32
        %parallel_loop3A_664 = arith.constant 4 : i32
        %parallel_loop3A_665 = arith.addi %parallel_loop3A_663, %parallel_loop3A_664 : i32
        %parallel_loop3A_666 = vector.extract_strided_slice %parallel_loop3A_234 {offsets = [4], sizes = [1], strides = [1]} : vector<16xf32> to vector<1xf32>
        %parallel_loop3A_667 = vector.extract %parallel_loop3A_666[0] : f32 from vector<1xf32>
        %parallel_loop3A_668 = vector.extract_strided_slice %parallel_loop3A_243 {offsets = [4], sizes = [1], strides = [1]} : vector<16xf32> to vector<1xf32>
        %parallel_loop3A_669 = vector.extract %parallel_loop3A_668[0] : f32 from vector<1xf32>
        %parallel_loop3A_670 = vector.extract_strided_slice %parallel_loop3A_252 {offsets = [4], sizes = [1], strides = [1]} : vector<16xf32> to vector<1xf32>
        %parallel_loop3A_671 = vector.extract %parallel_loop3A_670[0] : f32 from vector<1xf32>
        %parallel_loop3A_672 = vector.extract_strided_slice %parallel_loop3A_261 {offsets = [4], sizes = [1], strides = [1]} : vector<16xf32> to vector<1xf32>
        %parallel_loop3A_673 = vector.extract %parallel_loop3A_672[0] : f32 from vector<1xf32>
        %parallel_loop3A_674 = vector.broadcast %parallel_loop3A_667 : f32 to vector<16xf32>
        %parallel_loop3A_675 = arith.mulf %parallel_loop3A_674, %parallel_loop3A_266 : vector<16xf32>
        %parallel_loop3A_676 = vector.broadcast %parallel_loop3A_669 : f32 to vector<16xf32>
        %parallel_loop3A_677 = arith.mulf %parallel_loop3A_676, %parallel_loop3A_286 : vector<16xf32>
        %parallel_loop3A_678 = arith.addf %parallel_loop3A_675, %parallel_loop3A_677 : vector<16xf32>
        %parallel_loop3A_679 = vector.broadcast %parallel_loop3A_671 : f32 to vector<16xf32>
        %parallel_loop3A_680 = arith.mulf %parallel_loop3A_679, %parallel_loop3A_306 : vector<16xf32>
        %parallel_loop3A_681 = vector.broadcast %parallel_loop3A_673 : f32 to vector<16xf32>
        %parallel_loop3A_682 = arith.mulf %parallel_loop3A_681, %parallel_loop3A_326 : vector<16xf32>
        %parallel_loop3A_683 = arith.addf %parallel_loop3A_680, %parallel_loop3A_682 : vector<16xf32>
        %parallel_loop3A_684 = arith.addf %parallel_loop3A_678, %parallel_loop3A_683 : vector<16xf32>
        %parallel_loop3A_685 = arith.index_cast %rem3A_149 : i32 to index
        %parallel_loop3A_686 = arith.index_cast %parallel_loop3A_665 : i32 to index
        %parallel_loop3A_687 = arith.constant 0 : index
        %parallel_loop3A_688 = tpu.vector_load %arg8[%parallel_loop3A_685, %parallel_loop3A_686, %parallel_loop3A_687] {strides = array<i32>} : memref<4x128x128xf32, #tpu.memory_space<vmem>>, vector<1x1x16xf32>,
        %parallel_loop3A_689 = vector.shape_cast %parallel_loop3A_688 : vector<1x1x16xf32> to vector<16xf32>
        %parallel_loop3A_690 = vector.shape_cast %parallel_loop3A_684 : vector<16xf32> to vector<1x1x16xf32>
        tpu.vector_store %arg8[%parallel_loop3A_685, %parallel_loop3A_686, %parallel_loop3A_687], %parallel_loop3A_690 {add = true, strides = array<i32>} : memref<4x128x128xf32, #tpu.memory_space<vmem>>, vector<1x1x16xf32>,
        %parallel_loop3A_691 = vector.broadcast %parallel_loop3A_667 : f32 to vector<16xf32>
        %parallel_loop3A_692 = arith.mulf %parallel_loop3A_691, %parallel_loop3A_271 : vector<16xf32>
        %parallel_loop3A_693 = vector.broadcast %parallel_loop3A_669 : f32 to vector<16xf32>
        %parallel_loop3A_694 = arith.mulf %parallel_loop3A_693, %parallel_loop3A_291 : vector<16xf32>
        %parallel_loop3A_695 = arith.addf %parallel_loop3A_692, %parallel_loop3A_694 : vector<16xf32>
        %parallel_loop3A_696 = vector.broadcast %parallel_loop3A_671 : f32 to vector<16xf32>
        %parallel_loop3A_697 = arith.mulf %parallel_loop3A_696, %parallel_loop3A_311 : vector<16xf32>
        %parallel_loop3A_698 = vector.broadcast %parallel_loop3A_673 : f32 to vector<16xf32>
        %parallel_loop3A_699 = arith.mulf %parallel_loop3A_698, %parallel_loop3A_331 : vector<16xf32>
        %parallel_loop3A_700 = arith.addf %parallel_loop3A_697, %parallel_loop3A_699 : vector<16xf32>
        %parallel_loop3A_701 = arith.addf %parallel_loop3A_695, %parallel_loop3A_700 : vector<16xf32>
        %parallel_loop3A_702 = arith.index_cast %rem3A_149 : i32 to index
        %parallel_loop3A_703 = arith.index_cast %parallel_loop3A_665 : i32 to index
        %parallel_loop3A_704 = arith.constant 16 : index
        %parallel_loop3A_705 = tpu.vector_load %arg8[%parallel_loop3A_702, %parallel_loop3A_703, %parallel_loop3A_704] {strides = array<i32>} : memref<4x128x128xf32, #tpu.memory_space<vmem>>, vector<1x1x16xf32>,
        %parallel_loop3A_706 = vector.shape_cast %parallel_loop3A_705 : vector<1x1x16xf32> to vector<16xf32>
        %parallel_loop3A_707 = vector.shape_cast %parallel_loop3A_701 : vector<16xf32> to vector<1x1x16xf32>
        tpu.vector_store %arg8[%parallel_loop3A_702, %parallel_loop3A_703, %parallel_loop3A_704], %parallel_loop3A_707 {add = true, strides = array<i32>} : memref<4x128x128xf32, #tpu.memory_space<vmem>>, vector<1x1x16xf32>,
        %parallel_loop3A_708 = vector.broadcast %parallel_loop3A_667 : f32 to vector<16xf32>
        %parallel_loop3A_709 = arith.mulf %parallel_loop3A_708, %parallel_loop3A_276 : vector<16xf32>
        %parallel_loop3A_710 = vector.broadcast %parallel_loop3A_669 : f32 to vector<16xf32>
        %parallel_loop3A_711 = arith.mulf %parallel_loop3A_710, %parallel_loop3A_296 : vector<16xf32>
        %parallel_loop3A_712 = arith.addf %parallel_loop3A_709, %parallel_loop3A_711 : vector<16xf32>
        %parallel_loop3A_713 = vector.broadcast %parallel_loop3A_671 : f32 to vector<16xf32>
        %parallel_loop3A_714 = arith.mulf %parallel_loop3A_713, %parallel_loop3A_316 : vector<16xf32>
        %parallel_loop3A_715 = vector.broadcast %parallel_loop3A_673 : f32 to vector<16xf32>
        %parallel_loop3A_716 = arith.mulf %parallel_loop3A_715, %parallel_loop3A_336 : vector<16xf32>
        %parallel_loop3A_717 = arith.addf %parallel_loop3A_714, %parallel_loop3A_716 : vector<16xf32>
        %parallel_loop3A_718 = arith.addf %parallel_loop3A_712, %parallel_loop3A_717 : vector<16xf32>
        %parallel_loop3A_719 = arith.index_cast %rem3A_149 : i32 to index
        %parallel_loop3A_720 = arith.index_cast %parallel_loop3A_665 : i32 to index
        %parallel_loop3A_721 = arith.constant 32 : index
        %parallel_loop3A_722 = tpu.vector_load %arg8[%parallel_loop3A_719, %parallel_loop3A_720, %parallel_loop3A_721] {strides = array<i32>} : memref<4x128x128xf32, #tpu.memory_space<vmem>>, vector<1x1x16xf32>,
        %parallel_loop3A_723 = vector.shape_cast %parallel_loop3A_722 : vector<1x1x16xf32> to vector<16xf32>
        %parallel_loop3A_724 = vector.shape_cast %parallel_loop3A_718 : vector<16xf32> to vector<1x1x16xf32>
        tpu.vector_store %arg8[%parallel_loop3A_719, %parallel_loop3A_720, %parallel_loop3A_721], %parallel_loop3A_724 {add = true, strides = array<i32>} : memref<4x128x128xf32, #tpu.memory_space<vmem>>, vector<1x1x16xf32>,
        %parallel_loop3A_725 = vector.broadcast %parallel_loop3A_667 : f32 to vector<16xf32>
        %parallel_loop3A_726 = arith.mulf %parallel_loop3A_725, %parallel_loop3A_281 : vector<16xf32>
        %parallel_loop3A_727 = vector.broadcast %parallel_loop3A_669 : f32 to vector<16xf32>
        %parallel_loop3A_728 = arith.mulf %parallel_loop3A_727, %parallel_loop3A_301 : vector<16xf32>
        %parallel_loop3A_729 = arith.addf %parallel_loop3A_726, %parallel_loop3A_728 : vector<16xf32>
        %parallel_loop3A_730 = vector.broadcast %parallel_loop3A_671 : f32 to vector<16xf32>
        %parallel_loop3A_731 = arith.mulf %parallel_loop3A_730, %parallel_loop3A_321 : vector<16xf32>
        %parallel_loop3A_732 = vector.broadcast %parallel_loop3A_673 : f32 to vector<16xf32>
        %parallel_loop3A_733 = arith.mulf %parallel_loop3A_732, %parallel_loop3A_341 : vector<16xf32>
        %parallel_loop3A_734 = arith.addf %parallel_loop3A_731, %parallel_loop3A_733 : vector<16xf32>
        %parallel_loop3A_735 = arith.addf %parallel_loop3A_729, %parallel_loop3A_734 : vector<16xf32>
        %parallel_loop3A_736 = arith.index_cast %rem3A_149 : i32 to index
        %parallel_loop3A_737 = arith.index_cast %parallel_loop3A_665 : i32 to index
        %parallel_loop3A_738 = arith.constant 48 : index
        %parallel_loop3A_739 = tpu.vector_load %arg8[%parallel_loop3A_736, %parallel_loop3A_737, %parallel_loop3A_738] {strides = array<i32>} : memref<4x128x128xf32, #tpu.memory_space<vmem>>, vector<1x1x16xf32>,
        %parallel_loop3A_740 = vector.shape_cast %parallel_loop3A_739 : vector<1x1x16xf32> to vector<16xf32>
        %parallel_loop3A_741 = vector.shape_cast %parallel_loop3A_735 : vector<16xf32> to vector<1x1x16xf32>
        tpu.vector_store %arg8[%parallel_loop3A_736, %parallel_loop3A_737, %parallel_loop3A_738], %parallel_loop3A_741 {add = true, strides = array<i32>} : memref<4x128x128xf32, #tpu.memory_space<vmem>>, vector<1x1x16xf32>,
        %parallel_loop3A_742 = arith.constant 16 : i32
        %parallel_loop3A_743 = arith.muli %parallel_loop3A_225, %parallel_loop3A_742 : i32
        %parallel_loop3A_744 = arith.constant 5 : i32
        %parallel_loop3A_745 = arith.addi %parallel_loop3A_743, %parallel_loop3A_744 : i32
        %parallel_loop3A_746 = vector.extract_strided_slice %parallel_loop3A_234 {offsets = [5], sizes = [1], strides = [1]} : vector<16xf32> to vector<1xf32>
        %parallel_loop3A_747 = vector.extract %parallel_loop3A_746[0] : f32 from vector<1xf32>
        %parallel_loop3A_748 = vector.extract_strided_slice %parallel_loop3A_243 {offsets = [5], sizes = [1], strides = [1]} : vector<16xf32> to vector<1xf32>
        %parallel_loop3A_749 = vector.extract %parallel_loop3A_748[0] : f32 from vector<1xf32>
        %parallel_loop3A_750 = vector.extract_strided_slice %parallel_loop3A_252 {offsets = [5], sizes = [1], strides = [1]} : vector<16xf32> to vector<1xf32>
        %parallel_loop3A_751 = vector.extract %parallel_loop3A_750[0] : f32 from vector<1xf32>
        %parallel_loop3A_752 = vector.extract_strided_slice %parallel_loop3A_261 {offsets = [5], sizes = [1], strides = [1]} : vector<16xf32> to vector<1xf32>
        %parallel_loop3A_753 = vector.extract %parallel_loop3A_752[0] : f32 from vector<1xf32>
        %parallel_loop3A_754 = vector.broadcast %parallel_loop3A_747 : f32 to vector<16xf32>
        %parallel_loop3A_755 = arith.mulf %parallel_loop3A_754, %parallel_loop3A_266 : vector<16xf32>
        %parallel_loop3A_756 = vector.broadcast %parallel_loop3A_749 : f32 to vector<16xf32>
        %parallel_loop3A_757 = arith.mulf %parallel_loop3A_756, %parallel_loop3A_286 : vector<16xf32>
        %parallel_loop3A_758 = arith.addf %parallel_loop3A_755, %parallel_loop3A_757 : vector<16xf32>
        %parallel_loop3A_759 = vector.broadcast %parallel_loop3A_751 : f32 to vector<16xf32>
        %parallel_loop3A_760 = arith.mulf %parallel_loop3A_759, %parallel_loop3A_306 : vector<16xf32>
        %parallel_loop3A_761 = vector.broadcast %parallel_loop3A_753 : f32 to vector<16xf32>
        %parallel_loop3A_762 = arith.mulf %parallel_loop3A_761, %parallel_loop3A_326 : vector<16xf32>
        %parallel_loop3A_763 = arith.addf %parallel_loop3A_760, %parallel_loop3A_762 : vector<16xf32>
        %parallel_loop3A_764 = arith.addf %parallel_loop3A_758, %parallel_loop3A_763 : vector<16xf32>
        %parallel_loop3A_765 = arith.index_cast %rem3A_149 : i32 to index
        %parallel_loop3A_766 = arith.index_cast %parallel_loop3A_745 : i32 to index
        %parallel_loop3A_767 = arith.constant 0 : index
        %parallel_loop3A_768 = tpu.vector_load %arg8[%parallel_loop3A_765, %parallel_loop3A_766, %parallel_loop3A_767] {strides = array<i32>} : memref<4x128x128xf32, #tpu.memory_space<vmem>>, vector<1x1x16xf32>,
        %parallel_loop3A_769 = vector.shape_cast %parallel_loop3A_768 : vector<1x1x16xf32> to vector<16xf32>
        %parallel_loop3A_770 = vector.shape_cast %parallel_loop3A_764 : vector<16xf32> to vector<1x1x16xf32>
        tpu.vector_store %arg8[%parallel_loop3A_765, %parallel_loop3A_766, %parallel_loop3A_767], %parallel_loop3A_770 {add = true, strides = array<i32>} : memref<4x128x128xf32, #tpu.memory_space<vmem>>, vector<1x1x16xf32>,
        %parallel_loop3A_771 = vector.broadcast %parallel_loop3A_747 : f32 to vector<16xf32>
        %parallel_loop3A_772 = arith.mulf %parallel_loop3A_771, %parallel_loop3A_271 : vector<16xf32>
        %parallel_loop3A_773 = vector.broadcast %parallel_loop3A_749 : f32 to vector<16xf32>
        %parallel_loop3A_774 = arith.mulf %parallel_loop3A_773, %parallel_loop3A_291 : vector<16xf32>
        %parallel_loop3A_775 = arith.addf %parallel_loop3A_772, %parallel_loop3A_774 : vector<16xf32>
        %parallel_loop3A_776 = vector.broadcast %parallel_loop3A_751 : f32 to vector<16xf32>
        %parallel_loop3A_777 = arith.mulf %parallel_loop3A_776, %parallel_loop3A_311 : vector<16xf32>
        %parallel_loop3A_778 = vector.broadcast %parallel_loop3A_753 : f32 to vector<16xf32>
        %parallel_loop3A_779 = arith.mulf %parallel_loop3A_778, %parallel_loop3A_331 : vector<16xf32>
        %parallel_loop3A_780 = arith.addf %parallel_loop3A_777, %parallel_loop3A_779 : vector<16xf32>
        %parallel_loop3A_781 = arith.addf %parallel_loop3A_775, %parallel_loop3A_780 : vector<16xf32>
        %parallel_loop3A_782 = arith.index_cast %rem3A_149 : i32 to index
        %parallel_loop3A_783 = arith.index_cast %parallel_loop3A_745 : i32 to index
        %parallel_loop3A_784 = arith.constant 16 : index
        %parallel_loop3A_785 = tpu.vector_load %arg8[%parallel_loop3A_782, %parallel_loop3A_783, %parallel_loop3A_784] {strides = array<i32>} : memref<4x128x128xf32, #tpu.memory_space<vmem>>, vector<1x1x16xf32>,
        %parallel_loop3A_786 = vector.shape_cast %parallel_loop3A_785 : vector<1x1x16xf32> to vector<16xf32>
        %parallel_loop3A_787 = vector.shape_cast %parallel_loop3A_781 : vector<16xf32> to vector<1x1x16xf32>
        tpu.vector_store %arg8[%parallel_loop3A_782, %parallel_loop3A_783, %parallel_loop3A_784], %parallel_loop3A_787 {add = true, strides = array<i32>} : memref<4x128x128xf32, #tpu.memory_space<vmem>>, vector<1x1x16xf32>,
        %parallel_loop3A_788 = vector.broadcast %parallel_loop3A_747 : f32 to vector<16xf32>
        %parallel_loop3A_789 = arith.mulf %parallel_loop3A_788, %parallel_loop3A_276 : vector<16xf32>
        %parallel_loop3A_790 = vector.broadcast %parallel_loop3A_749 : f32 to vector<16xf32>
        %parallel_loop3A_791 = arith.mulf %parallel_loop3A_790, %parallel_loop3A_296 : vector<16xf32>
        %parallel_loop3A_792 = arith.addf %parallel_loop3A_789, %parallel_loop3A_791 : vector<16xf32>
        %parallel_loop3A_793 = vector.broadcast %parallel_loop3A_751 : f32 to vector<16xf32>
        %parallel_loop3A_794 = arith.mulf %parallel_loop3A_793, %parallel_loop3A_316 : vector<16xf32>
        %parallel_loop3A_795 = vector.broadcast %parallel_loop3A_753 : f32 to vector<16xf32>
        %parallel_loop3A_796 = arith.mulf %parallel_loop3A_795, %parallel_loop3A_336 : vector<16xf32>
        %parallel_loop3A_797 = arith.addf %parallel_loop3A_794, %parallel_loop3A_796 : vector<16xf32>
        %parallel_loop3A_798 = arith.addf %parallel_loop3A_792, %parallel_loop3A_797 : vector<16xf32>
        %parallel_loop3A_799 = arith.index_cast %rem3A_149 : i32 to index
        %parallel_loop3A_800 = arith.index_cast %parallel_loop3A_745 : i32 to index
        %parallel_loop3A_801 = arith.constant 32 : index
        %parallel_loop3A_802 = tpu.vector_load %arg8[%parallel_loop3A_799, %parallel_loop3A_800, %parallel_loop3A_801] {strides = array<i32>} : memref<4x128x128xf32, #tpu.memory_space<vmem>>, vector<1x1x16xf32>,
        %parallel_loop3A_803 = vector.shape_cast %parallel_loop3A_802 : vector<1x1x16xf32> to vector<16xf32>
        %parallel_loop3A_804 = vector.shape_cast %parallel_loop3A_798 : vector<16xf32> to vector<1x1x16xf32>
        tpu.vector_store %arg8[%parallel_loop3A_799, %parallel_loop3A_800, %parallel_loop3A_801], %parallel_loop3A_804 {add = true, strides = array<i32>} : memref<4x128x128xf32, #tpu.memory_space<vmem>>, vector<1x1x16xf32>,
        %parallel_loop3A_805 = vector.broadcast %parallel_loop3A_747 : f32 to vector<16xf32>
        %parallel_loop3A_806 = arith.mulf %parallel_loop3A_805, %parallel_loop3A_281 : vector<16xf32>
        %parallel_loop3A_807 = vector.broadcast %parallel_loop3A_749 : f32 to vector<16xf32>
        %parallel_loop3A_808 = arith.mulf %parallel_loop3A_807, %parallel_loop3A_301 : vector<16xf32>
        %parallel_loop3A_809 = arith.addf %parallel_loop3A_806, %parallel_loop3A_808 : vector<16xf32>
        %parallel_loop3A_810 = vector.broadcast %parallel_loop3A_751 : f32 to vector<16xf32>
        %parallel_loop3A_811 = arith.mulf %parallel_loop3A_810, %parallel_loop3A_321 : vector<16xf32>
        %parallel_loop3A_812 = vector.broadcast %parallel_loop3A_753 : f32 to vector<16xf32>
        %parallel_loop3A_813 = arith.mulf %parallel_loop3A_812, %parallel_loop3A_341 : vector<16xf32>
        %parallel_loop3A_814 = arith.addf %parallel_loop3A_811, %parallel_loop3A_813 : vector<16xf32>
        %parallel_loop3A_815 = arith.addf %parallel_loop3A_809, %parallel_loop3A_814 : vector<16xf32>
        %parallel_loop3A_816 = arith.index_cast %rem3A_149 : i32 to index
        %parallel_loop3A_817 = arith.index_cast %parallel_loop3A_745 : i32 to index
        %parallel_loop3A_818 = arith.constant 48 : index
        %parallel_loop3A_819 = tpu.vector_load %arg8[%parallel_loop3A_816, %parallel_loop3A_817, %parallel_loop3A_818] {strides = array<i32>} : memref<4x128x128xf32, #tpu.memory_space<vmem>>, vector<1x1x16xf32>,
        %parallel_loop3A_820 = vector.shape_cast %parallel_loop3A_819 : vector<1x1x16xf32> to vector<16xf32>
        %parallel_loop3A_821 = vector.shape_cast %parallel_loop3A_815 : vector<16xf32> to vector<1x1x16xf32>
        tpu.vector_store %arg8[%parallel_loop3A_816, %parallel_loop3A_817, %parallel_loop3A_818], %parallel_loop3A_821 {add = true, strides = array<i32>} : memref<4x128x128xf32, #tpu.memory_space<vmem>>, vector<1x1x16xf32>,
        %parallel_loop3A_822 = arith.constant 16 : i32
        %parallel_loop3A_823 = arith.muli %parallel_loop3A_225, %parallel_loop3A_822 : i32
        %parallel_loop3A_824 = arith.constant 6 : i32
        %parallel_loop3A_825 = arith.addi %parallel_loop3A_823, %parallel_loop3A_824 : i32
        %parallel_loop3A_826 = vector.extract_strided_slice %parallel_loop3A_234 {offsets = [6], sizes = [1], strides = [1]} : vector<16xf32> to vector<1xf32>
        %parallel_loop3A_827 = vector.extract %parallel_loop3A_826[0] : f32 from vector<1xf32>
        %parallel_loop3A_828 = vector.extract_strided_slice %parallel_loop3A_243 {offsets = [6], sizes = [1], strides = [1]} : vector<16xf32> to vector<1xf32>
        %parallel_loop3A_829 = vector.extract %parallel_loop3A_828[0] : f32 from vector<1xf32>
        %parallel_loop3A_830 = vector.extract_strided_slice %parallel_loop3A_252 {offsets = [6], sizes = [1], strides = [1]} : vector<16xf32> to vector<1xf32>
        %parallel_loop3A_831 = vector.extract %parallel_loop3A_830[0] : f32 from vector<1xf32>
        %parallel_loop3A_832 = vector.extract_strided_slice %parallel_loop3A_261 {offsets = [6], sizes = [1], strides = [1]} : vector<16xf32> to vector<1xf32>
        %parallel_loop3A_833 = vector.extract %parallel_loop3A_832[0] : f32 from vector<1xf32>
        %parallel_loop3A_834 = vector.broadcast %parallel_loop3A_827 : f32 to vector<16xf32>
        %parallel_loop3A_835 = arith.mulf %parallel_loop3A_834, %parallel_loop3A_266 : vector<16xf32>
        %parallel_loop3A_836 = vector.broadcast %parallel_loop3A_829 : f32 to vector<16xf32>
        %parallel_loop3A_837 = arith.mulf %parallel_loop3A_836, %parallel_loop3A_286 : vector<16xf32>
        %parallel_loop3A_838 = arith.addf %parallel_loop3A_835, %parallel_loop3A_837 : vector<16xf32>
        %parallel_loop3A_839 = vector.broadcast %parallel_loop3A_831 : f32 to vector<16xf32>
        %parallel_loop3A_840 = arith.mulf %parallel_loop3A_839, %parallel_loop3A_306 : vector<16xf32>
        %parallel_loop3A_841 = vector.broadcast %parallel_loop3A_833 : f32 to vector<16xf32>
        %parallel_loop3A_842 = arith.mulf %parallel_loop3A_841, %parallel_loop3A_326 : vector<16xf32>
        %parallel_loop3A_843 = arith.addf %parallel_loop3A_840, %parallel_loop3A_842 : vector<16xf32>
        %parallel_loop3A_844 = arith.addf %parallel_loop3A_838, %parallel_loop3A_843 : vector<16xf32>
        %parallel_loop3A_845 = arith.index_cast %rem3A_149 : i32 to index
        %parallel_loop3A_846 = arith.index_cast %parallel_loop3A_825 : i32 to index
        %parallel_loop3A_847 = arith.constant 0 : index
        %parallel_loop3A_848 = tpu.vector_load %arg8[%parallel_loop3A_845, %parallel_loop3A_846, %parallel_loop3A_847] {strides = array<i32>} : memref<4x128x128xf32, #tpu.memory_space<vmem>>, vector<1x1x16xf32>,
        %parallel_loop3A_849 = vector.shape_cast %parallel_loop3A_848 : vector<1x1x16xf32> to vector<16xf32>
        %parallel_loop3A_850 = vector.shape_cast %parallel_loop3A_844 : vector<16xf32> to vector<1x1x16xf32>
        tpu.vector_store %arg8[%parallel_loop3A_845, %parallel_loop3A_846, %parallel_loop3A_847], %parallel_loop3A_850 {add = true, strides = array<i32>} : memref<4x128x128xf32, #tpu.memory_space<vmem>>, vector<1x1x16xf32>,
        %parallel_loop3A_851 = vector.broadcast %parallel_loop3A_827 : f32 to vector<16xf32>
        %parallel_loop3A_852 = arith.mulf %parallel_loop3A_851, %parallel_loop3A_271 : vector<16xf32>
        %parallel_loop3A_853 = vector.broadcast %parallel_loop3A_829 : f32 to vector<16xf32>
        %parallel_loop3A_854 = arith.mulf %parallel_loop3A_853, %parallel_loop3A_291 : vector<16xf32>
        %parallel_loop3A_855 = arith.addf %parallel_loop3A_852, %parallel_loop3A_854 : vector<16xf32>
        %parallel_loop3A_856 = vector.broadcast %parallel_loop3A_831 : f32 to vector<16xf32>
        %parallel_loop3A_857 = arith.mulf %parallel_loop3A_856, %parallel_loop3A_311 : vector<16xf32>
        %parallel_loop3A_858 = vector.broadcast %parallel_loop3A_833 : f32 to vector<16xf32>
        %parallel_loop3A_859 = arith.mulf %parallel_loop3A_858, %parallel_loop3A_331 : vector<16xf32>
        %parallel_loop3A_860 = arith.addf %parallel_loop3A_857, %parallel_loop3A_859 : vector<16xf32>
        %parallel_loop3A_861 = arith.addf %parallel_loop3A_855, %parallel_loop3A_860 : vector<16xf32>
        %parallel_loop3A_862 = arith.index_cast %rem3A_149 : i32 to index
        %parallel_loop3A_863 = arith.index_cast %parallel_loop3A_825 : i32 to index
        %parallel_loop3A_864 = arith.constant 16 : index
        %parallel_loop3A_865 = tpu.vector_load %arg8[%parallel_loop3A_862, %parallel_loop3A_863, %parallel_loop3A_864] {strides = array<i32>} : memref<4x128x128xf32, #tpu.memory_space<vmem>>, vector<1x1x16xf32>,
        %parallel_loop3A_866 = vector.shape_cast %parallel_loop3A_865 : vector<1x1x16xf32> to vector<16xf32>
        %parallel_loop3A_867 = vector.shape_cast %parallel_loop3A_861 : vector<16xf32> to vector<1x1x16xf32>
        tpu.vector_store %arg8[%parallel_loop3A_862, %parallel_loop3A_863, %parallel_loop3A_864], %parallel_loop3A_867 {add = true, strides = array<i32>} : memref<4x128x128xf32, #tpu.memory_space<vmem>>, vector<1x1x16xf32>,
        %parallel_loop3A_868 = vector.broadcast %parallel_loop3A_827 : f32 to vector<16xf32>
        %parallel_loop3A_869 = arith.mulf %parallel_loop3A_868, %parallel_loop3A_276 : vector<16xf32>
        %parallel_loop3A_870 = vector.broadcast %parallel_loop3A_829 : f32 to vector<16xf32>
        %parallel_loop3A_871 = arith.mulf %parallel_loop3A_870, %parallel_loop3A_296 : vector<16xf32>
        %parallel_loop3A_872 = arith.addf %parallel_loop3A_869, %parallel_loop3A_871 : vector<16xf32>
        %parallel_loop3A_873 = vector.broadcast %parallel_loop3A_831 : f32 to vector<16xf32>
        %parallel_loop3A_874 = arith.mulf %parallel_loop3A_873, %parallel_loop3A_316 : vector<16xf32>
        %parallel_loop3A_875 = vector.broadcast %parallel_loop3A_833 : f32 to vector<16xf32>
        %parallel_loop3A_876 = arith.mulf %parallel_loop3A_875, %parallel_loop3A_336 : vector<16xf32>
        %parallel_loop3A_877 = arith.addf %parallel_loop3A_874, %parallel_loop3A_876 : vector<16xf32>
        %parallel_loop3A_878 = arith.addf %parallel_loop3A_872, %parallel_loop3A_877 : vector<16xf32>
        %parallel_loop3A_879 = arith.index_cast %rem3A_149 : i32 to index
        %parallel_loop3A_880 = arith.index_cast %parallel_loop3A_825 : i32 to index
        %parallel_loop3A_881 = arith.constant 32 : index
        %parallel_loop3A_882 = tpu.vector_load %arg8[%parallel_loop3A_879, %parallel_loop3A_880, %parallel_loop3A_881] {strides = array<i32>} : memref<4x128x128xf32, #tpu.memory_space<vmem>>, vector<1x1x16xf32>,
        %parallel_loop3A_883 = vector.shape_cast %parallel_loop3A_882 : vector<1x1x16xf32> to vector<16xf32>
        %parallel_loop3A_884 = vector.shape_cast %parallel_loop3A_878 : vector<16xf32> to vector<1x1x16xf32>
        tpu.vector_store %arg8[%parallel_loop3A_879, %parallel_loop3A_880, %parallel_loop3A_881], %parallel_loop3A_884 {add = true, strides = array<i32>} : memref<4x128x128xf32, #tpu.memory_space<vmem>>, vector<1x1x16xf32>,
        %parallel_loop3A_885 = vector.broadcast %parallel_loop3A_827 : f32 to vector<16xf32>
        %parallel_loop3A_886 = arith.mulf %parallel_loop3A_885, %parallel_loop3A_281 : vector<16xf32>
        %parallel_loop3A_887 = vector.broadcast %parallel_loop3A_829 : f32 to vector<16xf32>
        %parallel_loop3A_888 = arith.mulf %parallel_loop3A_887, %parallel_loop3A_301 : vector<16xf32>
        %parallel_loop3A_889 = arith.addf %parallel_loop3A_886, %parallel_loop3A_888 : vector<16xf32>
        %parallel_loop3A_890 = vector.broadcast %parallel_loop3A_831 : f32 to vector<16xf32>
        %parallel_loop3A_891 = arith.mulf %parallel_loop3A_890, %parallel_loop3A_321 : vector<16xf32>
        %parallel_loop3A_892 = vector.broadcast %parallel_loop3A_833 : f32 to vector<16xf32>
        %parallel_loop3A_893 = arith.mulf %parallel_loop3A_892, %parallel_loop3A_341 : vector<16xf32>
        %parallel_loop3A_894 = arith.addf %parallel_loop3A_891, %parallel_loop3A_893 : vector<16xf32>
        %parallel_loop3A_895 = arith.addf %parallel_loop3A_889, %parallel_loop3A_894 : vector<16xf32>
        %parallel_loop3A_896 = arith.index_cast %rem3A_149 : i32 to index
        %parallel_loop3A_897 = arith.index_cast %parallel_loop3A_825 : i32 to index
        %parallel_loop3A_898 = arith.constant 48 : index
        %parallel_loop3A_899 = tpu.vector_load %arg8[%parallel_loop3A_896, %parallel_loop3A_897, %parallel_loop3A_898] {strides = array<i32>} : memref<4x128x128xf32, #tpu.memory_space<vmem>>, vector<1x1x16xf32>,
        %parallel_loop3A_900 = vector.shape_cast %parallel_loop3A_899 : vector<1x1x16xf32> to vector<16xf32>
        %parallel_loop3A_901 = vector.shape_cast %parallel_loop3A_895 : vector<16xf32> to vector<1x1x16xf32>
        tpu.vector_store %arg8[%parallel_loop3A_896, %parallel_loop3A_897, %parallel_loop3A_898], %parallel_loop3A_901 {add = true, strides = array<i32>} : memref<4x128x128xf32, #tpu.memory_space<vmem>>, vector<1x1x16xf32>,
        %parallel_loop3A_902 = arith.constant 16 : i32
        %parallel_loop3A_903 = arith.muli %parallel_loop3A_225, %parallel_loop3A_902 : i32
        %parallel_loop3A_904 = arith.constant 7 : i32
        %parallel_loop3A_905 = arith.addi %parallel_loop3A_903, %parallel_loop3A_904 : i32
        %parallel_loop3A_906 = vector.extract_strided_slice %parallel_loop3A_234 {offsets = [7], sizes = [1], strides = [1]} : vector<16xf32> to vector<1xf32>
        %parallel_loop3A_907 = vector.extract %parallel_loop3A_906[0] : f32 from vector<1xf32>
        %parallel_loop3A_908 = vector.extract_strided_slice %parallel_loop3A_243 {offsets = [7], sizes = [1], strides = [1]} : vector<16xf32> to vector<1xf32>
        %parallel_loop3A_909 = vector.extract %parallel_loop3A_908[0] : f32 from vector<1xf32>
        %parallel_loop3A_910 = vector.extract_strided_slice %parallel_loop3A_252 {offsets = [7], sizes = [1], strides = [1]} : vector<16xf32> to vector<1xf32>
        %parallel_loop3A_911 = vector.extract %parallel_loop3A_910[0] : f32 from vector<1xf32>
        %parallel_loop3A_912 = vector.extract_strided_slice %parallel_loop3A_261 {offsets = [7], sizes = [1], strides = [1]} : vector<16xf32> to vector<1xf32>
        %parallel_loop3A_913 = vector.extract %parallel_loop3A_912[0] : f32 from vector<1xf32>
        %parallel_loop3A_914 = vector.broadcast %parallel_loop3A_907 : f32 to vector<16xf32>
        %parallel_loop3A_915 = arith.mulf %parallel_loop3A_914, %parallel_loop3A_266 : vector<16xf32>
        %parallel_loop3A_916 = vector.broadcast %parallel_loop3A_909 : f32 to vector<16xf32>
        %parallel_loop3A_917 = arith.mulf %parallel_loop3A_916, %parallel_loop3A_286 : vector<16xf32>
        %parallel_loop3A_918 = arith.addf %parallel_loop3A_915, %parallel_loop3A_917 : vector<16xf32>
        %parallel_loop3A_919 = vector.broadcast %parallel_loop3A_911 : f32 to vector<16xf32>
        %parallel_loop3A_920 = arith.mulf %parallel_loop3A_919, %parallel_loop3A_306 : vector<16xf32>
        %parallel_loop3A_921 = vector.broadcast %parallel_loop3A_913 : f32 to vector<16xf32>
        %parallel_loop3A_922 = arith.mulf %parallel_loop3A_921, %parallel_loop3A_326 : vector<16xf32>
        %parallel_loop3A_923 = arith.addf %parallel_loop3A_920, %parallel_loop3A_922 : vector<16xf32>
        %parallel_loop3A_924 = arith.addf %parallel_loop3A_918, %parallel_loop3A_923 : vector<16xf32>
        %parallel_loop3A_925 = arith.index_cast %rem3A_149 : i32 to index
        %parallel_loop3A_926 = arith.index_cast %parallel_loop3A_905 : i32 to index
        %parallel_loop3A_927 = arith.constant 0 : index
        %parallel_loop3A_928 = tpu.vector_load %arg8[%parallel_loop3A_925, %parallel_loop3A_926, %parallel_loop3A_927] {strides = array<i32>} : memref<4x128x128xf32, #tpu.memory_space<vmem>>, vector<1x1x16xf32>,
        %parallel_loop3A_929 = vector.shape_cast %parallel_loop3A_928 : vector<1x1x16xf32> to vector<16xf32>
        %parallel_loop3A_930 = vector.shape_cast %parallel_loop3A_924 : vector<16xf32> to vector<1x1x16xf32>
        tpu.vector_store %arg8[%parallel_loop3A_925, %parallel_loop3A_926, %parallel_loop3A_927], %parallel_loop3A_930 {add = true, strides = array<i32>} : memref<4x128x128xf32, #tpu.memory_space<vmem>>, vector<1x1x16xf32>,
        %parallel_loop3A_931 = vector.broadcast %parallel_loop3A_907 : f32 to vector<16xf32>
        %parallel_loop3A_932 = arith.mulf %parallel_loop3A_931, %parallel_loop3A_271 : vector<16xf32>
        %parallel_loop3A_933 = vector.broadcast %parallel_loop3A_909 : f32 to vector<16xf32>
        %parallel_loop3A_934 = arith.mulf %parallel_loop3A_933, %parallel_loop3A_291 : vector<16xf32>
        %parallel_loop3A_935 = arith.addf %parallel_loop3A_932, %parallel_loop3A_934 : vector<16xf32>
        %parallel_loop3A_936 = vector.broadcast %parallel_loop3A_911 : f32 to vector<16xf32>
        %parallel_loop3A_937 = arith.mulf %parallel_loop3A_936, %parallel_loop3A_311 : vector<16xf32>
        %parallel_loop3A_938 = vector.broadcast %parallel_loop3A_913 : f32 to vector<16xf32>
        %parallel_loop3A_939 = arith.mulf %parallel_loop3A_938, %parallel_loop3A_331 : vector<16xf32>
        %parallel_loop3A_940 = arith.addf %parallel_loop3A_937, %parallel_loop3A_939 : vector<16xf32>
        %parallel_loop3A_941 = arith.addf %parallel_loop3A_935, %parallel_loop3A_940 : vector<16xf32>
        %parallel_loop3A_942 = arith.index_cast %rem3A_149 : i32 to index
        %parallel_loop3A_943 = arith.index_cast %parallel_loop3A_905 : i32 to index
        %parallel_loop3A_944 = arith.constant 16 : index
        %parallel_loop3A_945 = tpu.vector_load %arg8[%parallel_loop3A_942, %parallel_loop3A_943, %parallel_loop3A_944] {strides = array<i32>} : memref<4x128x128xf32, #tpu.memory_space<vmem>>, vector<1x1x16xf32>,
        %parallel_loop3A_946 = vector.shape_cast %parallel_loop3A_945 : vector<1x1x16xf32> to vector<16xf32>
        %parallel_loop3A_947 = vector.shape_cast %parallel_loop3A_941 : vector<16xf32> to vector<1x1x16xf32>
        tpu.vector_store %arg8[%parallel_loop3A_942, %parallel_loop3A_943, %parallel_loop3A_944], %parallel_loop3A_947 {add = true, strides = array<i32>} : memref<4x128x128xf32, #tpu.memory_space<vmem>>, vector<1x1x16xf32>,
        %parallel_loop3A_948 = vector.broadcast %parallel_loop3A_907 : f32 to vector<16xf32>
        %parallel_loop3A_949 = arith.mulf %parallel_loop3A_948, %parallel_loop3A_276 : vector<16xf32>
        %parallel_loop3A_950 = vector.broadcast %parallel_loop3A_909 : f32 to vector<16xf32>
        %parallel_loop3A_951 = arith.mulf %parallel_loop3A_950, %parallel_loop3A_296 : vector<16xf32>
        %parallel_loop3A_952 = arith.addf %parallel_loop3A_949, %parallel_loop3A_951 : vector<16xf32>
        %parallel_loop3A_953 = vector.broadcast %parallel_loop3A_911 : f32 to vector<16xf32>
        %parallel_loop3A_954 = arith.mulf %parallel_loop3A_953, %parallel_loop3A_316 : vector<16xf32>
        %parallel_loop3A_955 = vector.broadcast %parallel_loop3A_913 : f32 to vector<16xf32>
        %parallel_loop3A_956 = arith.mulf %parallel_loop3A_955, %parallel_loop3A_336 : vector<16xf32>
        %parallel_loop3A_957 = arith.addf %parallel_loop3A_954, %parallel_loop3A_956 : vector<16xf32>
        %parallel_loop3A_958 = arith.addf %parallel_loop3A_952, %parallel_loop3A_957 : vector<16xf32>
        %parallel_loop3A_959 = arith.index_cast %rem3A_149 : i32 to index
        %parallel_loop3A_960 = arith.index_cast %parallel_loop3A_905 : i32 to index
        %parallel_loop3A_961 = arith.constant 32 : index
        %parallel_loop3A_962 = tpu.vector_load %arg8[%parallel_loop3A_959, %parallel_loop3A_960, %parallel_loop3A_961] {strides = array<i32>} : memref<4x128x128xf32, #tpu.memory_space<vmem>>, vector<1x1x16xf32>,
        %parallel_loop3A_963 = vector.shape_cast %parallel_loop3A_962 : vector<1x1x16xf32> to vector<16xf32>
        %parallel_loop3A_964 = vector.shape_cast %parallel_loop3A_958 : vector<16xf32> to vector<1x1x16xf32>
        tpu.vector_store %arg8[%parallel_loop3A_959, %parallel_loop3A_960, %parallel_loop3A_961], %parallel_loop3A_964 {add = true, strides = array<i32>} : memref<4x128x128xf32, #tpu.memory_space<vmem>>, vector<1x1x16xf32>,
        %parallel_loop3A_965 = vector.broadcast %parallel_loop3A_907 : f32 to vector<16xf32>
        %parallel_loop3A_966 = arith.mulf %parallel_loop3A_965, %parallel_loop3A_281 : vector<16xf32>
        %parallel_loop3A_967 = vector.broadcast %parallel_loop3A_909 : f32 to vector<16xf32>
        %parallel_loop3A_968 = arith.mulf %parallel_loop3A_967, %parallel_loop3A_301 : vector<16xf32>
        %parallel_loop3A_969 = arith.addf %parallel_loop3A_966, %parallel_loop3A_968 : vector<16xf32>
        %parallel_loop3A_970 = vector.broadcast %parallel_loop3A_911 : f32 to vector<16xf32>
        %parallel_loop3A_971 = arith.mulf %parallel_loop3A_970, %parallel_loop3A_321 : vector<16xf32>
        %parallel_loop3A_972 = vector.broadcast %parallel_loop3A_913 : f32 to vector<16xf32>
        %parallel_loop3A_973 = arith.mulf %parallel_loop3A_972, %parallel_loop3A_341 : vector<16xf32>
        %parallel_loop3A_974 = arith.addf %parallel_loop3A_971, %parallel_loop3A_973 : vector<16xf32>
        %parallel_loop3A_975 = arith.addf %parallel_loop3A_969, %parallel_loop3A_974 : vector<16xf32>
        %parallel_loop3A_976 = arith.index_cast %rem3A_149 : i32 to index
        %parallel_loop3A_977 = arith.index_cast %parallel_loop3A_905 : i32 to index
        %parallel_loop3A_978 = arith.constant 48 : index
        %parallel_loop3A_979 = tpu.vector_load %arg8[%parallel_loop3A_976, %parallel_loop3A_977, %parallel_loop3A_978] {strides = array<i32>} : memref<4x128x128xf32, #tpu.memory_space<vmem>>, vector<1x1x16xf32>,
        %parallel_loop3A_980 = vector.shape_cast %parallel_loop3A_979 : vector<1x1x16xf32> to vector<16xf32>
        %parallel_loop3A_981 = vector.shape_cast %parallel_loop3A_975 : vector<16xf32> to vector<1x1x16xf32>
        tpu.vector_store %arg8[%parallel_loop3A_976, %parallel_loop3A_977, %parallel_loop3A_978], %parallel_loop3A_981 {add = true, strides = array<i32>} : memref<4x128x128xf32, #tpu.memory_space<vmem>>, vector<1x1x16xf32>,
        %parallel_loop3A_982 = arith.constant 16 : i32
        %parallel_loop3A_983 = arith.muli %parallel_loop3A_225, %parallel_loop3A_982 : i32
        %parallel_loop3A_984 = arith.constant 8 : i32
        %parallel_loop3A_985 = arith.addi %parallel_loop3A_983, %parallel_loop3A_984 : i32
        %parallel_loop3A_986 = vector.extract_strided_slice %parallel_loop3A_234 {offsets = [8], sizes = [1], strides = [1]} : vector<16xf32> to vector<1xf32>
        %parallel_loop3A_987 = vector.extract %parallel_loop3A_986[0] : f32 from vector<1xf32>
        %parallel_loop3A_988 = vector.extract_strided_slice %parallel_loop3A_243 {offsets = [8], sizes = [1], strides = [1]} : vector<16xf32> to vector<1xf32>
        %parallel_loop3A_989 = vector.extract %parallel_loop3A_988[0] : f32 from vector<1xf32>
        %parallel_loop3A_990 = vector.extract_strided_slice %parallel_loop3A_252 {offsets = [8], sizes = [1], strides = [1]} : vector<16xf32> to vector<1xf32>
        %parallel_loop3A_991 = vector.extract %parallel_loop3A_990[0] : f32 from vector<1xf32>
        %parallel_loop3A_992 = vector.extract_strided_slice %parallel_loop3A_261 {offsets = [8], sizes = [1], strides = [1]} : vector<16xf32> to vector<1xf32>
        %parallel_loop3A_993 = vector.extract %parallel_loop3A_992[0] : f32 from vector<1xf32>
        %parallel_loop3A_994 = vector.broadcast %parallel_loop3A_987 : f32 to vector<16xf32>
        %parallel_loop3A_995 = arith.mulf %parallel_loop3A_994, %parallel_loop3A_266 : vector<16xf32>
        %parallel_loop3A_996 = vector.broadcast %parallel_loop3A_989 : f32 to vector<16xf32>
        %parallel_loop3A_997 = arith.mulf %parallel_loop3A_996, %parallel_loop3A_286 : vector<16xf32>
        %parallel_loop3A_998 = arith.addf %parallel_loop3A_995, %parallel_loop3A_997 : vector<16xf32>
        %parallel_loop3A_999 = vector.broadcast %parallel_loop3A_991 : f32 to vector<16xf32>
        %parallel_loop3A_1000 = arith.mulf %parallel_loop3A_999, %parallel_loop3A_306 : vector<16xf32>
        %parallel_loop3A_1001 = vector.broadcast %parallel_loop3A_993 : f32 to vector<16xf32>
        %parallel_loop3A_1002 = arith.mulf %parallel_loop3A_1001, %parallel_loop3A_326 : vector<16xf32>
        %parallel_loop3A_1003 = arith.addf %parallel_loop3A_1000, %parallel_loop3A_1002 : vector<16xf32>
        %parallel_loop3A_1004 = arith.addf %parallel_loop3A_998, %parallel_loop3A_1003 : vector<16xf32>
        %parallel_loop3A_1005 = arith.index_cast %rem3A_149 : i32 to index
        %parallel_loop3A_1006 = arith.index_cast %parallel_loop3A_985 : i32 to index
        %parallel_loop3A_1007 = arith.constant 0 : index
        %parallel_loop3A_1008 = tpu.vector_load %arg8[%parallel_loop3A_1005, %parallel_loop3A_1006, %parallel_loop3A_1007] {strides = array<i32>} : memref<4x128x128xf32, #tpu.memory_space<vmem>>, vector<1x1x16xf32>,
        %parallel_loop3A_1009 = vector.shape_cast %parallel_loop3A_1008 : vector<1x1x16xf32> to vector<16xf32>
        %parallel_loop3A_1010 = vector.shape_cast %parallel_loop3A_1004 : vector<16xf32> to vector<1x1x16xf32>
        tpu.vector_store %arg8[%parallel_loop3A_1005, %parallel_loop3A_1006, %parallel_loop3A_1007], %parallel_loop3A_1010 {add = true, strides = array<i32>} : memref<4x128x128xf32, #tpu.memory_space<vmem>>, vector<1x1x16xf32>,
        %parallel_loop3A_1011 = vector.broadcast %parallel_loop3A_987 : f32 to vector<16xf32>
        %parallel_loop3A_1012 = arith.mulf %parallel_loop3A_1011, %parallel_loop3A_271 : vector<16xf32>
        %parallel_loop3A_1013 = vector.broadcast %parallel_loop3A_989 : f32 to vector<16xf32>
        %parallel_loop3A_1014 = arith.mulf %parallel_loop3A_1013, %parallel_loop3A_291 : vector<16xf32>
        %parallel_loop3A_1015 = arith.addf %parallel_loop3A_1012, %parallel_loop3A_1014 : vector<16xf32>
        %parallel_loop3A_1016 = vector.broadcast %parallel_loop3A_991 : f32 to vector<16xf32>
        %parallel_loop3A_1017 = arith.mulf %parallel_loop3A_1016, %parallel_loop3A_311 : vector<16xf32>
        %parallel_loop3A_1018 = vector.broadcast %parallel_loop3A_993 : f32 to vector<16xf32>
        %parallel_loop3A_1019 = arith.mulf %parallel_loop3A_1018, %parallel_loop3A_331 : vector<16xf32>
        %parallel_loop3A_1020 = arith.addf %parallel_loop3A_1017, %parallel_loop3A_1019 : vector<16xf32>
        %parallel_loop3A_1021 = arith.addf %parallel_loop3A_1015, %parallel_loop3A_1020 : vector<16xf32>
        %parallel_loop3A_1022 = arith.index_cast %rem3A_149 : i32 to index
        %parallel_loop3A_1023 = arith.index_cast %parallel_loop3A_985 : i32 to index
        %parallel_loop3A_1024 = arith.constant 16 : index
        %parallel_loop3A_1025 = tpu.vector_load %arg8[%parallel_loop3A_1022, %parallel_loop3A_1023, %parallel_loop3A_1024] {strides = array<i32>} : memref<4x128x128xf32, #tpu.memory_space<vmem>>, vector<1x1x16xf32>,
        %parallel_loop3A_1026 = vector.shape_cast %parallel_loop3A_1025 : vector<1x1x16xf32> to vector<16xf32>
        %parallel_loop3A_1027 = vector.shape_cast %parallel_loop3A_1021 : vector<16xf32> to vector<1x1x16xf32>
        tpu.vector_store %arg8[%parallel_loop3A_1022, %parallel_loop3A_1023, %parallel_loop3A_1024], %parallel_loop3A_1027 {add = true, strides = array<i32>} : memref<4x128x128xf32, #tpu.memory_space<vmem>>, vector<1x1x16xf32>,
        %parallel_loop3A_1028 = vector.broadcast %parallel_loop3A_987 : f32 to vector<16xf32>
        %parallel_loop3A_1029 = arith.mulf %parallel_loop3A_1028, %parallel_loop3A_276 : vector<16xf32>
        %parallel_loop3A_1030 = vector.broadcast %parallel_loop3A_989 : f32 to vector<16xf32>
        %parallel_loop3A_1031 = arith.mulf %parallel_loop3A_1030, %parallel_loop3A_296 : vector<16xf32>
        %parallel_loop3A_1032 = arith.addf %parallel_loop3A_1029, %parallel_loop3A_1031 : vector<16xf32>
        %parallel_loop3A_1033 = vector.broadcast %parallel_loop3A_991 : f32 to vector<16xf32>
        %parallel_loop3A_1034 = arith.mulf %parallel_loop3A_1033, %parallel_loop3A_316 : vector<16xf32>
        %parallel_loop3A_1035 = vector.broadcast %parallel_loop3A_993 : f32 to vector<16xf32>
        %parallel_loop3A_1036 = arith.mulf %parallel_loop3A_1035, %parallel_loop3A_336 : vector<16xf32>
        %parallel_loop3A_1037 = arith.addf %parallel_loop3A_1034, %parallel_loop3A_1036 : vector<16xf32>
        %parallel_loop3A_1038 = arith.addf %parallel_loop3A_1032, %parallel_loop3A_1037 : vector<16xf32>
        %parallel_loop3A_1039 = arith.index_cast %rem3A_149 : i32 to index
        %parallel_loop3A_1040 = arith.index_cast %parallel_loop3A_985 : i32 to index
        %parallel_loop3A_1041 = arith.constant 32 : index
        %parallel_loop3A_1042 = tpu.vector_load %arg8[%parallel_loop3A_1039, %parallel_loop3A_1040, %parallel_loop3A_1041] {strides = array<i32>} : memref<4x128x128xf32, #tpu.memory_space<vmem>>, vector<1x1x16xf32>,
        %parallel_loop3A_1043 = vector.shape_cast %parallel_loop3A_1042 : vector<1x1x16xf32> to vector<16xf32>
        %parallel_loop3A_1044 = vector.shape_cast %parallel_loop3A_1038 : vector<16xf32> to vector<1x1x16xf32>
        tpu.vector_store %arg8[%parallel_loop3A_1039, %parallel_loop3A_1040, %parallel_loop3A_1041], %parallel_loop3A_1044 {add = true, strides = array<i32>} : memref<4x128x128xf32, #tpu.memory_space<vmem>>, vector<1x1x16xf32>,
        %parallel_loop3A_1045 = vector.broadcast %parallel_loop3A_987 : f32 to vector<16xf32>
        %parallel_loop3A_1046 = arith.mulf %parallel_loop3A_1045, %parallel_loop3A_281 : vector<16xf32>
        %parallel_loop3A_1047 = vector.broadcast %parallel_loop3A_989 : f32 to vector<16xf32>
        %parallel_loop3A_1048 = arith.mulf %parallel_loop3A_1047, %parallel_loop3A_301 : vector<16xf32>
        %parallel_loop3A_1049 = arith.addf %parallel_loop3A_1046, %parallel_loop3A_1048 : vector<16xf32>
        %parallel_loop3A_1050 = vector.broadcast %parallel_loop3A_991 : f32 to vector<16xf32>
        %parallel_loop3A_1051 = arith.mulf %parallel_loop3A_1050, %parallel_loop3A_321 : vector<16xf32>
        %parallel_loop3A_1052 = vector.broadcast %parallel_loop3A_993 : f32 to vector<16xf32>
        %parallel_loop3A_1053 = arith.mulf %parallel_loop3A_1052, %parallel_loop3A_341 : vector<16xf32>
        %parallel_loop3A_1054 = arith.addf %parallel_loop3A_1051, %parallel_loop3A_1053 : vector<16xf32>
        %parallel_loop3A_1055 = arith.addf %parallel_loop3A_1049, %parallel_loop3A_1054 : vector<16xf32>
        %parallel_loop3A_1056 = arith.index_cast %rem3A_149 : i32 to index
        %parallel_loop3A_1057 = arith.index_cast %parallel_loop3A_985 : i32 to index
        %parallel_loop3A_1058 = arith.constant 48 : index
        %parallel_loop3A_1059 = tpu.vector_load %arg8[%parallel_loop3A_1056, %parallel_loop3A_1057, %parallel_loop3A_1058] {strides = array<i32>} : memref<4x128x128xf32, #tpu.memory_space<vmem>>, vector<1x1x16xf32>,
        %parallel_loop3A_1060 = vector.shape_cast %parallel_loop3A_1059 : vector<1x1x16xf32> to vector<16xf32>
        %parallel_loop3A_1061 = vector.shape_cast %parallel_loop3A_1055 : vector<16xf32> to vector<1x1x16xf32>
        tpu.vector_store %arg8[%parallel_loop3A_1056, %parallel_loop3A_1057, %parallel_loop3A_1058], %parallel_loop3A_1061 {add = true, strides = array<i32>} : memref<4x128x128xf32, #tpu.memory_space<vmem>>, vector<1x1x16xf32>,
        %parallel_loop3A_1062 = arith.constant 16 : i32
        %parallel_loop3A_1063 = arith.muli %parallel_loop3A_225, %parallel_loop3A_1062 : i32
        %parallel_loop3A_1064 = arith.constant 9 : i32
        %parallel_loop3A_1065 = arith.addi %parallel_loop3A_1063, %parallel_loop3A_1064 : i32
        %parallel_loop3A_1066 = vector.extract_strided_slice %parallel_loop3A_234 {offsets = [9], sizes = [1], strides = [1]} : vector<16xf32> to vector<1xf32>
        %parallel_loop3A_1067 = vector.extract %parallel_loop3A_1066[0] : f32 from vector<1xf32>
        %parallel_loop3A_1068 = vector.extract_strided_slice %parallel_loop3A_243 {offsets = [9], sizes = [1], strides = [1]} : vector<16xf32> to vector<1xf32>
        %parallel_loop3A_1069 = vector.extract %parallel_loop3A_1068[0] : f32 from vector<1xf32>
        %parallel_loop3A_1070 = vector.extract_strided_slice %parallel_loop3A_252 {offsets = [9], sizes = [1], strides = [1]} : vector<16xf32> to vector<1xf32>
        %parallel_loop3A_1071 = vector.extract %parallel_loop3A_1070[0] : f32 from vector<1xf32>
        %parallel_loop3A_1072 = vector.extract_strided_slice %parallel_loop3A_261 {offsets = [9], sizes = [1], strides = [1]} : vector<16xf32> to vector<1xf32>
        %parallel_loop3A_1073 = vector.extract %parallel_loop3A_1072[0] : f32 from vector<1xf32>
        %parallel_loop3A_1074 = vector.broadcast %parallel_loop3A_1067 : f32 to vector<16xf32>
        %parallel_loop3A_1075 = arith.mulf %parallel_loop3A_1074, %parallel_loop3A_266 : vector<16xf32>
        %parallel_loop3A_1076 = vector.broadcast %parallel_loop3A_1069 : f32 to vector<16xf32>
        %parallel_loop3A_1077 = arith.mulf %parallel_loop3A_1076, %parallel_loop3A_286 : vector<16xf32>
        %parallel_loop3A_1078 = arith.addf %parallel_loop3A_1075, %parallel_loop3A_1077 : vector<16xf32>
        %parallel_loop3A_1079 = vector.broadcast %parallel_loop3A_1071 : f32 to vector<16xf32>
        %parallel_loop3A_1080 = arith.mulf %parallel_loop3A_1079, %parallel_loop3A_306 : vector<16xf32>
        %parallel_loop3A_1081 = vector.broadcast %parallel_loop3A_1073 : f32 to vector<16xf32>
        %parallel_loop3A_1082 = arith.mulf %parallel_loop3A_1081, %parallel_loop3A_326 : vector<16xf32>
        %parallel_loop3A_1083 = arith.addf %parallel_loop3A_1080, %parallel_loop3A_1082 : vector<16xf32>
        %parallel_loop3A_1084 = arith.addf %parallel_loop3A_1078, %parallel_loop3A_1083 : vector<16xf32>
        %parallel_loop3A_1085 = arith.index_cast %rem3A_149 : i32 to index
        %parallel_loop3A_1086 = arith.index_cast %parallel_loop3A_1065 : i32 to index
        %parallel_loop3A_1087 = arith.constant 0 : index
        %parallel_loop3A_1088 = tpu.vector_load %arg8[%parallel_loop3A_1085, %parallel_loop3A_1086, %parallel_loop3A_1087] {strides = array<i32>} : memref<4x128x128xf32, #tpu.memory_space<vmem>>, vector<1x1x16xf32>,
        %parallel_loop3A_1089 = vector.shape_cast %parallel_loop3A_1088 : vector<1x1x16xf32> to vector<16xf32>
        %parallel_loop3A_1090 = vector.shape_cast %parallel_loop3A_1084 : vector<16xf32> to vector<1x1x16xf32>
        tpu.vector_store %arg8[%parallel_loop3A_1085, %parallel_loop3A_1086, %parallel_loop3A_1087], %parallel_loop3A_1090 {add = true, strides = array<i32>} : memref<4x128x128xf32, #tpu.memory_space<vmem>>, vector<1x1x16xf32>,
        %parallel_loop3A_1091 = vector.broadcast %parallel_loop3A_1067 : f32 to vector<16xf32>
        %parallel_loop3A_1092 = arith.mulf %parallel_loop3A_1091, %parallel_loop3A_271 : vector<16xf32>
        %parallel_loop3A_1093 = vector.broadcast %parallel_loop3A_1069 : f32 to vector<16xf32>
        %parallel_loop3A_1094 = arith.mulf %parallel_loop3A_1093, %parallel_loop3A_291 : vector<16xf32>
        %parallel_loop3A_1095 = arith.addf %parallel_loop3A_1092, %parallel_loop3A_1094 : vector<16xf32>
        %parallel_loop3A_1096 = vector.broadcast %parallel_loop3A_1071 : f32 to vector<16xf32>
        %parallel_loop3A_1097 = arith.mulf %parallel_loop3A_1096, %parallel_loop3A_311 : vector<16xf32>
        %parallel_loop3A_1098 = vector.broadcast %parallel_loop3A_1073 : f32 to vector<16xf32>
        %parallel_loop3A_1099 = arith.mulf %parallel_loop3A_1098, %parallel_loop3A_331 : vector<16xf32>
        %parallel_loop3A_1100 = arith.addf %parallel_loop3A_1097, %parallel_loop3A_1099 : vector<16xf32>
        %parallel_loop3A_1101 = arith.addf %parallel_loop3A_1095, %parallel_loop3A_1100 : vector<16xf32>
        %parallel_loop3A_1102 = arith.index_cast %rem3A_149 : i32 to index
        %parallel_loop3A_1103 = arith.index_cast %parallel_loop3A_1065 : i32 to index
        %parallel_loop3A_1104 = arith.constant 16 : index
        %parallel_loop3A_1105 = tpu.vector_load %arg8[%parallel_loop3A_1102, %parallel_loop3A_1103, %parallel_loop3A_1104] {strides = array<i32>} : memref<4x128x128xf32, #tpu.memory_space<vmem>>, vector<1x1x16xf32>,
        %parallel_loop3A_1106 = vector.shape_cast %parallel_loop3A_1105 : vector<1x1x16xf32> to vector<16xf32>
        %parallel_loop3A_1107 = vector.shape_cast %parallel_loop3A_1101 : vector<16xf32> to vector<1x1x16xf32>
        tpu.vector_store %arg8[%parallel_loop3A_1102, %parallel_loop3A_1103, %parallel_loop3A_1104], %parallel_loop3A_1107 {add = true, strides = array<i32>} : memref<4x128x128xf32, #tpu.memory_space<vmem>>, vector<1x1x16xf32>,
        %parallel_loop3A_1108 = vector.broadcast %parallel_loop3A_1067 : f32 to vector<16xf32>
        %parallel_loop3A_1109 = arith.mulf %parallel_loop3A_1108, %parallel_loop3A_276 : vector<16xf32>
        %parallel_loop3A_1110 = vector.broadcast %parallel_loop3A_1069 : f32 to vector<16xf32>
        %parallel_loop3A_1111 = arith.mulf %parallel_loop3A_1110, %parallel_loop3A_296 : vector<16xf32>
        %parallel_loop3A_1112 = arith.addf %parallel_loop3A_1109, %parallel_loop3A_1111 : vector<16xf32>
        %parallel_loop3A_1113 = vector.broadcast %parallel_loop3A_1071 : f32 to vector<16xf32>
        %parallel_loop3A_1114 = arith.mulf %parallel_loop3A_1113, %parallel_loop3A_316 : vector<16xf32>
        %parallel_loop3A_1115 = vector.broadcast %parallel_loop3A_1073 : f32 to vector<16xf32>
        %parallel_loop3A_1116 = arith.mulf %parallel_loop3A_1115, %parallel_loop3A_336 : vector<16xf32>
        %parallel_loop3A_1117 = arith.addf %parallel_loop3A_1114, %parallel_loop3A_1116 : vector<16xf32>
        %parallel_loop3A_1118 = arith.addf %parallel_loop3A_1112, %parallel_loop3A_1117 : vector<16xf32>
        %parallel_loop3A_1119 = arith.index_cast %rem3A_149 : i32 to index
        %parallel_loop3A_1120 = arith.index_cast %parallel_loop3A_1065 : i32 to index
        %parallel_loop3A_1121 = arith.constant 32 : index
        %parallel_loop3A_1122 = tpu.vector_load %arg8[%parallel_loop3A_1119, %parallel_loop3A_1120, %parallel_loop3A_1121] {strides = array<i32>} : memref<4x128x128xf32, #tpu.memory_space<vmem>>, vector<1x1x16xf32>,
        %parallel_loop3A_1123 = vector.shape_cast %parallel_loop3A_1122 : vector<1x1x16xf32> to vector<16xf32>
        %parallel_loop3A_1124 = vector.shape_cast %parallel_loop3A_1118 : vector<16xf32> to vector<1x1x16xf32>
        tpu.vector_store %arg8[%parallel_loop3A_1119, %parallel_loop3A_1120, %parallel_loop3A_1121], %parallel_loop3A_1124 {add = true, strides = array<i32>} : memref<4x128x128xf32, #tpu.memory_space<vmem>>, vector<1x1x16xf32>,
        %parallel_loop3A_1125 = vector.broadcast %parallel_loop3A_1067 : f32 to vector<16xf32>
        %parallel_loop3A_1126 = arith.mulf %parallel_loop3A_1125, %parallel_loop3A_281 : vector<16xf32>
        %parallel_loop3A_1127 = vector.broadcast %parallel_loop3A_1069 : f32 to vector<16xf32>
        %parallel_loop3A_1128 = arith.mulf %parallel_loop3A_1127, %parallel_loop3A_301 : vector<16xf32>
        %parallel_loop3A_1129 = arith.addf %parallel_loop3A_1126, %parallel_loop3A_1128 : vector<16xf32>
        %parallel_loop3A_1130 = vector.broadcast %parallel_loop3A_1071 : f32 to vector<16xf32>
        %parallel_loop3A_1131 = arith.mulf %parallel_loop3A_1130, %parallel_loop3A_321 : vector<16xf32>
        %parallel_loop3A_1132 = vector.broadcast %parallel_loop3A_1073 : f32 to vector<16xf32>
        %parallel_loop3A_1133 = arith.mulf %parallel_loop3A_1132, %parallel_loop3A_341 : vector<16xf32>
        %parallel_loop3A_1134 = arith.addf %parallel_loop3A_1131, %parallel_loop3A_1133 : vector<16xf32>
        %parallel_loop3A_1135 = arith.addf %parallel_loop3A_1129, %parallel_loop3A_1134 : vector<16xf32>
        %parallel_loop3A_1136 = arith.index_cast %rem3A_149 : i32 to index
        %parallel_loop3A_1137 = arith.index_cast %parallel_loop3A_1065 : i32 to index
        %parallel_loop3A_1138 = arith.constant 48 : index
        %parallel_loop3A_1139 = tpu.vector_load %arg8[%parallel_loop3A_1136, %parallel_loop3A_1137, %parallel_loop3A_1138] {strides = array<i32>} : memref<4x128x128xf32, #tpu.memory_space<vmem>>, vector<1x1x16xf32>,
        %parallel_loop3A_1140 = vector.shape_cast %parallel_loop3A_1139 : vector<1x1x16xf32> to vector<16xf32>
        %parallel_loop3A_1141 = vector.shape_cast %parallel_loop3A_1135 : vector<16xf32> to vector<1x1x16xf32>
        tpu.vector_store %arg8[%parallel_loop3A_1136, %parallel_loop3A_1137, %parallel_loop3A_1138], %parallel_loop3A_1141 {add = true, strides = array<i32>} : memref<4x128x128xf32, #tpu.memory_space<vmem>>, vector<1x1x16xf32>,
        %parallel_loop3A_1142 = arith.constant 16 : i32
        %parallel_loop3A_1143 = arith.muli %parallel_loop3A_225, %parallel_loop3A_1142 : i32
        %parallel_loop3A_1144 = arith.constant 10 : i32
        %parallel_loop3A_1145 = arith.addi %parallel_loop3A_1143, %parallel_loop3A_1144 : i32
        %parallel_loop3A_1146 = vector.extract_strided_slice %parallel_loop3A_234 {offsets = [10], sizes = [1], strides = [1]} : vector<16xf32> to vector<1xf32>
        %parallel_loop3A_1147 = vector.extract %parallel_loop3A_1146[0] : f32 from vector<1xf32>
        %parallel_loop3A_1148 = vector.extract_strided_slice %parallel_loop3A_243 {offsets = [10], sizes = [1], strides = [1]} : vector<16xf32> to vector<1xf32>
        %parallel_loop3A_1149 = vector.extract %parallel_loop3A_1148[0] : f32 from vector<1xf32>
        %parallel_loop3A_1150 = vector.extract_strided_slice %parallel_loop3A_252 {offsets = [10], sizes = [1], strides = [1]} : vector<16xf32> to vector<1xf32>
        %parallel_loop3A_1151 = vector.extract %parallel_loop3A_1150[0] : f32 from vector<1xf32>
        %parallel_loop3A_1152 = vector.extract_strided_slice %parallel_loop3A_261 {offsets = [10], sizes = [1], strides = [1]} : vector<16xf32> to vector<1xf32>
        %parallel_loop3A_1153 = vector.extract %parallel_loop3A_1152[0] : f32 from vector<1xf32>
        %parallel_loop3A_1154 = vector.broadcast %parallel_loop3A_1147 : f32 to vector<16xf32>
        %parallel_loop3A_1155 = arith.mulf %parallel_loop3A_1154, %parallel_loop3A_266 : vector<16xf32>
        %parallel_loop3A_1156 = vector.broadcast %parallel_loop3A_1149 : f32 to vector<16xf32>
        %parallel_loop3A_1157 = arith.mulf %parallel_loop3A_1156, %parallel_loop3A_286 : vector<16xf32>
        %parallel_loop3A_1158 = arith.addf %parallel_loop3A_1155, %parallel_loop3A_1157 : vector<16xf32>
        %parallel_loop3A_1159 = vector.broadcast %parallel_loop3A_1151 : f32 to vector<16xf32>
        %parallel_loop3A_1160 = arith.mulf %parallel_loop3A_1159, %parallel_loop3A_306 : vector<16xf32>
        %parallel_loop3A_1161 = vector.broadcast %parallel_loop3A_1153 : f32 to vector<16xf32>
        %parallel_loop3A_1162 = arith.mulf %parallel_loop3A_1161, %parallel_loop3A_326 : vector<16xf32>
        %parallel_loop3A_1163 = arith.addf %parallel_loop3A_1160, %parallel_loop3A_1162 : vector<16xf32>
        %parallel_loop3A_1164 = arith.addf %parallel_loop3A_1158, %parallel_loop3A_1163 : vector<16xf32>
        %parallel_loop3A_1165 = arith.index_cast %rem3A_149 : i32 to index
        %parallel_loop3A_1166 = arith.index_cast %parallel_loop3A_1145 : i32 to index
        %parallel_loop3A_1167 = arith.constant 0 : index
        %parallel_loop3A_1168 = tpu.vector_load %arg8[%parallel_loop3A_1165, %parallel_loop3A_1166, %parallel_loop3A_1167] {strides = array<i32>} : memref<4x128x128xf32, #tpu.memory_space<vmem>>, vector<1x1x16xf32>,
        %parallel_loop3A_1169 = vector.shape_cast %parallel_loop3A_1168 : vector<1x1x16xf32> to vector<16xf32>
        %parallel_loop3A_1170 = vector.shape_cast %parallel_loop3A_1164 : vector<16xf32> to vector<1x1x16xf32>
        tpu.vector_store %arg8[%parallel_loop3A_1165, %parallel_loop3A_1166, %parallel_loop3A_1167], %parallel_loop3A_1170 {add = true, strides = array<i32>} : memref<4x128x128xf32, #tpu.memory_space<vmem>>, vector<1x1x16xf32>,
        %parallel_loop3A_1171 = vector.broadcast %parallel_loop3A_1147 : f32 to vector<16xf32>
        %parallel_loop3A_1172 = arith.mulf %parallel_loop3A_1171, %parallel_loop3A_271 : vector<16xf32>
        %parallel_loop3A_1173 = vector.broadcast %parallel_loop3A_1149 : f32 to vector<16xf32>
        %parallel_loop3A_1174 = arith.mulf %parallel_loop3A_1173, %parallel_loop3A_291 : vector<16xf32>
        %parallel_loop3A_1175 = arith.addf %parallel_loop3A_1172, %parallel_loop3A_1174 : vector<16xf32>
        %parallel_loop3A_1176 = vector.broadcast %parallel_loop3A_1151 : f32 to vector<16xf32>
        %parallel_loop3A_1177 = arith.mulf %parallel_loop3A_1176, %parallel_loop3A_311 : vector<16xf32>
        %parallel_loop3A_1178 = vector.broadcast %parallel_loop3A_1153 : f32 to vector<16xf32>
        %parallel_loop3A_1179 = arith.mulf %parallel_loop3A_1178, %parallel_loop3A_331 : vector<16xf32>
        %parallel_loop3A_1180 = arith.addf %parallel_loop3A_1177, %parallel_loop3A_1179 : vector<16xf32>
        %parallel_loop3A_1181 = arith.addf %parallel_loop3A_1175, %parallel_loop3A_1180 : vector<16xf32>
        %parallel_loop3A_1182 = arith.index_cast %rem3A_149 : i32 to index
        %parallel_loop3A_1183 = arith.index_cast %parallel_loop3A_1145 : i32 to index
        %parallel_loop3A_1184 = arith.constant 16 : index
        %parallel_loop3A_1185 = tpu.vector_load %arg8[%parallel_loop3A_1182, %parallel_loop3A_1183, %parallel_loop3A_1184] {strides = array<i32>} : memref<4x128x128xf32, #tpu.memory_space<vmem>>, vector<1x1x16xf32>,
        %parallel_loop3A_1186 = vector.shape_cast %parallel_loop3A_1185 : vector<1x1x16xf32> to vector<16xf32>
        %parallel_loop3A_1187 = vector.shape_cast %parallel_loop3A_1181 : vector<16xf32> to vector<1x1x16xf32>
        tpu.vector_store %arg8[%parallel_loop3A_1182, %parallel_loop3A_1183, %parallel_loop3A_1184], %parallel_loop3A_1187 {add = true, strides = array<i32>} : memref<4x128x128xf32, #tpu.memory_space<vmem>>, vector<1x1x16xf32>,
        %parallel_loop3A_1188 = vector.broadcast %parallel_loop3A_1147 : f32 to vector<16xf32>
        %parallel_loop3A_1189 = arith.mulf %parallel_loop3A_1188, %parallel_loop3A_276 : vector<16xf32>
        %parallel_loop3A_1190 = vector.broadcast %parallel_loop3A_1149 : f32 to vector<16xf32>
        %parallel_loop3A_1191 = arith.mulf %parallel_loop3A_1190, %parallel_loop3A_296 : vector<16xf32>
        %parallel_loop3A_1192 = arith.addf %parallel_loop3A_1189, %parallel_loop3A_1191 : vector<16xf32>
        %parallel_loop3A_1193 = vector.broadcast %parallel_loop3A_1151 : f32 to vector<16xf32>
        %parallel_loop3A_1194 = arith.mulf %parallel_loop3A_1193, %parallel_loop3A_316 : vector<16xf32>
        %parallel_loop3A_1195 = vector.broadcast %parallel_loop3A_1153 : f32 to vector<16xf32>
        %parallel_loop3A_1196 = arith.mulf %parallel_loop3A_1195, %parallel_loop3A_336 : vector<16xf32>
        %parallel_loop3A_1197 = arith.addf %parallel_loop3A_1194, %parallel_loop3A_1196 : vector<16xf32>
        %parallel_loop3A_1198 = arith.addf %parallel_loop3A_1192, %parallel_loop3A_1197 : vector<16xf32>
        %parallel_loop3A_1199 = arith.index_cast %rem3A_149 : i32 to index
        %parallel_loop3A_1200 = arith.index_cast %parallel_loop3A_1145 : i32 to index
        %parallel_loop3A_1201 = arith.constant 32 : index
        %parallel_loop3A_1202 = tpu.vector_load %arg8[%parallel_loop3A_1199, %parallel_loop3A_1200, %parallel_loop3A_1201] {strides = array<i32>} : memref<4x128x128xf32, #tpu.memory_space<vmem>>, vector<1x1x16xf32>,
        %parallel_loop3A_1203 = vector.shape_cast %parallel_loop3A_1202 : vector<1x1x16xf32> to vector<16xf32>
        %parallel_loop3A_1204 = vector.shape_cast %parallel_loop3A_1198 : vector<16xf32> to vector<1x1x16xf32>
        tpu.vector_store %arg8[%parallel_loop3A_1199, %parallel_loop3A_1200, %parallel_loop3A_1201], %parallel_loop3A_1204 {add = true, strides = array<i32>} : memref<4x128x128xf32, #tpu.memory_space<vmem>>, vector<1x1x16xf32>,
        %parallel_loop3A_1205 = vector.broadcast %parallel_loop3A_1147 : f32 to vector<16xf32>
        %parallel_loop3A_1206 = arith.mulf %parallel_loop3A_1205, %parallel_loop3A_281 : vector<16xf32>
        %parallel_loop3A_1207 = vector.broadcast %parallel_loop3A_1149 : f32 to vector<16xf32>
        %parallel_loop3A_1208 = arith.mulf %parallel_loop3A_1207, %parallel_loop3A_301 : vector<16xf32>
        %parallel_loop3A_1209 = arith.addf %parallel_loop3A_1206, %parallel_loop3A_1208 : vector<16xf32>
        %parallel_loop3A_1210 = vector.broadcast %parallel_loop3A_1151 : f32 to vector<16xf32>
        %parallel_loop3A_1211 = arith.mulf %parallel_loop3A_1210, %parallel_loop3A_321 : vector<16xf32>
        %parallel_loop3A_1212 = vector.broadcast %parallel_loop3A_1153 : f32 to vector<16xf32>
        %parallel_loop3A_1213 = arith.mulf %parallel_loop3A_1212, %parallel_loop3A_341 : vector<16xf32>
        %parallel_loop3A_1214 = arith.addf %parallel_loop3A_1211, %parallel_loop3A_1213 : vector<16xf32>
        %parallel_loop3A_1215 = arith.addf %parallel_loop3A_1209, %parallel_loop3A_1214 : vector<16xf32>
        %parallel_loop3A_1216 = arith.index_cast %rem3A_149 : i32 to index
        %parallel_loop3A_1217 = arith.index_cast %parallel_loop3A_1145 : i32 to index
        %parallel_loop3A_1218 = arith.constant 48 : index
        %parallel_loop3A_1219 = tpu.vector_load %arg8[%parallel_loop3A_1216, %parallel_loop3A_1217, %parallel_loop3A_1218] {strides = array<i32>} : memref<4x128x128xf32, #tpu.memory_space<vmem>>, vector<1x1x16xf32>,
        %parallel_loop3A_1220 = vector.shape_cast %parallel_loop3A_1219 : vector<1x1x16xf32> to vector<16xf32>
        %parallel_loop3A_1221 = vector.shape_cast %parallel_loop3A_1215 : vector<16xf32> to vector<1x1x16xf32>
        tpu.vector_store %arg8[%parallel_loop3A_1216, %parallel_loop3A_1217, %parallel_loop3A_1218], %parallel_loop3A_1221 {add = true, strides = array<i32>} : memref<4x128x128xf32, #tpu.memory_space<vmem>>, vector<1x1x16xf32>,
        %parallel_loop3A_1222 = arith.constant 16 : i32
        %parallel_loop3A_1223 = arith.muli %parallel_loop3A_225, %parallel_loop3A_1222 : i32
        %parallel_loop3A_1224 = arith.constant 11 : i32
        %parallel_loop3A_1225 = arith.addi %parallel_loop3A_1223, %parallel_loop3A_1224 : i32
        %parallel_loop3A_1226 = vector.extract_strided_slice %parallel_loop3A_234 {offsets = [11], sizes = [1], strides = [1]} : vector<16xf32> to vector<1xf32>
        %parallel_loop3A_1227 = vector.extract %parallel_loop3A_1226[0] : f32 from vector<1xf32>
        %parallel_loop3A_1228 = vector.extract_strided_slice %parallel_loop3A_243 {offsets = [11], sizes = [1], strides = [1]} : vector<16xf32> to vector<1xf32>
        %parallel_loop3A_1229 = vector.extract %parallel_loop3A_1228[0] : f32 from vector<1xf32>
        %parallel_loop3A_1230 = vector.extract_strided_slice %parallel_loop3A_252 {offsets = [11], sizes = [1], strides = [1]} : vector<16xf32> to vector<1xf32>
        %parallel_loop3A_1231 = vector.extract %parallel_loop3A_1230[0] : f32 from vector<1xf32>
        %parallel_loop3A_1232 = vector.extract_strided_slice %parallel_loop3A_261 {offsets = [11], sizes = [1], strides = [1]} : vector<16xf32> to vector<1xf32>
        %parallel_loop3A_1233 = vector.extract %parallel_loop3A_1232[0] : f32 from vector<1xf32>
        %parallel_loop3A_1234 = vector.broadcast %parallel_loop3A_1227 : f32 to vector<16xf32>
        %parallel_loop3A_1235 = arith.mulf %parallel_loop3A_1234, %parallel_loop3A_266 : vector<16xf32>
        %parallel_loop3A_1236 = vector.broadcast %parallel_loop3A_1229 : f32 to vector<16xf32>
        %parallel_loop3A_1237 = arith.mulf %parallel_loop3A_1236, %parallel_loop3A_286 : vector<16xf32>
        %parallel_loop3A_1238 = arith.addf %parallel_loop3A_1235, %parallel_loop3A_1237 : vector<16xf32>
        %parallel_loop3A_1239 = vector.broadcast %parallel_loop3A_1231 : f32 to vector<16xf32>
        %parallel_loop3A_1240 = arith.mulf %parallel_loop3A_1239, %parallel_loop3A_306 : vector<16xf32>
        %parallel_loop3A_1241 = vector.broadcast %parallel_loop3A_1233 : f32 to vector<16xf32>
        %parallel_loop3A_1242 = arith.mulf %parallel_loop3A_1241, %parallel_loop3A_326 : vector<16xf32>
        %parallel_loop3A_1243 = arith.addf %parallel_loop3A_1240, %parallel_loop3A_1242 : vector<16xf32>
        %parallel_loop3A_1244 = arith.addf %parallel_loop3A_1238, %parallel_loop3A_1243 : vector<16xf32>
        %parallel_loop3A_1245 = arith.index_cast %rem3A_149 : i32 to index
        %parallel_loop3A_1246 = arith.index_cast %parallel_loop3A_1225 : i32 to index
        %parallel_loop3A_1247 = arith.constant 0 : index
        %parallel_loop3A_1248 = tpu.vector_load %arg8[%parallel_loop3A_1245, %parallel_loop3A_1246, %parallel_loop3A_1247] {strides = array<i32>} : memref<4x128x128xf32, #tpu.memory_space<vmem>>, vector<1x1x16xf32>,
        %parallel_loop3A_1249 = vector.shape_cast %parallel_loop3A_1248 : vector<1x1x16xf32> to vector<16xf32>
        %parallel_loop3A_1250 = vector.shape_cast %parallel_loop3A_1244 : vector<16xf32> to vector<1x1x16xf32>
        tpu.vector_store %arg8[%parallel_loop3A_1245, %parallel_loop3A_1246, %parallel_loop3A_1247], %parallel_loop3A_1250 {add = true, strides = array<i32>} : memref<4x128x128xf32, #tpu.memory_space<vmem>>, vector<1x1x16xf32>,
        %parallel_loop3A_1251 = vector.broadcast %parallel_loop3A_1227 : f32 to vector<16xf32>
        %parallel_loop3A_1252 = arith.mulf %parallel_loop3A_1251, %parallel_loop3A_271 : vector<16xf32>
        %parallel_loop3A_1253 = vector.broadcast %parallel_loop3A_1229 : f32 to vector<16xf32>
        %parallel_loop3A_1254 = arith.mulf %parallel_loop3A_1253, %parallel_loop3A_291 : vector<16xf32>
        %parallel_loop3A_1255 = arith.addf %parallel_loop3A_1252, %parallel_loop3A_1254 : vector<16xf32>
        %parallel_loop3A_1256 = vector.broadcast %parallel_loop3A_1231 : f32 to vector<16xf32>
        %parallel_loop3A_1257 = arith.mulf %parallel_loop3A_1256, %parallel_loop3A_311 : vector<16xf32>
        %parallel_loop3A_1258 = vector.broadcast %parallel_loop3A_1233 : f32 to vector<16xf32>
        %parallel_loop3A_1259 = arith.mulf %parallel_loop3A_1258, %parallel_loop3A_331 : vector<16xf32>
        %parallel_loop3A_1260 = arith.addf %parallel_loop3A_1257, %parallel_loop3A_1259 : vector<16xf32>
        %parallel_loop3A_1261 = arith.addf %parallel_loop3A_1255, %parallel_loop3A_1260 : vector<16xf32>
        %parallel_loop3A_1262 = arith.index_cast %rem3A_149 : i32 to index
        %parallel_loop3A_1263 = arith.index_cast %parallel_loop3A_1225 : i32 to index
        %parallel_loop3A_1264 = arith.constant 16 : index
        %parallel_loop3A_1265 = tpu.vector_load %arg8[%parallel_loop3A_1262, %parallel_loop3A_1263, %parallel_loop3A_1264] {strides = array<i32>} : memref<4x128x128xf32, #tpu.memory_space<vmem>>, vector<1x1x16xf32>,
        %parallel_loop3A_1266 = vector.shape_cast %parallel_loop3A_1265 : vector<1x1x16xf32> to vector<16xf32>
        %parallel_loop3A_1267 = vector.shape_cast %parallel_loop3A_1261 : vector<16xf32> to vector<1x1x16xf32>
        tpu.vector_store %arg8[%parallel_loop3A_1262, %parallel_loop3A_1263, %parallel_loop3A_1264], %parallel_loop3A_1267 {add = true, strides = array<i32>} : memref<4x128x128xf32, #tpu.memory_space<vmem>>, vector<1x1x16xf32>,
        %parallel_loop3A_1268 = vector.broadcast %parallel_loop3A_1227 : f32 to vector<16xf32>
        %parallel_loop3A_1269 = arith.mulf %parallel_loop3A_1268, %parallel_loop3A_276 : vector<16xf32>
        %parallel_loop3A_1270 = vector.broadcast %parallel_loop3A_1229 : f32 to vector<16xf32>
        %parallel_loop3A_1271 = arith.mulf %parallel_loop3A_1270, %parallel_loop3A_296 : vector<16xf32>
        %parallel_loop3A_1272 = arith.addf %parallel_loop3A_1269, %parallel_loop3A_1271 : vector<16xf32>
        %parallel_loop3A_1273 = vector.broadcast %parallel_loop3A_1231 : f32 to vector<16xf32>
        %parallel_loop3A_1274 = arith.mulf %parallel_loop3A_1273, %parallel_loop3A_316 : vector<16xf32>
        %parallel_loop3A_1275 = vector.broadcast %parallel_loop3A_1233 : f32 to vector<16xf32>
        %parallel_loop3A_1276 = arith.mulf %parallel_loop3A_1275, %parallel_loop3A_336 : vector<16xf32>
        %parallel_loop3A_1277 = arith.addf %parallel_loop3A_1274, %parallel_loop3A_1276 : vector<16xf32>
        %parallel_loop3A_1278 = arith.addf %parallel_loop3A_1272, %parallel_loop3A_1277 : vector<16xf32>
        %parallel_loop3A_1279 = arith.index_cast %rem3A_149 : i32 to index
        %parallel_loop3A_1280 = arith.index_cast %parallel_loop3A_1225 : i32 to index
        %parallel_loop3A_1281 = arith.constant 32 : index
        %parallel_loop3A_1282 = tpu.vector_load %arg8[%parallel_loop3A_1279, %parallel_loop3A_1280, %parallel_loop3A_1281] {strides = array<i32>} : memref<4x128x128xf32, #tpu.memory_space<vmem>>, vector<1x1x16xf32>,
        %parallel_loop3A_1283 = vector.shape_cast %parallel_loop3A_1282 : vector<1x1x16xf32> to vector<16xf32>
        %parallel_loop3A_1284 = vector.shape_cast %parallel_loop3A_1278 : vector<16xf32> to vector<1x1x16xf32>
        tpu.vector_store %arg8[%parallel_loop3A_1279, %parallel_loop3A_1280, %parallel_loop3A_1281], %parallel_loop3A_1284 {add = true, strides = array<i32>} : memref<4x128x128xf32, #tpu.memory_space<vmem>>, vector<1x1x16xf32>,
        %parallel_loop3A_1285 = vector.broadcast %parallel_loop3A_1227 : f32 to vector<16xf32>
        %parallel_loop3A_1286 = arith.mulf %parallel_loop3A_1285, %parallel_loop3A_281 : vector<16xf32>
        %parallel_loop3A_1287 = vector.broadcast %parallel_loop3A_1229 : f32 to vector<16xf32>
        %parallel_loop3A_1288 = arith.mulf %parallel_loop3A_1287, %parallel_loop3A_301 : vector<16xf32>
        %parallel_loop3A_1289 = arith.addf %parallel_loop3A_1286, %parallel_loop3A_1288 : vector<16xf32>
        %parallel_loop3A_1290 = vector.broadcast %parallel_loop3A_1231 : f32 to vector<16xf32>
        %parallel_loop3A_1291 = arith.mulf %parallel_loop3A_1290, %parallel_loop3A_321 : vector<16xf32>
        %parallel_loop3A_1292 = vector.broadcast %parallel_loop3A_1233 : f32 to vector<16xf32>
        %parallel_loop3A_1293 = arith.mulf %parallel_loop3A_1292, %parallel_loop3A_341 : vector<16xf32>
        %parallel_loop3A_1294 = arith.addf %parallel_loop3A_1291, %parallel_loop3A_1293 : vector<16xf32>
        %parallel_loop3A_1295 = arith.addf %parallel_loop3A_1289, %parallel_loop3A_1294 : vector<16xf32>
        %parallel_loop3A_1296 = arith.index_cast %rem3A_149 : i32 to index
        %parallel_loop3A_1297 = arith.index_cast %parallel_loop3A_1225 : i32 to index
        %parallel_loop3A_1298 = arith.constant 48 : index
        %parallel_loop3A_1299 = tpu.vector_load %arg8[%parallel_loop3A_1296, %parallel_loop3A_1297, %parallel_loop3A_1298] {strides = array<i32>} : memref<4x128x128xf32, #tpu.memory_space<vmem>>, vector<1x1x16xf32>,
        %parallel_loop3A_1300 = vector.shape_cast %parallel_loop3A_1299 : vector<1x1x16xf32> to vector<16xf32>
        %parallel_loop3A_1301 = vector.shape_cast %parallel_loop3A_1295 : vector<16xf32> to vector<1x1x16xf32>
        tpu.vector_store %arg8[%parallel_loop3A_1296, %parallel_loop3A_1297, %parallel_loop3A_1298], %parallel_loop3A_1301 {add = true, strides = array<i32>} : memref<4x128x128xf32, #tpu.memory_space<vmem>>, vector<1x1x16xf32>,
        %parallel_loop3A_1302 = arith.constant 16 : i32
        %parallel_loop3A_1303 = arith.muli %parallel_loop3A_225, %parallel_loop3A_1302 : i32
        %parallel_loop3A_1304 = arith.constant 12 : i32
        %parallel_loop3A_1305 = arith.addi %parallel_loop3A_1303, %parallel_loop3A_1304 : i32
        %parallel_loop3A_1306 = vector.extract_strided_slice %parallel_loop3A_234 {offsets = [12], sizes = [1], strides = [1]} : vector<16xf32> to vector<1xf32>
        %parallel_loop3A_1307 = vector.extract %parallel_loop3A_1306[0] : f32 from vector<1xf32>
        %parallel_loop3A_1308 = vector.extract_strided_slice %parallel_loop3A_243 {offsets = [12], sizes = [1], strides = [1]} : vector<16xf32> to vector<1xf32>
        %parallel_loop3A_1309 = vector.extract %parallel_loop3A_1308[0] : f32 from vector<1xf32>
        %parallel_loop3A_1310 = vector.extract_strided_slice %parallel_loop3A_252 {offsets = [12], sizes = [1], strides = [1]} : vector<16xf32> to vector<1xf32>
        %parallel_loop3A_1311 = vector.extract %parallel_loop3A_1310[0] : f32 from vector<1xf32>
        %parallel_loop3A_1312 = vector.extract_strided_slice %parallel_loop3A_261 {offsets = [12], sizes = [1], strides = [1]} : vector<16xf32> to vector<1xf32>
        %parallel_loop3A_1313 = vector.extract %parallel_loop3A_1312[0] : f32 from vector<1xf32>
        %parallel_loop3A_1314 = vector.broadcast %parallel_loop3A_1307 : f32 to vector<16xf32>
        %parallel_loop3A_1315 = arith.mulf %parallel_loop3A_1314, %parallel_loop3A_266 : vector<16xf32>
        %parallel_loop3A_1316 = vector.broadcast %parallel_loop3A_1309 : f32 to vector<16xf32>
        %parallel_loop3A_1317 = arith.mulf %parallel_loop3A_1316, %parallel_loop3A_286 : vector<16xf32>
        %parallel_loop3A_1318 = arith.addf %parallel_loop3A_1315, %parallel_loop3A_1317 : vector<16xf32>
        %parallel_loop3A_1319 = vector.broadcast %parallel_loop3A_1311 : f32 to vector<16xf32>
        %parallel_loop3A_1320 = arith.mulf %parallel_loop3A_1319, %parallel_loop3A_306 : vector<16xf32>
        %parallel_loop3A_1321 = vector.broadcast %parallel_loop3A_1313 : f32 to vector<16xf32>
        %parallel_loop3A_1322 = arith.mulf %parallel_loop3A_1321, %parallel_loop3A_326 : vector<16xf32>
        %parallel_loop3A_1323 = arith.addf %parallel_loop3A_1320, %parallel_loop3A_1322 : vector<16xf32>
        %parallel_loop3A_1324 = arith.addf %parallel_loop3A_1318, %parallel_loop3A_1323 : vector<16xf32>
        %parallel_loop3A_1325 = arith.index_cast %rem3A_149 : i32 to index
        %parallel_loop3A_1326 = arith.index_cast %parallel_loop3A_1305 : i32 to index
        %parallel_loop3A_1327 = arith.constant 0 : index
        %parallel_loop3A_1328 = tpu.vector_load %arg8[%parallel_loop3A_1325, %parallel_loop3A_1326, %parallel_loop3A_1327] {strides = array<i32>} : memref<4x128x128xf32, #tpu.memory_space<vmem>>, vector<1x1x16xf32>,
        %parallel_loop3A_1329 = vector.shape_cast %parallel_loop3A_1328 : vector<1x1x16xf32> to vector<16xf32>
        %parallel_loop3A_1330 = vector.shape_cast %parallel_loop3A_1324 : vector<16xf32> to vector<1x1x16xf32>
        tpu.vector_store %arg8[%parallel_loop3A_1325, %parallel_loop3A_1326, %parallel_loop3A_1327], %parallel_loop3A_1330 {add = true, strides = array<i32>} : memref<4x128x128xf32, #tpu.memory_space<vmem>>, vector<1x1x16xf32>,
        %parallel_loop3A_1331 = vector.broadcast %parallel_loop3A_1307 : f32 to vector<16xf32>
        %parallel_loop3A_1332 = arith.mulf %parallel_loop3A_1331, %parallel_loop3A_271 : vector<16xf32>
        %parallel_loop3A_1333 = vector.broadcast %parallel_loop3A_1309 : f32 to vector<16xf32>
        %parallel_loop3A_1334 = arith.mulf %parallel_loop3A_1333, %parallel_loop3A_291 : vector<16xf32>
        %parallel_loop3A_1335 = arith.addf %parallel_loop3A_1332, %parallel_loop3A_1334 : vector<16xf32>
        %parallel_loop3A_1336 = vector.broadcast %parallel_loop3A_1311 : f32 to vector<16xf32>
        %parallel_loop3A_1337 = arith.mulf %parallel_loop3A_1336, %parallel_loop3A_311 : vector<16xf32>
        %parallel_loop3A_1338 = vector.broadcast %parallel_loop3A_1313 : f32 to vector<16xf32>
        %parallel_loop3A_1339 = arith.mulf %parallel_loop3A_1338, %parallel_loop3A_331 : vector<16xf32>
        %parallel_loop3A_1340 = arith.addf %parallel_loop3A_1337, %parallel_loop3A_1339 : vector<16xf32>
        %parallel_loop3A_1341 = arith.addf %parallel_loop3A_1335, %parallel_loop3A_1340 : vector<16xf32>
        %parallel_loop3A_1342 = arith.index_cast %rem3A_149 : i32 to index
        %parallel_loop3A_1343 = arith.index_cast %parallel_loop3A_1305 : i32 to index
        %parallel_loop3A_1344 = arith.constant 16 : index
        %parallel_loop3A_1345 = tpu.vector_load %arg8[%parallel_loop3A_1342, %parallel_loop3A_1343, %parallel_loop3A_1344] {strides = array<i32>} : memref<4x128x128xf32, #tpu.memory_space<vmem>>, vector<1x1x16xf32>,
        %parallel_loop3A_1346 = vector.shape_cast %parallel_loop3A_1345 : vector<1x1x16xf32> to vector<16xf32>
        %parallel_loop3A_1347 = vector.shape_cast %parallel_loop3A_1341 : vector<16xf32> to vector<1x1x16xf32>
        tpu.vector_store %arg8[%parallel_loop3A_1342, %parallel_loop3A_1343, %parallel_loop3A_1344], %parallel_loop3A_1347 {add = true, strides = array<i32>} : memref<4x128x128xf32, #tpu.memory_space<vmem>>, vector<1x1x16xf32>,
        %parallel_loop3A_1348 = vector.broadcast %parallel_loop3A_1307 : f32 to vector<16xf32>
        %parallel_loop3A_1349 = arith.mulf %parallel_loop3A_1348, %parallel_loop3A_276 : vector<16xf32>
        %parallel_loop3A_1350 = vector.broadcast %parallel_loop3A_1309 : f32 to vector<16xf32>
        %parallel_loop3A_1351 = arith.mulf %parallel_loop3A_1350, %parallel_loop3A_296 : vector<16xf32>
        %parallel_loop3A_1352 = arith.addf %parallel_loop3A_1349, %parallel_loop3A_1351 : vector<16xf32>
        %parallel_loop3A_1353 = vector.broadcast %parallel_loop3A_1311 : f32 to vector<16xf32>
        %parallel_loop3A_1354 = arith.mulf %parallel_loop3A_1353, %parallel_loop3A_316 : vector<16xf32>
        %parallel_loop3A_1355 = vector.broadcast %parallel_loop3A_1313 : f32 to vector<16xf32>
        %parallel_loop3A_1356 = arith.mulf %parallel_loop3A_1355, %parallel_loop3A_336 : vector<16xf32>
        %parallel_loop3A_1357 = arith.addf %parallel_loop3A_1354, %parallel_loop3A_1356 : vector<16xf32>
        %parallel_loop3A_1358 = arith.addf %parallel_loop3A_1352, %parallel_loop3A_1357 : vector<16xf32>
        %parallel_loop3A_1359 = arith.index_cast %rem3A_149 : i32 to index
        %parallel_loop3A_1360 = arith.index_cast %parallel_loop3A_1305 : i32 to index
        %parallel_loop3A_1361 = arith.constant 32 : index
        %parallel_loop3A_1362 = tpu.vector_load %arg8[%parallel_loop3A_1359, %parallel_loop3A_1360, %parallel_loop3A_1361] {strides = array<i32>} : memref<4x128x128xf32, #tpu.memory_space<vmem>>, vector<1x1x16xf32>,
        %parallel_loop3A_1363 = vector.shape_cast %parallel_loop3A_1362 : vector<1x1x16xf32> to vector<16xf32>
        %parallel_loop3A_1364 = vector.shape_cast %parallel_loop3A_1358 : vector<16xf32> to vector<1x1x16xf32>
        tpu.vector_store %arg8[%parallel_loop3A_1359, %parallel_loop3A_1360, %parallel_loop3A_1361], %parallel_loop3A_1364 {add = true, strides = array<i32>} : memref<4x128x128xf32, #tpu.memory_space<vmem>>, vector<1x1x16xf32>,
        %parallel_loop3A_1365 = vector.broadcast %parallel_loop3A_1307 : f32 to vector<16xf32>
        %parallel_loop3A_1366 = arith.mulf %parallel_loop3A_1365, %parallel_loop3A_281 : vector<16xf32>
        %parallel_loop3A_1367 = vector.broadcast %parallel_loop3A_1309 : f32 to vector<16xf32>
        %parallel_loop3A_1368 = arith.mulf %parallel_loop3A_1367, %parallel_loop3A_301 : vector<16xf32>
        %parallel_loop3A_1369 = arith.addf %parallel_loop3A_1366, %parallel_loop3A_1368 : vector<16xf32>
        %parallel_loop3A_1370 = vector.broadcast %parallel_loop3A_1311 : f32 to vector<16xf32>
        %parallel_loop3A_1371 = arith.mulf %parallel_loop3A_1370, %parallel_loop3A_321 : vector<16xf32>
        %parallel_loop3A_1372 = vector.broadcast %parallel_loop3A_1313 : f32 to vector<16xf32>
        %parallel_loop3A_1373 = arith.mulf %parallel_loop3A_1372, %parallel_loop3A_341 : vector<16xf32>
        %parallel_loop3A_1374 = arith.addf %parallel_loop3A_1371, %parallel_loop3A_1373 : vector<16xf32>
        %parallel_loop3A_1375 = arith.addf %parallel_loop3A_1369, %parallel_loop3A_1374 : vector<16xf32>
        %parallel_loop3A_1376 = arith.index_cast %rem3A_149 : i32 to index
        %parallel_loop3A_1377 = arith.index_cast %parallel_loop3A_1305 : i32 to index
        %parallel_loop3A_1378 = arith.constant 48 : index
        %parallel_loop3A_1379 = tpu.vector_load %arg8[%parallel_loop3A_1376, %parallel_loop3A_1377, %parallel_loop3A_1378] {strides = array<i32>} : memref<4x128x128xf32, #tpu.memory_space<vmem>>, vector<1x1x16xf32>,
        %parallel_loop3A_1380 = vector.shape_cast %parallel_loop3A_1379 : vector<1x1x16xf32> to vector<16xf32>
        %parallel_loop3A_1381 = vector.shape_cast %parallel_loop3A_1375 : vector<16xf32> to vector<1x1x16xf32>
        tpu.vector_store %arg8[%parallel_loop3A_1376, %parallel_loop3A_1377, %parallel_loop3A_1378], %parallel_loop3A_1381 {add = true, strides = array<i32>} : memref<4x128x128xf32, #tpu.memory_space<vmem>>, vector<1x1x16xf32>,
        %parallel_loop3A_1382 = arith.constant 16 : i32
        %parallel_loop3A_1383 = arith.muli %parallel_loop3A_225, %parallel_loop3A_1382 : i32
        %parallel_loop3A_1384 = arith.constant 13 : i32
        %parallel_loop3A_1385 = arith.addi %parallel_loop3A_1383, %parallel_loop3A_1384 : i32
        %parallel_loop3A_1386 = vector.extract_strided_slice %parallel_loop3A_234 {offsets = [13], sizes = [1], strides = [1]} : vector<16xf32> to vector<1xf32>
        %parallel_loop3A_1387 = vector.extract %parallel_loop3A_1386[0] : f32 from vector<1xf32>
        %parallel_loop3A_1388 = vector.extract_strided_slice %parallel_loop3A_243 {offsets = [13], sizes = [1], strides = [1]} : vector<16xf32> to vector<1xf32>
        %parallel_loop3A_1389 = vector.extract %parallel_loop3A_1388[0] : f32 from vector<1xf32>
        %parallel_loop3A_1390 = vector.extract_strided_slice %parallel_loop3A_252 {offsets = [13], sizes = [1], strides = [1]} : vector<16xf32> to vector<1xf32>
        %parallel_loop3A_1391 = vector.extract %parallel_loop3A_1390[0] : f32 from vector<1xf32>
        %parallel_loop3A_1392 = vector.extract_strided_slice %parallel_loop3A_261 {offsets = [13], sizes = [1], strides = [1]} : vector<16xf32> to vector<1xf32>
        %parallel_loop3A_1393 = vector.extract %parallel_loop3A_1392[0] : f32 from vector<1xf32>
        %parallel_loop3A_1394 = vector.broadcast %parallel_loop3A_1387 : f32 to vector<16xf32>
        %parallel_loop3A_1395 = arith.mulf %parallel_loop3A_1394, %parallel_loop3A_266 : vector<16xf32>
        %parallel_loop3A_1396 = vector.broadcast %parallel_loop3A_1389 : f32 to vector<16xf32>
        %parallel_loop3A_1397 = arith.mulf %parallel_loop3A_1396, %parallel_loop3A_286 : vector<16xf32>
        %parallel_loop3A_1398 = arith.addf %parallel_loop3A_1395, %parallel_loop3A_1397 : vector<16xf32>
        %parallel_loop3A_1399 = vector.broadcast %parallel_loop3A_1391 : f32 to vector<16xf32>
        %parallel_loop3A_1400 = arith.mulf %parallel_loop3A_1399, %parallel_loop3A_306 : vector<16xf32>
        %parallel_loop3A_1401 = vector.broadcast %parallel_loop3A_1393 : f32 to vector<16xf32>
        %parallel_loop3A_1402 = arith.mulf %parallel_loop3A_1401, %parallel_loop3A_326 : vector<16xf32>
        %parallel_loop3A_1403 = arith.addf %parallel_loop3A_1400, %parallel_loop3A_1402 : vector<16xf32>
        %parallel_loop3A_1404 = arith.addf %parallel_loop3A_1398, %parallel_loop3A_1403 : vector<16xf32>
        %parallel_loop3A_1405 = arith.index_cast %rem3A_149 : i32 to index
        %parallel_loop3A_1406 = arith.index_cast %parallel_loop3A_1385 : i32 to index
        %parallel_loop3A_1407 = arith.constant 0 : index
        %parallel_loop3A_1408 = tpu.vector_load %arg8[%parallel_loop3A_1405, %parallel_loop3A_1406, %parallel_loop3A_1407] {strides = array<i32>} : memref<4x128x128xf32, #tpu.memory_space<vmem>>, vector<1x1x16xf32>,
        %parallel_loop3A_1409 = vector.shape_cast %parallel_loop3A_1408 : vector<1x1x16xf32> to vector<16xf32>
        %parallel_loop3A_1410 = vector.shape_cast %parallel_loop3A_1404 : vector<16xf32> to vector<1x1x16xf32>
        tpu.vector_store %arg8[%parallel_loop3A_1405, %parallel_loop3A_1406, %parallel_loop3A_1407], %parallel_loop3A_1410 {add = true, strides = array<i32>} : memref<4x128x128xf32, #tpu.memory_space<vmem>>, vector<1x1x16xf32>,
        %parallel_loop3A_1411 = vector.broadcast %parallel_loop3A_1387 : f32 to vector<16xf32>
        %parallel_loop3A_1412 = arith.mulf %parallel_loop3A_1411, %parallel_loop3A_271 : vector<16xf32>
        %parallel_loop3A_1413 = vector.broadcast %parallel_loop3A_1389 : f32 to vector<16xf32>
        %parallel_loop3A_1414 = arith.mulf %parallel_loop3A_1413, %parallel_loop3A_291 : vector<16xf32>
        %parallel_loop3A_1415 = arith.addf %parallel_loop3A_1412, %parallel_loop3A_1414 : vector<16xf32>
        %parallel_loop3A_1416 = vector.broadcast %parallel_loop3A_1391 : f32 to vector<16xf32>
        %parallel_loop3A_1417 = arith.mulf %parallel_loop3A_1416, %parallel_loop3A_311 : vector<16xf32>
        %parallel_loop3A_1418 = vector.broadcast %parallel_loop3A_1393 : f32 to vector<16xf32>
        %parallel_loop3A_1419 = arith.mulf %parallel_loop3A_1418, %parallel_loop3A_331 : vector<16xf32>
        %parallel_loop3A_1420 = arith.addf %parallel_loop3A_1417, %parallel_loop3A_1419 : vector<16xf32>
        %parallel_loop3A_1421 = arith.addf %parallel_loop3A_1415, %parallel_loop3A_1420 : vector<16xf32>
        %parallel_loop3A_1422 = arith.index_cast %rem3A_149 : i32 to index
        %parallel_loop3A_1423 = arith.index_cast %parallel_loop3A_1385 : i32 to index
        %parallel_loop3A_1424 = arith.constant 16 : index
        %parallel_loop3A_1425 = tpu.vector_load %arg8[%parallel_loop3A_1422, %parallel_loop3A_1423, %parallel_loop3A_1424] {strides = array<i32>} : memref<4x128x128xf32, #tpu.memory_space<vmem>>, vector<1x1x16xf32>,
        %parallel_loop3A_1426 = vector.shape_cast %parallel_loop3A_1425 : vector<1x1x16xf32> to vector<16xf32>
        %parallel_loop3A_1427 = vector.shape_cast %parallel_loop3A_1421 : vector<16xf32> to vector<1x1x16xf32>
        tpu.vector_store %arg8[%parallel_loop3A_1422, %parallel_loop3A_1423, %parallel_loop3A_1424], %parallel_loop3A_1427 {add = true, strides = array<i32>} : memref<4x128x128xf32, #tpu.memory_space<vmem>>, vector<1x1x16xf32>,
        %parallel_loop3A_1428 = vector.broadcast %parallel_loop3A_1387 : f32 to vector<16xf32>
        %parallel_loop3A_1429 = arith.mulf %parallel_loop3A_1428, %parallel_loop3A_276 : vector<16xf32>
        %parallel_loop3A_1430 = vector.broadcast %parallel_loop3A_1389 : f32 to vector<16xf32>
        %parallel_loop3A_1431 = arith.mulf %parallel_loop3A_1430, %parallel_loop3A_296 : vector<16xf32>
        %parallel_loop3A_1432 = arith.addf %parallel_loop3A_1429, %parallel_loop3A_1431 : vector<16xf32>
        %parallel_loop3A_1433 = vector.broadcast %parallel_loop3A_1391 : f32 to vector<16xf32>
        %parallel_loop3A_1434 = arith.mulf %parallel_loop3A_1433, %parallel_loop3A_316 : vector<16xf32>
        %parallel_loop3A_1435 = vector.broadcast %parallel_loop3A_1393 : f32 to vector<16xf32>
        %parallel_loop3A_1436 = arith.mulf %parallel_loop3A_1435, %parallel_loop3A_336 : vector<16xf32>
        %parallel_loop3A_1437 = arith.addf %parallel_loop3A_1434, %parallel_loop3A_1436 : vector<16xf32>
        %parallel_loop3A_1438 = arith.addf %parallel_loop3A_1432, %parallel_loop3A_1437 : vector<16xf32>
        %parallel_loop3A_1439 = arith.index_cast %rem3A_149 : i32 to index
        %parallel_loop3A_1440 = arith.index_cast %parallel_loop3A_1385 : i32 to index
        %parallel_loop3A_1441 = arith.constant 32 : index
        %parallel_loop3A_1442 = tpu.vector_load %arg8[%parallel_loop3A_1439, %parallel_loop3A_1440, %parallel_loop3A_1441] {strides = array<i32>} : memref<4x128x128xf32, #tpu.memory_space<vmem>>, vector<1x1x16xf32>,
        %parallel_loop3A_1443 = vector.shape_cast %parallel_loop3A_1442 : vector<1x1x16xf32> to vector<16xf32>
        %parallel_loop3A_1444 = vector.shape_cast %parallel_loop3A_1438 : vector<16xf32> to vector<1x1x16xf32>
        tpu.vector_store %arg8[%parallel_loop3A_1439, %parallel_loop3A_1440, %parallel_loop3A_1441], %parallel_loop3A_1444 {add = true, strides = array<i32>} : memref<4x128x128xf32, #tpu.memory_space<vmem>>, vector<1x1x16xf32>,
        %parallel_loop3A_1445 = vector.broadcast %parallel_loop3A_1387 : f32 to vector<16xf32>
        %parallel_loop3A_1446 = arith.mulf %parallel_loop3A_1445, %parallel_loop3A_281 : vector<16xf32>
        %parallel_loop3A_1447 = vector.broadcast %parallel_loop3A_1389 : f32 to vector<16xf32>
        %parallel_loop3A_1448 = arith.mulf %parallel_loop3A_1447, %parallel_loop3A_301 : vector<16xf32>
        %parallel_loop3A_1449 = arith.addf %parallel_loop3A_1446, %parallel_loop3A_1448 : vector<16xf32>
        %parallel_loop3A_1450 = vector.broadcast %parallel_loop3A_1391 : f32 to vector<16xf32>
        %parallel_loop3A_1451 = arith.mulf %parallel_loop3A_1450, %parallel_loop3A_321 : vector<16xf32>
        %parallel_loop3A_1452 = vector.broadcast %parallel_loop3A_1393 : f32 to vector<16xf32>
        %parallel_loop3A_1453 = arith.mulf %parallel_loop3A_1452, %parallel_loop3A_341 : vector<16xf32>
        %parallel_loop3A_1454 = arith.addf %parallel_loop3A_1451, %parallel_loop3A_1453 : vector<16xf32>
        %parallel_loop3A_1455 = arith.addf %parallel_loop3A_1449, %parallel_loop3A_1454 : vector<16xf32>
        %parallel_loop3A_1456 = arith.index_cast %rem3A_149 : i32 to index
        %parallel_loop3A_1457 = arith.index_cast %parallel_loop3A_1385 : i32 to index
        %parallel_loop3A_1458 = arith.constant 48 : index
        %parallel_loop3A_1459 = tpu.vector_load %arg8[%parallel_loop3A_1456, %parallel_loop3A_1457, %parallel_loop3A_1458] {strides = array<i32>} : memref<4x128x128xf32, #tpu.memory_space<vmem>>, vector<1x1x16xf32>,
        %parallel_loop3A_1460 = vector.shape_cast %parallel_loop3A_1459 : vector<1x1x16xf32> to vector<16xf32>
        %parallel_loop3A_1461 = vector.shape_cast %parallel_loop3A_1455 : vector<16xf32> to vector<1x1x16xf32>
        tpu.vector_store %arg8[%parallel_loop3A_1456, %parallel_loop3A_1457, %parallel_loop3A_1458], %parallel_loop3A_1461 {add = true, strides = array<i32>} : memref<4x128x128xf32, #tpu.memory_space<vmem>>, vector<1x1x16xf32>,
        %parallel_loop3A_1462 = arith.constant 16 : i32
        %parallel_loop3A_1463 = arith.muli %parallel_loop3A_225, %parallel_loop3A_1462 : i32
        %parallel_loop3A_1464 = arith.constant 14 : i32
        %parallel_loop3A_1465 = arith.addi %parallel_loop3A_1463, %parallel_loop3A_1464 : i32
        %parallel_loop3A_1466 = vector.extract_strided_slice %parallel_loop3A_234 {offsets = [14], sizes = [1], strides = [1]} : vector<16xf32> to vector<1xf32>
        %parallel_loop3A_1467 = vector.extract %parallel_loop3A_1466[0] : f32 from vector<1xf32>
        %parallel_loop3A_1468 = vector.extract_strided_slice %parallel_loop3A_243 {offsets = [14], sizes = [1], strides = [1]} : vector<16xf32> to vector<1xf32>
        %parallel_loop3A_1469 = vector.extract %parallel_loop3A_1468[0] : f32 from vector<1xf32>
        %parallel_loop3A_1470 = vector.extract_strided_slice %parallel_loop3A_252 {offsets = [14], sizes = [1], strides = [1]} : vector<16xf32> to vector<1xf32>
        %parallel_loop3A_1471 = vector.extract %parallel_loop3A_1470[0] : f32 from vector<1xf32>
        %parallel_loop3A_1472 = vector.extract_strided_slice %parallel_loop3A_261 {offsets = [14], sizes = [1], strides = [1]} : vector<16xf32> to vector<1xf32>
        %parallel_loop3A_1473 = vector.extract %parallel_loop3A_1472[0] : f32 from vector<1xf32>
        %parallel_loop3A_1474 = vector.broadcast %parallel_loop3A_1467 : f32 to vector<16xf32>
        %parallel_loop3A_1475 = arith.mulf %parallel_loop3A_1474, %parallel_loop3A_266 : vector<16xf32>
        %parallel_loop3A_1476 = vector.broadcast %parallel_loop3A_1469 : f32 to vector<16xf32>
        %parallel_loop3A_1477 = arith.mulf %parallel_loop3A_1476, %parallel_loop3A_286 : vector<16xf32>
        %parallel_loop3A_1478 = arith.addf %parallel_loop3A_1475, %parallel_loop3A_1477 : vector<16xf32>
        %parallel_loop3A_1479 = vector.broadcast %parallel_loop3A_1471 : f32 to vector<16xf32>
        %parallel_loop3A_1480 = arith.mulf %parallel_loop3A_1479, %parallel_loop3A_306 : vector<16xf32>
        %parallel_loop3A_1481 = vector.broadcast %parallel_loop3A_1473 : f32 to vector<16xf32>
        %parallel_loop3A_1482 = arith.mulf %parallel_loop3A_1481, %parallel_loop3A_326 : vector<16xf32>
        %parallel_loop3A_1483 = arith.addf %parallel_loop3A_1480, %parallel_loop3A_1482 : vector<16xf32>
        %parallel_loop3A_1484 = arith.addf %parallel_loop3A_1478, %parallel_loop3A_1483 : vector<16xf32>
        %parallel_loop3A_1485 = arith.index_cast %rem3A_149 : i32 to index
        %parallel_loop3A_1486 = arith.index_cast %parallel_loop3A_1465 : i32 to index
        %parallel_loop3A_1487 = arith.constant 0 : index
        %parallel_loop3A_1488 = tpu.vector_load %arg8[%parallel_loop3A_1485, %parallel_loop3A_1486, %parallel_loop3A_1487] {strides = array<i32>} : memref<4x128x128xf32, #tpu.memory_space<vmem>>, vector<1x1x16xf32>,
        %parallel_loop3A_1489 = vector.shape_cast %parallel_loop3A_1488 : vector<1x1x16xf32> to vector<16xf32>
        %parallel_loop3A_1490 = vector.shape_cast %parallel_loop3A_1484 : vector<16xf32> to vector<1x1x16xf32>
        tpu.vector_store %arg8[%parallel_loop3A_1485, %parallel_loop3A_1486, %parallel_loop3A_1487], %parallel_loop3A_1490 {add = true, strides = array<i32>} : memref<4x128x128xf32, #tpu.memory_space<vmem>>, vector<1x1x16xf32>,
        %parallel_loop3A_1491 = vector.broadcast %parallel_loop3A_1467 : f32 to vector<16xf32>
        %parallel_loop3A_1492 = arith.mulf %parallel_loop3A_1491, %parallel_loop3A_271 : vector<16xf32>
        %parallel_loop3A_1493 = vector.broadcast %parallel_loop3A_1469 : f32 to vector<16xf32>
        %parallel_loop3A_1494 = arith.mulf %parallel_loop3A_1493, %parallel_loop3A_291 : vector<16xf32>
        %parallel_loop3A_1495 = arith.addf %parallel_loop3A_1492, %parallel_loop3A_1494 : vector<16xf32>
        %parallel_loop3A_1496 = vector.broadcast %parallel_loop3A_1471 : f32 to vector<16xf32>
        %parallel_loop3A_1497 = arith.mulf %parallel_loop3A_1496, %parallel_loop3A_311 : vector<16xf32>
        %parallel_loop3A_1498 = vector.broadcast %parallel_loop3A_1473 : f32 to vector<16xf32>
        %parallel_loop3A_1499 = arith.mulf %parallel_loop3A_1498, %parallel_loop3A_331 : vector<16xf32>
        %parallel_loop3A_1500 = arith.addf %parallel_loop3A_1497, %parallel_loop3A_1499 : vector<16xf32>
        %parallel_loop3A_1501 = arith.addf %parallel_loop3A_1495, %parallel_loop3A_1500 : vector<16xf32>
        %parallel_loop3A_1502 = arith.index_cast %rem3A_149 : i32 to index
        %parallel_loop3A_1503 = arith.index_cast %parallel_loop3A_1465 : i32 to index
        %parallel_loop3A_1504 = arith.constant 16 : index
        %parallel_loop3A_1505 = tpu.vector_load %arg8[%parallel_loop3A_1502, %parallel_loop3A_1503, %parallel_loop3A_1504] {strides = array<i32>} : memref<4x128x128xf32, #tpu.memory_space<vmem>>, vector<1x1x16xf32>,
        %parallel_loop3A_1506 = vector.shape_cast %parallel_loop3A_1505 : vector<1x1x16xf32> to vector<16xf32>
        %parallel_loop3A_1507 = vector.shape_cast %parallel_loop3A_1501 : vector<16xf32> to vector<1x1x16xf32>
        tpu.vector_store %arg8[%parallel_loop3A_1502, %parallel_loop3A_1503, %parallel_loop3A_1504], %parallel_loop3A_1507 {add = true, strides = array<i32>} : memref<4x128x128xf32, #tpu.memory_space<vmem>>, vector<1x1x16xf32>,
        %parallel_loop3A_1508 = vector.broadcast %parallel_loop3A_1467 : f32 to vector<16xf32>
        %parallel_loop3A_1509 = arith.mulf %parallel_loop3A_1508, %parallel_loop3A_276 : vector<16xf32>
        %parallel_loop3A_1510 = vector.broadcast %parallel_loop3A_1469 : f32 to vector<16xf32>
        %parallel_loop3A_1511 = arith.mulf %parallel_loop3A_1510, %parallel_loop3A_296 : vector<16xf32>
        %parallel_loop3A_1512 = arith.addf %parallel_loop3A_1509, %parallel_loop3A_1511 : vector<16xf32>
        %parallel_loop3A_1513 = vector.broadcast %parallel_loop3A_1471 : f32 to vector<16xf32>
        %parallel_loop3A_1514 = arith.mulf %parallel_loop3A_1513, %parallel_loop3A_316 : vector<16xf32>
        %parallel_loop3A_1515 = vector.broadcast %parallel_loop3A_1473 : f32 to vector<16xf32>
        %parallel_loop3A_1516 = arith.mulf %parallel_loop3A_1515, %parallel_loop3A_336 : vector<16xf32>
        %parallel_loop3A_1517 = arith.addf %parallel_loop3A_1514, %parallel_loop3A_1516 : vector<16xf32>
        %parallel_loop3A_1518 = arith.addf %parallel_loop3A_1512, %parallel_loop3A_1517 : vector<16xf32>
        %parallel_loop3A_1519 = arith.index_cast %rem3A_149 : i32 to index
        %parallel_loop3A_1520 = arith.index_cast %parallel_loop3A_1465 : i32 to index
        %parallel_loop3A_1521 = arith.constant 32 : index
        %parallel_loop3A_1522 = tpu.vector_load %arg8[%parallel_loop3A_1519, %parallel_loop3A_1520, %parallel_loop3A_1521] {strides = array<i32>} : memref<4x128x128xf32, #tpu.memory_space<vmem>>, vector<1x1x16xf32>,
        %parallel_loop3A_1523 = vector.shape_cast %parallel_loop3A_1522 : vector<1x1x16xf32> to vector<16xf32>
        %parallel_loop3A_1524 = vector.shape_cast %parallel_loop3A_1518 : vector<16xf32> to vector<1x1x16xf32>
        tpu.vector_store %arg8[%parallel_loop3A_1519, %parallel_loop3A_1520, %parallel_loop3A_1521], %parallel_loop3A_1524 {add = true, strides = array<i32>} : memref<4x128x128xf32, #tpu.memory_space<vmem>>, vector<1x1x16xf32>,
        %parallel_loop3A_1525 = vector.broadcast %parallel_loop3A_1467 : f32 to vector<16xf32>
        %parallel_loop3A_1526 = arith.mulf %parallel_loop3A_1525, %parallel_loop3A_281 : vector<16xf32>
        %parallel_loop3A_1527 = vector.broadcast %parallel_loop3A_1469 : f32 to vector<16xf32>
        %parallel_loop3A_1528 = arith.mulf %parallel_loop3A_1527, %parallel_loop3A_301 : vector<16xf32>
        %parallel_loop3A_1529 = arith.addf %parallel_loop3A_1526, %parallel_loop3A_1528 : vector<16xf32>
        %parallel_loop3A_1530 = vector.broadcast %parallel_loop3A_1471 : f32 to vector<16xf32>
        %parallel_loop3A_1531 = arith.mulf %parallel_loop3A_1530, %parallel_loop3A_321 : vector<16xf32>
        %parallel_loop3A_1532 = vector.broadcast %parallel_loop3A_1473 : f32 to vector<16xf32>
        %parallel_loop3A_1533 = arith.mulf %parallel_loop3A_1532, %parallel_loop3A_341 : vector<16xf32>
        %parallel_loop3A_1534 = arith.addf %parallel_loop3A_1531, %parallel_loop3A_1533 : vector<16xf32>
        %parallel_loop3A_1535 = arith.addf %parallel_loop3A_1529, %parallel_loop3A_1534 : vector<16xf32>
        %parallel_loop3A_1536 = arith.index_cast %rem3A_149 : i32 to index
        %parallel_loop3A_1537 = arith.index_cast %parallel_loop3A_1465 : i32 to index
        %parallel_loop3A_1538 = arith.constant 48 : index
        %parallel_loop3A_1539 = tpu.vector_load %arg8[%parallel_loop3A_1536, %parallel_loop3A_1537, %parallel_loop3A_1538] {strides = array<i32>} : memref<4x128x128xf32, #tpu.memory_space<vmem>>, vector<1x1x16xf32>,
        %parallel_loop3A_1540 = vector.shape_cast %parallel_loop3A_1539 : vector<1x1x16xf32> to vector<16xf32>
        %parallel_loop3A_1541 = vector.shape_cast %parallel_loop3A_1535 : vector<16xf32> to vector<1x1x16xf32>
        tpu.vector_store %arg8[%parallel_loop3A_1536, %parallel_loop3A_1537, %parallel_loop3A_1538], %parallel_loop3A_1541 {add = true, strides = array<i32>} : memref<4x128x128xf32, #tpu.memory_space<vmem>>, vector<1x1x16xf32>,
        %parallel_loop3A_1542 = arith.constant 16 : i32
        %parallel_loop3A_1543 = arith.muli %parallel_loop3A_225, %parallel_loop3A_1542 : i32
        %parallel_loop3A_1544 = arith.constant 15 : i32
        %parallel_loop3A_1545 = arith.addi %parallel_loop3A_1543, %parallel_loop3A_1544 : i32
        %parallel_loop3A_1546 = vector.extract_strided_slice %parallel_loop3A_234 {offsets = [15], sizes = [1], strides = [1]} : vector<16xf32> to vector<1xf32>
        %parallel_loop3A_1547 = vector.extract %parallel_loop3A_1546[0] : f32 from vector<1xf32>
        %parallel_loop3A_1548 = vector.extract_strided_slice %parallel_loop3A_243 {offsets = [15], sizes = [1], strides = [1]} : vector<16xf32> to vector<1xf32>
        %parallel_loop3A_1549 = vector.extract %parallel_loop3A_1548[0] : f32 from vector<1xf32>
        %parallel_loop3A_1550 = vector.extract_strided_slice %parallel_loop3A_252 {offsets = [15], sizes = [1], strides = [1]} : vector<16xf32> to vector<1xf32>
        %parallel_loop3A_1551 = vector.extract %parallel_loop3A_1550[0] : f32 from vector<1xf32>
        %parallel_loop3A_1552 = vector.extract_strided_slice %parallel_loop3A_261 {offsets = [15], sizes = [1], strides = [1]} : vector<16xf32> to vector<1xf32>
        %parallel_loop3A_1553 = vector.extract %parallel_loop3A_1552[0] : f32 from vector<1xf32>
        %parallel_loop3A_1554 = vector.broadcast %parallel_loop3A_1547 : f32 to vector<16xf32>
        %parallel_loop3A_1555 = arith.mulf %parallel_loop3A_1554, %parallel_loop3A_266 : vector<16xf32>
        %parallel_loop3A_1556 = vector.broadcast %parallel_loop3A_1549 : f32 to vector<16xf32>
        %parallel_loop3A_1557 = arith.mulf %parallel_loop3A_1556, %parallel_loop3A_286 : vector<16xf32>
        %parallel_loop3A_1558 = arith.addf %parallel_loop3A_1555, %parallel_loop3A_1557 : vector<16xf32>
        %parallel_loop3A_1559 = vector.broadcast %parallel_loop3A_1551 : f32 to vector<16xf32>
        %parallel_loop3A_1560 = arith.mulf %parallel_loop3A_1559, %parallel_loop3A_306 : vector<16xf32>
        %parallel_loop3A_1561 = vector.broadcast %parallel_loop3A_1553 : f32 to vector<16xf32>
        %parallel_loop3A_1562 = arith.mulf %parallel_loop3A_1561, %parallel_loop3A_326 : vector<16xf32>
        %parallel_loop3A_1563 = arith.addf %parallel_loop3A_1560, %parallel_loop3A_1562 : vector<16xf32>
        %parallel_loop3A_1564 = arith.addf %parallel_loop3A_1558, %parallel_loop3A_1563 : vector<16xf32>
        %parallel_loop3A_1565 = arith.index_cast %rem3A_149 : i32 to index
        %parallel_loop3A_1566 = arith.index_cast %parallel_loop3A_1545 : i32 to index
        %parallel_loop3A_1567 = arith.constant 0 : index
        %parallel_loop3A_1568 = tpu.vector_load %arg8[%parallel_loop3A_1565, %parallel_loop3A_1566, %parallel_loop3A_1567] {strides = array<i32>} : memref<4x128x128xf32, #tpu.memory_space<vmem>>, vector<1x1x16xf32>,
        %parallel_loop3A_1569 = vector.shape_cast %parallel_loop3A_1568 : vector<1x1x16xf32> to vector<16xf32>
        %parallel_loop3A_1570 = vector.shape_cast %parallel_loop3A_1564 : vector<16xf32> to vector<1x1x16xf32>
        tpu.vector_store %arg8[%parallel_loop3A_1565, %parallel_loop3A_1566, %parallel_loop3A_1567], %parallel_loop3A_1570 {add = true, strides = array<i32>} : memref<4x128x128xf32, #tpu.memory_space<vmem>>, vector<1x1x16xf32>,
        %parallel_loop3A_1571 = vector.broadcast %parallel_loop3A_1547 : f32 to vector<16xf32>
        %parallel_loop3A_1572 = arith.mulf %parallel_loop3A_1571, %parallel_loop3A_271 : vector<16xf32>
        %parallel_loop3A_1573 = vector.broadcast %parallel_loop3A_1549 : f32 to vector<16xf32>
        %parallel_loop3A_1574 = arith.mulf %parallel_loop3A_1573, %parallel_loop3A_291 : vector<16xf32>
        %parallel_loop3A_1575 = arith.addf %parallel_loop3A_1572, %parallel_loop3A_1574 : vector<16xf32>
        %parallel_loop3A_1576 = vector.broadcast %parallel_loop3A_1551 : f32 to vector<16xf32>
        %parallel_loop3A_1577 = arith.mulf %parallel_loop3A_1576, %parallel_loop3A_311 : vector<16xf32>
        %parallel_loop3A_1578 = vector.broadcast %parallel_loop3A_1553 : f32 to vector<16xf32>
        %parallel_loop3A_1579 = arith.mulf %parallel_loop3A_1578, %parallel_loop3A_331 : vector<16xf32>
        %parallel_loop3A_1580 = arith.addf %parallel_loop3A_1577, %parallel_loop3A_1579 : vector<16xf32>
        %parallel_loop3A_1581 = arith.addf %parallel_loop3A_1575, %parallel_loop3A_1580 : vector<16xf32>
        %parallel_loop3A_1582 = arith.index_cast %rem3A_149 : i32 to index
        %parallel_loop3A_1583 = arith.index_cast %parallel_loop3A_1545 : i32 to index
        %parallel_loop3A_1584 = arith.constant 16 : index
        %parallel_loop3A_1585 = tpu.vector_load %arg8[%parallel_loop3A_1582, %parallel_loop3A_1583, %parallel_loop3A_1584] {strides = array<i32>} : memref<4x128x128xf32, #tpu.memory_space<vmem>>, vector<1x1x16xf32>,
        %parallel_loop3A_1586 = vector.shape_cast %parallel_loop3A_1585 : vector<1x1x16xf32> to vector<16xf32>
        %parallel_loop3A_1587 = vector.shape_cast %parallel_loop3A_1581 : vector<16xf32> to vector<1x1x16xf32>
        tpu.vector_store %arg8[%parallel_loop3A_1582, %parallel_loop3A_1583, %parallel_loop3A_1584], %parallel_loop3A_1587 {add = true, strides = array<i32>} : memref<4x128x128xf32, #tpu.memory_space<vmem>>, vector<1x1x16xf32>,
        %parallel_loop3A_1588 = vector.broadcast %parallel_loop3A_1547 : f32 to vector<16xf32>
        %parallel_loop3A_1589 = arith.mulf %parallel_loop3A_1588, %parallel_loop3A_276 : vector<16xf32>
        %parallel_loop3A_1590 = vector.broadcast %parallel_loop3A_1549 : f32 to vector<16xf32>
        %parallel_loop3A_1591 = arith.mulf %parallel_loop3A_1590, %parallel_loop3A_296 : vector<16xf32>
        %parallel_loop3A_1592 = arith.addf %parallel_loop3A_1589, %parallel_loop3A_1591 : vector<16xf32>
        %parallel_loop3A_1593 = vector.broadcast %parallel_loop3A_1551 : f32 to vector<16xf32>
        %parallel_loop3A_1594 = arith.mulf %parallel_loop3A_1593, %parallel_loop3A_316 : vector<16xf32>
        %parallel_loop3A_1595 = vector.broadcast %parallel_loop3A_1553 : f32 to vector<16xf32>
        %parallel_loop3A_1596 = arith.mulf %parallel_loop3A_1595, %parallel_loop3A_336 : vector<16xf32>
        %parallel_loop3A_1597 = arith.addf %parallel_loop3A_1594, %parallel_loop3A_1596 : vector<16xf32>
        %parallel_loop3A_1598 = arith.addf %parallel_loop3A_1592, %parallel_loop3A_1597 : vector<16xf32>
        %parallel_loop3A_1599 = arith.index_cast %rem3A_149 : i32 to index
        %parallel_loop3A_1600 = arith.index_cast %parallel_loop3A_1545 : i32 to index
        %parallel_loop3A_1601 = arith.constant 32 : index
        %parallel_loop3A_1602 = tpu.vector_load %arg8[%parallel_loop3A_1599, %parallel_loop3A_1600, %parallel_loop3A_1601] {strides = array<i32>} : memref<4x128x128xf32, #tpu.memory_space<vmem>>, vector<1x1x16xf32>,
        %parallel_loop3A_1603 = vector.shape_cast %parallel_loop3A_1602 : vector<1x1x16xf32> to vector<16xf32>
        %parallel_loop3A_1604 = vector.shape_cast %parallel_loop3A_1598 : vector<16xf32> to vector<1x1x16xf32>
        tpu.vector_store %arg8[%parallel_loop3A_1599, %parallel_loop3A_1600, %parallel_loop3A_1601], %parallel_loop3A_1604 {add = true, strides = array<i32>} : memref<4x128x128xf32, #tpu.memory_space<vmem>>, vector<1x1x16xf32>,
        %parallel_loop3A_1605 = vector.broadcast %parallel_loop3A_1547 : f32 to vector<16xf32>
        %parallel_loop3A_1606 = arith.mulf %parallel_loop3A_1605, %parallel_loop3A_281 : vector<16xf32>
        %parallel_loop3A_1607 = vector.broadcast %parallel_loop3A_1549 : f32 to vector<16xf32>
        %parallel_loop3A_1608 = arith.mulf %parallel_loop3A_1607, %parallel_loop3A_301 : vector<16xf32>
        %parallel_loop3A_1609 = arith.addf %parallel_loop3A_1606, %parallel_loop3A_1608 : vector<16xf32>
        %parallel_loop3A_1610 = vector.broadcast %parallel_loop3A_1551 : f32 to vector<16xf32>
        %parallel_loop3A_1611 = arith.mulf %parallel_loop3A_1610, %parallel_loop3A_321 : vector<16xf32>
        %parallel_loop3A_1612 = vector.broadcast %parallel_loop3A_1553 : f32 to vector<16xf32>
        %parallel_loop3A_1613 = arith.mulf %parallel_loop3A_1612, %parallel_loop3A_341 : vector<16xf32>
        %parallel_loop3A_1614 = arith.addf %parallel_loop3A_1611, %parallel_loop3A_1613 : vector<16xf32>
        %parallel_loop3A_1615 = arith.addf %parallel_loop3A_1609, %parallel_loop3A_1614 : vector<16xf32>
        %parallel_loop3A_1616 = arith.index_cast %rem3A_149 : i32 to index
        %parallel_loop3A_1617 = arith.index_cast %parallel_loop3A_1545 : i32 to index
        %parallel_loop3A_1618 = arith.constant 48 : index
        %parallel_loop3A_1619 = tpu.vector_load %arg8[%parallel_loop3A_1616, %parallel_loop3A_1617, %parallel_loop3A_1618] {strides = array<i32>} : memref<4x128x128xf32, #tpu.memory_space<vmem>>, vector<1x1x16xf32>,
        %parallel_loop3A_1620 = vector.shape_cast %parallel_loop3A_1619 : vector<1x1x16xf32> to vector<16xf32>
        %parallel_loop3A_1621 = vector.shape_cast %parallel_loop3A_1615 : vector<16xf32> to vector<1x1x16xf32>
        tpu.vector_store %arg8[%parallel_loop3A_1616, %parallel_loop3A_1617, %parallel_loop3A_1618], %parallel_loop3A_1621 {add = true, strides = array<i32>} : memref<4x128x128xf32, #tpu.memory_space<vmem>>, vector<1x1x16xf32>,
        %parallel_loop3A_1622 = arith.constant 0 : i32
        %parallel_loop3A_1623 = arith.index_cast %parallel_loop3A_1622 : i32 to index
        %parallel_loop3A_1624 = arith.constant 64 : index
        %parallel_loop3A_1625 = tpu.vector_load %arg6[%parallel_loop3A_1623, %parallel_loop3A_1624] {strides = array<i32>} : memref<4x128xf32, #tpu.memory_space<vmem>>, vector<1x16xf32>,
        %parallel_loop3A_1626 = vector.shape_cast %parallel_loop3A_1625 : vector<1x16xf32> to vector<16xf32>
        %parallel_loop3A_1627 = arith.constant 0 : i32
        %parallel_loop3A_1628 = arith.index_cast %parallel_loop3A_1627 : i32 to index
        %parallel_loop3A_1629 = arith.constant 80 : index
        %parallel_loop3A_1630 = tpu.vector_load %arg6[%parallel_loop3A_1628, %parallel_loop3A_1629] {strides = array<i32>} : memref<4x128xf32, #tpu.memory_space<vmem>>, vector<1x16xf32>,
        %parallel_loop3A_1631 = vector.shape_cast %parallel_loop3A_1630 : vector<1x16xf32> to vector<16xf32>
        %parallel_loop3A_1632 = arith.constant 0 : i32
        %parallel_loop3A_1633 = arith.index_cast %parallel_loop3A_1632 : i32 to index
        %parallel_loop3A_1634 = arith.constant 96 : index
        %parallel_loop3A_1635 = tpu.vector_load %arg6[%parallel_loop3A_1633, %parallel_loop3A_1634] {strides = array<i32>} : memref<4x128xf32, #tpu.memory_space<vmem>>, vector<1x16xf32>,
        %parallel_loop3A_1636 = vector.shape_cast %parallel_loop3A_1635 : vector<1x16xf32> to vector<16xf32>
        %parallel_loop3A_1637 = arith.constant 0 : i32
        %parallel_loop3A_1638 = arith.index_cast %parallel_loop3A_1637 : i32 to index
        %parallel_loop3A_1639 = arith.constant 112 : index
        %parallel_loop3A_1640 = tpu.vector_load %arg6[%parallel_loop3A_1638, %parallel_loop3A_1639] {strides = array<i32>} : memref<4x128xf32, #tpu.memory_space<vmem>>, vector<1x16xf32>,
        %parallel_loop3A_1641 = vector.shape_cast %parallel_loop3A_1640 : vector<1x16xf32> to vector<16xf32>
        %parallel_loop3A_1642 = arith.constant 1 : i32
        %parallel_loop3A_1643 = arith.index_cast %parallel_loop3A_1642 : i32 to index
        %parallel_loop3A_1644 = arith.constant 64 : index
        %parallel_loop3A_1645 = tpu.vector_load %arg6[%parallel_loop3A_1643, %parallel_loop3A_1644] {strides = array<i32>} : memref<4x128xf32, #tpu.memory_space<vmem>>, vector<1x16xf32>,
        %parallel_loop3A_1646 = vector.shape_cast %parallel_loop3A_1645 : vector<1x16xf32> to vector<16xf32>
        %parallel_loop3A_1647 = arith.constant 1 : i32
        %parallel_loop3A_1648 = arith.index_cast %parallel_loop3A_1647 : i32 to index
        %parallel_loop3A_1649 = arith.constant 80 : index
        %parallel_loop3A_1650 = tpu.vector_load %arg6[%parallel_loop3A_1648, %parallel_loop3A_1649] {strides = array<i32>} : memref<4x128xf32, #tpu.memory_space<vmem>>, vector<1x16xf32>,
        %parallel_loop3A_1651 = vector.shape_cast %parallel_loop3A_1650 : vector<1x16xf32> to vector<16xf32>
        %parallel_loop3A_1652 = arith.constant 1 : i32
        %parallel_loop3A_1653 = arith.index_cast %parallel_loop3A_1652 : i32 to index
        %parallel_loop3A_1654 = arith.constant 96 : index
        %parallel_loop3A_1655 = tpu.vector_load %arg6[%parallel_loop3A_1653, %parallel_loop3A_1654] {strides = array<i32>} : memref<4x128xf32, #tpu.memory_space<vmem>>, vector<1x16xf32>,
        %parallel_loop3A_1656 = vector.shape_cast %parallel_loop3A_1655 : vector<1x16xf32> to vector<16xf32>
        %parallel_loop3A_1657 = arith.constant 1 : i32
        %parallel_loop3A_1658 = arith.index_cast %parallel_loop3A_1657 : i32 to index
        %parallel_loop3A_1659 = arith.constant 112 : index
        %parallel_loop3A_1660 = tpu.vector_load %arg6[%parallel_loop3A_1658, %parallel_loop3A_1659] {strides = array<i32>} : memref<4x128xf32, #tpu.memory_space<vmem>>, vector<1x16xf32>,
        %parallel_loop3A_1661 = vector.shape_cast %parallel_loop3A_1660 : vector<1x16xf32> to vector<16xf32>
        %parallel_loop3A_1662 = arith.constant 2 : i32
        %parallel_loop3A_1663 = arith.index_cast %parallel_loop3A_1662 : i32 to index
        %parallel_loop3A_1664 = arith.constant 64 : index
        %parallel_loop3A_1665 = tpu.vector_load %arg6[%parallel_loop3A_1663, %parallel_loop3A_1664] {strides = array<i32>} : memref<4x128xf32, #tpu.memory_space<vmem>>, vector<1x16xf32>,
        %parallel_loop3A_1666 = vector.shape_cast %parallel_loop3A_1665 : vector<1x16xf32> to vector<16xf32>
        %parallel_loop3A_1667 = arith.constant 2 : i32
        %parallel_loop3A_1668 = arith.index_cast %parallel_loop3A_1667 : i32 to index
        %parallel_loop3A_1669 = arith.constant 80 : index
        %parallel_loop3A_1670 = tpu.vector_load %arg6[%parallel_loop3A_1668, %parallel_loop3A_1669] {strides = array<i32>} : memref<4x128xf32, #tpu.memory_space<vmem>>, vector<1x16xf32>,
        %parallel_loop3A_1671 = vector.shape_cast %parallel_loop3A_1670 : vector<1x16xf32> to vector<16xf32>
        %parallel_loop3A_1672 = arith.constant 2 : i32
        %parallel_loop3A_1673 = arith.index_cast %parallel_loop3A_1672 : i32 to index
        %parallel_loop3A_1674 = arith.constant 96 : index
        %parallel_loop3A_1675 = tpu.vector_load %arg6[%parallel_loop3A_1673, %parallel_loop3A_1674] {strides = array<i32>} : memref<4x128xf32, #tpu.memory_space<vmem>>, vector<1x16xf32>,
        %parallel_loop3A_1676 = vector.shape_cast %parallel_loop3A_1675 : vector<1x16xf32> to vector<16xf32>
        %parallel_loop3A_1677 = arith.constant 2 : i32
        %parallel_loop3A_1678 = arith.index_cast %parallel_loop3A_1677 : i32 to index
        %parallel_loop3A_1679 = arith.constant 112 : index
        %parallel_loop3A_1680 = tpu.vector_load %arg6[%parallel_loop3A_1678, %parallel_loop3A_1679] {strides = array<i32>} : memref<4x128xf32, #tpu.memory_space<vmem>>, vector<1x16xf32>,
        %parallel_loop3A_1681 = vector.shape_cast %parallel_loop3A_1680 : vector<1x16xf32> to vector<16xf32>
        %parallel_loop3A_1682 = arith.constant 3 : i32
        %parallel_loop3A_1683 = arith.index_cast %parallel_loop3A_1682 : i32 to index
        %parallel_loop3A_1684 = arith.constant 64 : index
        %parallel_loop3A_1685 = tpu.vector_load %arg6[%parallel_loop3A_1683, %parallel_loop3A_1684] {strides = array<i32>} : memref<4x128xf32, #tpu.memory_space<vmem>>, vector<1x16xf32>,
        %parallel_loop3A_1686 = vector.shape_cast %parallel_loop3A_1685 : vector<1x16xf32> to vector<16xf32>
        %parallel_loop3A_1687 = arith.constant 3 : i32
        %parallel_loop3A_1688 = arith.index_cast %parallel_loop3A_1687 : i32 to index
        %parallel_loop3A_1689 = arith.constant 80 : index
        %parallel_loop3A_1690 = tpu.vector_load %arg6[%parallel_loop3A_1688, %parallel_loop3A_1689] {strides = array<i32>} : memref<4x128xf32, #tpu.memory_space<vmem>>, vector<1x16xf32>,
        %parallel_loop3A_1691 = vector.shape_cast %parallel_loop3A_1690 : vector<1x16xf32> to vector<16xf32>
        %parallel_loop3A_1692 = arith.constant 3 : i32
        %parallel_loop3A_1693 = arith.index_cast %parallel_loop3A_1692 : i32 to index
        %parallel_loop3A_1694 = arith.constant 96 : index
        %parallel_loop3A_1695 = tpu.vector_load %arg6[%parallel_loop3A_1693, %parallel_loop3A_1694] {strides = array<i32>} : memref<4x128xf32, #tpu.memory_space<vmem>>, vector<1x16xf32>,
        %parallel_loop3A_1696 = vector.shape_cast %parallel_loop3A_1695 : vector<1x16xf32> to vector<16xf32>
        %parallel_loop3A_1697 = arith.constant 3 : i32
        %parallel_loop3A_1698 = arith.index_cast %parallel_loop3A_1697 : i32 to index
        %parallel_loop3A_1699 = arith.constant 112 : index
        %parallel_loop3A_1700 = tpu.vector_load %arg6[%parallel_loop3A_1698, %parallel_loop3A_1699] {strides = array<i32>} : memref<4x128xf32, #tpu.memory_space<vmem>>, vector<1x16xf32>,
        %parallel_loop3A_1701 = vector.shape_cast %parallel_loop3A_1700 : vector<1x16xf32> to vector<16xf32>
        %parallel_loop3A_1702 = arith.constant 16 : i32
        %parallel_loop3A_1703 = arith.muli %parallel_loop3A_225, %parallel_loop3A_1702 : i32
        %parallel_loop3A_1704 = arith.constant 0 : i32
        %parallel_loop3A_1705 = arith.addi %parallel_loop3A_1703, %parallel_loop3A_1704 : i32
        %parallel_loop3A_1706 = vector.extract_strided_slice %parallel_loop3A_234 {offsets = [0], sizes = [1], strides = [1]} : vector<16xf32> to vector<1xf32>
        %parallel_loop3A_1707 = vector.extract %parallel_loop3A_1706[0] : f32 from vector<1xf32>
        %parallel_loop3A_1708 = vector.extract_strided_slice %parallel_loop3A_243 {offsets = [0], sizes = [1], strides = [1]} : vector<16xf32> to vector<1xf32>
        %parallel_loop3A_1709 = vector.extract %parallel_loop3A_1708[0] : f32 from vector<1xf32>
        %parallel_loop3A_1710 = vector.extract_strided_slice %parallel_loop3A_252 {offsets = [0], sizes = [1], strides = [1]} : vector<16xf32> to vector<1xf32>
        %parallel_loop3A_1711 = vector.extract %parallel_loop3A_1710[0] : f32 from vector<1xf32>
        %parallel_loop3A_1712 = vector.extract_strided_slice %parallel_loop3A_261 {offsets = [0], sizes = [1], strides = [1]} : vector<16xf32> to vector<1xf32>
        %parallel_loop3A_1713 = vector.extract %parallel_loop3A_1712[0] : f32 from vector<1xf32>
        %parallel_loop3A_1714 = vector.broadcast %parallel_loop3A_1707 : f32 to vector<16xf32>
        %parallel_loop3A_1715 = arith.mulf %parallel_loop3A_1714, %parallel_loop3A_1626 : vector<16xf32>
        %parallel_loop3A_1716 = vector.broadcast %parallel_loop3A_1709 : f32 to vector<16xf32>
        %parallel_loop3A_1717 = arith.mulf %parallel_loop3A_1716, %parallel_loop3A_1646 : vector<16xf32>
        %parallel_loop3A_1718 = arith.addf %parallel_loop3A_1715, %parallel_loop3A_1717 : vector<16xf32>
        %parallel_loop3A_1719 = vector.broadcast %parallel_loop3A_1711 : f32 to vector<16xf32>
        %parallel_loop3A_1720 = arith.mulf %parallel_loop3A_1719, %parallel_loop3A_1666 : vector<16xf32>
        %parallel_loop3A_1721 = vector.broadcast %parallel_loop3A_1713 : f32 to vector<16xf32>
        %parallel_loop3A_1722 = arith.mulf %parallel_loop3A_1721, %parallel_loop3A_1686 : vector<16xf32>
        %parallel_loop3A_1723 = arith.addf %parallel_loop3A_1720, %parallel_loop3A_1722 : vector<16xf32>
        %parallel_loop3A_1724 = arith.addf %parallel_loop3A_1718, %parallel_loop3A_1723 : vector<16xf32>
        %parallel_loop3A_1725 = arith.index_cast %rem3A_149 : i32 to index
        %parallel_loop3A_1726 = arith.index_cast %parallel_loop3A_1705 : i32 to index
        %parallel_loop3A_1727 = arith.constant 64 : index
        %parallel_loop3A_1728 = tpu.vector_load %arg8[%parallel_loop3A_1725, %parallel_loop3A_1726, %parallel_loop3A_1727] {strides = array<i32>} : memref<4x128x128xf32, #tpu.memory_space<vmem>>, vector<1x1x16xf32>,
        %parallel_loop3A_1729 = vector.shape_cast %parallel_loop3A_1728 : vector<1x1x16xf32> to vector<16xf32>
        %parallel_loop3A_1730 = vector.shape_cast %parallel_loop3A_1724 : vector<16xf32> to vector<1x1x16xf32>
        tpu.vector_store %arg8[%parallel_loop3A_1725, %parallel_loop3A_1726, %parallel_loop3A_1727], %parallel_loop3A_1730 {add = true, strides = array<i32>} : memref<4x128x128xf32, #tpu.memory_space<vmem>>, vector<1x1x16xf32>,
        %parallel_loop3A_1731 = vector.broadcast %parallel_loop3A_1707 : f32 to vector<16xf32>
        %parallel_loop3A_1732 = arith.mulf %parallel_loop3A_1731, %parallel_loop3A_1631 : vector<16xf32>
        %parallel_loop3A_1733 = vector.broadcast %parallel_loop3A_1709 : f32 to vector<16xf32>
        %parallel_loop3A_1734 = arith.mulf %parallel_loop3A_1733, %parallel_loop3A_1651 : vector<16xf32>
        %parallel_loop3A_1735 = arith.addf %parallel_loop3A_1732, %parallel_loop3A_1734 : vector<16xf32>
        %parallel_loop3A_1736 = vector.broadcast %parallel_loop3A_1711 : f32 to vector<16xf32>
        %parallel_loop3A_1737 = arith.mulf %parallel_loop3A_1736, %parallel_loop3A_1671 : vector<16xf32>
        %parallel_loop3A_1738 = vector.broadcast %parallel_loop3A_1713 : f32 to vector<16xf32>
        %parallel_loop3A_1739 = arith.mulf %parallel_loop3A_1738, %parallel_loop3A_1691 : vector<16xf32>
        %parallel_loop3A_1740 = arith.addf %parallel_loop3A_1737, %parallel_loop3A_1739 : vector<16xf32>
        %parallel_loop3A_1741 = arith.addf %parallel_loop3A_1735, %parallel_loop3A_1740 : vector<16xf32>
        %parallel_loop3A_1742 = arith.index_cast %rem3A_149 : i32 to index
        %parallel_loop3A_1743 = arith.index_cast %parallel_loop3A_1705 : i32 to index
        %parallel_loop3A_1744 = arith.constant 80 : index
        %parallel_loop3A_1745 = tpu.vector_load %arg8[%parallel_loop3A_1742, %parallel_loop3A_1743, %parallel_loop3A_1744] {strides = array<i32>} : memref<4x128x128xf32, #tpu.memory_space<vmem>>, vector<1x1x16xf32>,
        %parallel_loop3A_1746 = vector.shape_cast %parallel_loop3A_1745 : vector<1x1x16xf32> to vector<16xf32>
        %parallel_loop3A_1747 = vector.shape_cast %parallel_loop3A_1741 : vector<16xf32> to vector<1x1x16xf32>
        tpu.vector_store %arg8[%parallel_loop3A_1742, %parallel_loop3A_1743, %parallel_loop3A_1744], %parallel_loop3A_1747 {add = true, strides = array<i32>} : memref<4x128x128xf32, #tpu.memory_space<vmem>>, vector<1x1x16xf32>,
        %parallel_loop3A_1748 = vector.broadcast %parallel_loop3A_1707 : f32 to vector<16xf32>
        %parallel_loop3A_1749 = arith.mulf %parallel_loop3A_1748, %parallel_loop3A_1636 : vector<16xf32>
        %parallel_loop3A_1750 = vector.broadcast %parallel_loop3A_1709 : f32 to vector<16xf32>
        %parallel_loop3A_1751 = arith.mulf %parallel_loop3A_1750, %parallel_loop3A_1656 : vector<16xf32>
        %parallel_loop3A_1752 = arith.addf %parallel_loop3A_1749, %parallel_loop3A_1751 : vector<16xf32>
        %parallel_loop3A_1753 = vector.broadcast %parallel_loop3A_1711 : f32 to vector<16xf32>
        %parallel_loop3A_1754 = arith.mulf %parallel_loop3A_1753, %parallel_loop3A_1676 : vector<16xf32>
        %parallel_loop3A_1755 = vector.broadcast %parallel_loop3A_1713 : f32 to vector<16xf32>
        %parallel_loop3A_1756 = arith.mulf %parallel_loop3A_1755, %parallel_loop3A_1696 : vector<16xf32>
        %parallel_loop3A_1757 = arith.addf %parallel_loop3A_1754, %parallel_loop3A_1756 : vector<16xf32>
        %parallel_loop3A_1758 = arith.addf %parallel_loop3A_1752, %parallel_loop3A_1757 : vector<16xf32>
        %parallel_loop3A_1759 = arith.index_cast %rem3A_149 : i32 to index
        %parallel_loop3A_1760 = arith.index_cast %parallel_loop3A_1705 : i32 to index
        %parallel_loop3A_1761 = arith.constant 96 : index
        %parallel_loop3A_1762 = tpu.vector_load %arg8[%parallel_loop3A_1759, %parallel_loop3A_1760, %parallel_loop3A_1761] {strides = array<i32>} : memref<4x128x128xf32, #tpu.memory_space<vmem>>, vector<1x1x16xf32>,
        %parallel_loop3A_1763 = vector.shape_cast %parallel_loop3A_1762 : vector<1x1x16xf32> to vector<16xf32>
        %parallel_loop3A_1764 = vector.shape_cast %parallel_loop3A_1758 : vector<16xf32> to vector<1x1x16xf32>
        tpu.vector_store %arg8[%parallel_loop3A_1759, %parallel_loop3A_1760, %parallel_loop3A_1761], %parallel_loop3A_1764 {add = true, strides = array<i32>} : memref<4x128x128xf32, #tpu.memory_space<vmem>>, vector<1x1x16xf32>,
        %parallel_loop3A_1765 = vector.broadcast %parallel_loop3A_1707 : f32 to vector<16xf32>
        %parallel_loop3A_1766 = arith.mulf %parallel_loop3A_1765, %parallel_loop3A_1641 : vector<16xf32>
        %parallel_loop3A_1767 = vector.broadcast %parallel_loop3A_1709 : f32 to vector<16xf32>
        %parallel_loop3A_1768 = arith.mulf %parallel_loop3A_1767, %parallel_loop3A_1661 : vector<16xf32>
        %parallel_loop3A_1769 = arith.addf %parallel_loop3A_1766, %parallel_loop3A_1768 : vector<16xf32>
        %parallel_loop3A_1770 = vector.broadcast %parallel_loop3A_1711 : f32 to vector<16xf32>
        %parallel_loop3A_1771 = arith.mulf %parallel_loop3A_1770, %parallel_loop3A_1681 : vector<16xf32>
        %parallel_loop3A_1772 = vector.broadcast %parallel_loop3A_1713 : f32 to vector<16xf32>
        %parallel_loop3A_1773 = arith.mulf %parallel_loop3A_1772, %parallel_loop3A_1701 : vector<16xf32>
        %parallel_loop3A_1774 = arith.addf %parallel_loop3A_1771, %parallel_loop3A_1773 : vector<16xf32>
        %parallel_loop3A_1775 = arith.addf %parallel_loop3A_1769, %parallel_loop3A_1774 : vector<16xf32>
        %parallel_loop3A_1776 = arith.index_cast %rem3A_149 : i32 to index
        %parallel_loop3A_1777 = arith.index_cast %parallel_loop3A_1705 : i32 to index
        %parallel_loop3A_1778 = arith.constant 112 : index
        %parallel_loop3A_1779 = tpu.vector_load %arg8[%parallel_loop3A_1776, %parallel_loop3A_1777, %parallel_loop3A_1778] {strides = array<i32>} : memref<4x128x128xf32, #tpu.memory_space<vmem>>, vector<1x1x16xf32>,
        %parallel_loop3A_1780 = vector.shape_cast %parallel_loop3A_1779 : vector<1x1x16xf32> to vector<16xf32>
        %parallel_loop3A_1781 = vector.shape_cast %parallel_loop3A_1775 : vector<16xf32> to vector<1x1x16xf32>
        tpu.vector_store %arg8[%parallel_loop3A_1776, %parallel_loop3A_1777, %parallel_loop3A_1778], %parallel_loop3A_1781 {add = true, strides = array<i32>} : memref<4x128x128xf32, #tpu.memory_space<vmem>>, vector<1x1x16xf32>,
        %parallel_loop3A_1782 = arith.constant 16 : i32
        %parallel_loop3A_1783 = arith.muli %parallel_loop3A_225, %parallel_loop3A_1782 : i32
        %parallel_loop3A_1784 = arith.constant 1 : i32
        %parallel_loop3A_1785 = arith.addi %parallel_loop3A_1783, %parallel_loop3A_1784 : i32
        %parallel_loop3A_1786 = vector.extract_strided_slice %parallel_loop3A_234 {offsets = [1], sizes = [1], strides = [1]} : vector<16xf32> to vector<1xf32>
        %parallel_loop3A_1787 = vector.extract %parallel_loop3A_1786[0] : f32 from vector<1xf32>
        %parallel_loop3A_1788 = vector.extract_strided_slice %parallel_loop3A_243 {offsets = [1], sizes = [1], strides = [1]} : vector<16xf32> to vector<1xf32>
        %parallel_loop3A_1789 = vector.extract %parallel_loop3A_1788[0] : f32 from vector<1xf32>
        %parallel_loop3A_1790 = vector.extract_strided_slice %parallel_loop3A_252 {offsets = [1], sizes = [1], strides = [1]} : vector<16xf32> to vector<1xf32>
        %parallel_loop3A_1791 = vector.extract %parallel_loop3A_1790[0] : f32 from vector<1xf32>
        %parallel_loop3A_1792 = vector.extract_strided_slice %parallel_loop3A_261 {offsets = [1], sizes = [1], strides = [1]} : vector<16xf32> to vector<1xf32>
        %parallel_loop3A_1793 = vector.extract %parallel_loop3A_1792[0] : f32 from vector<1xf32>
        %parallel_loop3A_1794 = vector.broadcast %parallel_loop3A_1787 : f32 to vector<16xf32>
        %parallel_loop3A_1795 = arith.mulf %parallel_loop3A_1794, %parallel_loop3A_1626 : vector<16xf32>
        %parallel_loop3A_1796 = vector.broadcast %parallel_loop3A_1789 : f32 to vector<16xf32>
        %parallel_loop3A_1797 = arith.mulf %parallel_loop3A_1796, %parallel_loop3A_1646 : vector<16xf32>
        %parallel_loop3A_1798 = arith.addf %parallel_loop3A_1795, %parallel_loop3A_1797 : vector<16xf32>
        %parallel_loop3A_1799 = vector.broadcast %parallel_loop3A_1791 : f32 to vector<16xf32>
        %parallel_loop3A_1800 = arith.mulf %parallel_loop3A_1799, %parallel_loop3A_1666 : vector<16xf32>
        %parallel_loop3A_1801 = vector.broadcast %parallel_loop3A_1793 : f32 to vector<16xf32>
        %parallel_loop3A_1802 = arith.mulf %parallel_loop3A_1801, %parallel_loop3A_1686 : vector<16xf32>
        %parallel_loop3A_1803 = arith.addf %parallel_loop3A_1800, %parallel_loop3A_1802 : vector<16xf32>
        %parallel_loop3A_1804 = arith.addf %parallel_loop3A_1798, %parallel_loop3A_1803 : vector<16xf32>
        %parallel_loop3A_1805 = arith.index_cast %rem3A_149 : i32 to index
        %parallel_loop3A_1806 = arith.index_cast %parallel_loop3A_1785 : i32 to index
        %parallel_loop3A_1807 = arith.constant 64 : index
        %parallel_loop3A_1808 = tpu.vector_load %arg8[%parallel_loop3A_1805, %parallel_loop3A_1806, %parallel_loop3A_1807] {strides = array<i32>} : memref<4x128x128xf32, #tpu.memory_space<vmem>>, vector<1x1x16xf32>,
        %parallel_loop3A_1809 = vector.shape_cast %parallel_loop3A_1808 : vector<1x1x16xf32> to vector<16xf32>
        %parallel_loop3A_1810 = vector.shape_cast %parallel_loop3A_1804 : vector<16xf32> to vector<1x1x16xf32>
        tpu.vector_store %arg8[%parallel_loop3A_1805, %parallel_loop3A_1806, %parallel_loop3A_1807], %parallel_loop3A_1810 {add = true, strides = array<i32>} : memref<4x128x128xf32, #tpu.memory_space<vmem>>, vector<1x1x16xf32>,
        %parallel_loop3A_1811 = vector.broadcast %parallel_loop3A_1787 : f32 to vector<16xf32>
        %parallel_loop3A_1812 = arith.mulf %parallel_loop3A_1811, %parallel_loop3A_1631 : vector<16xf32>
        %parallel_loop3A_1813 = vector.broadcast %parallel_loop3A_1789 : f32 to vector<16xf32>
        %parallel_loop3A_1814 = arith.mulf %parallel_loop3A_1813, %parallel_loop3A_1651 : vector<16xf32>
        %parallel_loop3A_1815 = arith.addf %parallel_loop3A_1812, %parallel_loop3A_1814 : vector<16xf32>
        %parallel_loop3A_1816 = vector.broadcast %parallel_loop3A_1791 : f32 to vector<16xf32>
        %parallel_loop3A_1817 = arith.mulf %parallel_loop3A_1816, %parallel_loop3A_1671 : vector<16xf32>
        %parallel_loop3A_1818 = vector.broadcast %parallel_loop3A_1793 : f32 to vector<16xf32>
        %parallel_loop3A_1819 = arith.mulf %parallel_loop3A_1818, %parallel_loop3A_1691 : vector<16xf32>
        %parallel_loop3A_1820 = arith.addf %parallel_loop3A_1817, %parallel_loop3A_1819 : vector<16xf32>
        %parallel_loop3A_1821 = arith.addf %parallel_loop3A_1815, %parallel_loop3A_1820 : vector<16xf32>
        %parallel_loop3A_1822 = arith.index_cast %rem3A_149 : i32 to index
        %parallel_loop3A_1823 = arith.index_cast %parallel_loop3A_1785 : i32 to index
        %parallel_loop3A_1824 = arith.constant 80 : index
        %parallel_loop3A_1825 = tpu.vector_load %arg8[%parallel_loop3A_1822, %parallel_loop3A_1823, %parallel_loop3A_1824] {strides = array<i32>} : memref<4x128x128xf32, #tpu.memory_space<vmem>>, vector<1x1x16xf32>,
        %parallel_loop3A_1826 = vector.shape_cast %parallel_loop3A_1825 : vector<1x1x16xf32> to vector<16xf32>
        %parallel_loop3A_1827 = vector.shape_cast %parallel_loop3A_1821 : vector<16xf32> to vector<1x1x16xf32>
        tpu.vector_store %arg8[%parallel_loop3A_1822, %parallel_loop3A_1823, %parallel_loop3A_1824], %parallel_loop3A_1827 {add = true, strides = array<i32>} : memref<4x128x128xf32, #tpu.memory_space<vmem>>, vector<1x1x16xf32>,
        %parallel_loop3A_1828 = vector.broadcast %parallel_loop3A_1787 : f32 to vector<16xf32>
        %parallel_loop3A_1829 = arith.mulf %parallel_loop3A_1828, %parallel_loop3A_1636 : vector<16xf32>
        %parallel_loop3A_1830 = vector.broadcast %parallel_loop3A_1789 : f32 to vector<16xf32>
        %parallel_loop3A_1831 = arith.mulf %parallel_loop3A_1830, %parallel_loop3A_1656 : vector<16xf32>
        %parallel_loop3A_1832 = arith.addf %parallel_loop3A_1829, %parallel_loop3A_1831 : vector<16xf32>
        %parallel_loop3A_1833 = vector.broadcast %parallel_loop3A_1791 : f32 to vector<16xf32>
        %parallel_loop3A_1834 = arith.mulf %parallel_loop3A_1833, %parallel_loop3A_1676 : vector<16xf32>
        %parallel_loop3A_1835 = vector.broadcast %parallel_loop3A_1793 : f32 to vector<16xf32>
        %parallel_loop3A_1836 = arith.mulf %parallel_loop3A_1835, %parallel_loop3A_1696 : vector<16xf32>
        %parallel_loop3A_1837 = arith.addf %parallel_loop3A_1834, %parallel_loop3A_1836 : vector<16xf32>
        %parallel_loop3A_1838 = arith.addf %parallel_loop3A_1832, %parallel_loop3A_1837 : vector<16xf32>
        %parallel_loop3A_1839 = arith.index_cast %rem3A_149 : i32 to index
        %parallel_loop3A_1840 = arith.index_cast %parallel_loop3A_1785 : i32 to index
        %parallel_loop3A_1841 = arith.constant 96 : index
        %parallel_loop3A_1842 = tpu.vector_load %arg8[%parallel_loop3A_1839, %parallel_loop3A_1840, %parallel_loop3A_1841] {strides = array<i32>} : memref<4x128x128xf32, #tpu.memory_space<vmem>>, vector<1x1x16xf32>,
        %parallel_loop3A_1843 = vector.shape_cast %parallel_loop3A_1842 : vector<1x1x16xf32> to vector<16xf32>
        %parallel_loop3A_1844 = vector.shape_cast %parallel_loop3A_1838 : vector<16xf32> to vector<1x1x16xf32>
        tpu.vector_store %arg8[%parallel_loop3A_1839, %parallel_loop3A_1840, %parallel_loop3A_1841], %parallel_loop3A_1844 {add = true, strides = array<i32>} : memref<4x128x128xf32, #tpu.memory_space<vmem>>, vector<1x1x16xf32>,
        %parallel_loop3A_1845 = vector.broadcast %parallel_loop3A_1787 : f32 to vector<16xf32>
        %parallel_loop3A_1846 = arith.mulf %parallel_loop3A_1845, %parallel_loop3A_1641 : vector<16xf32>
        %parallel_loop3A_1847 = vector.broadcast %parallel_loop3A_1789 : f32 to vector<16xf32>
        %parallel_loop3A_1848 = arith.mulf %parallel_loop3A_1847, %parallel_loop3A_1661 : vector<16xf32>
        %parallel_loop3A_1849 = arith.addf %parallel_loop3A_1846, %parallel_loop3A_1848 : vector<16xf32>
        %parallel_loop3A_1850 = vector.broadcast %parallel_loop3A_1791 : f32 to vector<16xf32>
        %parallel_loop3A_1851 = arith.mulf %parallel_loop3A_1850, %parallel_loop3A_1681 : vector<16xf32>
        %parallel_loop3A_1852 = vector.broadcast %parallel_loop3A_1793 : f32 to vector<16xf32>
        %parallel_loop3A_1853 = arith.mulf %parallel_loop3A_1852, %parallel_loop3A_1701 : vector<16xf32>
        %parallel_loop3A_1854 = arith.addf %parallel_loop3A_1851, %parallel_loop3A_1853 : vector<16xf32>
        %parallel_loop3A_1855 = arith.addf %parallel_loop3A_1849, %parallel_loop3A_1854 : vector<16xf32>
        %parallel_loop3A_1856 = arith.index_cast %rem3A_149 : i32 to index
        %parallel_loop3A_1857 = arith.index_cast %parallel_loop3A_1785 : i32 to index
        %parallel_loop3A_1858 = arith.constant 112 : index
        %parallel_loop3A_1859 = tpu.vector_load %arg8[%parallel_loop3A_1856, %parallel_loop3A_1857, %parallel_loop3A_1858] {strides = array<i32>} : memref<4x128x128xf32, #tpu.memory_space<vmem>>, vector<1x1x16xf32>,
        %parallel_loop3A_1860 = vector.shape_cast %parallel_loop3A_1859 : vector<1x1x16xf32> to vector<16xf32>
        %parallel_loop3A_1861 = vector.shape_cast %parallel_loop3A_1855 : vector<16xf32> to vector<1x1x16xf32>
        tpu.vector_store %arg8[%parallel_loop3A_1856, %parallel_loop3A_1857, %parallel_loop3A_1858], %parallel_loop3A_1861 {add = true, strides = array<i32>} : memref<4x128x128xf32, #tpu.memory_space<vmem>>, vector<1x1x16xf32>,
        %parallel_loop3A_1862 = arith.constant 16 : i32
        %parallel_loop3A_1863 = arith.muli %parallel_loop3A_225, %parallel_loop3A_1862 : i32
        %parallel_loop3A_1864 = arith.constant 2 : i32
        %parallel_loop3A_1865 = arith.addi %parallel_loop3A_1863, %parallel_loop3A_1864 : i32
        %parallel_loop3A_1866 = vector.extract_strided_slice %parallel_loop3A_234 {offsets = [2], sizes = [1], strides = [1]} : vector<16xf32> to vector<1xf32>
        %parallel_loop3A_1867 = vector.extract %parallel_loop3A_1866[0] : f32 from vector<1xf32>
        %parallel_loop3A_1868 = vector.extract_strided_slice %parallel_loop3A_243 {offsets = [2], sizes = [1], strides = [1]} : vector<16xf32> to vector<1xf32>
        %parallel_loop3A_1869 = vector.extract %parallel_loop3A_1868[0] : f32 from vector<1xf32>
        %parallel_loop3A_1870 = vector.extract_strided_slice %parallel_loop3A_252 {offsets = [2], sizes = [1], strides = [1]} : vector<16xf32> to vector<1xf32>
        %parallel_loop3A_1871 = vector.extract %parallel_loop3A_1870[0] : f32 from vector<1xf32>
        %parallel_loop3A_1872 = vector.extract_strided_slice %parallel_loop3A_261 {offsets = [2], sizes = [1], strides = [1]} : vector<16xf32> to vector<1xf32>
        %parallel_loop3A_1873 = vector.extract %parallel_loop3A_1872[0] : f32 from vector<1xf32>
        %parallel_loop3A_1874 = vector.broadcast %parallel_loop3A_1867 : f32 to vector<16xf32>
        %parallel_loop3A_1875 = arith.mulf %parallel_loop3A_1874, %parallel_loop3A_1626 : vector<16xf32>
        %parallel_loop3A_1876 = vector.broadcast %parallel_loop3A_1869 : f32 to vector<16xf32>
        %parallel_loop3A_1877 = arith.mulf %parallel_loop3A_1876, %parallel_loop3A_1646 : vector<16xf32>
        %parallel_loop3A_1878 = arith.addf %parallel_loop3A_1875, %parallel_loop3A_1877 : vector<16xf32>
        %parallel_loop3A_1879 = vector.broadcast %parallel_loop3A_1871 : f32 to vector<16xf32>
        %parallel_loop3A_1880 = arith.mulf %parallel_loop3A_1879, %parallel_loop3A_1666 : vector<16xf32>
        %parallel_loop3A_1881 = vector.broadcast %parallel_loop3A_1873 : f32 to vector<16xf32>
        %parallel_loop3A_1882 = arith.mulf %parallel_loop3A_1881, %parallel_loop3A_1686 : vector<16xf32>
        %parallel_loop3A_1883 = arith.addf %parallel_loop3A_1880, %parallel_loop3A_1882 : vector<16xf32>
        %parallel_loop3A_1884 = arith.addf %parallel_loop3A_1878, %parallel_loop3A_1883 : vector<16xf32>
        %parallel_loop3A_1885 = arith.index_cast %rem3A_149 : i32 to index
        %parallel_loop3A_1886 = arith.index_cast %parallel_loop3A_1865 : i32 to index
        %parallel_loop3A_1887 = arith.constant 64 : index
        %parallel_loop3A_1888 = tpu.vector_load %arg8[%parallel_loop3A_1885, %parallel_loop3A_1886, %parallel_loop3A_1887] {strides = array<i32>} : memref<4x128x128xf32, #tpu.memory_space<vmem>>, vector<1x1x16xf32>,
        %parallel_loop3A_1889 = vector.shape_cast %parallel_loop3A_1888 : vector<1x1x16xf32> to vector<16xf32>
        %parallel_loop3A_1890 = vector.shape_cast %parallel_loop3A_1884 : vector<16xf32> to vector<1x1x16xf32>
        tpu.vector_store %arg8[%parallel_loop3A_1885, %parallel_loop3A_1886, %parallel_loop3A_1887], %parallel_loop3A_1890 {add = true, strides = array<i32>} : memref<4x128x128xf32, #tpu.memory_space<vmem>>, vector<1x1x16xf32>,
        %parallel_loop3A_1891 = vector.broadcast %parallel_loop3A_1867 : f32 to vector<16xf32>
        %parallel_loop3A_1892 = arith.mulf %parallel_loop3A_1891, %parallel_loop3A_1631 : vector<16xf32>
        %parallel_loop3A_1893 = vector.broadcast %parallel_loop3A_1869 : f32 to vector<16xf32>
        %parallel_loop3A_1894 = arith.mulf %parallel_loop3A_1893, %parallel_loop3A_1651 : vector<16xf32>
        %parallel_loop3A_1895 = arith.addf %parallel_loop3A_1892, %parallel_loop3A_1894 : vector<16xf32>
        %parallel_loop3A_1896 = vector.broadcast %parallel_loop3A_1871 : f32 to vector<16xf32>
        %parallel_loop3A_1897 = arith.mulf %parallel_loop3A_1896, %parallel_loop3A_1671 : vector<16xf32>
        %parallel_loop3A_1898 = vector.broadcast %parallel_loop3A_1873 : f32 to vector<16xf32>
        %parallel_loop3A_1899 = arith.mulf %parallel_loop3A_1898, %parallel_loop3A_1691 : vector<16xf32>
        %parallel_loop3A_1900 = arith.addf %parallel_loop3A_1897, %parallel_loop3A_1899 : vector<16xf32>
        %parallel_loop3A_1901 = arith.addf %parallel_loop3A_1895, %parallel_loop3A_1900 : vector<16xf32>
        %parallel_loop3A_1902 = arith.index_cast %rem3A_149 : i32 to index
        %parallel_loop3A_1903 = arith.index_cast %parallel_loop3A_1865 : i32 to index
        %parallel_loop3A_1904 = arith.constant 80 : index
        %parallel_loop3A_1905 = tpu.vector_load %arg8[%parallel_loop3A_1902, %parallel_loop3A_1903, %parallel_loop3A_1904] {strides = array<i32>} : memref<4x128x128xf32, #tpu.memory_space<vmem>>, vector<1x1x16xf32>,
        %parallel_loop3A_1906 = vector.shape_cast %parallel_loop3A_1905 : vector<1x1x16xf32> to vector<16xf32>
        %parallel_loop3A_1907 = vector.shape_cast %parallel_loop3A_1901 : vector<16xf32> to vector<1x1x16xf32>
        tpu.vector_store %arg8[%parallel_loop3A_1902, %parallel_loop3A_1903, %parallel_loop3A_1904], %parallel_loop3A_1907 {add = true, strides = array<i32>} : memref<4x128x128xf32, #tpu.memory_space<vmem>>, vector<1x1x16xf32>,
        %parallel_loop3A_1908 = vector.broadcast %parallel_loop3A_1867 : f32 to vector<16xf32>
        %parallel_loop3A_1909 = arith.mulf %parallel_loop3A_1908, %parallel_loop3A_1636 : vector<16xf32>
        %parallel_loop3A_1910 = vector.broadcast %parallel_loop3A_1869 : f32 to vector<16xf32>
        %parallel_loop3A_1911 = arith.mulf %parallel_loop3A_1910, %parallel_loop3A_1656 : vector<16xf32>
        %parallel_loop3A_1912 = arith.addf %parallel_loop3A_1909, %parallel_loop3A_1911 : vector<16xf32>
        %parallel_loop3A_1913 = vector.broadcast %parallel_loop3A_1871 : f32 to vector<16xf32>
        %parallel_loop3A_1914 = arith.mulf %parallel_loop3A_1913, %parallel_loop3A_1676 : vector<16xf32>
        %parallel_loop3A_1915 = vector.broadcast %parallel_loop3A_1873 : f32 to vector<16xf32>
        %parallel_loop3A_1916 = arith.mulf %parallel_loop3A_1915, %parallel_loop3A_1696 : vector<16xf32>
        %parallel_loop3A_1917 = arith.addf %parallel_loop3A_1914, %parallel_loop3A_1916 : vector<16xf32>
        %parallel_loop3A_1918 = arith.addf %parallel_loop3A_1912, %parallel_loop3A_1917 : vector<16xf32>
        %parallel_loop3A_1919 = arith.index_cast %rem3A_149 : i32 to index
        %parallel_loop3A_1920 = arith.index_cast %parallel_loop3A_1865 : i32 to index
        %parallel_loop3A_1921 = arith.constant 96 : index
        %parallel_loop3A_1922 = tpu.vector_load %arg8[%parallel_loop3A_1919, %parallel_loop3A_1920, %parallel_loop3A_1921] {strides = array<i32>} : memref<4x128x128xf32, #tpu.memory_space<vmem>>, vector<1x1x16xf32>,
        %parallel_loop3A_1923 = vector.shape_cast %parallel_loop3A_1922 : vector<1x1x16xf32> to vector<16xf32>
        %parallel_loop3A_1924 = vector.shape_cast %parallel_loop3A_1918 : vector<16xf32> to vector<1x1x16xf32>
        tpu.vector_store %arg8[%parallel_loop3A_1919, %parallel_loop3A_1920, %parallel_loop3A_1921], %parallel_loop3A_1924 {add = true, strides = array<i32>} : memref<4x128x128xf32, #tpu.memory_space<vmem>>, vector<1x1x16xf32>,
        %parallel_loop3A_1925 = vector.broadcast %parallel_loop3A_1867 : f32 to vector<16xf32>
        %parallel_loop3A_1926 = arith.mulf %parallel_loop3A_1925, %parallel_loop3A_1641 : vector<16xf32>
        %parallel_loop3A_1927 = vector.broadcast %parallel_loop3A_1869 : f32 to vector<16xf32>
        %parallel_loop3A_1928 = arith.mulf %parallel_loop3A_1927, %parallel_loop3A_1661 : vector<16xf32>
        %parallel_loop3A_1929 = arith.addf %parallel_loop3A_1926, %parallel_loop3A_1928 : vector<16xf32>
        %parallel_loop3A_1930 = vector.broadcast %parallel_loop3A_1871 : f32 to vector<16xf32>
        %parallel_loop3A_1931 = arith.mulf %parallel_loop3A_1930, %parallel_loop3A_1681 : vector<16xf32>
        %parallel_loop3A_1932 = vector.broadcast %parallel_loop3A_1873 : f32 to vector<16xf32>
        %parallel_loop3A_1933 = arith.mulf %parallel_loop3A_1932, %parallel_loop3A_1701 : vector<16xf32>
        %parallel_loop3A_1934 = arith.addf %parallel_loop3A_1931, %parallel_loop3A_1933 : vector<16xf32>
        %parallel_loop3A_1935 = arith.addf %parallel_loop3A_1929, %parallel_loop3A_1934 : vector<16xf32>
        %parallel_loop3A_1936 = arith.index_cast %rem3A_149 : i32 to index
        %parallel_loop3A_1937 = arith.index_cast %parallel_loop3A_1865 : i32 to index
        %parallel_loop3A_1938 = arith.constant 112 : index
        %parallel_loop3A_1939 = tpu.vector_load %arg8[%parallel_loop3A_1936, %parallel_loop3A_1937, %parallel_loop3A_1938] {strides = array<i32>} : memref<4x128x128xf32, #tpu.memory_space<vmem>>, vector<1x1x16xf32>,
        %parallel_loop3A_1940 = vector.shape_cast %parallel_loop3A_1939 : vector<1x1x16xf32> to vector<16xf32>
        %parallel_loop3A_1941 = vector.shape_cast %parallel_loop3A_1935 : vector<16xf32> to vector<1x1x16xf32>
        tpu.vector_store %arg8[%parallel_loop3A_1936, %parallel_loop3A_1937, %parallel_loop3A_1938], %parallel_loop3A_1941 {add = true, strides = array<i32>} : memref<4x128x128xf32, #tpu.memory_space<vmem>>, vector<1x1x16xf32>,
        %parallel_loop3A_1942 = arith.constant 16 : i32
        %parallel_loop3A_1943 = arith.muli %parallel_loop3A_225, %parallel_loop3A_1942 : i32
        %parallel_loop3A_1944 = arith.constant 3 : i32
        %parallel_loop3A_1945 = arith.addi %parallel_loop3A_1943, %parallel_loop3A_1944 : i32
        %parallel_loop3A_1946 = vector.extract_strided_slice %parallel_loop3A_234 {offsets = [3], sizes = [1], strides = [1]} : vector<16xf32> to vector<1xf32>
        %parallel_loop3A_1947 = vector.extract %parallel_loop3A_1946[0] : f32 from vector<1xf32>
        %parallel_loop3A_1948 = vector.extract_strided_slice %parallel_loop3A_243 {offsets = [3], sizes = [1], strides = [1]} : vector<16xf32> to vector<1xf32>
        %parallel_loop3A_1949 = vector.extract %parallel_loop3A_1948[0] : f32 from vector<1xf32>
        %parallel_loop3A_1950 = vector.extract_strided_slice %parallel_loop3A_252 {offsets = [3], sizes = [1], strides = [1]} : vector<16xf32> to vector<1xf32>
        %parallel_loop3A_1951 = vector.extract %parallel_loop3A_1950[0] : f32 from vector<1xf32>
        %parallel_loop3A_1952 = vector.extract_strided_slice %parallel_loop3A_261 {offsets = [3], sizes = [1], strides = [1]} : vector<16xf32> to vector<1xf32>
        %parallel_loop3A_1953 = vector.extract %parallel_loop3A_1952[0] : f32 from vector<1xf32>
        %parallel_loop3A_1954 = vector.broadcast %parallel_loop3A_1947 : f32 to vector<16xf32>
        %parallel_loop3A_1955 = arith.mulf %parallel_loop3A_1954, %parallel_loop3A_1626 : vector<16xf32>
        %parallel_loop3A_1956 = vector.broadcast %parallel_loop3A_1949 : f32 to vector<16xf32>
        %parallel_loop3A_1957 = arith.mulf %parallel_loop3A_1956, %parallel_loop3A_1646 : vector<16xf32>
        %parallel_loop3A_1958 = arith.addf %parallel_loop3A_1955, %parallel_loop3A_1957 : vector<16xf32>
        %parallel_loop3A_1959 = vector.broadcast %parallel_loop3A_1951 : f32 to vector<16xf32>
        %parallel_loop3A_1960 = arith.mulf %parallel_loop3A_1959, %parallel_loop3A_1666 : vector<16xf32>
        %parallel_loop3A_1961 = vector.broadcast %parallel_loop3A_1953 : f32 to vector<16xf32>
        %parallel_loop3A_1962 = arith.mulf %parallel_loop3A_1961, %parallel_loop3A_1686 : vector<16xf32>
        %parallel_loop3A_1963 = arith.addf %parallel_loop3A_1960, %parallel_loop3A_1962 : vector<16xf32>
        %parallel_loop3A_1964 = arith.addf %parallel_loop3A_1958, %parallel_loop3A_1963 : vector<16xf32>
        %parallel_loop3A_1965 = arith.index_cast %rem3A_149 : i32 to index
        %parallel_loop3A_1966 = arith.index_cast %parallel_loop3A_1945 : i32 to index
        %parallel_loop3A_1967 = arith.constant 64 : index
        %parallel_loop3A_1968 = tpu.vector_load %arg8[%parallel_loop3A_1965, %parallel_loop3A_1966, %parallel_loop3A_1967] {strides = array<i32>} : memref<4x128x128xf32, #tpu.memory_space<vmem>>, vector<1x1x16xf32>,
        %parallel_loop3A_1969 = vector.shape_cast %parallel_loop3A_1968 : vector<1x1x16xf32> to vector<16xf32>
        %parallel_loop3A_1970 = vector.shape_cast %parallel_loop3A_1964 : vector<16xf32> to vector<1x1x16xf32>
        tpu.vector_store %arg8[%parallel_loop3A_1965, %parallel_loop3A_1966, %parallel_loop3A_1967], %parallel_loop3A_1970 {add = true, strides = array<i32>} : memref<4x128x128xf32, #tpu.memory_space<vmem>>, vector<1x1x16xf32>,
        %parallel_loop3A_1971 = vector.broadcast %parallel_loop3A_1947 : f32 to vector<16xf32>
        %parallel_loop3A_1972 = arith.mulf %parallel_loop3A_1971, %parallel_loop3A_1631 : vector<16xf32>
        %parallel_loop3A_1973 = vector.broadcast %parallel_loop3A_1949 : f32 to vector<16xf32>
        %parallel_loop3A_1974 = arith.mulf %parallel_loop3A_1973, %parallel_loop3A_1651 : vector<16xf32>
        %parallel_loop3A_1975 = arith.addf %parallel_loop3A_1972, %parallel_loop3A_1974 : vector<16xf32>
        %parallel_loop3A_1976 = vector.broadcast %parallel_loop3A_1951 : f32 to vector<16xf32>
        %parallel_loop3A_1977 = arith.mulf %parallel_loop3A_1976, %parallel_loop3A_1671 : vector<16xf32>
        %parallel_loop3A_1978 = vector.broadcast %parallel_loop3A_1953 : f32 to vector<16xf32>
        %parallel_loop3A_1979 = arith.mulf %parallel_loop3A_1978, %parallel_loop3A_1691 : vector<16xf32>
        %parallel_loop3A_1980 = arith.addf %parallel_loop3A_1977, %parallel_loop3A_1979 : vector<16xf32>
        %parallel_loop3A_1981 = arith.addf %parallel_loop3A_1975, %parallel_loop3A_1980 : vector<16xf32>
        %parallel_loop3A_1982 = arith.index_cast %rem3A_149 : i32 to index
        %parallel_loop3A_1983 = arith.index_cast %parallel_loop3A_1945 : i32 to index
        %parallel_loop3A_1984 = arith.constant 80 : index
        %parallel_loop3A_1985 = tpu.vector_load %arg8[%parallel_loop3A_1982, %parallel_loop3A_1983, %parallel_loop3A_1984] {strides = array<i32>} : memref<4x128x128xf32, #tpu.memory_space<vmem>>, vector<1x1x16xf32>,
        %parallel_loop3A_1986 = vector.shape_cast %parallel_loop3A_1985 : vector<1x1x16xf32> to vector<16xf32>
        %parallel_loop3A_1987 = vector.shape_cast %parallel_loop3A_1981 : vector<16xf32> to vector<1x1x16xf32>
        tpu.vector_store %arg8[%parallel_loop3A_1982, %parallel_loop3A_1983, %parallel_loop3A_1984], %parallel_loop3A_1987 {add = true, strides = array<i32>} : memref<4x128x128xf32, #tpu.memory_space<vmem>>, vector<1x1x16xf32>,
        %parallel_loop3A_1988 = vector.broadcast %parallel_loop3A_1947 : f32 to vector<16xf32>
        %parallel_loop3A_1989 = arith.mulf %parallel_loop3A_1988, %parallel_loop3A_1636 : vector<16xf32>
        %parallel_loop3A_1990 = vector.broadcast %parallel_loop3A_1949 : f32 to vector<16xf32>
        %parallel_loop3A_1991 = arith.mulf %parallel_loop3A_1990, %parallel_loop3A_1656 : vector<16xf32>
        %parallel_loop3A_1992 = arith.addf %parallel_loop3A_1989, %parallel_loop3A_1991 : vector<16xf32>
        %parallel_loop3A_1993 = vector.broadcast %parallel_loop3A_1951 : f32 to vector<16xf32>
        %parallel_loop3A_1994 = arith.mulf %parallel_loop3A_1993, %parallel_loop3A_1676 : vector<16xf32>
        %parallel_loop3A_1995 = vector.broadcast %parallel_loop3A_1953 : f32 to vector<16xf32>
        %parallel_loop3A_1996 = arith.mulf %parallel_loop3A_1995, %parallel_loop3A_1696 : vector<16xf32>
        %parallel_loop3A_1997 = arith.addf %parallel_loop3A_1994, %parallel_loop3A_1996 : vector<16xf32>
        %parallel_loop3A_1998 = arith.addf %parallel_loop3A_1992, %parallel_loop3A_1997 : vector<16xf32>
        %parallel_loop3A_1999 = arith.index_cast %rem3A_149 : i32 to index
        %parallel_loop3A_2000 = arith.index_cast %parallel_loop3A_1945 : i32 to index
        %parallel_loop3A_2001 = arith.constant 96 : index
        %parallel_loop3A_2002 = tpu.vector_load %arg8[%parallel_loop3A_1999, %parallel_loop3A_2000, %parallel_loop3A_2001] {strides = array<i32>} : memref<4x128x128xf32, #tpu.memory_space<vmem>>, vector<1x1x16xf32>,
        %parallel_loop3A_2003 = vector.shape_cast %parallel_loop3A_2002 : vector<1x1x16xf32> to vector<16xf32>
        %parallel_loop3A_2004 = vector.shape_cast %parallel_loop3A_1998 : vector<16xf32> to vector<1x1x16xf32>
        tpu.vector_store %arg8[%parallel_loop3A_1999, %parallel_loop3A_2000, %parallel_loop3A_2001], %parallel_loop3A_2004 {add = true, strides = array<i32>} : memref<4x128x128xf32, #tpu.memory_space<vmem>>, vector<1x1x16xf32>,
        %parallel_loop3A_2005 = vector.broadcast %parallel_loop3A_1947 : f32 to vector<16xf32>
        %parallel_loop3A_2006 = arith.mulf %parallel_loop3A_2005, %parallel_loop3A_1641 : vector<16xf32>
        %parallel_loop3A_2007 = vector.broadcast %parallel_loop3A_1949 : f32 to vector<16xf32>
        %parallel_loop3A_2008 = arith.mulf %parallel_loop3A_2007, %parallel_loop3A_1661 : vector<16xf32>
        %parallel_loop3A_2009 = arith.addf %parallel_loop3A_2006, %parallel_loop3A_2008 : vector<16xf32>
        %parallel_loop3A_2010 = vector.broadcast %parallel_loop3A_1951 : f32 to vector<16xf32>
        %parallel_loop3A_2011 = arith.mulf %parallel_loop3A_2010, %parallel_loop3A_1681 : vector<16xf32>
        %parallel_loop3A_2012 = vector.broadcast %parallel_loop3A_1953 : f32 to vector<16xf32>
        %parallel_loop3A_2013 = arith.mulf %parallel_loop3A_2012, %parallel_loop3A_1701 : vector<16xf32>
        %parallel_loop3A_2014 = arith.addf %parallel_loop3A_2011, %parallel_loop3A_2013 : vector<16xf32>
        %parallel_loop3A_2015 = arith.addf %parallel_loop3A_2009, %parallel_loop3A_2014 : vector<16xf32>
        %parallel_loop3A_2016 = arith.index_cast %rem3A_149 : i32 to index
        %parallel_loop3A_2017 = arith.index_cast %parallel_loop3A_1945 : i32 to index
        %parallel_loop3A_2018 = arith.constant 112 : index
        %parallel_loop3A_2019 = tpu.vector_load %arg8[%parallel_loop3A_2016, %parallel_loop3A_2017, %parallel_loop3A_2018] {strides = array<i32>} : memref<4x128x128xf32, #tpu.memory_space<vmem>>, vector<1x1x16xf32>,
        %parallel_loop3A_2020 = vector.shape_cast %parallel_loop3A_2019 : vector<1x1x16xf32> to vector<16xf32>
        %parallel_loop3A_2021 = vector.shape_cast %parallel_loop3A_2015 : vector<16xf32> to vector<1x1x16xf32>
        tpu.vector_store %arg8[%parallel_loop3A_2016, %parallel_loop3A_2017, %parallel_loop3A_2018], %parallel_loop3A_2021 {add = true, strides = array<i32>} : memref<4x128x128xf32, #tpu.memory_space<vmem>>, vector<1x1x16xf32>,
        %parallel_loop3A_2022 = arith.constant 16 : i32
        %parallel_loop3A_2023 = arith.muli %parallel_loop3A_225, %parallel_loop3A_2022 : i32
        %parallel_loop3A_2024 = arith.constant 4 : i32
        %parallel_loop3A_2025 = arith.addi %parallel_loop3A_2023, %parallel_loop3A_2024 : i32
        %parallel_loop3A_2026 = vector.extract_strided_slice %parallel_loop3A_234 {offsets = [4], sizes = [1], strides = [1]} : vector<16xf32> to vector<1xf32>
        %parallel_loop3A_2027 = vector.extract %parallel_loop3A_2026[0] : f32 from vector<1xf32>
        %parallel_loop3A_2028 = vector.extract_strided_slice %parallel_loop3A_243 {offsets = [4], sizes = [1], strides = [1]} : vector<16xf32> to vector<1xf32>
        %parallel_loop3A_2029 = vector.extract %parallel_loop3A_2028[0] : f32 from vector<1xf32>
        %parallel_loop3A_2030 = vector.extract_strided_slice %parallel_loop3A_252 {offsets = [4], sizes = [1], strides = [1]} : vector<16xf32> to vector<1xf32>
        %parallel_loop3A_2031 = vector.extract %parallel_loop3A_2030[0] : f32 from vector<1xf32>
        %parallel_loop3A_2032 = vector.extract_strided_slice %parallel_loop3A_261 {offsets = [4], sizes = [1], strides = [1]} : vector<16xf32> to vector<1xf32>
        %parallel_loop3A_2033 = vector.extract %parallel_loop3A_2032[0] : f32 from vector<1xf32>
        %parallel_loop3A_2034 = vector.broadcast %parallel_loop3A_2027 : f32 to vector<16xf32>
        %parallel_loop3A_2035 = arith.mulf %parallel_loop3A_2034, %parallel_loop3A_1626 : vector<16xf32>
        %parallel_loop3A_2036 = vector.broadcast %parallel_loop3A_2029 : f32 to vector<16xf32>
        %parallel_loop3A_2037 = arith.mulf %parallel_loop3A_2036, %parallel_loop3A_1646 : vector<16xf32>
        %parallel_loop3A_2038 = arith.addf %parallel_loop3A_2035, %parallel_loop3A_2037 : vector<16xf32>
        %parallel_loop3A_2039 = vector.broadcast %parallel_loop3A_2031 : f32 to vector<16xf32>
        %parallel_loop3A_2040 = arith.mulf %parallel_loop3A_2039, %parallel_loop3A_1666 : vector<16xf32>
        %parallel_loop3A_2041 = vector.broadcast %parallel_loop3A_2033 : f32 to vector<16xf32>
        %parallel_loop3A_2042 = arith.mulf %parallel_loop3A_2041, %parallel_loop3A_1686 : vector<16xf32>
        %parallel_loop3A_2043 = arith.addf %parallel_loop3A_2040, %parallel_loop3A_2042 : vector<16xf32>
        %parallel_loop3A_2044 = arith.addf %parallel_loop3A_2038, %parallel_loop3A_2043 : vector<16xf32>
        %parallel_loop3A_2045 = arith.index_cast %rem3A_149 : i32 to index
        %parallel_loop3A_2046 = arith.index_cast %parallel_loop3A_2025 : i32 to index
        %parallel_loop3A_2047 = arith.constant 64 : index
        %parallel_loop3A_2048 = tpu.vector_load %arg8[%parallel_loop3A_2045, %parallel_loop3A_2046, %parallel_loop3A_2047] {strides = array<i32>} : memref<4x128x128xf32, #tpu.memory_space<vmem>>, vector<1x1x16xf32>,
        %parallel_loop3A_2049 = vector.shape_cast %parallel_loop3A_2048 : vector<1x1x16xf32> to vector<16xf32>
        %parallel_loop3A_2050 = vector.shape_cast %parallel_loop3A_2044 : vector<16xf32> to vector<1x1x16xf32>
        tpu.vector_store %arg8[%parallel_loop3A_2045, %parallel_loop3A_2046, %parallel_loop3A_2047], %parallel_loop3A_2050 {add = true, strides = array<i32>} : memref<4x128x128xf32, #tpu.memory_space<vmem>>, vector<1x1x16xf32>,
        %parallel_loop3A_2051 = vector.broadcast %parallel_loop3A_2027 : f32 to vector<16xf32>
        %parallel_loop3A_2052 = arith.mulf %parallel_loop3A_2051, %parallel_loop3A_1631 : vector<16xf32>
        %parallel_loop3A_2053 = vector.broadcast %parallel_loop3A_2029 : f32 to vector<16xf32>
        %parallel_loop3A_2054 = arith.mulf %parallel_loop3A_2053, %parallel_loop3A_1651 : vector<16xf32>
        %parallel_loop3A_2055 = arith.addf %parallel_loop3A_2052, %parallel_loop3A_2054 : vector<16xf32>
        %parallel_loop3A_2056 = vector.broadcast %parallel_loop3A_2031 : f32 to vector<16xf32>
        %parallel_loop3A_2057 = arith.mulf %parallel_loop3A_2056, %parallel_loop3A_1671 : vector<16xf32>
        %parallel_loop3A_2058 = vector.broadcast %parallel_loop3A_2033 : f32 to vector<16xf32>
        %parallel_loop3A_2059 = arith.mulf %parallel_loop3A_2058, %parallel_loop3A_1691 : vector<16xf32>
        %parallel_loop3A_2060 = arith.addf %parallel_loop3A_2057, %parallel_loop3A_2059 : vector<16xf32>
        %parallel_loop3A_2061 = arith.addf %parallel_loop3A_2055, %parallel_loop3A_2060 : vector<16xf32>
        %parallel_loop3A_2062 = arith.index_cast %rem3A_149 : i32 to index
        %parallel_loop3A_2063 = arith.index_cast %parallel_loop3A_2025 : i32 to index
        %parallel_loop3A_2064 = arith.constant 80 : index
        %parallel_loop3A_2065 = tpu.vector_load %arg8[%parallel_loop3A_2062, %parallel_loop3A_2063, %parallel_loop3A_2064] {strides = array<i32>} : memref<4x128x128xf32, #tpu.memory_space<vmem>>, vector<1x1x16xf32>,
        %parallel_loop3A_2066 = vector.shape_cast %parallel_loop3A_2065 : vector<1x1x16xf32> to vector<16xf32>
        %parallel_loop3A_2067 = vector.shape_cast %parallel_loop3A_2061 : vector<16xf32> to vector<1x1x16xf32>
        tpu.vector_store %arg8[%parallel_loop3A_2062, %parallel_loop3A_2063, %parallel_loop3A_2064], %parallel_loop3A_2067 {add = true, strides = array<i32>} : memref<4x128x128xf32, #tpu.memory_space<vmem>>, vector<1x1x16xf32>,
        %parallel_loop3A_2068 = vector.broadcast %parallel_loop3A_2027 : f32 to vector<16xf32>
        %parallel_loop3A_2069 = arith.mulf %parallel_loop3A_2068, %parallel_loop3A_1636 : vector<16xf32>
        %parallel_loop3A_2070 = vector.broadcast %parallel_loop3A_2029 : f32 to vector<16xf32>
        %parallel_loop3A_2071 = arith.mulf %parallel_loop3A_2070, %parallel_loop3A_1656 : vector<16xf32>
        %parallel_loop3A_2072 = arith.addf %parallel_loop3A_2069, %parallel_loop3A_2071 : vector<16xf32>
        %parallel_loop3A_2073 = vector.broadcast %parallel_loop3A_2031 : f32 to vector<16xf32>
        %parallel_loop3A_2074 = arith.mulf %parallel_loop3A_2073, %parallel_loop3A_1676 : vector<16xf32>
        %parallel_loop3A_2075 = vector.broadcast %parallel_loop3A_2033 : f32 to vector<16xf32>
        %parallel_loop3A_2076 = arith.mulf %parallel_loop3A_2075, %parallel_loop3A_1696 : vector<16xf32>
        %parallel_loop3A_2077 = arith.addf %parallel_loop3A_2074, %parallel_loop3A_2076 : vector<16xf32>
        %parallel_loop3A_2078 = arith.addf %parallel_loop3A_2072, %parallel_loop3A_2077 : vector<16xf32>
        %parallel_loop3A_2079 = arith.index_cast %rem3A_149 : i32 to index
        %parallel_loop3A_2080 = arith.index_cast %parallel_loop3A_2025 : i32 to index
        %parallel_loop3A_2081 = arith.constant 96 : index
        %parallel_loop3A_2082 = tpu.vector_load %arg8[%parallel_loop3A_2079, %parallel_loop3A_2080, %parallel_loop3A_2081] {strides = array<i32>} : memref<4x128x128xf32, #tpu.memory_space<vmem>>, vector<1x1x16xf32>,
        %parallel_loop3A_2083 = vector.shape_cast %parallel_loop3A_2082 : vector<1x1x16xf32> to vector<16xf32>
        %parallel_loop3A_2084 = vector.shape_cast %parallel_loop3A_2078 : vector<16xf32> to vector<1x1x16xf32>
        tpu.vector_store %arg8[%parallel_loop3A_2079, %parallel_loop3A_2080, %parallel_loop3A_2081], %parallel_loop3A_2084 {add = true, strides = array<i32>} : memref<4x128x128xf32, #tpu.memory_space<vmem>>, vector<1x1x16xf32>,
        %parallel_loop3A_2085 = vector.broadcast %parallel_loop3A_2027 : f32 to vector<16xf32>
        %parallel_loop3A_2086 = arith.mulf %parallel_loop3A_2085, %parallel_loop3A_1641 : vector<16xf32>
        %parallel_loop3A_2087 = vector.broadcast %parallel_loop3A_2029 : f32 to vector<16xf32>
        %parallel_loop3A_2088 = arith.mulf %parallel_loop3A_2087, %parallel_loop3A_1661 : vector<16xf32>
        %parallel_loop3A_2089 = arith.addf %parallel_loop3A_2086, %parallel_loop3A_2088 : vector<16xf32>
        %parallel_loop3A_2090 = vector.broadcast %parallel_loop3A_2031 : f32 to vector<16xf32>
        %parallel_loop3A_2091 = arith.mulf %parallel_loop3A_2090, %parallel_loop3A_1681 : vector<16xf32>
        %parallel_loop3A_2092 = vector.broadcast %parallel_loop3A_2033 : f32 to vector<16xf32>
        %parallel_loop3A_2093 = arith.mulf %parallel_loop3A_2092, %parallel_loop3A_1701 : vector<16xf32>
        %parallel_loop3A_2094 = arith.addf %parallel_loop3A_2091, %parallel_loop3A_2093 : vector<16xf32>
        %parallel_loop3A_2095 = arith.addf %parallel_loop3A_2089, %parallel_loop3A_2094 : vector<16xf32>
        %parallel_loop3A_2096 = arith.index_cast %rem3A_149 : i32 to index
        %parallel_loop3A_2097 = arith.index_cast %parallel_loop3A_2025 : i32 to index
        %parallel_loop3A_2098 = arith.constant 112 : index
        %parallel_loop3A_2099 = tpu.vector_load %arg8[%parallel_loop3A_2096, %parallel_loop3A_2097, %parallel_loop3A_2098] {strides = array<i32>} : memref<4x128x128xf32, #tpu.memory_space<vmem>>, vector<1x1x16xf32>,
        %parallel_loop3A_2100 = vector.shape_cast %parallel_loop3A_2099 : vector<1x1x16xf32> to vector<16xf32>
        %parallel_loop3A_2101 = vector.shape_cast %parallel_loop3A_2095 : vector<16xf32> to vector<1x1x16xf32>
        tpu.vector_store %arg8[%parallel_loop3A_2096, %parallel_loop3A_2097, %parallel_loop3A_2098], %parallel_loop3A_2101 {add = true, strides = array<i32>} : memref<4x128x128xf32, #tpu.memory_space<vmem>>, vector<1x1x16xf32>,
        %parallel_loop3A_2102 = arith.constant 16 : i32
        %parallel_loop3A_2103 = arith.muli %parallel_loop3A_225, %parallel_loop3A_2102 : i32
        %parallel_loop3A_2104 = arith.constant 5 : i32
        %parallel_loop3A_2105 = arith.addi %parallel_loop3A_2103, %parallel_loop3A_2104 : i32
        %parallel_loop3A_2106 = vector.extract_strided_slice %parallel_loop3A_234 {offsets = [5], sizes = [1], strides = [1]} : vector<16xf32> to vector<1xf32>
        %parallel_loop3A_2107 = vector.extract %parallel_loop3A_2106[0] : f32 from vector<1xf32>
        %parallel_loop3A_2108 = vector.extract_strided_slice %parallel_loop3A_243 {offsets = [5], sizes = [1], strides = [1]} : vector<16xf32> to vector<1xf32>
        %parallel_loop3A_2109 = vector.extract %parallel_loop3A_2108[0] : f32 from vector<1xf32>
        %parallel_loop3A_2110 = vector.extract_strided_slice %parallel_loop3A_252 {offsets = [5], sizes = [1], strides = [1]} : vector<16xf32> to vector<1xf32>
        %parallel_loop3A_2111 = vector.extract %parallel_loop3A_2110[0] : f32 from vector<1xf32>
        %parallel_loop3A_2112 = vector.extract_strided_slice %parallel_loop3A_261 {offsets = [5], sizes = [1], strides = [1]} : vector<16xf32> to vector<1xf32>
        %parallel_loop3A_2113 = vector.extract %parallel_loop3A_2112[0] : f32 from vector<1xf32>
        %parallel_loop3A_2114 = vector.broadcast %parallel_loop3A_2107 : f32 to vector<16xf32>
        %parallel_loop3A_2115 = arith.mulf %parallel_loop3A_2114, %parallel_loop3A_1626 : vector<16xf32>
        %parallel_loop3A_2116 = vector.broadcast %parallel_loop3A_2109 : f32 to vector<16xf32>
        %parallel_loop3A_2117 = arith.mulf %parallel_loop3A_2116, %parallel_loop3A_1646 : vector<16xf32>
        %parallel_loop3A_2118 = arith.addf %parallel_loop3A_2115, %parallel_loop3A_2117 : vector<16xf32>
        %parallel_loop3A_2119 = vector.broadcast %parallel_loop3A_2111 : f32 to vector<16xf32>
        %parallel_loop3A_2120 = arith.mulf %parallel_loop3A_2119, %parallel_loop3A_1666 : vector<16xf32>
        %parallel_loop3A_2121 = vector.broadcast %parallel_loop3A_2113 : f32 to vector<16xf32>
        %parallel_loop3A_2122 = arith.mulf %parallel_loop3A_2121, %parallel_loop3A_1686 : vector<16xf32>
        %parallel_loop3A_2123 = arith.addf %parallel_loop3A_2120, %parallel_loop3A_2122 : vector<16xf32>
        %parallel_loop3A_2124 = arith.addf %parallel_loop3A_2118, %parallel_loop3A_2123 : vector<16xf32>
        %parallel_loop3A_2125 = arith.index_cast %rem3A_149 : i32 to index
        %parallel_loop3A_2126 = arith.index_cast %parallel_loop3A_2105 : i32 to index
        %parallel_loop3A_2127 = arith.constant 64 : index
        %parallel_loop3A_2128 = tpu.vector_load %arg8[%parallel_loop3A_2125, %parallel_loop3A_2126, %parallel_loop3A_2127] {strides = array<i32>} : memref<4x128x128xf32, #tpu.memory_space<vmem>>, vector<1x1x16xf32>,
        %parallel_loop3A_2129 = vector.shape_cast %parallel_loop3A_2128 : vector<1x1x16xf32> to vector<16xf32>
        %parallel_loop3A_2130 = vector.shape_cast %parallel_loop3A_2124 : vector<16xf32> to vector<1x1x16xf32>
        tpu.vector_store %arg8[%parallel_loop3A_2125, %parallel_loop3A_2126, %parallel_loop3A_2127], %parallel_loop3A_2130 {add = true, strides = array<i32>} : memref<4x128x128xf32, #tpu.memory_space<vmem>>, vector<1x1x16xf32>,
        %parallel_loop3A_2131 = vector.broadcast %parallel_loop3A_2107 : f32 to vector<16xf32>
        %parallel_loop3A_2132 = arith.mulf %parallel_loop3A_2131, %parallel_loop3A_1631 : vector<16xf32>
        %parallel_loop3A_2133 = vector.broadcast %parallel_loop3A_2109 : f32 to vector<16xf32>
        %parallel_loop3A_2134 = arith.mulf %parallel_loop3A_2133, %parallel_loop3A_1651 : vector<16xf32>
        %parallel_loop3A_2135 = arith.addf %parallel_loop3A_2132, %parallel_loop3A_2134 : vector<16xf32>
        %parallel_loop3A_2136 = vector.broadcast %parallel_loop3A_2111 : f32 to vector<16xf32>
        %parallel_loop3A_2137 = arith.mulf %parallel_loop3A_2136, %parallel_loop3A_1671 : vector<16xf32>
        %parallel_loop3A_2138 = vector.broadcast %parallel_loop3A_2113 : f32 to vector<16xf32>
        %parallel_loop3A_2139 = arith.mulf %parallel_loop3A_2138, %parallel_loop3A_1691 : vector<16xf32>
        %parallel_loop3A_2140 = arith.addf %parallel_loop3A_2137, %parallel_loop3A_2139 : vector<16xf32>
        %parallel_loop3A_2141 = arith.addf %parallel_loop3A_2135, %parallel_loop3A_2140 : vector<16xf32>
        %parallel_loop3A_2142 = arith.index_cast %rem3A_149 : i32 to index
        %parallel_loop3A_2143 = arith.index_cast %parallel_loop3A_2105 : i32 to index
        %parallel_loop3A_2144 = arith.constant 80 : index
        %parallel_loop3A_2145 = tpu.vector_load %arg8[%parallel_loop3A_2142, %parallel_loop3A_2143, %parallel_loop3A_2144] {strides = array<i32>} : memref<4x128x128xf32, #tpu.memory_space<vmem>>, vector<1x1x16xf32>,
        %parallel_loop3A_2146 = vector.shape_cast %parallel_loop3A_2145 : vector<1x1x16xf32> to vector<16xf32>
        %parallel_loop3A_2147 = vector.shape_cast %parallel_loop3A_2141 : vector<16xf32> to vector<1x1x16xf32>
        tpu.vector_store %arg8[%parallel_loop3A_2142, %parallel_loop3A_2143, %parallel_loop3A_2144], %parallel_loop3A_2147 {add = true, strides = array<i32>} : memref<4x128x128xf32, #tpu.memory_space<vmem>>, vector<1x1x16xf32>,
        %parallel_loop3A_2148 = vector.broadcast %parallel_loop3A_2107 : f32 to vector<16xf32>
        %parallel_loop3A_2149 = arith.mulf %parallel_loop3A_2148, %parallel_loop3A_1636 : vector<16xf32>
        %parallel_loop3A_2150 = vector.broadcast %parallel_loop3A_2109 : f32 to vector<16xf32>
        %parallel_loop3A_2151 = arith.mulf %parallel_loop3A_2150, %parallel_loop3A_1656 : vector<16xf32>
        %parallel_loop3A_2152 = arith.addf %parallel_loop3A_2149, %parallel_loop3A_2151 : vector<16xf32>
        %parallel_loop3A_2153 = vector.broadcast %parallel_loop3A_2111 : f32 to vector<16xf32>
        %parallel_loop3A_2154 = arith.mulf %parallel_loop3A_2153, %parallel_loop3A_1676 : vector<16xf32>
        %parallel_loop3A_2155 = vector.broadcast %parallel_loop3A_2113 : f32 to vector<16xf32>
        %parallel_loop3A_2156 = arith.mulf %parallel_loop3A_2155, %parallel_loop3A_1696 : vector<16xf32>
        %parallel_loop3A_2157 = arith.addf %parallel_loop3A_2154, %parallel_loop3A_2156 : vector<16xf32>
        %parallel_loop3A_2158 = arith.addf %parallel_loop3A_2152, %parallel_loop3A_2157 : vector<16xf32>
        %parallel_loop3A_2159 = arith.index_cast %rem3A_149 : i32 to index
        %parallel_loop3A_2160 = arith.index_cast %parallel_loop3A_2105 : i32 to index
        %parallel_loop3A_2161 = arith.constant 96 : index
        %parallel_loop3A_2162 = tpu.vector_load %arg8[%parallel_loop3A_2159, %parallel_loop3A_2160, %parallel_loop3A_2161] {strides = array<i32>} : memref<4x128x128xf32, #tpu.memory_space<vmem>>, vector<1x1x16xf32>,
        %parallel_loop3A_2163 = vector.shape_cast %parallel_loop3A_2162 : vector<1x1x16xf32> to vector<16xf32>
        %parallel_loop3A_2164 = vector.shape_cast %parallel_loop3A_2158 : vector<16xf32> to vector<1x1x16xf32>
        tpu.vector_store %arg8[%parallel_loop3A_2159, %parallel_loop3A_2160, %parallel_loop3A_2161], %parallel_loop3A_2164 {add = true, strides = array<i32>} : memref<4x128x128xf32, #tpu.memory_space<vmem>>, vector<1x1x16xf32>,
        %parallel_loop3A_2165 = vector.broadcast %parallel_loop3A_2107 : f32 to vector<16xf32>
        %parallel_loop3A_2166 = arith.mulf %parallel_loop3A_2165, %parallel_loop3A_1641 : vector<16xf32>
        %parallel_loop3A_2167 = vector.broadcast %parallel_loop3A_2109 : f32 to vector<16xf32>
        %parallel_loop3A_2168 = arith.mulf %parallel_loop3A_2167, %parallel_loop3A_1661 : vector<16xf32>
        %parallel_loop3A_2169 = arith.addf %parallel_loop3A_2166, %parallel_loop3A_2168 : vector<16xf32>
        %parallel_loop3A_2170 = vector.broadcast %parallel_loop3A_2111 : f32 to vector<16xf32>
        %parallel_loop3A_2171 = arith.mulf %parallel_loop3A_2170, %parallel_loop3A_1681 : vector<16xf32>
        %parallel_loop3A_2172 = vector.broadcast %parallel_loop3A_2113 : f32 to vector<16xf32>
        %parallel_loop3A_2173 = arith.mulf %parallel_loop3A_2172, %parallel_loop3A_1701 : vector<16xf32>
        %parallel_loop3A_2174 = arith.addf %parallel_loop3A_2171, %parallel_loop3A_2173 : vector<16xf32>
        %parallel_loop3A_2175 = arith.addf %parallel_loop3A_2169, %parallel_loop3A_2174 : vector<16xf32>
        %parallel_loop3A_2176 = arith.index_cast %rem3A_149 : i32 to index
        %parallel_loop3A_2177 = arith.index_cast %parallel_loop3A_2105 : i32 to index
        %parallel_loop3A_2178 = arith.constant 112 : index
        %parallel_loop3A_2179 = tpu.vector_load %arg8[%parallel_loop3A_2176, %parallel_loop3A_2177, %parallel_loop3A_2178] {strides = array<i32>} : memref<4x128x128xf32, #tpu.memory_space<vmem>>, vector<1x1x16xf32>,
        %parallel_loop3A_2180 = vector.shape_cast %parallel_loop3A_2179 : vector<1x1x16xf32> to vector<16xf32>
        %parallel_loop3A_2181 = vector.shape_cast %parallel_loop3A_2175 : vector<16xf32> to vector<1x1x16xf32>
        tpu.vector_store %arg8[%parallel_loop3A_2176, %parallel_loop3A_2177, %parallel_loop3A_2178], %parallel_loop3A_2181 {add = true, strides = array<i32>} : memref<4x128x128xf32, #tpu.memory_space<vmem>>, vector<1x1x16xf32>,
        %parallel_loop3A_2182 = arith.constant 16 : i32
        %parallel_loop3A_2183 = arith.muli %parallel_loop3A_225, %parallel_loop3A_2182 : i32
        %parallel_loop3A_2184 = arith.constant 6 : i32
        %parallel_loop3A_2185 = arith.addi %parallel_loop3A_2183, %parallel_loop3A_2184 : i32
        %parallel_loop3A_2186 = vector.extract_strided_slice %parallel_loop3A_234 {offsets = [6], sizes = [1], strides = [1]} : vector<16xf32> to vector<1xf32>
        %parallel_loop3A_2187 = vector.extract %parallel_loop3A_2186[0] : f32 from vector<1xf32>
        %parallel_loop3A_2188 = vector.extract_strided_slice %parallel_loop3A_243 {offsets = [6], sizes = [1], strides = [1]} : vector<16xf32> to vector<1xf32>
        %parallel_loop3A_2189 = vector.extract %parallel_loop3A_2188[0] : f32 from vector<1xf32>
        %parallel_loop3A_2190 = vector.extract_strided_slice %parallel_loop3A_252 {offsets = [6], sizes = [1], strides = [1]} : vector<16xf32> to vector<1xf32>
        %parallel_loop3A_2191 = vector.extract %parallel_loop3A_2190[0] : f32 from vector<1xf32>
        %parallel_loop3A_2192 = vector.extract_strided_slice %parallel_loop3A_261 {offsets = [6], sizes = [1], strides = [1]} : vector<16xf32> to vector<1xf32>
        %parallel_loop3A_2193 = vector.extract %parallel_loop3A_2192[0] : f32 from vector<1xf32>
        %parallel_loop3A_2194 = vector.broadcast %parallel_loop3A_2187 : f32 to vector<16xf32>
        %parallel_loop3A_2195 = arith.mulf %parallel_loop3A_2194, %parallel_loop3A_1626 : vector<16xf32>
        %parallel_loop3A_2196 = vector.broadcast %parallel_loop3A_2189 : f32 to vector<16xf32>
        %parallel_loop3A_2197 = arith.mulf %parallel_loop3A_2196, %parallel_loop3A_1646 : vector<16xf32>
        %parallel_loop3A_2198 = arith.addf %parallel_loop3A_2195, %parallel_loop3A_2197 : vector<16xf32>
        %parallel_loop3A_2199 = vector.broadcast %parallel_loop3A_2191 : f32 to vector<16xf32>
        %parallel_loop3A_2200 = arith.mulf %parallel_loop3A_2199, %parallel_loop3A_1666 : vector<16xf32>
        %parallel_loop3A_2201 = vector.broadcast %parallel_loop3A_2193 : f32 to vector<16xf32>
        %parallel_loop3A_2202 = arith.mulf %parallel_loop3A_2201, %parallel_loop3A_1686 : vector<16xf32>
        %parallel_loop3A_2203 = arith.addf %parallel_loop3A_2200, %parallel_loop3A_2202 : vector<16xf32>
        %parallel_loop3A_2204 = arith.addf %parallel_loop3A_2198, %parallel_loop3A_2203 : vector<16xf32>
        %parallel_loop3A_2205 = arith.index_cast %rem3A_149 : i32 to index
        %parallel_loop3A_2206 = arith.index_cast %parallel_loop3A_2185 : i32 to index
        %parallel_loop3A_2207 = arith.constant 64 : index
        %parallel_loop3A_2208 = tpu.vector_load %arg8[%parallel_loop3A_2205, %parallel_loop3A_2206, %parallel_loop3A_2207] {strides = array<i32>} : memref<4x128x128xf32, #tpu.memory_space<vmem>>, vector<1x1x16xf32>,
        %parallel_loop3A_2209 = vector.shape_cast %parallel_loop3A_2208 : vector<1x1x16xf32> to vector<16xf32>
        %parallel_loop3A_2210 = vector.shape_cast %parallel_loop3A_2204 : vector<16xf32> to vector<1x1x16xf32>
        tpu.vector_store %arg8[%parallel_loop3A_2205, %parallel_loop3A_2206, %parallel_loop3A_2207], %parallel_loop3A_2210 {add = true, strides = array<i32>} : memref<4x128x128xf32, #tpu.memory_space<vmem>>, vector<1x1x16xf32>,
        %parallel_loop3A_2211 = vector.broadcast %parallel_loop3A_2187 : f32 to vector<16xf32>
        %parallel_loop3A_2212 = arith.mulf %parallel_loop3A_2211, %parallel_loop3A_1631 : vector<16xf32>
        %parallel_loop3A_2213 = vector.broadcast %parallel_loop3A_2189 : f32 to vector<16xf32>
        %parallel_loop3A_2214 = arith.mulf %parallel_loop3A_2213, %parallel_loop3A_1651 : vector<16xf32>
        %parallel_loop3A_2215 = arith.addf %parallel_loop3A_2212, %parallel_loop3A_2214 : vector<16xf32>
        %parallel_loop3A_2216 = vector.broadcast %parallel_loop3A_2191 : f32 to vector<16xf32>
        %parallel_loop3A_2217 = arith.mulf %parallel_loop3A_2216, %parallel_loop3A_1671 : vector<16xf32>
        %parallel_loop3A_2218 = vector.broadcast %parallel_loop3A_2193 : f32 to vector<16xf32>
        %parallel_loop3A_2219 = arith.mulf %parallel_loop3A_2218, %parallel_loop3A_1691 : vector<16xf32>
        %parallel_loop3A_2220 = arith.addf %parallel_loop3A_2217, %parallel_loop3A_2219 : vector<16xf32>
        %parallel_loop3A_2221 = arith.addf %parallel_loop3A_2215, %parallel_loop3A_2220 : vector<16xf32>
        %parallel_loop3A_2222 = arith.index_cast %rem3A_149 : i32 to index
        %parallel_loop3A_2223 = arith.index_cast %parallel_loop3A_2185 : i32 to index
        %parallel_loop3A_2224 = arith.constant 80 : index
        %parallel_loop3A_2225 = tpu.vector_load %arg8[%parallel_loop3A_2222, %parallel_loop3A_2223, %parallel_loop3A_2224] {strides = array<i32>} : memref<4x128x128xf32, #tpu.memory_space<vmem>>, vector<1x1x16xf32>,
        %parallel_loop3A_2226 = vector.shape_cast %parallel_loop3A_2225 : vector<1x1x16xf32> to vector<16xf32>
        %parallel_loop3A_2227 = vector.shape_cast %parallel_loop3A_2221 : vector<16xf32> to vector<1x1x16xf32>
        tpu.vector_store %arg8[%parallel_loop3A_2222, %parallel_loop3A_2223, %parallel_loop3A_2224], %parallel_loop3A_2227 {add = true, strides = array<i32>} : memref<4x128x128xf32, #tpu.memory_space<vmem>>, vector<1x1x16xf32>,
        %parallel_loop3A_2228 = vector.broadcast %parallel_loop3A_2187 : f32 to vector<16xf32>
        %parallel_loop3A_2229 = arith.mulf %parallel_loop3A_2228, %parallel_loop3A_1636 : vector<16xf32>
        %parallel_loop3A_2230 = vector.broadcast %parallel_loop3A_2189 : f32 to vector<16xf32>
        %parallel_loop3A_2231 = arith.mulf %parallel_loop3A_2230, %parallel_loop3A_1656 : vector<16xf32>
        %parallel_loop3A_2232 = arith.addf %parallel_loop3A_2229, %parallel_loop3A_2231 : vector<16xf32>
        %parallel_loop3A_2233 = vector.broadcast %parallel_loop3A_2191 : f32 to vector<16xf32>
        %parallel_loop3A_2234 = arith.mulf %parallel_loop3A_2233, %parallel_loop3A_1676 : vector<16xf32>
        %parallel_loop3A_2235 = vector.broadcast %parallel_loop3A_2193 : f32 to vector<16xf32>
        %parallel_loop3A_2236 = arith.mulf %parallel_loop3A_2235, %parallel_loop3A_1696 : vector<16xf32>
        %parallel_loop3A_2237 = arith.addf %parallel_loop3A_2234, %parallel_loop3A_2236 : vector<16xf32>
        %parallel_loop3A_2238 = arith.addf %parallel_loop3A_2232, %parallel_loop3A_2237 : vector<16xf32>
        %parallel_loop3A_2239 = arith.index_cast %rem3A_149 : i32 to index
        %parallel_loop3A_2240 = arith.index_cast %parallel_loop3A_2185 : i32 to index
        %parallel_loop3A_2241 = arith.constant 96 : index
        %parallel_loop3A_2242 = tpu.vector_load %arg8[%parallel_loop3A_2239, %parallel_loop3A_2240, %parallel_loop3A_2241] {strides = array<i32>} : memref<4x128x128xf32, #tpu.memory_space<vmem>>, vector<1x1x16xf32>,
        %parallel_loop3A_2243 = vector.shape_cast %parallel_loop3A_2242 : vector<1x1x16xf32> to vector<16xf32>
        %parallel_loop3A_2244 = vector.shape_cast %parallel_loop3A_2238 : vector<16xf32> to vector<1x1x16xf32>
        tpu.vector_store %arg8[%parallel_loop3A_2239, %parallel_loop3A_2240, %parallel_loop3A_2241], %parallel_loop3A_2244 {add = true, strides = array<i32>} : memref<4x128x128xf32, #tpu.memory_space<vmem>>, vector<1x1x16xf32>,
        %parallel_loop3A_2245 = vector.broadcast %parallel_loop3A_2187 : f32 to vector<16xf32>
        %parallel_loop3A_2246 = arith.mulf %parallel_loop3A_2245, %parallel_loop3A_1641 : vector<16xf32>
        %parallel_loop3A_2247 = vector.broadcast %parallel_loop3A_2189 : f32 to vector<16xf32>
        %parallel_loop3A_2248 = arith.mulf %parallel_loop3A_2247, %parallel_loop3A_1661 : vector<16xf32>
        %parallel_loop3A_2249 = arith.addf %parallel_loop3A_2246, %parallel_loop3A_2248 : vector<16xf32>
        %parallel_loop3A_2250 = vector.broadcast %parallel_loop3A_2191 : f32 to vector<16xf32>
        %parallel_loop3A_2251 = arith.mulf %parallel_loop3A_2250, %parallel_loop3A_1681 : vector<16xf32>
        %parallel_loop3A_2252 = vector.broadcast %parallel_loop3A_2193 : f32 to vector<16xf32>
        %parallel_loop3A_2253 = arith.mulf %parallel_loop3A_2252, %parallel_loop3A_1701 : vector<16xf32>
        %parallel_loop3A_2254 = arith.addf %parallel_loop3A_2251, %parallel_loop3A_2253 : vector<16xf32>
        %parallel_loop3A_2255 = arith.addf %parallel_loop3A_2249, %parallel_loop3A_2254 : vector<16xf32>
        %parallel_loop3A_2256 = arith.index_cast %rem3A_149 : i32 to index
        %parallel_loop3A_2257 = arith.index_cast %parallel_loop3A_2185 : i32 to index
        %parallel_loop3A_2258 = arith.constant 112 : index
        %parallel_loop3A_2259 = tpu.vector_load %arg8[%parallel_loop3A_2256, %parallel_loop3A_2257, %parallel_loop3A_2258] {strides = array<i32>} : memref<4x128x128xf32, #tpu.memory_space<vmem>>, vector<1x1x16xf32>,
        %parallel_loop3A_2260 = vector.shape_cast %parallel_loop3A_2259 : vector<1x1x16xf32> to vector<16xf32>
        %parallel_loop3A_2261 = vector.shape_cast %parallel_loop3A_2255 : vector<16xf32> to vector<1x1x16xf32>
        tpu.vector_store %arg8[%parallel_loop3A_2256, %parallel_loop3A_2257, %parallel_loop3A_2258], %parallel_loop3A_2261 {add = true, strides = array<i32>} : memref<4x128x128xf32, #tpu.memory_space<vmem>>, vector<1x1x16xf32>,
        %parallel_loop3A_2262 = arith.constant 16 : i32
        %parallel_loop3A_2263 = arith.muli %parallel_loop3A_225, %parallel_loop3A_2262 : i32
        %parallel_loop3A_2264 = arith.constant 7 : i32
        %parallel_loop3A_2265 = arith.addi %parallel_loop3A_2263, %parallel_loop3A_2264 : i32
        %parallel_loop3A_2266 = vector.extract_strided_slice %parallel_loop3A_234 {offsets = [7], sizes = [1], strides = [1]} : vector<16xf32> to vector<1xf32>
        %parallel_loop3A_2267 = vector.extract %parallel_loop3A_2266[0] : f32 from vector<1xf32>
        %parallel_loop3A_2268 = vector.extract_strided_slice %parallel_loop3A_243 {offsets = [7], sizes = [1], strides = [1]} : vector<16xf32> to vector<1xf32>
        %parallel_loop3A_2269 = vector.extract %parallel_loop3A_2268[0] : f32 from vector<1xf32>
        %parallel_loop3A_2270 = vector.extract_strided_slice %parallel_loop3A_252 {offsets = [7], sizes = [1], strides = [1]} : vector<16xf32> to vector<1xf32>
        %parallel_loop3A_2271 = vector.extract %parallel_loop3A_2270[0] : f32 from vector<1xf32>
        %parallel_loop3A_2272 = vector.extract_strided_slice %parallel_loop3A_261 {offsets = [7], sizes = [1], strides = [1]} : vector<16xf32> to vector<1xf32>
        %parallel_loop3A_2273 = vector.extract %parallel_loop3A_2272[0] : f32 from vector<1xf32>
        %parallel_loop3A_2274 = vector.broadcast %parallel_loop3A_2267 : f32 to vector<16xf32>
        %parallel_loop3A_2275 = arith.mulf %parallel_loop3A_2274, %parallel_loop3A_1626 : vector<16xf32>
        %parallel_loop3A_2276 = vector.broadcast %parallel_loop3A_2269 : f32 to vector<16xf32>
        %parallel_loop3A_2277 = arith.mulf %parallel_loop3A_2276, %parallel_loop3A_1646 : vector<16xf32>
        %parallel_loop3A_2278 = arith.addf %parallel_loop3A_2275, %parallel_loop3A_2277 : vector<16xf32>
        %parallel_loop3A_2279 = vector.broadcast %parallel_loop3A_2271 : f32 to vector<16xf32>
        %parallel_loop3A_2280 = arith.mulf %parallel_loop3A_2279, %parallel_loop3A_1666 : vector<16xf32>
        %parallel_loop3A_2281 = vector.broadcast %parallel_loop3A_2273 : f32 to vector<16xf32>
        %parallel_loop3A_2282 = arith.mulf %parallel_loop3A_2281, %parallel_loop3A_1686 : vector<16xf32>
        %parallel_loop3A_2283 = arith.addf %parallel_loop3A_2280, %parallel_loop3A_2282 : vector<16xf32>
        %parallel_loop3A_2284 = arith.addf %parallel_loop3A_2278, %parallel_loop3A_2283 : vector<16xf32>
        %parallel_loop3A_2285 = arith.index_cast %rem3A_149 : i32 to index
        %parallel_loop3A_2286 = arith.index_cast %parallel_loop3A_2265 : i32 to index
        %parallel_loop3A_2287 = arith.constant 64 : index
        %parallel_loop3A_2288 = tpu.vector_load %arg8[%parallel_loop3A_2285, %parallel_loop3A_2286, %parallel_loop3A_2287] {strides = array<i32>} : memref<4x128x128xf32, #tpu.memory_space<vmem>>, vector<1x1x16xf32>,
        %parallel_loop3A_2289 = vector.shape_cast %parallel_loop3A_2288 : vector<1x1x16xf32> to vector<16xf32>
        %parallel_loop3A_2290 = vector.shape_cast %parallel_loop3A_2284 : vector<16xf32> to vector<1x1x16xf32>
        tpu.vector_store %arg8[%parallel_loop3A_2285, %parallel_loop3A_2286, %parallel_loop3A_2287], %parallel_loop3A_2290 {add = true, strides = array<i32>} : memref<4x128x128xf32, #tpu.memory_space<vmem>>, vector<1x1x16xf32>,
        %parallel_loop3A_2291 = vector.broadcast %parallel_loop3A_2267 : f32 to vector<16xf32>
        %parallel_loop3A_2292 = arith.mulf %parallel_loop3A_2291, %parallel_loop3A_1631 : vector<16xf32>
        %parallel_loop3A_2293 = vector.broadcast %parallel_loop3A_2269 : f32 to vector<16xf32>
        %parallel_loop3A_2294 = arith.mulf %parallel_loop3A_2293, %parallel_loop3A_1651 : vector<16xf32>
        %parallel_loop3A_2295 = arith.addf %parallel_loop3A_2292, %parallel_loop3A_2294 : vector<16xf32>
        %parallel_loop3A_2296 = vector.broadcast %parallel_loop3A_2271 : f32 to vector<16xf32>
        %parallel_loop3A_2297 = arith.mulf %parallel_loop3A_2296, %parallel_loop3A_1671 : vector<16xf32>
        %parallel_loop3A_2298 = vector.broadcast %parallel_loop3A_2273 : f32 to vector<16xf32>
        %parallel_loop3A_2299 = arith.mulf %parallel_loop3A_2298, %parallel_loop3A_1691 : vector<16xf32>
        %parallel_loop3A_2300 = arith.addf %parallel_loop3A_2297, %parallel_loop3A_2299 : vector<16xf32>
        %parallel_loop3A_2301 = arith.addf %parallel_loop3A_2295, %parallel_loop3A_2300 : vector<16xf32>
        %parallel_loop3A_2302 = arith.index_cast %rem3A_149 : i32 to index
        %parallel_loop3A_2303 = arith.index_cast %parallel_loop3A_2265 : i32 to index
        %parallel_loop3A_2304 = arith.constant 80 : index
        %parallel_loop3A_2305 = tpu.vector_load %arg8[%parallel_loop3A_2302, %parallel_loop3A_2303, %parallel_loop3A_2304] {strides = array<i32>} : memref<4x128x128xf32, #tpu.memory_space<vmem>>, vector<1x1x16xf32>,
        %parallel_loop3A_2306 = vector.shape_cast %parallel_loop3A_2305 : vector<1x1x16xf32> to vector<16xf32>
        %parallel_loop3A_2307 = vector.shape_cast %parallel_loop3A_2301 : vector<16xf32> to vector<1x1x16xf32>
        tpu.vector_store %arg8[%parallel_loop3A_2302, %parallel_loop3A_2303, %parallel_loop3A_2304], %parallel_loop3A_2307 {add = true, strides = array<i32>} : memref<4x128x128xf32, #tpu.memory_space<vmem>>, vector<1x1x16xf32>,
        %parallel_loop3A_2308 = vector.broadcast %parallel_loop3A_2267 : f32 to vector<16xf32>
        %parallel_loop3A_2309 = arith.mulf %parallel_loop3A_2308, %parallel_loop3A_1636 : vector<16xf32>
        %parallel_loop3A_2310 = vector.broadcast %parallel_loop3A_2269 : f32 to vector<16xf32>
        %parallel_loop3A_2311 = arith.mulf %parallel_loop3A_2310, %parallel_loop3A_1656 : vector<16xf32>
        %parallel_loop3A_2312 = arith.addf %parallel_loop3A_2309, %parallel_loop3A_2311 : vector<16xf32>
        %parallel_loop3A_2313 = vector.broadcast %parallel_loop3A_2271 : f32 to vector<16xf32>
        %parallel_loop3A_2314 = arith.mulf %parallel_loop3A_2313, %parallel_loop3A_1676 : vector<16xf32>
        %parallel_loop3A_2315 = vector.broadcast %parallel_loop3A_2273 : f32 to vector<16xf32>
        %parallel_loop3A_2316 = arith.mulf %parallel_loop3A_2315, %parallel_loop3A_1696 : vector<16xf32>
        %parallel_loop3A_2317 = arith.addf %parallel_loop3A_2314, %parallel_loop3A_2316 : vector<16xf32>
        %parallel_loop3A_2318 = arith.addf %parallel_loop3A_2312, %parallel_loop3A_2317 : vector<16xf32>
        %parallel_loop3A_2319 = arith.index_cast %rem3A_149 : i32 to index
        %parallel_loop3A_2320 = arith.index_cast %parallel_loop3A_2265 : i32 to index
        %parallel_loop3A_2321 = arith.constant 96 : index
        %parallel_loop3A_2322 = tpu.vector_load %arg8[%parallel_loop3A_2319, %parallel_loop3A_2320, %parallel_loop3A_2321] {strides = array<i32>} : memref<4x128x128xf32, #tpu.memory_space<vmem>>, vector<1x1x16xf32>,
        %parallel_loop3A_2323 = vector.shape_cast %parallel_loop3A_2322 : vector<1x1x16xf32> to vector<16xf32>
        %parallel_loop3A_2324 = vector.shape_cast %parallel_loop3A_2318 : vector<16xf32> to vector<1x1x16xf32>
        tpu.vector_store %arg8[%parallel_loop3A_2319, %parallel_loop3A_2320, %parallel_loop3A_2321], %parallel_loop3A_2324 {add = true, strides = array<i32>} : memref<4x128x128xf32, #tpu.memory_space<vmem>>, vector<1x1x16xf32>,
        %parallel_loop3A_2325 = vector.broadcast %parallel_loop3A_2267 : f32 to vector<16xf32>
        %parallel_loop3A_2326 = arith.mulf %parallel_loop3A_2325, %parallel_loop3A_1641 : vector<16xf32>
        %parallel_loop3A_2327 = vector.broadcast %parallel_loop3A_2269 : f32 to vector<16xf32>
        %parallel_loop3A_2328 = arith.mulf %parallel_loop3A_2327, %parallel_loop3A_1661 : vector<16xf32>
        %parallel_loop3A_2329 = arith.addf %parallel_loop3A_2326, %parallel_loop3A_2328 : vector<16xf32>
        %parallel_loop3A_2330 = vector.broadcast %parallel_loop3A_2271 : f32 to vector<16xf32>
        %parallel_loop3A_2331 = arith.mulf %parallel_loop3A_2330, %parallel_loop3A_1681 : vector<16xf32>
        %parallel_loop3A_2332 = vector.broadcast %parallel_loop3A_2273 : f32 to vector<16xf32>
        %parallel_loop3A_2333 = arith.mulf %parallel_loop3A_2332, %parallel_loop3A_1701 : vector<16xf32>
        %parallel_loop3A_2334 = arith.addf %parallel_loop3A_2331, %parallel_loop3A_2333 : vector<16xf32>
        %parallel_loop3A_2335 = arith.addf %parallel_loop3A_2329, %parallel_loop3A_2334 : vector<16xf32>
        %parallel_loop3A_2336 = arith.index_cast %rem3A_149 : i32 to index
        %parallel_loop3A_2337 = arith.index_cast %parallel_loop3A_2265 : i32 to index
        %parallel_loop3A_2338 = arith.constant 112 : index
        %parallel_loop3A_2339 = tpu.vector_load %arg8[%parallel_loop3A_2336, %parallel_loop3A_2337, %parallel_loop3A_2338] {strides = array<i32>} : memref<4x128x128xf32, #tpu.memory_space<vmem>>, vector<1x1x16xf32>,
        %parallel_loop3A_2340 = vector.shape_cast %parallel_loop3A_2339 : vector<1x1x16xf32> to vector<16xf32>
        %parallel_loop3A_2341 = vector.shape_cast %parallel_loop3A_2335 : vector<16xf32> to vector<1x1x16xf32>
        tpu.vector_store %arg8[%parallel_loop3A_2336, %parallel_loop3A_2337, %parallel_loop3A_2338], %parallel_loop3A_2341 {add = true, strides = array<i32>} : memref<4x128x128xf32, #tpu.memory_space<vmem>>, vector<1x1x16xf32>,
        %parallel_loop3A_2342 = arith.constant 16 : i32
        %parallel_loop3A_2343 = arith.muli %parallel_loop3A_225, %parallel_loop3A_2342 : i32
        %parallel_loop3A_2344 = arith.constant 8 : i32
        %parallel_loop3A_2345 = arith.addi %parallel_loop3A_2343, %parallel_loop3A_2344 : i32
        %parallel_loop3A_2346 = vector.extract_strided_slice %parallel_loop3A_234 {offsets = [8], sizes = [1], strides = [1]} : vector<16xf32> to vector<1xf32>
        %parallel_loop3A_2347 = vector.extract %parallel_loop3A_2346[0] : f32 from vector<1xf32>
        %parallel_loop3A_2348 = vector.extract_strided_slice %parallel_loop3A_243 {offsets = [8], sizes = [1], strides = [1]} : vector<16xf32> to vector<1xf32>
        %parallel_loop3A_2349 = vector.extract %parallel_loop3A_2348[0] : f32 from vector<1xf32>
        %parallel_loop3A_2350 = vector.extract_strided_slice %parallel_loop3A_252 {offsets = [8], sizes = [1], strides = [1]} : vector<16xf32> to vector<1xf32>
        %parallel_loop3A_2351 = vector.extract %parallel_loop3A_2350[0] : f32 from vector<1xf32>
        %parallel_loop3A_2352 = vector.extract_strided_slice %parallel_loop3A_261 {offsets = [8], sizes = [1], strides = [1]} : vector<16xf32> to vector<1xf32>
        %parallel_loop3A_2353 = vector.extract %parallel_loop3A_2352[0] : f32 from vector<1xf32>
        %parallel_loop3A_2354 = vector.broadcast %parallel_loop3A_2347 : f32 to vector<16xf32>
        %parallel_loop3A_2355 = arith.mulf %parallel_loop3A_2354, %parallel_loop3A_1626 : vector<16xf32>
        %parallel_loop3A_2356 = vector.broadcast %parallel_loop3A_2349 : f32 to vector<16xf32>
        %parallel_loop3A_2357 = arith.mulf %parallel_loop3A_2356, %parallel_loop3A_1646 : vector<16xf32>
        %parallel_loop3A_2358 = arith.addf %parallel_loop3A_2355, %parallel_loop3A_2357 : vector<16xf32>
        %parallel_loop3A_2359 = vector.broadcast %parallel_loop3A_2351 : f32 to vector<16xf32>
        %parallel_loop3A_2360 = arith.mulf %parallel_loop3A_2359, %parallel_loop3A_1666 : vector<16xf32>
        %parallel_loop3A_2361 = vector.broadcast %parallel_loop3A_2353 : f32 to vector<16xf32>
        %parallel_loop3A_2362 = arith.mulf %parallel_loop3A_2361, %parallel_loop3A_1686 : vector<16xf32>
        %parallel_loop3A_2363 = arith.addf %parallel_loop3A_2360, %parallel_loop3A_2362 : vector<16xf32>
        %parallel_loop3A_2364 = arith.addf %parallel_loop3A_2358, %parallel_loop3A_2363 : vector<16xf32>
        %parallel_loop3A_2365 = arith.index_cast %rem3A_149 : i32 to index
        %parallel_loop3A_2366 = arith.index_cast %parallel_loop3A_2345 : i32 to index
        %parallel_loop3A_2367 = arith.constant 64 : index
        %parallel_loop3A_2368 = tpu.vector_load %arg8[%parallel_loop3A_2365, %parallel_loop3A_2366, %parallel_loop3A_2367] {strides = array<i32>} : memref<4x128x128xf32, #tpu.memory_space<vmem>>, vector<1x1x16xf32>,
        %parallel_loop3A_2369 = vector.shape_cast %parallel_loop3A_2368 : vector<1x1x16xf32> to vector<16xf32>
        %parallel_loop3A_2370 = vector.shape_cast %parallel_loop3A_2364 : vector<16xf32> to vector<1x1x16xf32>
        tpu.vector_store %arg8[%parallel_loop3A_2365, %parallel_loop3A_2366, %parallel_loop3A_2367], %parallel_loop3A_2370 {add = true, strides = array<i32>} : memref<4x128x128xf32, #tpu.memory_space<vmem>>, vector<1x1x16xf32>,
        %parallel_loop3A_2371 = vector.broadcast %parallel_loop3A_2347 : f32 to vector<16xf32>
        %parallel_loop3A_2372 = arith.mulf %parallel_loop3A_2371, %parallel_loop3A_1631 : vector<16xf32>
        %parallel_loop3A_2373 = vector.broadcast %parallel_loop3A_2349 : f32 to vector<16xf32>
        %parallel_loop3A_2374 = arith.mulf %parallel_loop3A_2373, %parallel_loop3A_1651 : vector<16xf32>
        %parallel_loop3A_2375 = arith.addf %parallel_loop3A_2372, %parallel_loop3A_2374 : vector<16xf32>
        %parallel_loop3A_2376 = vector.broadcast %parallel_loop3A_2351 : f32 to vector<16xf32>
        %parallel_loop3A_2377 = arith.mulf %parallel_loop3A_2376, %parallel_loop3A_1671 : vector<16xf32>
        %parallel_loop3A_2378 = vector.broadcast %parallel_loop3A_2353 : f32 to vector<16xf32>
        %parallel_loop3A_2379 = arith.mulf %parallel_loop3A_2378, %parallel_loop3A_1691 : vector<16xf32>
        %parallel_loop3A_2380 = arith.addf %parallel_loop3A_2377, %parallel_loop3A_2379 : vector<16xf32>
        %parallel_loop3A_2381 = arith.addf %parallel_loop3A_2375, %parallel_loop3A_2380 : vector<16xf32>
        %parallel_loop3A_2382 = arith.index_cast %rem3A_149 : i32 to index
        %parallel_loop3A_2383 = arith.index_cast %parallel_loop3A_2345 : i32 to index
        %parallel_loop3A_2384 = arith.constant 80 : index
        %parallel_loop3A_2385 = tpu.vector_load %arg8[%parallel_loop3A_2382, %parallel_loop3A_2383, %parallel_loop3A_2384] {strides = array<i32>} : memref<4x128x128xf32, #tpu.memory_space<vmem>>, vector<1x1x16xf32>,
        %parallel_loop3A_2386 = vector.shape_cast %parallel_loop3A_2385 : vector<1x1x16xf32> to vector<16xf32>
        %parallel_loop3A_2387 = vector.shape_cast %parallel_loop3A_2381 : vector<16xf32> to vector<1x1x16xf32>
        tpu.vector_store %arg8[%parallel_loop3A_2382, %parallel_loop3A_2383, %parallel_loop3A_2384], %parallel_loop3A_2387 {add = true, strides = array<i32>} : memref<4x128x128xf32, #tpu.memory_space<vmem>>, vector<1x1x16xf32>,
        %parallel_loop3A_2388 = vector.broadcast %parallel_loop3A_2347 : f32 to vector<16xf32>
        %parallel_loop3A_2389 = arith.mulf %parallel_loop3A_2388, %parallel_loop3A_1636 : vector<16xf32>
        %parallel_loop3A_2390 = vector.broadcast %parallel_loop3A_2349 : f32 to vector<16xf32>
        %parallel_loop3A_2391 = arith.mulf %parallel_loop3A_2390, %parallel_loop3A_1656 : vector<16xf32>
        %parallel_loop3A_2392 = arith.addf %parallel_loop3A_2389, %parallel_loop3A_2391 : vector<16xf32>
        %parallel_loop3A_2393 = vector.broadcast %parallel_loop3A_2351 : f32 to vector<16xf32>
        %parallel_loop3A_2394 = arith.mulf %parallel_loop3A_2393, %parallel_loop3A_1676 : vector<16xf32>
        %parallel_loop3A_2395 = vector.broadcast %parallel_loop3A_2353 : f32 to vector<16xf32>
        %parallel_loop3A_2396 = arith.mulf %parallel_loop3A_2395, %parallel_loop3A_1696 : vector<16xf32>
        %parallel_loop3A_2397 = arith.addf %parallel_loop3A_2394, %parallel_loop3A_2396 : vector<16xf32>
        %parallel_loop3A_2398 = arith.addf %parallel_loop3A_2392, %parallel_loop3A_2397 : vector<16xf32>
        %parallel_loop3A_2399 = arith.index_cast %rem3A_149 : i32 to index
        %parallel_loop3A_2400 = arith.index_cast %parallel_loop3A_2345 : i32 to index
        %parallel_loop3A_2401 = arith.constant 96 : index
        %parallel_loop3A_2402 = tpu.vector_load %arg8[%parallel_loop3A_2399, %parallel_loop3A_2400, %parallel_loop3A_2401] {strides = array<i32>} : memref<4x128x128xf32, #tpu.memory_space<vmem>>, vector<1x1x16xf32>,
        %parallel_loop3A_2403 = vector.shape_cast %parallel_loop3A_2402 : vector<1x1x16xf32> to vector<16xf32>
        %parallel_loop3A_2404 = vector.shape_cast %parallel_loop3A_2398 : vector<16xf32> to vector<1x1x16xf32>
        tpu.vector_store %arg8[%parallel_loop3A_2399, %parallel_loop3A_2400, %parallel_loop3A_2401], %parallel_loop3A_2404 {add = true, strides = array<i32>} : memref<4x128x128xf32, #tpu.memory_space<vmem>>, vector<1x1x16xf32>,
        %parallel_loop3A_2405 = vector.broadcast %parallel_loop3A_2347 : f32 to vector<16xf32>
        %parallel_loop3A_2406 = arith.mulf %parallel_loop3A_2405, %parallel_loop3A_1641 : vector<16xf32>
        %parallel_loop3A_2407 = vector.broadcast %parallel_loop3A_2349 : f32 to vector<16xf32>
        %parallel_loop3A_2408 = arith.mulf %parallel_loop3A_2407, %parallel_loop3A_1661 : vector<16xf32>
        %parallel_loop3A_2409 = arith.addf %parallel_loop3A_2406, %parallel_loop3A_2408 : vector<16xf32>
        %parallel_loop3A_2410 = vector.broadcast %parallel_loop3A_2351 : f32 to vector<16xf32>
        %parallel_loop3A_2411 = arith.mulf %parallel_loop3A_2410, %parallel_loop3A_1681 : vector<16xf32>
        %parallel_loop3A_2412 = vector.broadcast %parallel_loop3A_2353 : f32 to vector<16xf32>
        %parallel_loop3A_2413 = arith.mulf %parallel_loop3A_2412, %parallel_loop3A_1701 : vector<16xf32>
        %parallel_loop3A_2414 = arith.addf %parallel_loop3A_2411, %parallel_loop3A_2413 : vector<16xf32>
        %parallel_loop3A_2415 = arith.addf %parallel_loop3A_2409, %parallel_loop3A_2414 : vector<16xf32>
        %parallel_loop3A_2416 = arith.index_cast %rem3A_149 : i32 to index
        %parallel_loop3A_2417 = arith.index_cast %parallel_loop3A_2345 : i32 to index
        %parallel_loop3A_2418 = arith.constant 112 : index
        %parallel_loop3A_2419 = tpu.vector_load %arg8[%parallel_loop3A_2416, %parallel_loop3A_2417, %parallel_loop3A_2418] {strides = array<i32>} : memref<4x128x128xf32, #tpu.memory_space<vmem>>, vector<1x1x16xf32>,
        %parallel_loop3A_2420 = vector.shape_cast %parallel_loop3A_2419 : vector<1x1x16xf32> to vector<16xf32>
        %parallel_loop3A_2421 = vector.shape_cast %parallel_loop3A_2415 : vector<16xf32> to vector<1x1x16xf32>
        tpu.vector_store %arg8[%parallel_loop3A_2416, %parallel_loop3A_2417, %parallel_loop3A_2418], %parallel_loop3A_2421 {add = true, strides = array<i32>} : memref<4x128x128xf32, #tpu.memory_space<vmem>>, vector<1x1x16xf32>,
        %parallel_loop3A_2422 = arith.constant 16 : i32
        %parallel_loop3A_2423 = arith.muli %parallel_loop3A_225, %parallel_loop3A_2422 : i32
        %parallel_loop3A_2424 = arith.constant 9 : i32
        %parallel_loop3A_2425 = arith.addi %parallel_loop3A_2423, %parallel_loop3A_2424 : i32
        %parallel_loop3A_2426 = vector.extract_strided_slice %parallel_loop3A_234 {offsets = [9], sizes = [1], strides = [1]} : vector<16xf32> to vector<1xf32>
        %parallel_loop3A_2427 = vector.extract %parallel_loop3A_2426[0] : f32 from vector<1xf32>
        %parallel_loop3A_2428 = vector.extract_strided_slice %parallel_loop3A_243 {offsets = [9], sizes = [1], strides = [1]} : vector<16xf32> to vector<1xf32>
        %parallel_loop3A_2429 = vector.extract %parallel_loop3A_2428[0] : f32 from vector<1xf32>
        %parallel_loop3A_2430 = vector.extract_strided_slice %parallel_loop3A_252 {offsets = [9], sizes = [1], strides = [1]} : vector<16xf32> to vector<1xf32>
        %parallel_loop3A_2431 = vector.extract %parallel_loop3A_2430[0] : f32 from vector<1xf32>
        %parallel_loop3A_2432 = vector.extract_strided_slice %parallel_loop3A_261 {offsets = [9], sizes = [1], strides = [1]} : vector<16xf32> to vector<1xf32>
        %parallel_loop3A_2433 = vector.extract %parallel_loop3A_2432[0] : f32 from vector<1xf32>
        %parallel_loop3A_2434 = vector.broadcast %parallel_loop3A_2427 : f32 to vector<16xf32>
        %parallel_loop3A_2435 = arith.mulf %parallel_loop3A_2434, %parallel_loop3A_1626 : vector<16xf32>
        %parallel_loop3A_2436 = vector.broadcast %parallel_loop3A_2429 : f32 to vector<16xf32>
        %parallel_loop3A_2437 = arith.mulf %parallel_loop3A_2436, %parallel_loop3A_1646 : vector<16xf32>
        %parallel_loop3A_2438 = arith.addf %parallel_loop3A_2435, %parallel_loop3A_2437 : vector<16xf32>
        %parallel_loop3A_2439 = vector.broadcast %parallel_loop3A_2431 : f32 to vector<16xf32>
        %parallel_loop3A_2440 = arith.mulf %parallel_loop3A_2439, %parallel_loop3A_1666 : vector<16xf32>
        %parallel_loop3A_2441 = vector.broadcast %parallel_loop3A_2433 : f32 to vector<16xf32>
        %parallel_loop3A_2442 = arith.mulf %parallel_loop3A_2441, %parallel_loop3A_1686 : vector<16xf32>
        %parallel_loop3A_2443 = arith.addf %parallel_loop3A_2440, %parallel_loop3A_2442 : vector<16xf32>
        %parallel_loop3A_2444 = arith.addf %parallel_loop3A_2438, %parallel_loop3A_2443 : vector<16xf32>
        %parallel_loop3A_2445 = arith.index_cast %rem3A_149 : i32 to index
        %parallel_loop3A_2446 = arith.index_cast %parallel_loop3A_2425 : i32 to index
        %parallel_loop3A_2447 = arith.constant 64 : index
        %parallel_loop3A_2448 = tpu.vector_load %arg8[%parallel_loop3A_2445, %parallel_loop3A_2446, %parallel_loop3A_2447] {strides = array<i32>} : memref<4x128x128xf32, #tpu.memory_space<vmem>>, vector<1x1x16xf32>,
        %parallel_loop3A_2449 = vector.shape_cast %parallel_loop3A_2448 : vector<1x1x16xf32> to vector<16xf32>
        %parallel_loop3A_2450 = vector.shape_cast %parallel_loop3A_2444 : vector<16xf32> to vector<1x1x16xf32>
        tpu.vector_store %arg8[%parallel_loop3A_2445, %parallel_loop3A_2446, %parallel_loop3A_2447], %parallel_loop3A_2450 {add = true, strides = array<i32>} : memref<4x128x128xf32, #tpu.memory_space<vmem>>, vector<1x1x16xf32>,
        %parallel_loop3A_2451 = vector.broadcast %parallel_loop3A_2427 : f32 to vector<16xf32>
        %parallel_loop3A_2452 = arith.mulf %parallel_loop3A_2451, %parallel_loop3A_1631 : vector<16xf32>
        %parallel_loop3A_2453 = vector.broadcast %parallel_loop3A_2429 : f32 to vector<16xf32>
        %parallel_loop3A_2454 = arith.mulf %parallel_loop3A_2453, %parallel_loop3A_1651 : vector<16xf32>
        %parallel_loop3A_2455 = arith.addf %parallel_loop3A_2452, %parallel_loop3A_2454 : vector<16xf32>
        %parallel_loop3A_2456 = vector.broadcast %parallel_loop3A_2431 : f32 to vector<16xf32>
        %parallel_loop3A_2457 = arith.mulf %parallel_loop3A_2456, %parallel_loop3A_1671 : vector<16xf32>
        %parallel_loop3A_2458 = vector.broadcast %parallel_loop3A_2433 : f32 to vector<16xf32>
        %parallel_loop3A_2459 = arith.mulf %parallel_loop3A_2458, %parallel_loop3A_1691 : vector<16xf32>
        %parallel_loop3A_2460 = arith.addf %parallel_loop3A_2457, %parallel_loop3A_2459 : vector<16xf32>
        %parallel_loop3A_2461 = arith.addf %parallel_loop3A_2455, %parallel_loop3A_2460 : vector<16xf32>
        %parallel_loop3A_2462 = arith.index_cast %rem3A_149 : i32 to index
        %parallel_loop3A_2463 = arith.index_cast %parallel_loop3A_2425 : i32 to index
        %parallel_loop3A_2464 = arith.constant 80 : index
        %parallel_loop3A_2465 = tpu.vector_load %arg8[%parallel_loop3A_2462, %parallel_loop3A_2463, %parallel_loop3A_2464] {strides = array<i32>} : memref<4x128x128xf32, #tpu.memory_space<vmem>>, vector<1x1x16xf32>,
        %parallel_loop3A_2466 = vector.shape_cast %parallel_loop3A_2465 : vector<1x1x16xf32> to vector<16xf32>
        %parallel_loop3A_2467 = vector.shape_cast %parallel_loop3A_2461 : vector<16xf32> to vector<1x1x16xf32>
        tpu.vector_store %arg8[%parallel_loop3A_2462, %parallel_loop3A_2463, %parallel_loop3A_2464], %parallel_loop3A_2467 {add = true, strides = array<i32>} : memref<4x128x128xf32, #tpu.memory_space<vmem>>, vector<1x1x16xf32>,
        %parallel_loop3A_2468 = vector.broadcast %parallel_loop3A_2427 : f32 to vector<16xf32>
        %parallel_loop3A_2469 = arith.mulf %parallel_loop3A_2468, %parallel_loop3A_1636 : vector<16xf32>
        %parallel_loop3A_2470 = vector.broadcast %parallel_loop3A_2429 : f32 to vector<16xf32>
        %parallel_loop3A_2471 = arith.mulf %parallel_loop3A_2470, %parallel_loop3A_1656 : vector<16xf32>
        %parallel_loop3A_2472 = arith.addf %parallel_loop3A_2469, %parallel_loop3A_2471 : vector<16xf32>
        %parallel_loop3A_2473 = vector.broadcast %parallel_loop3A_2431 : f32 to vector<16xf32>
        %parallel_loop3A_2474 = arith.mulf %parallel_loop3A_2473, %parallel_loop3A_1676 : vector<16xf32>
        %parallel_loop3A_2475 = vector.broadcast %parallel_loop3A_2433 : f32 to vector<16xf32>
        %parallel_loop3A_2476 = arith.mulf %parallel_loop3A_2475, %parallel_loop3A_1696 : vector<16xf32>
        %parallel_loop3A_2477 = arith.addf %parallel_loop3A_2474, %parallel_loop3A_2476 : vector<16xf32>
        %parallel_loop3A_2478 = arith.addf %parallel_loop3A_2472, %parallel_loop3A_2477 : vector<16xf32>
        %parallel_loop3A_2479 = arith.index_cast %rem3A_149 : i32 to index
        %parallel_loop3A_2480 = arith.index_cast %parallel_loop3A_2425 : i32 to index
        %parallel_loop3A_2481 = arith.constant 96 : index
        %parallel_loop3A_2482 = tpu.vector_load %arg8[%parallel_loop3A_2479, %parallel_loop3A_2480, %parallel_loop3A_2481] {strides = array<i32>} : memref<4x128x128xf32, #tpu.memory_space<vmem>>, vector<1x1x16xf32>,
        %parallel_loop3A_2483 = vector.shape_cast %parallel_loop3A_2482 : vector<1x1x16xf32> to vector<16xf32>
        %parallel_loop3A_2484 = vector.shape_cast %parallel_loop3A_2478 : vector<16xf32> to vector<1x1x16xf32>
        tpu.vector_store %arg8[%parallel_loop3A_2479, %parallel_loop3A_2480, %parallel_loop3A_2481], %parallel_loop3A_2484 {add = true, strides = array<i32>} : memref<4x128x128xf32, #tpu.memory_space<vmem>>, vector<1x1x16xf32>,
        %parallel_loop3A_2485 = vector.broadcast %parallel_loop3A_2427 : f32 to vector<16xf32>
        %parallel_loop3A_2486 = arith.mulf %parallel_loop3A_2485, %parallel_loop3A_1641 : vector<16xf32>
        %parallel_loop3A_2487 = vector.broadcast %parallel_loop3A_2429 : f32 to vector<16xf32>
        %parallel_loop3A_2488 = arith.mulf %parallel_loop3A_2487, %parallel_loop3A_1661 : vector<16xf32>
        %parallel_loop3A_2489 = arith.addf %parallel_loop3A_2486, %parallel_loop3A_2488 : vector<16xf32>
        %parallel_loop3A_2490 = vector.broadcast %parallel_loop3A_2431 : f32 to vector<16xf32>
        %parallel_loop3A_2491 = arith.mulf %parallel_loop3A_2490, %parallel_loop3A_1681 : vector<16xf32>
        %parallel_loop3A_2492 = vector.broadcast %parallel_loop3A_2433 : f32 to vector<16xf32>
        %parallel_loop3A_2493 = arith.mulf %parallel_loop3A_2492, %parallel_loop3A_1701 : vector<16xf32>
        %parallel_loop3A_2494 = arith.addf %parallel_loop3A_2491, %parallel_loop3A_2493 : vector<16xf32>
        %parallel_loop3A_2495 = arith.addf %parallel_loop3A_2489, %parallel_loop3A_2494 : vector<16xf32>
        %parallel_loop3A_2496 = arith.index_cast %rem3A_149 : i32 to index
        %parallel_loop3A_2497 = arith.index_cast %parallel_loop3A_2425 : i32 to index
        %parallel_loop3A_2498 = arith.constant 112 : index
        %parallel_loop3A_2499 = tpu.vector_load %arg8[%parallel_loop3A_2496, %parallel_loop3A_2497, %parallel_loop3A_2498] {strides = array<i32>} : memref<4x128x128xf32, #tpu.memory_space<vmem>>, vector<1x1x16xf32>,
        %parallel_loop3A_2500 = vector.shape_cast %parallel_loop3A_2499 : vector<1x1x16xf32> to vector<16xf32>
        %parallel_loop3A_2501 = vector.shape_cast %parallel_loop3A_2495 : vector<16xf32> to vector<1x1x16xf32>
        tpu.vector_store %arg8[%parallel_loop3A_2496, %parallel_loop3A_2497, %parallel_loop3A_2498], %parallel_loop3A_2501 {add = true, strides = array<i32>} : memref<4x128x128xf32, #tpu.memory_space<vmem>>, vector<1x1x16xf32>,
        %parallel_loop3A_2502 = arith.constant 16 : i32
        %parallel_loop3A_2503 = arith.muli %parallel_loop3A_225, %parallel_loop3A_2502 : i32
        %parallel_loop3A_2504 = arith.constant 10 : i32
        %parallel_loop3A_2505 = arith.addi %parallel_loop3A_2503, %parallel_loop3A_2504 : i32
        %parallel_loop3A_2506 = vector.extract_strided_slice %parallel_loop3A_234 {offsets = [10], sizes = [1], strides = [1]} : vector<16xf32> to vector<1xf32>
        %parallel_loop3A_2507 = vector.extract %parallel_loop3A_2506[0] : f32 from vector<1xf32>
        %parallel_loop3A_2508 = vector.extract_strided_slice %parallel_loop3A_243 {offsets = [10], sizes = [1], strides = [1]} : vector<16xf32> to vector<1xf32>
        %parallel_loop3A_2509 = vector.extract %parallel_loop3A_2508[0] : f32 from vector<1xf32>
        %parallel_loop3A_2510 = vector.extract_strided_slice %parallel_loop3A_252 {offsets = [10], sizes = [1], strides = [1]} : vector<16xf32> to vector<1xf32>
        %parallel_loop3A_2511 = vector.extract %parallel_loop3A_2510[0] : f32 from vector<1xf32>
        %parallel_loop3A_2512 = vector.extract_strided_slice %parallel_loop3A_261 {offsets = [10], sizes = [1], strides = [1]} : vector<16xf32> to vector<1xf32>
        %parallel_loop3A_2513 = vector.extract %parallel_loop3A_2512[0] : f32 from vector<1xf32>
        %parallel_loop3A_2514 = vector.broadcast %parallel_loop3A_2507 : f32 to vector<16xf32>
        %parallel_loop3A_2515 = arith.mulf %parallel_loop3A_2514, %parallel_loop3A_1626 : vector<16xf32>
        %parallel_loop3A_2516 = vector.broadcast %parallel_loop3A_2509 : f32 to vector<16xf32>
        %parallel_loop3A_2517 = arith.mulf %parallel_loop3A_2516, %parallel_loop3A_1646 : vector<16xf32>
        %parallel_loop3A_2518 = arith.addf %parallel_loop3A_2515, %parallel_loop3A_2517 : vector<16xf32>
        %parallel_loop3A_2519 = vector.broadcast %parallel_loop3A_2511 : f32 to vector<16xf32>
        %parallel_loop3A_2520 = arith.mulf %parallel_loop3A_2519, %parallel_loop3A_1666 : vector<16xf32>
        %parallel_loop3A_2521 = vector.broadcast %parallel_loop3A_2513 : f32 to vector<16xf32>
        %parallel_loop3A_2522 = arith.mulf %parallel_loop3A_2521, %parallel_loop3A_1686 : vector<16xf32>
        %parallel_loop3A_2523 = arith.addf %parallel_loop3A_2520, %parallel_loop3A_2522 : vector<16xf32>
        %parallel_loop3A_2524 = arith.addf %parallel_loop3A_2518, %parallel_loop3A_2523 : vector<16xf32>
        %parallel_loop3A_2525 = arith.index_cast %rem3A_149 : i32 to index
        %parallel_loop3A_2526 = arith.index_cast %parallel_loop3A_2505 : i32 to index
        %parallel_loop3A_2527 = arith.constant 64 : index
        %parallel_loop3A_2528 = tpu.vector_load %arg8[%parallel_loop3A_2525, %parallel_loop3A_2526, %parallel_loop3A_2527] {strides = array<i32>} : memref<4x128x128xf32, #tpu.memory_space<vmem>>, vector<1x1x16xf32>,
        %parallel_loop3A_2529 = vector.shape_cast %parallel_loop3A_2528 : vector<1x1x16xf32> to vector<16xf32>
        %parallel_loop3A_2530 = vector.shape_cast %parallel_loop3A_2524 : vector<16xf32> to vector<1x1x16xf32>
        tpu.vector_store %arg8[%parallel_loop3A_2525, %parallel_loop3A_2526, %parallel_loop3A_2527], %parallel_loop3A_2530 {add = true, strides = array<i32>} : memref<4x128x128xf32, #tpu.memory_space<vmem>>, vector<1x1x16xf32>,
        %parallel_loop3A_2531 = vector.broadcast %parallel_loop3A_2507 : f32 to vector<16xf32>
        %parallel_loop3A_2532 = arith.mulf %parallel_loop3A_2531, %parallel_loop3A_1631 : vector<16xf32>
        %parallel_loop3A_2533 = vector.broadcast %parallel_loop3A_2509 : f32 to vector<16xf32>
        %parallel_loop3A_2534 = arith.mulf %parallel_loop3A_2533, %parallel_loop3A_1651 : vector<16xf32>
        %parallel_loop3A_2535 = arith.addf %parallel_loop3A_2532, %parallel_loop3A_2534 : vector<16xf32>
        %parallel_loop3A_2536 = vector.broadcast %parallel_loop3A_2511 : f32 to vector<16xf32>
        %parallel_loop3A_2537 = arith.mulf %parallel_loop3A_2536, %parallel_loop3A_1671 : vector<16xf32>
        %parallel_loop3A_2538 = vector.broadcast %parallel_loop3A_2513 : f32 to vector<16xf32>
        %parallel_loop3A_2539 = arith.mulf %parallel_loop3A_2538, %parallel_loop3A_1691 : vector<16xf32>
        %parallel_loop3A_2540 = arith.addf %parallel_loop3A_2537, %parallel_loop3A_2539 : vector<16xf32>
        %parallel_loop3A_2541 = arith.addf %parallel_loop3A_2535, %parallel_loop3A_2540 : vector<16xf32>
        %parallel_loop3A_2542 = arith.index_cast %rem3A_149 : i32 to index
        %parallel_loop3A_2543 = arith.index_cast %parallel_loop3A_2505 : i32 to index
        %parallel_loop3A_2544 = arith.constant 80 : index
        %parallel_loop3A_2545 = tpu.vector_load %arg8[%parallel_loop3A_2542, %parallel_loop3A_2543, %parallel_loop3A_2544] {strides = array<i32>} : memref<4x128x128xf32, #tpu.memory_space<vmem>>, vector<1x1x16xf32>,
        %parallel_loop3A_2546 = vector.shape_cast %parallel_loop3A_2545 : vector<1x1x16xf32> to vector<16xf32>
        %parallel_loop3A_2547 = vector.shape_cast %parallel_loop3A_2541 : vector<16xf32> to vector<1x1x16xf32>
        tpu.vector_store %arg8[%parallel_loop3A_2542, %parallel_loop3A_2543, %parallel_loop3A_2544], %parallel_loop3A_2547 {add = true, strides = array<i32>} : memref<4x128x128xf32, #tpu.memory_space<vmem>>, vector<1x1x16xf32>,
        %parallel_loop3A_2548 = vector.broadcast %parallel_loop3A_2507 : f32 to vector<16xf32>
        %parallel_loop3A_2549 = arith.mulf %parallel_loop3A_2548, %parallel_loop3A_1636 : vector<16xf32>
        %parallel_loop3A_2550 = vector.broadcast %parallel_loop3A_2509 : f32 to vector<16xf32>
        %parallel_loop3A_2551 = arith.mulf %parallel_loop3A_2550, %parallel_loop3A_1656 : vector<16xf32>
        %parallel_loop3A_2552 = arith.addf %parallel_loop3A_2549, %parallel_loop3A_2551 : vector<16xf32>
        %parallel_loop3A_2553 = vector.broadcast %parallel_loop3A_2511 : f32 to vector<16xf32>
        %parallel_loop3A_2554 = arith.mulf %parallel_loop3A_2553, %parallel_loop3A_1676 : vector<16xf32>
        %parallel_loop3A_2555 = vector.broadcast %parallel_loop3A_2513 : f32 to vector<16xf32>
        %parallel_loop3A_2556 = arith.mulf %parallel_loop3A_2555, %parallel_loop3A_1696 : vector<16xf32>
        %parallel_loop3A_2557 = arith.addf %parallel_loop3A_2554, %parallel_loop3A_2556 : vector<16xf32>
        %parallel_loop3A_2558 = arith.addf %parallel_loop3A_2552, %parallel_loop3A_2557 : vector<16xf32>
        %parallel_loop3A_2559 = arith.index_cast %rem3A_149 : i32 to index
        %parallel_loop3A_2560 = arith.index_cast %parallel_loop3A_2505 : i32 to index
        %parallel_loop3A_2561 = arith.constant 96 : index
        %parallel_loop3A_2562 = tpu.vector_load %arg8[%parallel_loop3A_2559, %parallel_loop3A_2560, %parallel_loop3A_2561] {strides = array<i32>} : memref<4x128x128xf32, #tpu.memory_space<vmem>>, vector<1x1x16xf32>,
        %parallel_loop3A_2563 = vector.shape_cast %parallel_loop3A_2562 : vector<1x1x16xf32> to vector<16xf32>
        %parallel_loop3A_2564 = vector.shape_cast %parallel_loop3A_2558 : vector<16xf32> to vector<1x1x16xf32>
        tpu.vector_store %arg8[%parallel_loop3A_2559, %parallel_loop3A_2560, %parallel_loop3A_2561], %parallel_loop3A_2564 {add = true, strides = array<i32>} : memref<4x128x128xf32, #tpu.memory_space<vmem>>, vector<1x1x16xf32>,
        %parallel_loop3A_2565 = vector.broadcast %parallel_loop3A_2507 : f32 to vector<16xf32>
        %parallel_loop3A_2566 = arith.mulf %parallel_loop3A_2565, %parallel_loop3A_1641 : vector<16xf32>
        %parallel_loop3A_2567 = vector.broadcast %parallel_loop3A_2509 : f32 to vector<16xf32>
        %parallel_loop3A_2568 = arith.mulf %parallel_loop3A_2567, %parallel_loop3A_1661 : vector<16xf32>
        %parallel_loop3A_2569 = arith.addf %parallel_loop3A_2566, %parallel_loop3A_2568 : vector<16xf32>
        %parallel_loop3A_2570 = vector.broadcast %parallel_loop3A_2511 : f32 to vector<16xf32>
        %parallel_loop3A_2571 = arith.mulf %parallel_loop3A_2570, %parallel_loop3A_1681 : vector<16xf32>
        %parallel_loop3A_2572 = vector.broadcast %parallel_loop3A_2513 : f32 to vector<16xf32>
        %parallel_loop3A_2573 = arith.mulf %parallel_loop3A_2572, %parallel_loop3A_1701 : vector<16xf32>
        %parallel_loop3A_2574 = arith.addf %parallel_loop3A_2571, %parallel_loop3A_2573 : vector<16xf32>
        %parallel_loop3A_2575 = arith.addf %parallel_loop3A_2569, %parallel_loop3A_2574 : vector<16xf32>
        %parallel_loop3A_2576 = arith.index_cast %rem3A_149 : i32 to index
        %parallel_loop3A_2577 = arith.index_cast %parallel_loop3A_2505 : i32 to index
        %parallel_loop3A_2578 = arith.constant 112 : index
        %parallel_loop3A_2579 = tpu.vector_load %arg8[%parallel_loop3A_2576, %parallel_loop3A_2577, %parallel_loop3A_2578] {strides = array<i32>} : memref<4x128x128xf32, #tpu.memory_space<vmem>>, vector<1x1x16xf32>,
        %parallel_loop3A_2580 = vector.shape_cast %parallel_loop3A_2579 : vector<1x1x16xf32> to vector<16xf32>
        %parallel_loop3A_2581 = vector.shape_cast %parallel_loop3A_2575 : vector<16xf32> to vector<1x1x16xf32>
        tpu.vector_store %arg8[%parallel_loop3A_2576, %parallel_loop3A_2577, %parallel_loop3A_2578], %parallel_loop3A_2581 {add = true, strides = array<i32>} : memref<4x128x128xf32, #tpu.memory_space<vmem>>, vector<1x1x16xf32>,
        %parallel_loop3A_2582 = arith.constant 16 : i32
        %parallel_loop3A_2583 = arith.muli %parallel_loop3A_225, %parallel_loop3A_2582 : i32
        %parallel_loop3A_2584 = arith.constant 11 : i32
        %parallel_loop3A_2585 = arith.addi %parallel_loop3A_2583, %parallel_loop3A_2584 : i32
        %parallel_loop3A_2586 = vector.extract_strided_slice %parallel_loop3A_234 {offsets = [11], sizes = [1], strides = [1]} : vector<16xf32> to vector<1xf32>
        %parallel_loop3A_2587 = vector.extract %parallel_loop3A_2586[0] : f32 from vector<1xf32>
        %parallel_loop3A_2588 = vector.extract_strided_slice %parallel_loop3A_243 {offsets = [11], sizes = [1], strides = [1]} : vector<16xf32> to vector<1xf32>
        %parallel_loop3A_2589 = vector.extract %parallel_loop3A_2588[0] : f32 from vector<1xf32>
        %parallel_loop3A_2590 = vector.extract_strided_slice %parallel_loop3A_252 {offsets = [11], sizes = [1], strides = [1]} : vector<16xf32> to vector<1xf32>
        %parallel_loop3A_2591 = vector.extract %parallel_loop3A_2590[0] : f32 from vector<1xf32>
        %parallel_loop3A_2592 = vector.extract_strided_slice %parallel_loop3A_261 {offsets = [11], sizes = [1], strides = [1]} : vector<16xf32> to vector<1xf32>
        %parallel_loop3A_2593 = vector.extract %parallel_loop3A_2592[0] : f32 from vector<1xf32>
        %parallel_loop3A_2594 = vector.broadcast %parallel_loop3A_2587 : f32 to vector<16xf32>
        %parallel_loop3A_2595 = arith.mulf %parallel_loop3A_2594, %parallel_loop3A_1626 : vector<16xf32>
        %parallel_loop3A_2596 = vector.broadcast %parallel_loop3A_2589 : f32 to vector<16xf32>
        %parallel_loop3A_2597 = arith.mulf %parallel_loop3A_2596, %parallel_loop3A_1646 : vector<16xf32>
        %parallel_loop3A_2598 = arith.addf %parallel_loop3A_2595, %parallel_loop3A_2597 : vector<16xf32>
        %parallel_loop3A_2599 = vector.broadcast %parallel_loop3A_2591 : f32 to vector<16xf32>
        %parallel_loop3A_2600 = arith.mulf %parallel_loop3A_2599, %parallel_loop3A_1666 : vector<16xf32>
        %parallel_loop3A_2601 = vector.broadcast %parallel_loop3A_2593 : f32 to vector<16xf32>
        %parallel_loop3A_2602 = arith.mulf %parallel_loop3A_2601, %parallel_loop3A_1686 : vector<16xf32>
        %parallel_loop3A_2603 = arith.addf %parallel_loop3A_2600, %parallel_loop3A_2602 : vector<16xf32>
        %parallel_loop3A_2604 = arith.addf %parallel_loop3A_2598, %parallel_loop3A_2603 : vector<16xf32>
        %parallel_loop3A_2605 = arith.index_cast %rem3A_149 : i32 to index
        %parallel_loop3A_2606 = arith.index_cast %parallel_loop3A_2585 : i32 to index
        %parallel_loop3A_2607 = arith.constant 64 : index
        %parallel_loop3A_2608 = tpu.vector_load %arg8[%parallel_loop3A_2605, %parallel_loop3A_2606, %parallel_loop3A_2607] {strides = array<i32>} : memref<4x128x128xf32, #tpu.memory_space<vmem>>, vector<1x1x16xf32>,
        %parallel_loop3A_2609 = vector.shape_cast %parallel_loop3A_2608 : vector<1x1x16xf32> to vector<16xf32>
        %parallel_loop3A_2610 = vector.shape_cast %parallel_loop3A_2604 : vector<16xf32> to vector<1x1x16xf32>
        tpu.vector_store %arg8[%parallel_loop3A_2605, %parallel_loop3A_2606, %parallel_loop3A_2607], %parallel_loop3A_2610 {add = true, strides = array<i32>} : memref<4x128x128xf32, #tpu.memory_space<vmem>>, vector<1x1x16xf32>,
        %parallel_loop3A_2611 = vector.broadcast %parallel_loop3A_2587 : f32 to vector<16xf32>
        %parallel_loop3A_2612 = arith.mulf %parallel_loop3A_2611, %parallel_loop3A_1631 : vector<16xf32>
        %parallel_loop3A_2613 = vector.broadcast %parallel_loop3A_2589 : f32 to vector<16xf32>
        %parallel_loop3A_2614 = arith.mulf %parallel_loop3A_2613, %parallel_loop3A_1651 : vector<16xf32>
        %parallel_loop3A_2615 = arith.addf %parallel_loop3A_2612, %parallel_loop3A_2614 : vector<16xf32>
        %parallel_loop3A_2616 = vector.broadcast %parallel_loop3A_2591 : f32 to vector<16xf32>
        %parallel_loop3A_2617 = arith.mulf %parallel_loop3A_2616, %parallel_loop3A_1671 : vector<16xf32>
        %parallel_loop3A_2618 = vector.broadcast %parallel_loop3A_2593 : f32 to vector<16xf32>
        %parallel_loop3A_2619 = arith.mulf %parallel_loop3A_2618, %parallel_loop3A_1691 : vector<16xf32>
        %parallel_loop3A_2620 = arith.addf %parallel_loop3A_2617, %parallel_loop3A_2619 : vector<16xf32>
        %parallel_loop3A_2621 = arith.addf %parallel_loop3A_2615, %parallel_loop3A_2620 : vector<16xf32>
        %parallel_loop3A_2622 = arith.index_cast %rem3A_149 : i32 to index
        %parallel_loop3A_2623 = arith.index_cast %parallel_loop3A_2585 : i32 to index
        %parallel_loop3A_2624 = arith.constant 80 : index
        %parallel_loop3A_2625 = tpu.vector_load %arg8[%parallel_loop3A_2622, %parallel_loop3A_2623, %parallel_loop3A_2624] {strides = array<i32>} : memref<4x128x128xf32, #tpu.memory_space<vmem>>, vector<1x1x16xf32>,
        %parallel_loop3A_2626 = vector.shape_cast %parallel_loop3A_2625 : vector<1x1x16xf32> to vector<16xf32>
        %parallel_loop3A_2627 = vector.shape_cast %parallel_loop3A_2621 : vector<16xf32> to vector<1x1x16xf32>
        tpu.vector_store %arg8[%parallel_loop3A_2622, %parallel_loop3A_2623, %parallel_loop3A_2624], %parallel_loop3A_2627 {add = true, strides = array<i32>} : memref<4x128x128xf32, #tpu.memory_space<vmem>>, vector<1x1x16xf32>,
        %parallel_loop3A_2628 = vector.broadcast %parallel_loop3A_2587 : f32 to vector<16xf32>
        %parallel_loop3A_2629 = arith.mulf %parallel_loop3A_2628, %parallel_loop3A_1636 : vector<16xf32>
        %parallel_loop3A_2630 = vector.broadcast %parallel_loop3A_2589 : f32 to vector<16xf32>
        %parallel_loop3A_2631 = arith.mulf %parallel_loop3A_2630, %parallel_loop3A_1656 : vector<16xf32>
        %parallel_loop3A_2632 = arith.addf %parallel_loop3A_2629, %parallel_loop3A_2631 : vector<16xf32>
        %parallel_loop3A_2633 = vector.broadcast %parallel_loop3A_2591 : f32 to vector<16xf32>
        %parallel_loop3A_2634 = arith.mulf %parallel_loop3A_2633, %parallel_loop3A_1676 : vector<16xf32>
        %parallel_loop3A_2635 = vector.broadcast %parallel_loop3A_2593 : f32 to vector<16xf32>
        %parallel_loop3A_2636 = arith.mulf %parallel_loop3A_2635, %parallel_loop3A_1696 : vector<16xf32>
        %parallel_loop3A_2637 = arith.addf %parallel_loop3A_2634, %parallel_loop3A_2636 : vector<16xf32>
        %parallel_loop3A_2638 = arith.addf %parallel_loop3A_2632, %parallel_loop3A_2637 : vector<16xf32>
        %parallel_loop3A_2639 = arith.index_cast %rem3A_149 : i32 to index
        %parallel_loop3A_2640 = arith.index_cast %parallel_loop3A_2585 : i32 to index
        %parallel_loop3A_2641 = arith.constant 96 : index
        %parallel_loop3A_2642 = tpu.vector_load %arg8[%parallel_loop3A_2639, %parallel_loop3A_2640, %parallel_loop3A_2641] {strides = array<i32>} : memref<4x128x128xf32, #tpu.memory_space<vmem>>, vector<1x1x16xf32>,
        %parallel_loop3A_2643 = vector.shape_cast %parallel_loop3A_2642 : vector<1x1x16xf32> to vector<16xf32>
        %parallel_loop3A_2644 = vector.shape_cast %parallel_loop3A_2638 : vector<16xf32> to vector<1x1x16xf32>
        tpu.vector_store %arg8[%parallel_loop3A_2639, %parallel_loop3A_2640, %parallel_loop3A_2641], %parallel_loop3A_2644 {add = true, strides = array<i32>} : memref<4x128x128xf32, #tpu.memory_space<vmem>>, vector<1x1x16xf32>,
        %parallel_loop3A_2645 = vector.broadcast %parallel_loop3A_2587 : f32 to vector<16xf32>
        %parallel_loop3A_2646 = arith.mulf %parallel_loop3A_2645, %parallel_loop3A_1641 : vector<16xf32>
        %parallel_loop3A_2647 = vector.broadcast %parallel_loop3A_2589 : f32 to vector<16xf32>
        %parallel_loop3A_2648 = arith.mulf %parallel_loop3A_2647, %parallel_loop3A_1661 : vector<16xf32>
        %parallel_loop3A_2649 = arith.addf %parallel_loop3A_2646, %parallel_loop3A_2648 : vector<16xf32>
        %parallel_loop3A_2650 = vector.broadcast %parallel_loop3A_2591 : f32 to vector<16xf32>
        %parallel_loop3A_2651 = arith.mulf %parallel_loop3A_2650, %parallel_loop3A_1681 : vector<16xf32>
        %parallel_loop3A_2652 = vector.broadcast %parallel_loop3A_2593 : f32 to vector<16xf32>
        %parallel_loop3A_2653 = arith.mulf %parallel_loop3A_2652, %parallel_loop3A_1701 : vector<16xf32>
        %parallel_loop3A_2654 = arith.addf %parallel_loop3A_2651, %parallel_loop3A_2653 : vector<16xf32>
        %parallel_loop3A_2655 = arith.addf %parallel_loop3A_2649, %parallel_loop3A_2654 : vector<16xf32>
        %parallel_loop3A_2656 = arith.index_cast %rem3A_149 : i32 to index
        %parallel_loop3A_2657 = arith.index_cast %parallel_loop3A_2585 : i32 to index
        %parallel_loop3A_2658 = arith.constant 112 : index
        %parallel_loop3A_2659 = tpu.vector_load %arg8[%parallel_loop3A_2656, %parallel_loop3A_2657, %parallel_loop3A_2658] {strides = array<i32>} : memref<4x128x128xf32, #tpu.memory_space<vmem>>, vector<1x1x16xf32>,
        %parallel_loop3A_2660 = vector.shape_cast %parallel_loop3A_2659 : vector<1x1x16xf32> to vector<16xf32>
        %parallel_loop3A_2661 = vector.shape_cast %parallel_loop3A_2655 : vector<16xf32> to vector<1x1x16xf32>
        tpu.vector_store %arg8[%parallel_loop3A_2656, %parallel_loop3A_2657, %parallel_loop3A_2658], %parallel_loop3A_2661 {add = true, strides = array<i32>} : memref<4x128x128xf32, #tpu.memory_space<vmem>>, vector<1x1x16xf32>,
        %parallel_loop3A_2662 = arith.constant 16 : i32
        %parallel_loop3A_2663 = arith.muli %parallel_loop3A_225, %parallel_loop3A_2662 : i32
        %parallel_loop3A_2664 = arith.constant 12 : i32
        %parallel_loop3A_2665 = arith.addi %parallel_loop3A_2663, %parallel_loop3A_2664 : i32
        %parallel_loop3A_2666 = vector.extract_strided_slice %parallel_loop3A_234 {offsets = [12], sizes = [1], strides = [1]} : vector<16xf32> to vector<1xf32>
        %parallel_loop3A_2667 = vector.extract %parallel_loop3A_2666[0] : f32 from vector<1xf32>
        %parallel_loop3A_2668 = vector.extract_strided_slice %parallel_loop3A_243 {offsets = [12], sizes = [1], strides = [1]} : vector<16xf32> to vector<1xf32>
        %parallel_loop3A_2669 = vector.extract %parallel_loop3A_2668[0] : f32 from vector<1xf32>
        %parallel_loop3A_2670 = vector.extract_strided_slice %parallel_loop3A_252 {offsets = [12], sizes = [1], strides = [1]} : vector<16xf32> to vector<1xf32>
        %parallel_loop3A_2671 = vector.extract %parallel_loop3A_2670[0] : f32 from vector<1xf32>
        %parallel_loop3A_2672 = vector.extract_strided_slice %parallel_loop3A_261 {offsets = [12], sizes = [1], strides = [1]} : vector<16xf32> to vector<1xf32>
        %parallel_loop3A_2673 = vector.extract %parallel_loop3A_2672[0] : f32 from vector<1xf32>
        %parallel_loop3A_2674 = vector.broadcast %parallel_loop3A_2667 : f32 to vector<16xf32>
        %parallel_loop3A_2675 = arith.mulf %parallel_loop3A_2674, %parallel_loop3A_1626 : vector<16xf32>
        %parallel_loop3A_2676 = vector.broadcast %parallel_loop3A_2669 : f32 to vector<16xf32>
        %parallel_loop3A_2677 = arith.mulf %parallel_loop3A_2676, %parallel_loop3A_1646 : vector<16xf32>
        %parallel_loop3A_2678 = arith.addf %parallel_loop3A_2675, %parallel_loop3A_2677 : vector<16xf32>
        %parallel_loop3A_2679 = vector.broadcast %parallel_loop3A_2671 : f32 to vector<16xf32>
        %parallel_loop3A_2680 = arith.mulf %parallel_loop3A_2679, %parallel_loop3A_1666 : vector<16xf32>
        %parallel_loop3A_2681 = vector.broadcast %parallel_loop3A_2673 : f32 to vector<16xf32>
        %parallel_loop3A_2682 = arith.mulf %parallel_loop3A_2681, %parallel_loop3A_1686 : vector<16xf32>
        %parallel_loop3A_2683 = arith.addf %parallel_loop3A_2680, %parallel_loop3A_2682 : vector<16xf32>
        %parallel_loop3A_2684 = arith.addf %parallel_loop3A_2678, %parallel_loop3A_2683 : vector<16xf32>
        %parallel_loop3A_2685 = arith.index_cast %rem3A_149 : i32 to index
        %parallel_loop3A_2686 = arith.index_cast %parallel_loop3A_2665 : i32 to index
        %parallel_loop3A_2687 = arith.constant 64 : index
        %parallel_loop3A_2688 = tpu.vector_load %arg8[%parallel_loop3A_2685, %parallel_loop3A_2686, %parallel_loop3A_2687] {strides = array<i32>} : memref<4x128x128xf32, #tpu.memory_space<vmem>>, vector<1x1x16xf32>,
        %parallel_loop3A_2689 = vector.shape_cast %parallel_loop3A_2688 : vector<1x1x16xf32> to vector<16xf32>
        %parallel_loop3A_2690 = vector.shape_cast %parallel_loop3A_2684 : vector<16xf32> to vector<1x1x16xf32>
        tpu.vector_store %arg8[%parallel_loop3A_2685, %parallel_loop3A_2686, %parallel_loop3A_2687], %parallel_loop3A_2690 {add = true, strides = array<i32>} : memref<4x128x128xf32, #tpu.memory_space<vmem>>, vector<1x1x16xf32>,
        %parallel_loop3A_2691 = vector.broadcast %parallel_loop3A_2667 : f32 to vector<16xf32>
        %parallel_loop3A_2692 = arith.mulf %parallel_loop3A_2691, %parallel_loop3A_1631 : vector<16xf32>
        %parallel_loop3A_2693 = vector.broadcast %parallel_loop3A_2669 : f32 to vector<16xf32>
        %parallel_loop3A_2694 = arith.mulf %parallel_loop3A_2693, %parallel_loop3A_1651 : vector<16xf32>
        %parallel_loop3A_2695 = arith.addf %parallel_loop3A_2692, %parallel_loop3A_2694 : vector<16xf32>
        %parallel_loop3A_2696 = vector.broadcast %parallel_loop3A_2671 : f32 to vector<16xf32>
        %parallel_loop3A_2697 = arith.mulf %parallel_loop3A_2696, %parallel_loop3A_1671 : vector<16xf32>
        %parallel_loop3A_2698 = vector.broadcast %parallel_loop3A_2673 : f32 to vector<16xf32>
        %parallel_loop3A_2699 = arith.mulf %parallel_loop3A_2698, %parallel_loop3A_1691 : vector<16xf32>
        %parallel_loop3A_2700 = arith.addf %parallel_loop3A_2697, %parallel_loop3A_2699 : vector<16xf32>
        %parallel_loop3A_2701 = arith.addf %parallel_loop3A_2695, %parallel_loop3A_2700 : vector<16xf32>
        %parallel_loop3A_2702 = arith.index_cast %rem3A_149 : i32 to index
        %parallel_loop3A_2703 = arith.index_cast %parallel_loop3A_2665 : i32 to index
        %parallel_loop3A_2704 = arith.constant 80 : index
        %parallel_loop3A_2705 = tpu.vector_load %arg8[%parallel_loop3A_2702, %parallel_loop3A_2703, %parallel_loop3A_2704] {strides = array<i32>} : memref<4x128x128xf32, #tpu.memory_space<vmem>>, vector<1x1x16xf32>,
        %parallel_loop3A_2706 = vector.shape_cast %parallel_loop3A_2705 : vector<1x1x16xf32> to vector<16xf32>
        %parallel_loop3A_2707 = vector.shape_cast %parallel_loop3A_2701 : vector<16xf32> to vector<1x1x16xf32>
        tpu.vector_store %arg8[%parallel_loop3A_2702, %parallel_loop3A_2703, %parallel_loop3A_2704], %parallel_loop3A_2707 {add = true, strides = array<i32>} : memref<4x128x128xf32, #tpu.memory_space<vmem>>, vector<1x1x16xf32>,
        %parallel_loop3A_2708 = vector.broadcast %parallel_loop3A_2667 : f32 to vector<16xf32>
        %parallel_loop3A_2709 = arith.mulf %parallel_loop3A_2708, %parallel_loop3A_1636 : vector<16xf32>
        %parallel_loop3A_2710 = vector.broadcast %parallel_loop3A_2669 : f32 to vector<16xf32>
        %parallel_loop3A_2711 = arith.mulf %parallel_loop3A_2710, %parallel_loop3A_1656 : vector<16xf32>
        %parallel_loop3A_2712 = arith.addf %parallel_loop3A_2709, %parallel_loop3A_2711 : vector<16xf32>
        %parallel_loop3A_2713 = vector.broadcast %parallel_loop3A_2671 : f32 to vector<16xf32>
        %parallel_loop3A_2714 = arith.mulf %parallel_loop3A_2713, %parallel_loop3A_1676 : vector<16xf32>
        %parallel_loop3A_2715 = vector.broadcast %parallel_loop3A_2673 : f32 to vector<16xf32>
        %parallel_loop3A_2716 = arith.mulf %parallel_loop3A_2715, %parallel_loop3A_1696 : vector<16xf32>
        %parallel_loop3A_2717 = arith.addf %parallel_loop3A_2714, %parallel_loop3A_2716 : vector<16xf32>
        %parallel_loop3A_2718 = arith.addf %parallel_loop3A_2712, %parallel_loop3A_2717 : vector<16xf32>
        %parallel_loop3A_2719 = arith.index_cast %rem3A_149 : i32 to index
        %parallel_loop3A_2720 = arith.index_cast %parallel_loop3A_2665 : i32 to index
        %parallel_loop3A_2721 = arith.constant 96 : index
        %parallel_loop3A_2722 = tpu.vector_load %arg8[%parallel_loop3A_2719, %parallel_loop3A_2720, %parallel_loop3A_2721] {strides = array<i32>} : memref<4x128x128xf32, #tpu.memory_space<vmem>>, vector<1x1x16xf32>,
        %parallel_loop3A_2723 = vector.shape_cast %parallel_loop3A_2722 : vector<1x1x16xf32> to vector<16xf32>
        %parallel_loop3A_2724 = vector.shape_cast %parallel_loop3A_2718 : vector<16xf32> to vector<1x1x16xf32>
        tpu.vector_store %arg8[%parallel_loop3A_2719, %parallel_loop3A_2720, %parallel_loop3A_2721], %parallel_loop3A_2724 {add = true, strides = array<i32>} : memref<4x128x128xf32, #tpu.memory_space<vmem>>, vector<1x1x16xf32>,
        %parallel_loop3A_2725 = vector.broadcast %parallel_loop3A_2667 : f32 to vector<16xf32>
        %parallel_loop3A_2726 = arith.mulf %parallel_loop3A_2725, %parallel_loop3A_1641 : vector<16xf32>
        %parallel_loop3A_2727 = vector.broadcast %parallel_loop3A_2669 : f32 to vector<16xf32>
        %parallel_loop3A_2728 = arith.mulf %parallel_loop3A_2727, %parallel_loop3A_1661 : vector<16xf32>
        %parallel_loop3A_2729 = arith.addf %parallel_loop3A_2726, %parallel_loop3A_2728 : vector<16xf32>
        %parallel_loop3A_2730 = vector.broadcast %parallel_loop3A_2671 : f32 to vector<16xf32>
        %parallel_loop3A_2731 = arith.mulf %parallel_loop3A_2730, %parallel_loop3A_1681 : vector<16xf32>
        %parallel_loop3A_2732 = vector.broadcast %parallel_loop3A_2673 : f32 to vector<16xf32>
        %parallel_loop3A_2733 = arith.mulf %parallel_loop3A_2732, %parallel_loop3A_1701 : vector<16xf32>
        %parallel_loop3A_2734 = arith.addf %parallel_loop3A_2731, %parallel_loop3A_2733 : vector<16xf32>
        %parallel_loop3A_2735 = arith.addf %parallel_loop3A_2729, %parallel_loop3A_2734 : vector<16xf32>
        %parallel_loop3A_2736 = arith.index_cast %rem3A_149 : i32 to index
        %parallel_loop3A_2737 = arith.index_cast %parallel_loop3A_2665 : i32 to index
        %parallel_loop3A_2738 = arith.constant 112 : index
        %parallel_loop3A_2739 = tpu.vector_load %arg8[%parallel_loop3A_2736, %parallel_loop3A_2737, %parallel_loop3A_2738] {strides = array<i32>} : memref<4x128x128xf32, #tpu.memory_space<vmem>>, vector<1x1x16xf32>,
        %parallel_loop3A_2740 = vector.shape_cast %parallel_loop3A_2739 : vector<1x1x16xf32> to vector<16xf32>
        %parallel_loop3A_2741 = vector.shape_cast %parallel_loop3A_2735 : vector<16xf32> to vector<1x1x16xf32>
        tpu.vector_store %arg8[%parallel_loop3A_2736, %parallel_loop3A_2737, %parallel_loop3A_2738], %parallel_loop3A_2741 {add = true, strides = array<i32>} : memref<4x128x128xf32, #tpu.memory_space<vmem>>, vector<1x1x16xf32>,
        %parallel_loop3A_2742 = arith.constant 16 : i32
        %parallel_loop3A_2743 = arith.muli %parallel_loop3A_225, %parallel_loop3A_2742 : i32
        %parallel_loop3A_2744 = arith.constant 13 : i32
        %parallel_loop3A_2745 = arith.addi %parallel_loop3A_2743, %parallel_loop3A_2744 : i32
        %parallel_loop3A_2746 = vector.extract_strided_slice %parallel_loop3A_234 {offsets = [13], sizes = [1], strides = [1]} : vector<16xf32> to vector<1xf32>
        %parallel_loop3A_2747 = vector.extract %parallel_loop3A_2746[0] : f32 from vector<1xf32>
        %parallel_loop3A_2748 = vector.extract_strided_slice %parallel_loop3A_243 {offsets = [13], sizes = [1], strides = [1]} : vector<16xf32> to vector<1xf32>
        %parallel_loop3A_2749 = vector.extract %parallel_loop3A_2748[0] : f32 from vector<1xf32>
        %parallel_loop3A_2750 = vector.extract_strided_slice %parallel_loop3A_252 {offsets = [13], sizes = [1], strides = [1]} : vector<16xf32> to vector<1xf32>
        %parallel_loop3A_2751 = vector.extract %parallel_loop3A_2750[0] : f32 from vector<1xf32>
        %parallel_loop3A_2752 = vector.extract_strided_slice %parallel_loop3A_261 {offsets = [13], sizes = [1], strides = [1]} : vector<16xf32> to vector<1xf32>
        %parallel_loop3A_2753 = vector.extract %parallel_loop3A_2752[0] : f32 from vector<1xf32>
        %parallel_loop3A_2754 = vector.broadcast %parallel_loop3A_2747 : f32 to vector<16xf32>
        %parallel_loop3A_2755 = arith.mulf %parallel_loop3A_2754, %parallel_loop3A_1626 : vector<16xf32>
        %parallel_loop3A_2756 = vector.broadcast %parallel_loop3A_2749 : f32 to vector<16xf32>
        %parallel_loop3A_2757 = arith.mulf %parallel_loop3A_2756, %parallel_loop3A_1646 : vector<16xf32>
        %parallel_loop3A_2758 = arith.addf %parallel_loop3A_2755, %parallel_loop3A_2757 : vector<16xf32>
        %parallel_loop3A_2759 = vector.broadcast %parallel_loop3A_2751 : f32 to vector<16xf32>
        %parallel_loop3A_2760 = arith.mulf %parallel_loop3A_2759, %parallel_loop3A_1666 : vector<16xf32>
        %parallel_loop3A_2761 = vector.broadcast %parallel_loop3A_2753 : f32 to vector<16xf32>
        %parallel_loop3A_2762 = arith.mulf %parallel_loop3A_2761, %parallel_loop3A_1686 : vector<16xf32>
        %parallel_loop3A_2763 = arith.addf %parallel_loop3A_2760, %parallel_loop3A_2762 : vector<16xf32>
        %parallel_loop3A_2764 = arith.addf %parallel_loop3A_2758, %parallel_loop3A_2763 : vector<16xf32>
        %parallel_loop3A_2765 = arith.index_cast %rem3A_149 : i32 to index
        %parallel_loop3A_2766 = arith.index_cast %parallel_loop3A_2745 : i32 to index
        %parallel_loop3A_2767 = arith.constant 64 : index
        %parallel_loop3A_2768 = tpu.vector_load %arg8[%parallel_loop3A_2765, %parallel_loop3A_2766, %parallel_loop3A_2767] {strides = array<i32>} : memref<4x128x128xf32, #tpu.memory_space<vmem>>, vector<1x1x16xf32>,
        %parallel_loop3A_2769 = vector.shape_cast %parallel_loop3A_2768 : vector<1x1x16xf32> to vector<16xf32>
        %parallel_loop3A_2770 = vector.shape_cast %parallel_loop3A_2764 : vector<16xf32> to vector<1x1x16xf32>
        tpu.vector_store %arg8[%parallel_loop3A_2765, %parallel_loop3A_2766, %parallel_loop3A_2767], %parallel_loop3A_2770 {add = true, strides = array<i32>} : memref<4x128x128xf32, #tpu.memory_space<vmem>>, vector<1x1x16xf32>,
        %parallel_loop3A_2771 = vector.broadcast %parallel_loop3A_2747 : f32 to vector<16xf32>
        %parallel_loop3A_2772 = arith.mulf %parallel_loop3A_2771, %parallel_loop3A_1631 : vector<16xf32>
        %parallel_loop3A_2773 = vector.broadcast %parallel_loop3A_2749 : f32 to vector<16xf32>
        %parallel_loop3A_2774 = arith.mulf %parallel_loop3A_2773, %parallel_loop3A_1651 : vector<16xf32>
        %parallel_loop3A_2775 = arith.addf %parallel_loop3A_2772, %parallel_loop3A_2774 : vector<16xf32>
        %parallel_loop3A_2776 = vector.broadcast %parallel_loop3A_2751 : f32 to vector<16xf32>
        %parallel_loop3A_2777 = arith.mulf %parallel_loop3A_2776, %parallel_loop3A_1671 : vector<16xf32>
        %parallel_loop3A_2778 = vector.broadcast %parallel_loop3A_2753 : f32 to vector<16xf32>
        %parallel_loop3A_2779 = arith.mulf %parallel_loop3A_2778, %parallel_loop3A_1691 : vector<16xf32>
        %parallel_loop3A_2780 = arith.addf %parallel_loop3A_2777, %parallel_loop3A_2779 : vector<16xf32>
        %parallel_loop3A_2781 = arith.addf %parallel_loop3A_2775, %parallel_loop3A_2780 : vector<16xf32>
        %parallel_loop3A_2782 = arith.index_cast %rem3A_149 : i32 to index
        %parallel_loop3A_2783 = arith.index_cast %parallel_loop3A_2745 : i32 to index
        %parallel_loop3A_2784 = arith.constant 80 : index
        %parallel_loop3A_2785 = tpu.vector_load %arg8[%parallel_loop3A_2782, %parallel_loop3A_2783, %parallel_loop3A_2784] {strides = array<i32>} : memref<4x128x128xf32, #tpu.memory_space<vmem>>, vector<1x1x16xf32>,
        %parallel_loop3A_2786 = vector.shape_cast %parallel_loop3A_2785 : vector<1x1x16xf32> to vector<16xf32>
        %parallel_loop3A_2787 = vector.shape_cast %parallel_loop3A_2781 : vector<16xf32> to vector<1x1x16xf32>
        tpu.vector_store %arg8[%parallel_loop3A_2782, %parallel_loop3A_2783, %parallel_loop3A_2784], %parallel_loop3A_2787 {add = true, strides = array<i32>} : memref<4x128x128xf32, #tpu.memory_space<vmem>>, vector<1x1x16xf32>,
        %parallel_loop3A_2788 = vector.broadcast %parallel_loop3A_2747 : f32 to vector<16xf32>
        %parallel_loop3A_2789 = arith.mulf %parallel_loop3A_2788, %parallel_loop3A_1636 : vector<16xf32>
        %parallel_loop3A_2790 = vector.broadcast %parallel_loop3A_2749 : f32 to vector<16xf32>
        %parallel_loop3A_2791 = arith.mulf %parallel_loop3A_2790, %parallel_loop3A_1656 : vector<16xf32>
        %parallel_loop3A_2792 = arith.addf %parallel_loop3A_2789, %parallel_loop3A_2791 : vector<16xf32>
        %parallel_loop3A_2793 = vector.broadcast %parallel_loop3A_2751 : f32 to vector<16xf32>
        %parallel_loop3A_2794 = arith.mulf %parallel_loop3A_2793, %parallel_loop3A_1676 : vector<16xf32>
        %parallel_loop3A_2795 = vector.broadcast %parallel_loop3A_2753 : f32 to vector<16xf32>
        %parallel_loop3A_2796 = arith.mulf %parallel_loop3A_2795, %parallel_loop3A_1696 : vector<16xf32>
        %parallel_loop3A_2797 = arith.addf %parallel_loop3A_2794, %parallel_loop3A_2796 : vector<16xf32>
        %parallel_loop3A_2798 = arith.addf %parallel_loop3A_2792, %parallel_loop3A_2797 : vector<16xf32>
        %parallel_loop3A_2799 = arith.index_cast %rem3A_149 : i32 to index
        %parallel_loop3A_2800 = arith.index_cast %parallel_loop3A_2745 : i32 to index
        %parallel_loop3A_2801 = arith.constant 96 : index
        %parallel_loop3A_2802 = tpu.vector_load %arg8[%parallel_loop3A_2799, %parallel_loop3A_2800, %parallel_loop3A_2801] {strides = array<i32>} : memref<4x128x128xf32, #tpu.memory_space<vmem>>, vector<1x1x16xf32>,
        %parallel_loop3A_2803 = vector.shape_cast %parallel_loop3A_2802 : vector<1x1x16xf32> to vector<16xf32>
        %parallel_loop3A_2804 = vector.shape_cast %parallel_loop3A_2798 : vector<16xf32> to vector<1x1x16xf32>
        tpu.vector_store %arg8[%parallel_loop3A_2799, %parallel_loop3A_2800, %parallel_loop3A_2801], %parallel_loop3A_2804 {add = true, strides = array<i32>} : memref<4x128x128xf32, #tpu.memory_space<vmem>>, vector<1x1x16xf32>,
        %parallel_loop3A_2805 = vector.broadcast %parallel_loop3A_2747 : f32 to vector<16xf32>
        %parallel_loop3A_2806 = arith.mulf %parallel_loop3A_2805, %parallel_loop3A_1641 : vector<16xf32>
        %parallel_loop3A_2807 = vector.broadcast %parallel_loop3A_2749 : f32 to vector<16xf32>
        %parallel_loop3A_2808 = arith.mulf %parallel_loop3A_2807, %parallel_loop3A_1661 : vector<16xf32>
        %parallel_loop3A_2809 = arith.addf %parallel_loop3A_2806, %parallel_loop3A_2808 : vector<16xf32>
        %parallel_loop3A_2810 = vector.broadcast %parallel_loop3A_2751 : f32 to vector<16xf32>
        %parallel_loop3A_2811 = arith.mulf %parallel_loop3A_2810, %parallel_loop3A_1681 : vector<16xf32>
        %parallel_loop3A_2812 = vector.broadcast %parallel_loop3A_2753 : f32 to vector<16xf32>
        %parallel_loop3A_2813 = arith.mulf %parallel_loop3A_2812, %parallel_loop3A_1701 : vector<16xf32>
        %parallel_loop3A_2814 = arith.addf %parallel_loop3A_2811, %parallel_loop3A_2813 : vector<16xf32>
        %parallel_loop3A_2815 = arith.addf %parallel_loop3A_2809, %parallel_loop3A_2814 : vector<16xf32>
        %parallel_loop3A_2816 = arith.index_cast %rem3A_149 : i32 to index
        %parallel_loop3A_2817 = arith.index_cast %parallel_loop3A_2745 : i32 to index
        %parallel_loop3A_2818 = arith.constant 112 : index
        %parallel_loop3A_2819 = tpu.vector_load %arg8[%parallel_loop3A_2816, %parallel_loop3A_2817, %parallel_loop3A_2818] {strides = array<i32>} : memref<4x128x128xf32, #tpu.memory_space<vmem>>, vector<1x1x16xf32>,
        %parallel_loop3A_2820 = vector.shape_cast %parallel_loop3A_2819 : vector<1x1x16xf32> to vector<16xf32>
        %parallel_loop3A_2821 = vector.shape_cast %parallel_loop3A_2815 : vector<16xf32> to vector<1x1x16xf32>
        tpu.vector_store %arg8[%parallel_loop3A_2816, %parallel_loop3A_2817, %parallel_loop3A_2818], %parallel_loop3A_2821 {add = true, strides = array<i32>} : memref<4x128x128xf32, #tpu.memory_space<vmem>>, vector<1x1x16xf32>,
        %parallel_loop3A_2822 = arith.constant 16 : i32
        %parallel_loop3A_2823 = arith.muli %parallel_loop3A_225, %parallel_loop3A_2822 : i32
        %parallel_loop3A_2824 = arith.constant 14 : i32
        %parallel_loop3A_2825 = arith.addi %parallel_loop3A_2823, %parallel_loop3A_2824 : i32
        %parallel_loop3A_2826 = vector.extract_strided_slice %parallel_loop3A_234 {offsets = [14], sizes = [1], strides = [1]} : vector<16xf32> to vector<1xf32>
        %parallel_loop3A_2827 = vector.extract %parallel_loop3A_2826[0] : f32 from vector<1xf32>
        %parallel_loop3A_2828 = vector.extract_strided_slice %parallel_loop3A_243 {offsets = [14], sizes = [1], strides = [1]} : vector<16xf32> to vector<1xf32>
        %parallel_loop3A_2829 = vector.extract %parallel_loop3A_2828[0] : f32 from vector<1xf32>
        %parallel_loop3A_2830 = vector.extract_strided_slice %parallel_loop3A_252 {offsets = [14], sizes = [1], strides = [1]} : vector<16xf32> to vector<1xf32>
        %parallel_loop3A_2831 = vector.extract %parallel_loop3A_2830[0] : f32 from vector<1xf32>
        %parallel_loop3A_2832 = vector.extract_strided_slice %parallel_loop3A_261 {offsets = [14], sizes = [1], strides = [1]} : vector<16xf32> to vector<1xf32>
        %parallel_loop3A_2833 = vector.extract %parallel_loop3A_2832[0] : f32 from vector<1xf32>
        %parallel_loop3A_2834 = vector.broadcast %parallel_loop3A_2827 : f32 to vector<16xf32>
        %parallel_loop3A_2835 = arith.mulf %parallel_loop3A_2834, %parallel_loop3A_1626 : vector<16xf32>
        %parallel_loop3A_2836 = vector.broadcast %parallel_loop3A_2829 : f32 to vector<16xf32>
        %parallel_loop3A_2837 = arith.mulf %parallel_loop3A_2836, %parallel_loop3A_1646 : vector<16xf32>
        %parallel_loop3A_2838 = arith.addf %parallel_loop3A_2835, %parallel_loop3A_2837 : vector<16xf32>
        %parallel_loop3A_2839 = vector.broadcast %parallel_loop3A_2831 : f32 to vector<16xf32>
        %parallel_loop3A_2840 = arith.mulf %parallel_loop3A_2839, %parallel_loop3A_1666 : vector<16xf32>
        %parallel_loop3A_2841 = vector.broadcast %parallel_loop3A_2833 : f32 to vector<16xf32>
        %parallel_loop3A_2842 = arith.mulf %parallel_loop3A_2841, %parallel_loop3A_1686 : vector<16xf32>
        %parallel_loop3A_2843 = arith.addf %parallel_loop3A_2840, %parallel_loop3A_2842 : vector<16xf32>
        %parallel_loop3A_2844 = arith.addf %parallel_loop3A_2838, %parallel_loop3A_2843 : vector<16xf32>
        %parallel_loop3A_2845 = arith.index_cast %rem3A_149 : i32 to index
        %parallel_loop3A_2846 = arith.index_cast %parallel_loop3A_2825 : i32 to index
        %parallel_loop3A_2847 = arith.constant 64 : index
        %parallel_loop3A_2848 = tpu.vector_load %arg8[%parallel_loop3A_2845, %parallel_loop3A_2846, %parallel_loop3A_2847] {strides = array<i32>} : memref<4x128x128xf32, #tpu.memory_space<vmem>>, vector<1x1x16xf32>,
        %parallel_loop3A_2849 = vector.shape_cast %parallel_loop3A_2848 : vector<1x1x16xf32> to vector<16xf32>
        %parallel_loop3A_2850 = vector.shape_cast %parallel_loop3A_2844 : vector<16xf32> to vector<1x1x16xf32>
        tpu.vector_store %arg8[%parallel_loop3A_2845, %parallel_loop3A_2846, %parallel_loop3A_2847], %parallel_loop3A_2850 {add = true, strides = array<i32>} : memref<4x128x128xf32, #tpu.memory_space<vmem>>, vector<1x1x16xf32>,
        %parallel_loop3A_2851 = vector.broadcast %parallel_loop3A_2827 : f32 to vector<16xf32>
        %parallel_loop3A_2852 = arith.mulf %parallel_loop3A_2851, %parallel_loop3A_1631 : vector<16xf32>
        %parallel_loop3A_2853 = vector.broadcast %parallel_loop3A_2829 : f32 to vector<16xf32>
        %parallel_loop3A_2854 = arith.mulf %parallel_loop3A_2853, %parallel_loop3A_1651 : vector<16xf32>
        %parallel_loop3A_2855 = arith.addf %parallel_loop3A_2852, %parallel_loop3A_2854 : vector<16xf32>
        %parallel_loop3A_2856 = vector.broadcast %parallel_loop3A_2831 : f32 to vector<16xf32>
        %parallel_loop3A_2857 = arith.mulf %parallel_loop3A_2856, %parallel_loop3A_1671 : vector<16xf32>
        %parallel_loop3A_2858 = vector.broadcast %parallel_loop3A_2833 : f32 to vector<16xf32>
        %parallel_loop3A_2859 = arith.mulf %parallel_loop3A_2858, %parallel_loop3A_1691 : vector<16xf32>
        %parallel_loop3A_2860 = arith.addf %parallel_loop3A_2857, %parallel_loop3A_2859 : vector<16xf32>
        %parallel_loop3A_2861 = arith.addf %parallel_loop3A_2855, %parallel_loop3A_2860 : vector<16xf32>
        %parallel_loop3A_2862 = arith.index_cast %rem3A_149 : i32 to index
        %parallel_loop3A_2863 = arith.index_cast %parallel_loop3A_2825 : i32 to index
        %parallel_loop3A_2864 = arith.constant 80 : index
        %parallel_loop3A_2865 = tpu.vector_load %arg8[%parallel_loop3A_2862, %parallel_loop3A_2863, %parallel_loop3A_2864] {strides = array<i32>} : memref<4x128x128xf32, #tpu.memory_space<vmem>>, vector<1x1x16xf32>,
        %parallel_loop3A_2866 = vector.shape_cast %parallel_loop3A_2865 : vector<1x1x16xf32> to vector<16xf32>
        %parallel_loop3A_2867 = vector.shape_cast %parallel_loop3A_2861 : vector<16xf32> to vector<1x1x16xf32>
        tpu.vector_store %arg8[%parallel_loop3A_2862, %parallel_loop3A_2863, %parallel_loop3A_2864], %parallel_loop3A_2867 {add = true, strides = array<i32>} : memref<4x128x128xf32, #tpu.memory_space<vmem>>, vector<1x1x16xf32>,
        %parallel_loop3A_2868 = vector.broadcast %parallel_loop3A_2827 : f32 to vector<16xf32>
        %parallel_loop3A_2869 = arith.mulf %parallel_loop3A_2868, %parallel_loop3A_1636 : vector<16xf32>
        %parallel_loop3A_2870 = vector.broadcast %parallel_loop3A_2829 : f32 to vector<16xf32>
        %parallel_loop3A_2871 = arith.mulf %parallel_loop3A_2870, %parallel_loop3A_1656 : vector<16xf32>
        %parallel_loop3A_2872 = arith.addf %parallel_loop3A_2869, %parallel_loop3A_2871 : vector<16xf32>
        %parallel_loop3A_2873 = vector.broadcast %parallel_loop3A_2831 : f32 to vector<16xf32>
        %parallel_loop3A_2874 = arith.mulf %parallel_loop3A_2873, %parallel_loop3A_1676 : vector<16xf32>
        %parallel_loop3A_2875 = vector.broadcast %parallel_loop3A_2833 : f32 to vector<16xf32>
        %parallel_loop3A_2876 = arith.mulf %parallel_loop3A_2875, %parallel_loop3A_1696 : vector<16xf32>
        %parallel_loop3A_2877 = arith.addf %parallel_loop3A_2874, %parallel_loop3A_2876 : vector<16xf32>
        %parallel_loop3A_2878 = arith.addf %parallel_loop3A_2872, %parallel_loop3A_2877 : vector<16xf32>
        %parallel_loop3A_2879 = arith.index_cast %rem3A_149 : i32 to index
        %parallel_loop3A_2880 = arith.index_cast %parallel_loop3A_2825 : i32 to index
        %parallel_loop3A_2881 = arith.constant 96 : index
        %parallel_loop3A_2882 = tpu.vector_load %arg8[%parallel_loop3A_2879, %parallel_loop3A_2880, %parallel_loop3A_2881] {strides = array<i32>} : memref<4x128x128xf32, #tpu.memory_space<vmem>>, vector<1x1x16xf32>,
        %parallel_loop3A_2883 = vector.shape_cast %parallel_loop3A_2882 : vector<1x1x16xf32> to vector<16xf32>
        %parallel_loop3A_2884 = vector.shape_cast %parallel_loop3A_2878 : vector<16xf32> to vector<1x1x16xf32>
        tpu.vector_store %arg8[%parallel_loop3A_2879, %parallel_loop3A_2880, %parallel_loop3A_2881], %parallel_loop3A_2884 {add = true, strides = array<i32>} : memref<4x128x128xf32, #tpu.memory_space<vmem>>, vector<1x1x16xf32>,
        %parallel_loop3A_2885 = vector.broadcast %parallel_loop3A_2827 : f32 to vector<16xf32>
        %parallel_loop3A_2886 = arith.mulf %parallel_loop3A_2885, %parallel_loop3A_1641 : vector<16xf32>
        %parallel_loop3A_2887 = vector.broadcast %parallel_loop3A_2829 : f32 to vector<16xf32>
        %parallel_loop3A_2888 = arith.mulf %parallel_loop3A_2887, %parallel_loop3A_1661 : vector<16xf32>
        %parallel_loop3A_2889 = arith.addf %parallel_loop3A_2886, %parallel_loop3A_2888 : vector<16xf32>
        %parallel_loop3A_2890 = vector.broadcast %parallel_loop3A_2831 : f32 to vector<16xf32>
        %parallel_loop3A_2891 = arith.mulf %parallel_loop3A_2890, %parallel_loop3A_1681 : vector<16xf32>
        %parallel_loop3A_2892 = vector.broadcast %parallel_loop3A_2833 : f32 to vector<16xf32>
        %parallel_loop3A_2893 = arith.mulf %parallel_loop3A_2892, %parallel_loop3A_1701 : vector<16xf32>
        %parallel_loop3A_2894 = arith.addf %parallel_loop3A_2891, %parallel_loop3A_2893 : vector<16xf32>
        %parallel_loop3A_2895 = arith.addf %parallel_loop3A_2889, %parallel_loop3A_2894 : vector<16xf32>
        %parallel_loop3A_2896 = arith.index_cast %rem3A_149 : i32 to index
        %parallel_loop3A_2897 = arith.index_cast %parallel_loop3A_2825 : i32 to index
        %parallel_loop3A_2898 = arith.constant 112 : index
        %parallel_loop3A_2899 = tpu.vector_load %arg8[%parallel_loop3A_2896, %parallel_loop3A_2897, %parallel_loop3A_2898] {strides = array<i32>} : memref<4x128x128xf32, #tpu.memory_space<vmem>>, vector<1x1x16xf32>,
        %parallel_loop3A_2900 = vector.shape_cast %parallel_loop3A_2899 : vector<1x1x16xf32> to vector<16xf32>
        %parallel_loop3A_2901 = vector.shape_cast %parallel_loop3A_2895 : vector<16xf32> to vector<1x1x16xf32>
        tpu.vector_store %arg8[%parallel_loop3A_2896, %parallel_loop3A_2897, %parallel_loop3A_2898], %parallel_loop3A_2901 {add = true, strides = array<i32>} : memref<4x128x128xf32, #tpu.memory_space<vmem>>, vector<1x1x16xf32>,
        %parallel_loop3A_2902 = arith.constant 16 : i32
        %parallel_loop3A_2903 = arith.muli %parallel_loop3A_225, %parallel_loop3A_2902 : i32
        %parallel_loop3A_2904 = arith.constant 15 : i32
        %parallel_loop3A_2905 = arith.addi %parallel_loop3A_2903, %parallel_loop3A_2904 : i32
        %parallel_loop3A_2906 = vector.extract_strided_slice %parallel_loop3A_234 {offsets = [15], sizes = [1], strides = [1]} : vector<16xf32> to vector<1xf32>
        %parallel_loop3A_2907 = vector.extract %parallel_loop3A_2906[0] : f32 from vector<1xf32>
        %parallel_loop3A_2908 = vector.extract_strided_slice %parallel_loop3A_243 {offsets = [15], sizes = [1], strides = [1]} : vector<16xf32> to vector<1xf32>
        %parallel_loop3A_2909 = vector.extract %parallel_loop3A_2908[0] : f32 from vector<1xf32>
        %parallel_loop3A_2910 = vector.extract_strided_slice %parallel_loop3A_252 {offsets = [15], sizes = [1], strides = [1]} : vector<16xf32> to vector<1xf32>
        %parallel_loop3A_2911 = vector.extract %parallel_loop3A_2910[0] : f32 from vector<1xf32>
        %parallel_loop3A_2912 = vector.extract_strided_slice %parallel_loop3A_261 {offsets = [15], sizes = [1], strides = [1]} : vector<16xf32> to vector<1xf32>
        %parallel_loop3A_2913 = vector.extract %parallel_loop3A_2912[0] : f32 from vector<1xf32>
        %parallel_loop3A_2914 = vector.broadcast %parallel_loop3A_2907 : f32 to vector<16xf32>
        %parallel_loop3A_2915 = arith.mulf %parallel_loop3A_2914, %parallel_loop3A_1626 : vector<16xf32>
        %parallel_loop3A_2916 = vector.broadcast %parallel_loop3A_2909 : f32 to vector<16xf32>
        %parallel_loop3A_2917 = arith.mulf %parallel_loop3A_2916, %parallel_loop3A_1646 : vector<16xf32>
        %parallel_loop3A_2918 = arith.addf %parallel_loop3A_2915, %parallel_loop3A_2917 : vector<16xf32>
        %parallel_loop3A_2919 = vector.broadcast %parallel_loop3A_2911 : f32 to vector<16xf32>
        %parallel_loop3A_2920 = arith.mulf %parallel_loop3A_2919, %parallel_loop3A_1666 : vector<16xf32>
        %parallel_loop3A_2921 = vector.broadcast %parallel_loop3A_2913 : f32 to vector<16xf32>
        %parallel_loop3A_2922 = arith.mulf %parallel_loop3A_2921, %parallel_loop3A_1686 : vector<16xf32>
        %parallel_loop3A_2923 = arith.addf %parallel_loop3A_2920, %parallel_loop3A_2922 : vector<16xf32>
        %parallel_loop3A_2924 = arith.addf %parallel_loop3A_2918, %parallel_loop3A_2923 : vector<16xf32>
        %parallel_loop3A_2925 = arith.index_cast %rem3A_149 : i32 to index
        %parallel_loop3A_2926 = arith.index_cast %parallel_loop3A_2905 : i32 to index
        %parallel_loop3A_2927 = arith.constant 64 : index
        %parallel_loop3A_2928 = tpu.vector_load %arg8[%parallel_loop3A_2925, %parallel_loop3A_2926, %parallel_loop3A_2927] {strides = array<i32>} : memref<4x128x128xf32, #tpu.memory_space<vmem>>, vector<1x1x16xf32>,
        %parallel_loop3A_2929 = vector.shape_cast %parallel_loop3A_2928 : vector<1x1x16xf32> to vector<16xf32>
        %parallel_loop3A_2930 = vector.shape_cast %parallel_loop3A_2924 : vector<16xf32> to vector<1x1x16xf32>
        tpu.vector_store %arg8[%parallel_loop3A_2925, %parallel_loop3A_2926, %parallel_loop3A_2927], %parallel_loop3A_2930 {add = true, strides = array<i32>} : memref<4x128x128xf32, #tpu.memory_space<vmem>>, vector<1x1x16xf32>,
        %parallel_loop3A_2931 = vector.broadcast %parallel_loop3A_2907 : f32 to vector<16xf32>
        %parallel_loop3A_2932 = arith.mulf %parallel_loop3A_2931, %parallel_loop3A_1631 : vector<16xf32>
        %parallel_loop3A_2933 = vector.broadcast %parallel_loop3A_2909 : f32 to vector<16xf32>
        %parallel_loop3A_2934 = arith.mulf %parallel_loop3A_2933, %parallel_loop3A_1651 : vector<16xf32>
        %parallel_loop3A_2935 = arith.addf %parallel_loop3A_2932, %parallel_loop3A_2934 : vector<16xf32>
        %parallel_loop3A_2936 = vector.broadcast %parallel_loop3A_2911 : f32 to vector<16xf32>
        %parallel_loop3A_2937 = arith.mulf %parallel_loop3A_2936, %parallel_loop3A_1671 : vector<16xf32>
        %parallel_loop3A_2938 = vector.broadcast %parallel_loop3A_2913 : f32 to vector<16xf32>
        %parallel_loop3A_2939 = arith.mulf %parallel_loop3A_2938, %parallel_loop3A_1691 : vector<16xf32>
        %parallel_loop3A_2940 = arith.addf %parallel_loop3A_2937, %parallel_loop3A_2939 : vector<16xf32>
        %parallel_loop3A_2941 = arith.addf %parallel_loop3A_2935, %parallel_loop3A_2940 : vector<16xf32>
        %parallel_loop3A_2942 = arith.index_cast %rem3A_149 : i32 to index
        %parallel_loop3A_2943 = arith.index_cast %parallel_loop3A_2905 : i32 to index
        %parallel_loop3A_2944 = arith.constant 80 : index
        %parallel_loop3A_2945 = tpu.vector_load %arg8[%parallel_loop3A_2942, %parallel_loop3A_2943, %parallel_loop3A_2944] {strides = array<i32>} : memref<4x128x128xf32, #tpu.memory_space<vmem>>, vector<1x1x16xf32>,
        %parallel_loop3A_2946 = vector.shape_cast %parallel_loop3A_2945 : vector<1x1x16xf32> to vector<16xf32>
        %parallel_loop3A_2947 = vector.shape_cast %parallel_loop3A_2941 : vector<16xf32> to vector<1x1x16xf32>
        tpu.vector_store %arg8[%parallel_loop3A_2942, %parallel_loop3A_2943, %parallel_loop3A_2944], %parallel_loop3A_2947 {add = true, strides = array<i32>} : memref<4x128x128xf32, #tpu.memory_space<vmem>>, vector<1x1x16xf32>,
        %parallel_loop3A_2948 = vector.broadcast %parallel_loop3A_2907 : f32 to vector<16xf32>
        %parallel_loop3A_2949 = arith.mulf %parallel_loop3A_2948, %parallel_loop3A_1636 : vector<16xf32>
        %parallel_loop3A_2950 = vector.broadcast %parallel_loop3A_2909 : f32 to vector<16xf32>
        %parallel_loop3A_2951 = arith.mulf %parallel_loop3A_2950, %parallel_loop3A_1656 : vector<16xf32>
        %parallel_loop3A_2952 = arith.addf %parallel_loop3A_2949, %parallel_loop3A_2951 : vector<16xf32>
        %parallel_loop3A_2953 = vector.broadcast %parallel_loop3A_2911 : f32 to vector<16xf32>
        %parallel_loop3A_2954 = arith.mulf %parallel_loop3A_2953, %parallel_loop3A_1676 : vector<16xf32>
        %parallel_loop3A_2955 = vector.broadcast %parallel_loop3A_2913 : f32 to vector<16xf32>
        %parallel_loop3A_2956 = arith.mulf %parallel_loop3A_2955, %parallel_loop3A_1696 : vector<16xf32>
        %parallel_loop3A_2957 = arith.addf %parallel_loop3A_2954, %parallel_loop3A_2956 : vector<16xf32>
        %parallel_loop3A_2958 = arith.addf %parallel_loop3A_2952, %parallel_loop3A_2957 : vector<16xf32>
        %parallel_loop3A_2959 = arith.index_cast %rem3A_149 : i32 to index
        %parallel_loop3A_2960 = arith.index_cast %parallel_loop3A_2905 : i32 to index
        %parallel_loop3A_2961 = arith.constant 96 : index
        %parallel_loop3A_2962 = tpu.vector_load %arg8[%parallel_loop3A_2959, %parallel_loop3A_2960, %parallel_loop3A_2961] {strides = array<i32>} : memref<4x128x128xf32, #tpu.memory_space<vmem>>, vector<1x1x16xf32>,
        %parallel_loop3A_2963 = vector.shape_cast %parallel_loop3A_2962 : vector<1x1x16xf32> to vector<16xf32>
        %parallel_loop3A_2964 = vector.shape_cast %parallel_loop3A_2958 : vector<16xf32> to vector<1x1x16xf32>
        tpu.vector_store %arg8[%parallel_loop3A_2959, %parallel_loop3A_2960, %parallel_loop3A_2961], %parallel_loop3A_2964 {add = true, strides = array<i32>} : memref<4x128x128xf32, #tpu.memory_space<vmem>>, vector<1x1x16xf32>,
        %parallel_loop3A_2965 = vector.broadcast %parallel_loop3A_2907 : f32 to vector<16xf32>
        %parallel_loop3A_2966 = arith.mulf %parallel_loop3A_2965, %parallel_loop3A_1641 : vector<16xf32>
        %parallel_loop3A_2967 = vector.broadcast %parallel_loop3A_2909 : f32 to vector<16xf32>
        %parallel_loop3A_2968 = arith.mulf %parallel_loop3A_2967, %parallel_loop3A_1661 : vector<16xf32>
        %parallel_loop3A_2969 = arith.addf %parallel_loop3A_2966, %parallel_loop3A_2968 : vector<16xf32>
        %parallel_loop3A_2970 = vector.broadcast %parallel_loop3A_2911 : f32 to vector<16xf32>
        %parallel_loop3A_2971 = arith.mulf %parallel_loop3A_2970, %parallel_loop3A_1681 : vector<16xf32>
        %parallel_loop3A_2972 = vector.broadcast %parallel_loop3A_2913 : f32 to vector<16xf32>
        %parallel_loop3A_2973 = arith.mulf %parallel_loop3A_2972, %parallel_loop3A_1701 : vector<16xf32>
        %parallel_loop3A_2974 = arith.addf %parallel_loop3A_2971, %parallel_loop3A_2973 : vector<16xf32>
        %parallel_loop3A_2975 = arith.addf %parallel_loop3A_2969, %parallel_loop3A_2974 : vector<16xf32>
        %parallel_loop3A_2976 = arith.index_cast %rem3A_149 : i32 to index
        %parallel_loop3A_2977 = arith.index_cast %parallel_loop3A_2905 : i32 to index
        %parallel_loop3A_2978 = arith.constant 112 : index
        %parallel_loop3A_2979 = tpu.vector_load %arg8[%parallel_loop3A_2976, %parallel_loop3A_2977, %parallel_loop3A_2978] {strides = array<i32>} : memref<4x128x128xf32, #tpu.memory_space<vmem>>, vector<1x1x16xf32>,
        %parallel_loop3A_2980 = vector.shape_cast %parallel_loop3A_2979 : vector<1x1x16xf32> to vector<16xf32>
        %parallel_loop3A_2981 = vector.shape_cast %parallel_loop3A_2975 : vector<16xf32> to vector<1x1x16xf32>
        tpu.vector_store %arg8[%parallel_loop3A_2976, %parallel_loop3A_2977, %parallel_loop3A_2978], %parallel_loop3A_2981 {add = true, strides = array<i32>} : memref<4x128x128xf32, #tpu.memory_space<vmem>>, vector<1x1x16xf32>,
      } {sc.loop_unroll_factor = 1 : i64, sc.parallel_access}
      %mul3A_197 = arith.constant 128 : i32
      %mul3A_198 = arith.muli %scan3A_147, %mul3A_197 : i32
      %add3A_199 = arith.addi %mul3A_2, %mul3A_198 : i32
      %dma_start3A_200 = arith.constant 0 : i32
      %dma_start3A_201 = arith.constant 0 : i32
      %dma_start3A_202 = tpu.memref_slice %arg8[%rem3A_149, %dma_start3A_200, %dma_start3A_201] : memref<4x128x128xf32, #tpu.memory_space<vmem>> -> memref<1x128x128xf32, #tpu.memory_space<vmem>>
      %dma_start3A_203 = tpu.memref_squeeze %dma_start3A_202 : memref<1x128x128xf32, #tpu.memory_space<vmem>> -> memref<128x128xf32, #tpu.memory_space<vmem>>
      %dma_start3A_204 = arith.constant 0 : i32
      %dma_start3A_205 = tpu.memref_slice %arg5[%add3A_199, %dma_start3A_204] : memref<131072x128xf32, #tpu.memory_space<hbm>> -> memref<128x128xf32, #tpu.memory_space<hbm>>
      %dma_start3A_206 = tpu.memref_slice %arg11[%rem3A_149] : memref<4x!tpu.dma_semaphore, #tpu.memory_space<semaphore_mem>> -> memref<1x!tpu.dma_semaphore, #tpu.memory_space<semaphore_mem>>
      %dma_start3A_207 = tpu.memref_squeeze %dma_start3A_206 : memref<1x!tpu.dma_semaphore, #tpu.memory_space<semaphore_mem>> -> memref<!tpu.dma_semaphore, #tpu.memory_space<semaphore_mem>>
      %dma_start3A_208 = arith.constant 0 : i32
      %dma_start3A_209 = tpu.memref_slice %arg5[%add3A_199, %dma_start3A_208] : memref<131072x128xf32, #tpu.memory_space<hbm>> -> memref<128x128xf32, #tpu.memory_space<hbm>>
      %dma_start3A_210 = arith.constant 0 : i32
      %dma_start3A_211 = arith.constant 0 : i32
      %dma_start3A_212 = tpu.memref_slice %arg8[%rem3A_149, %dma_start3A_210, %dma_start3A_211] : memref<4x128x128xf32, #tpu.memory_space<vmem>> -> memref<1x128x128xf32, #tpu.memory_space<vmem>>
      %dma_start3A_213 = tpu.memref_squeeze %dma_start3A_212 : memref<1x128x128xf32, #tpu.memory_space<vmem>> -> memref<128x128xf32, #tpu.memory_space<vmem>>
      tpu.enqueue_dma source(%dma_start3A_213 : memref<128x128xf32, #tpu.memory_space<vmem>>) target(%dma_start3A_209 : memref<128x128xf32, #tpu.memory_space<hbm>>) target_semaphore(%dma_start3A_207 : memref<!tpu.dma_semaphore, #tpu.memory_space<semaphore_mem>>)
      %eq3A_214 = arith.constant 1 : i32
      %eq3A_215 = arith.cmpi eq, %rem3A_151, %eq3A_214 : i32
      %add3A_216 = arith.constant 3 : i32
      %add3A_217 = arith.addi %scan3A_147, %add3A_216 : i32
      %lt3A_218 = arith.constant 32 : i32
      %lt3A_219 = arith.cmpi slt, %add3A_217, %lt3A_218 : i32
      %and3A_220 = arith.andi %eq3A_215, %lt3A_219 : i1
      %convert_element_type3A_221 = arith.extui %and3A_220 : i1 to i32
      %cond3A_222 = arith.constant 0 : i32
      %cond3A_223 = arith.cmpi ne, %convert_element_type3A_221, %cond3A_222 : i32
      scf.if %cond3A_223 {
        %jit3A_225 = arith.constant 2 : i32
        %div3A_226 = arith.divsi %scan3A_147, %jit3A_225 : i32
        %sign3A_227 = arith.constant 0 : i32
        %sign3A_228 = arith.cmpi sgt, %scan3A_147, %sign3A_227 : i32
        %sign3A_229 = arith.extui %sign3A_228 : i1 to i32
        %sign3A_230 = arith.constant 0 : i32
        %sign3A_231 = arith.cmpi slt, %scan3A_147, %sign3A_230 : i32
        %sign3A_232 = arith.extui %sign3A_231 : i1 to i32
        %sign3A_233 = arith.subi %sign3A_229, %sign3A_232 : i32
        %sign3A_234 = arith.constant 0 : i32
        %sign3A_235 = arith.cmpi sgt, %jit3A_225, %sign3A_234 : i32
        %sign3A_236 = arith.extui %sign3A_235 : i1 to i32
        %sign3A_237 = arith.constant 0 : i32
        %sign3A_238 = arith.cmpi slt, %jit3A_225, %sign3A_237 : i32
        %sign3A_239 = arith.extui %sign3A_238 : i1 to i32
        %sign3A_240 = arith.subi %sign3A_236, %sign3A_239 : i32
        %ne3A_241 = arith.cmpi ne, %sign3A_233, %sign3A_240 : i32
        %rem3A_242 = arith.remsi %scan3A_147, %jit3A_225 : i32
        %ne3A_243 = arith.constant 0 : i32
        %ne3A_244 = arith.cmpi ne, %rem3A_242, %ne3A_243 : i32
        %and3A_245 = arith.andi %ne3A_241, %ne3A_244 : i1
        %sub3A_246 = arith.constant 1 : i32
        %sub3A_247 = arith.subi %div3A_226, %sub3A_246 : i32
        %select_n3A_248 = arith.select %and3A_245, %sub3A_247, %div3A_226 : i32
        %add3A_249 = arith.constant 2 : i32
        %add3A_250 = arith.addi %select_n3A_248, %add3A_249 : i32
        %mul3A_251 = arith.constant 128 : i32
        %mul3A_252 = arith.muli %add3A, %mul3A_251 : i32
        %mul3A_253 = arith.constant 8 : i32
        %mul3A_254 = arith.muli %add3A_250, %mul3A_253 : i32
        %add3A_255 = arith.addi %mul3A_252, %mul3A_254 : i32
        %dma_start3A_256 = arith.constant 0 : i32
        %dma_start3A_257 = arith.constant 0 : i32
        %dma_start3A_258 = tpu.memref_slice %arg7[%rem3A_170, %dma_start3A_256, %dma_start3A_257] : memref<2x8x128xf32, #tpu.memory_space<vmem>> -> memref<1x8x128xf32, #tpu.memory_space<vmem>>
        %dma_start3A_259 = tpu.memref_squeeze %dma_start3A_258 : memref<1x8x128xf32, #tpu.memory_space<vmem>> -> memref<8x128xf32, #tpu.memory_space<vmem>>
        %dma_start3A_260 = arith.constant 0 : i32
        %dma_start3A_261 = tpu.memref_slice %arg2[%add3A_255, %dma_start3A_260] : memref<4096x128xf32, #tpu.memory_space<hbm>> -> memref<8x128xf32, #tpu.memory_space<hbm>>
        %dma_start3A_262 = tpu.memref_slice %arg10[%rem3A_170] : memref<2x!tpu.dma_semaphore, #tpu.memory_space<semaphore_mem>> -> memref<1x!tpu.dma_semaphore, #tpu.memory_space<semaphore_mem>>
        %dma_start3A_263 = tpu.memref_squeeze %dma_start3A_262 : memref<1x!tpu.dma_semaphore, #tpu.memory_space<semaphore_mem>> -> memref<!tpu.dma_semaphore, #tpu.memory_space<semaphore_mem>>
        %dma_start3A_264 = arith.constant 0 : i32
        %dma_start3A_265 = arith.constant 0 : i32
        %dma_start3A_266 = tpu.memref_slice %arg7[%rem3A_170, %dma_start3A_264, %dma_start3A_265] : memref<2x8x128xf32, #tpu.memory_space<vmem>> -> memref<1x8x128xf32, #tpu.memory_space<vmem>>
        %dma_start3A_267 = tpu.memref_squeeze %dma_start3A_266 : memref<1x8x128xf32, #tpu.memory_space<vmem>> -> memref<8x128xf32, #tpu.memory_space<vmem>>
        %dma_start3A_268 = arith.constant 0 : i32
        %dma_start3A_269 = tpu.memref_slice %arg2[%add3A_255, %dma_start3A_268] : memref<4096x128xf32, #tpu.memory_space<hbm>> -> memref<8x128xf32, #tpu.memory_space<hbm>>
        tpu.enqueue_dma source(%dma_start3A_269 : memref<8x128xf32, #tpu.memory_space<hbm>>) target(%dma_start3A_267 : memref<8x128xf32, #tpu.memory_space<vmem>>) target_semaphore(%dma_start3A_263 : memref<!tpu.dma_semaphore, #tpu.memory_space<semaphore_mem>>)
      } else {
      }
      %scan3A_224 = arith.constant 0 : i32
      scf.yield %scan3A_224 : i32
    }
    %scan3A_83 = arith.constant 32 : i32
    %dma_wait3A = arith.constant 0 : i32
    %dma_wait3A_84 = arith.constant 0 : i32
    %dma_wait3A_85 = arith.constant 0 : i32
    %dma_wait3A_86 = arith.constant 0 : i32
    %dma_wait3A_87 = tpu.memref_slice %arg8[%dma_wait3A, %dma_wait3A_85, %dma_wait3A_86] : memref<4x128x128xf32, #tpu.memory_space<vmem>> -> memref<1x128x128xf32, #tpu.memory_space<vmem>>
    %dma_wait3A_88 = tpu.memref_squeeze %dma_wait3A_87 : memref<1x128x128xf32, #tpu.memory_space<vmem>> -> memref<128x128xf32, #tpu.memory_space<vmem>>
    %dma_wait3A_89 = arith.constant 0 : i32
    %dma_wait3A_90 = tpu.memref_slice %arg5[%mul3A_2, %dma_wait3A_89] : memref<131072x128xf32, #tpu.memory_space<hbm>> -> memref<128x128xf32, #tpu.memory_space<hbm>>
    %dma_wait3A_91 = tpu.memref_slice %arg11[%dma_wait3A_84] : memref<4x!tpu.dma_semaphore, #tpu.memory_space<semaphore_mem>> -> memref<1x!tpu.dma_semaphore, #tpu.memory_space<semaphore_mem>>
    %dma_wait3A_92 = tpu.memref_squeeze %dma_wait3A_91 : memref<1x!tpu.dma_semaphore, #tpu.memory_space<semaphore_mem>> -> memref<!tpu.dma_semaphore, #tpu.memory_space<semaphore_mem>>
    %dma_wait3A_93 = arith.constant 0 : i32
    %dma_wait3A_94 = tpu.memref_slice %arg5[%mul3A_2, %dma_wait3A_93] : memref<131072x128xf32, #tpu.memory_space<hbm>> -> memref<128x128xf32, #tpu.memory_space<hbm>>
    %dma_wait3A_95 = arith.constant 0 : i32
    %dma_wait3A_96 = arith.constant 0 : i32
    %dma_wait3A_97 = tpu.memref_slice %arg8[%dma_wait3A, %dma_wait3A_95, %dma_wait3A_96] : memref<4x128x128xf32, #tpu.memory_space<vmem>> -> memref<1x128x128xf32, #tpu.memory_space<vmem>>
    %dma_wait3A_98 = tpu.memref_squeeze %dma_wait3A_97 : memref<1x128x128xf32, #tpu.memory_space<vmem>> -> memref<128x128xf32, #tpu.memory_space<vmem>>
    tpu.wait_dma2 semaphore(%dma_wait3A_92 : memref<!tpu.dma_semaphore, #tpu.memory_space<semaphore_mem>>) src(%dma_wait3A_98 : memref<128x128xf32, #tpu.memory_space<vmem>>) dst(%dma_wait3A_94 : memref<128x128xf32, #tpu.memory_space<hbm>>)
    %dma_wait3A_99 = arith.constant 1 : i32
    %dma_wait3A_100 = arith.constant 1 : i32
    %dma_wait3A_101 = arith.constant 0 : i32
    %dma_wait3A_102 = arith.constant 0 : i32
    %dma_wait3A_103 = tpu.memref_slice %arg8[%dma_wait3A_99, %dma_wait3A_101, %dma_wait3A_102] : memref<4x128x128xf32, #tpu.memory_space<vmem>> -> memref<1x128x128xf32, #tpu.memory_space<vmem>>
    %dma_wait3A_104 = tpu.memref_squeeze %dma_wait3A_103 : memref<1x128x128xf32, #tpu.memory_space<vmem>> -> memref<128x128xf32, #tpu.memory_space<vmem>>
    %dma_wait3A_105 = arith.constant 0 : i32
    %dma_wait3A_106 = tpu.memref_slice %arg5[%mul3A_2, %dma_wait3A_105] : memref<131072x128xf32, #tpu.memory_space<hbm>> -> memref<128x128xf32, #tpu.memory_space<hbm>>
    %dma_wait3A_107 = tpu.memref_slice %arg11[%dma_wait3A_100] : memref<4x!tpu.dma_semaphore, #tpu.memory_space<semaphore_mem>> -> memref<1x!tpu.dma_semaphore, #tpu.memory_space<semaphore_mem>>
    %dma_wait3A_108 = tpu.memref_squeeze %dma_wait3A_107 : memref<1x!tpu.dma_semaphore, #tpu.memory_space<semaphore_mem>> -> memref<!tpu.dma_semaphore, #tpu.memory_space<semaphore_mem>>
    %dma_wait3A_109 = arith.constant 0 : i32
    %dma_wait3A_110 = tpu.memref_slice %arg5[%mul3A_2, %dma_wait3A_109] : memref<131072x128xf32, #tpu.memory_space<hbm>> -> memref<128x128xf32, #tpu.memory_space<hbm>>
    %dma_wait3A_111 = arith.constant 0 : i32
    %dma_wait3A_112 = arith.constant 0 : i32
    %dma_wait3A_113 = tpu.memref_slice %arg8[%dma_wait3A_99, %dma_wait3A_111, %dma_wait3A_112] : memref<4x128x128xf32, #tpu.memory_space<vmem>> -> memref<1x128x128xf32, #tpu.memory_space<vmem>>
    %dma_wait3A_114 = tpu.memref_squeeze %dma_wait3A_113 : memref<1x128x128xf32, #tpu.memory_space<vmem>> -> memref<128x128xf32, #tpu.memory_space<vmem>>
    tpu.wait_dma2 semaphore(%dma_wait3A_108 : memref<!tpu.dma_semaphore, #tpu.memory_space<semaphore_mem>>) src(%dma_wait3A_114 : memref<128x128xf32, #tpu.memory_space<vmem>>) dst(%dma_wait3A_110 : memref<128x128xf32, #tpu.memory_space<hbm>>)
    %dma_wait3A_115 = arith.constant 2 : i32
    %dma_wait3A_116 = arith.constant 2 : i32
    %dma_wait3A_117 = arith.constant 0 : i32
    %dma_wait3A_118 = arith.constant 0 : i32
    %dma_wait3A_119 = tpu.memref_slice %arg8[%dma_wait3A_115, %dma_wait3A_117, %dma_wait3A_118] : memref<4x128x128xf32, #tpu.memory_space<vmem>> -> memref<1x128x128xf32, #tpu.memory_space<vmem>>
    %dma_wait3A_120 = tpu.memref_squeeze %dma_wait3A_119 : memref<1x128x128xf32, #tpu.memory_space<vmem>> -> memref<128x128xf32, #tpu.memory_space<vmem>>
    %dma_wait3A_121 = arith.constant 0 : i32
    %dma_wait3A_122 = tpu.memref_slice %arg5[%mul3A_2, %dma_wait3A_121] : memref<131072x128xf32, #tpu.memory_space<hbm>> -> memref<128x128xf32, #tpu.memory_space<hbm>>
    %dma_wait3A_123 = tpu.memref_slice %arg11[%dma_wait3A_116] : memref<4x!tpu.dma_semaphore, #tpu.memory_space<semaphore_mem>> -> memref<1x!tpu.dma_semaphore, #tpu.memory_space<semaphore_mem>>
    %dma_wait3A_124 = tpu.memref_squeeze %dma_wait3A_123 : memref<1x!tpu.dma_semaphore, #tpu.memory_space<semaphore_mem>> -> memref<!tpu.dma_semaphore, #tpu.memory_space<semaphore_mem>>
    %dma_wait3A_125 = arith.constant 0 : i32
    %dma_wait3A_126 = tpu.memref_slice %arg5[%mul3A_2, %dma_wait3A_125] : memref<131072x128xf32, #tpu.memory_space<hbm>> -> memref<128x128xf32, #tpu.memory_space<hbm>>
    %dma_wait3A_127 = arith.constant 0 : i32
    %dma_wait3A_128 = arith.constant 0 : i32
    %dma_wait3A_129 = tpu.memref_slice %arg8[%dma_wait3A_115, %dma_wait3A_127, %dma_wait3A_128] : memref<4x128x128xf32, #tpu.memory_space<vmem>> -> memref<1x128x128xf32, #tpu.memory_space<vmem>>
    %dma_wait3A_130 = tpu.memref_squeeze %dma_wait3A_129 : memref<1x128x128xf32, #tpu.memory_space<vmem>> -> memref<128x128xf32, #tpu.memory_space<vmem>>
    tpu.wait_dma2 semaphore(%dma_wait3A_124 : memref<!tpu.dma_semaphore, #tpu.memory_space<semaphore_mem>>) src(%dma_wait3A_130 : memref<128x128xf32, #tpu.memory_space<vmem>>) dst(%dma_wait3A_126 : memref<128x128xf32, #tpu.memory_space<hbm>>)
    %dma_wait3A_131 = arith.constant 3 : i32
    %dma_wait3A_132 = arith.constant 3 : i32
    %dma_wait3A_133 = arith.constant 0 : i32
    %dma_wait3A_134 = arith.constant 0 : i32
    %dma_wait3A_135 = tpu.memref_slice %arg8[%dma_wait3A_131, %dma_wait3A_133, %dma_wait3A_134] : memref<4x128x128xf32, #tpu.memory_space<vmem>> -> memref<1x128x128xf32, #tpu.memory_space<vmem>>
    %dma_wait3A_136 = tpu.memref_squeeze %dma_wait3A_135 : memref<1x128x128xf32, #tpu.memory_space<vmem>> -> memref<128x128xf32, #tpu.memory_space<vmem>>
    %dma_wait3A_137 = arith.constant 0 : i32
    %dma_wait3A_138 = tpu.memref_slice %arg5[%mul3A_2, %dma_wait3A_137] : memref<131072x128xf32, #tpu.memory_space<hbm>> -> memref<128x128xf32, #tpu.memory_space<hbm>>
    %dma_wait3A_139 = tpu.memref_slice %arg11[%dma_wait3A_132] : memref<4x!tpu.dma_semaphore, #tpu.memory_space<semaphore_mem>> -> memref<1x!tpu.dma_semaphore, #tpu.memory_space<semaphore_mem>>
    %dma_wait3A_140 = tpu.memref_squeeze %dma_wait3A_139 : memref<1x!tpu.dma_semaphore, #tpu.memory_space<semaphore_mem>> -> memref<!tpu.dma_semaphore, #tpu.memory_space<semaphore_mem>>
    %dma_wait3A_141 = arith.constant 0 : i32
    %dma_wait3A_142 = tpu.memref_slice %arg5[%mul3A_2, %dma_wait3A_141] : memref<131072x128xf32, #tpu.memory_space<hbm>> -> memref<128x128xf32, #tpu.memory_space<hbm>>
    %dma_wait3A_143 = arith.constant 0 : i32
    %dma_wait3A_144 = arith.constant 0 : i32
    %dma_wait3A_145 = tpu.memref_slice %arg8[%dma_wait3A_131, %dma_wait3A_143, %dma_wait3A_144] : memref<4x128x128xf32, #tpu.memory_space<vmem>> -> memref<1x128x128xf32, #tpu.memory_space<vmem>>
    %dma_wait3A_146 = tpu.memref_squeeze %dma_wait3A_145 : memref<1x128x128xf32, #tpu.memory_space<vmem>> -> memref<128x128xf32, #tpu.memory_space<vmem>>
    tpu.wait_dma2 semaphore(%dma_wait3A_140 : memref<!tpu.dma_semaphore, #tpu.memory_space<semaphore_mem>>) src(%dma_wait3A_146 : memref<128x128xf32, #tpu.memory_space<vmem>>) dst(%dma_wait3A_142 : memref<128x128xf32, #tpu.memory_space<hbm>>)
    return
  }
}

</mosaic_0001>

<sc_bundles>
// kernel: _dna_decode.3.cloned.1.call-start
scs
__scs_entry_jumppad:
0x0: {  	(pc) =	sbr.rel $0x88, $3  }
0x1: {  	(tag) =	ssettag $0x0;
	lr =	simm.s32 $0x1  }
0x2: {  	[smem:$0x3F9E] =	sst lr;
	_ =	strace $0xD0000000  }
0x3: {  	_ = 	snop  }
0x4: {  	_ = 	snop  }
0x5: {  	_ = 	snop  }
0x6: {  	_ = 	snop  }
0x7: {  	_ = 	snop  }
__scs_overlays_trampoline_lowered:
0x8: {  	[smem:$0x3FAD] =	sst s0  }
0x9: {  	[smem:$0x3FAE] =	sst s1  }
0xa: {  	[smem:$0x3FAF] =	sst s2  }
0xb: {  	[smem:$0x3FB0] =	sst s3  }
0xc: {  	[smem:$0x3FB1] =	sst s4  }
0xd: {  	[smem:$0x3FB2] =	sst s5  }
0xe: {  	[smem:$0x3FB3] =	sst s6  }
0xf: {  	[smem:$0x3FB4] =	sst s7  }
0x10: {  	[smem:$0x3FB5] =	sst s8  }
0x11: {  	[smem:$0x3FB6] =	sst s9;
	s0 =	simm.s32 @!p0 $0x0  }
0x12: {  	s1 =	sld [smem:$0x3F9C];
	s0 =	simm.s32 @p0 $0x1  }
0x13: {  	[smem:$0x3FB7] =	sst s0;
	s0 =	simm.s32 @!p1 $0x0  }
0x14: {  	s2 =	sld [smem:$0x3F9B];
	s0 =	simm.s32 @p1 $0x1  }
0x15: {  	[smem:$0x3FB8] =	sst s0;
	s0 =	simm.s32 @!p2 $0x0  }
0x16: {  	s3 =	sld [smem:$0x3FDB];
	s0 =	simm.s32 @p2 $0x1  }
0x17: {  	s4 =	simm.s32 $0x1BF5;
	[smem:$0x3FBA] =	sst s0  }
0x18: {  	s0 =	sld [smem:$0x3F9D];
	_ =	swait.ge [sflag:s4], $0x0  }
0x19: {  	s7 =	sld [smem:$0x3F9E]  }
0x1a: {  	s8 =	sadd.s32 $0xFFFFE003, lr  }
0x1b: {  	s9 =	sadd.s32 $0xFFFFFEF7, lr;
	s5 =	simm.s32 $0xFFFFFFFF;
	p2 =	slt.u32 s8, $0xFFFFF086  }
0x1c: {  	p1 =	slt.u32 s9, $0xF7A;
	s5 =	simm.s32 @!p2 $0x0  }
0x1d: {  	s5 =	simm.s32 @p1 $0x1;
	p0 =	seq.s32 s7, s2  }
0x1e: {  	s7 =	smul.u32 @!p0 $0xF7A, s2;
	p2 =	seq.s32 @!p0 s5, $0x0  }
0x1f: {  	s9 =	smul.u32 $0xF7A, s1;
	s8 =	simm.s32 @!p0 $0x1BF5;
	p2 =	por !p2, p0  }
0x20: {  	[sflag:s8] =	ssyncset.s32 @!p0 $0xFFFFF086;
	s6 =	sadd.s32 @!p0 s3, s7;
	s7 =	simm.s32 @!p0 $0x108  }
0x21: {  	s3 =	sadd.s32 s3, s9;
	s6 =	sadd.s32 @!p0 $0x88, s6;
	s7 =	simm.s32 @p2 $0x1082  }
0x22: {  	[simem:s7], [sflag:s8] =	dma.local @!p0 [hbm:s6], $0xF7A  }
0x23: {  	s9 =	sor.u32 $0xD0000000, s2;
	s6 =	simm.s32 $0x108;
	_ =	swait.ge @!p0 [sflag:s8], $0x0  }
0x24: {  	s3 =	sadd.s32 $0x88, s3;
	s6 =	simm.s32 @!p1 $0x1082;
	[sflag:s4] =	ssyncset.s32 $0xFFFFF086  }
0x25: {  	[simem:s6], [sflag:s4] =	dma.local [hbm:s3], $0xF7A  }
0x26: {  	[smem:$0x3F9E] =	sst s1;
	(tag) =	ssettag s2;
	_ =	strace s9  }
0x27: {  	s1 =	sld [smem:$0x3FAE]  }
0x28: {  	s2 =	sld [smem:$0x3FAF]  }
0x29: {  	s4 =	sld [smem:$0x3FB1]  }
0x2a: {  	p0 =	seq.s32 s5, $0x0;
	s5 =	sld [smem:$0x3FB2]  }
0x2b: {  	s6 =	sld [smem:$0x3FB3]  }
0x2c: {  	s7 =	sld [smem:$0x3FB4]  }
0x2d: {  	s3 =	simm.s32 $0x108;
	s8 =	sld [smem:$0x3FB5]  }
0x2e: {  	s3 =	simm.s32 @!p0 $0x1082;
	s9 =	sld [smem:$0x3FB6]  }
0x2f: {  	lr =	sadd.s32 s0, s3;
	s0 =	sld [smem:$0x3FAD]  }
0x30: {  	s3 =	sld [smem:$0x3FB0]  }
0x31: {  	[smem:$0x3FB9] =	sst s10  }
0x32: {  	s10 =	sld [smem:$0x3FB7];
	_ =	sdelay $0x3  }
0x33: {  	p0 =	seq.s32 s10, $0x1;
	s10 =	sld [smem:$0x3FB9];
	_ =	sdelay $0x3  }
0x34: {  	[smem:$0x3FB9] =	sst s10  }
0x35: {  	s10 =	sld [smem:$0x3FB8];
	_ =	sdelay $0x3  }
0x36: {  	p1 =	seq.s32 s10, $0x1;
	s10 =	sld [smem:$0x3FB9];
	_ =	sdelay $0x3  }
0x37: {  	[smem:$0x3FB9] =	sst s10  }
0x38: {  	s10 =	sld [smem:$0x3FBA]  }
0x39: {  	_ = 	snop;
	(pc) =	sbr.ind lr, $3  }
0x3a: {  	_ = 	snop  }
0x3b: {  	_ = 	snop  }
0x3c: {  	p2 =	seq.s32 s10, $0x1;
	s10 =	sld [smem:$0x3FB9]  }
0x3d: {  	_ =	shalt  }
0x3e: {  	_ =	shalt  }
0x3f: {  	_ =	shalt  }
0x40: {  	_ =	shalt  }
0x41: {  	_ =	shalt  }
0x42: {  	_ =	shalt  }
0x43: {  	_ =	shalt  }
0x44: {  	_ =	shalt  }
0x45: {  	_ =	shalt  }
0x46: {  	_ =	shalt  }
0x47: {  	_ =	shalt  }
0x48: {  	_ =	shalt  }
0x49: {  	_ =	shalt  }
0x4a: {  	_ =	shalt  }
0x4b: {  	_ =	shalt  }
0x4c: {  	_ =	shalt  }
0x4d: {  	_ =	shalt  }
0x4e: {  	_ =	shalt  }
0x4f: {  	_ =	shalt  }
0x50: {  	_ =	shalt  }
0x51: {  	_ =	shalt  }
0x52: {  	_ =	shalt  }
0x53: {  	_ =	shalt  }
0x54: {  	_ =	shalt  }
0x55: {  	_ =	shalt  }
0x56: {  	_ =	shalt  }
0x57: {  	_ =	shalt  }
0x58: {  	_ =	shalt  }
0x59: {  	_ =	shalt  }
0x5a: {  	_ =	shalt  }
0x5b: {  	_ =	shalt  }
0x5c: {  	_ =	shalt  }
0x5d: {  	_ =	shalt  }
0x5e: {  	_ =	shalt  }
0x5f: {  	_ =	shalt  }
0x60: {  	_ =	shalt  }
0x61: {  	_ =	shalt  }
0x62: {  	_ =	shalt  }
0x63: {  	_ =	shalt  }
0x64: {  	_ =	shalt  }
0x65: {  	_ =	shalt  }
0x66: {  	_ =	shalt  }
0x67: {  	_ =	shalt  }
0x68: {  	_ =	shalt  }
0x69: {  	_ =	shalt  }
0x6a: {  	_ =	shalt  }
0x6b: {  	_ =	shalt  }
0x6c: {  	_ =	shalt  }
0x6d: {  	_ =	shalt  }
0x6e: {  	_ =	shalt  }
0x6f: {  	_ =	shalt  }
0x70: {  	_ =	shalt  }
0x71: {  	_ =	shalt  }
0x72: {  	_ =	shalt  }
0x73: {  	_ =	shalt  }
0x74: {  	_ =	shalt  }
0x75: {  	_ =	shalt  }
0x76: {  	_ =	shalt  }
0x77: {  	_ =	shalt  }
0x78: {  	_ =	shalt  }
0x79: {  	_ =	shalt  }
0x7a: {  	_ =	shalt  }
0x7b: {  	_ =	shalt  }
0x7c: {  	_ =	shalt  }
0x7d: {  	_ =	shalt  }
0x7e: {  	_ =	shalt  }
0x7f: {  	_ =	shalt  }
0x80: {  	_ =	shalt  }
0x81: {  	_ =	shalt  }
0x82: {  	_ =	shalt  }
0x83: {  	_ =	shalt  }
0x84: {  	_ =	shalt  }
0x85: {  	_ =	shalt  }
0x86: {  	_ =	shalt  }
0x87: {  	_ =	shalt  }
.Lfunc_end0:
.L_simem_size_0:
called_computation_lowered:
.L_overlay_start_0:
0x88: {  	s2 =	sld [smem:$0x3FD9]  }
0x89: {  	s3 =	sld [smem:$0x3FFE];
	_ =	sdelay $0x1  }
0x8a: {  	s1 =	srdreg.scid  }
0x8b: {  	s0 =	sand.u32 $0x1, s1  }
0x8c: {  	s18 =	sshll.u32 s0, $0xA;
	s2 =	sadd.s32 s3, s2  }
0x8d: {  	s2 =	sadd.s32 s2, s18  }
0x8e: {  	[smem:$0x3FC5] =	sst s2  }
0x8f: {  	_ = 	snop  }
0x90: {  	s2 =	sld [smem:$0x3FC9]  }
0x91: {  	s19 =	sld [smem:$0x3FC8]  }
0x92: {  	s4 =	sld [smem:$0x3FC7]  }
0x93: {  	s5 =	sld [smem:$0x3FD0];
	(tm) =	ssettm $0x1  }
0x94: {  	s6 =	sld [smem:$0x3FFB];
	_ =	sdelay $0x3  }
0x95: {  	_ =	strace s6  }
0x96: {  	s6 =	sld [smem:$0x3FFC];
	_ =	sdelay $0x3  }
0x97: {  	_ =	strace s6  }
0x98: {  	s6 =	sld [smem:$0x3FFD];
	_ =	sdelay $0x3  }
0x99: {  	_ =	strace s6  }
0x9a: {  	_ =	strace $0x8FFFFFFF  }
0x9b: {  	s20 =	sld [smem:$0x3FDB];
	_ =	sdelay $0x1  }
0x9c: {  	s7 =	simm.s32 $_scs_section_size  }
0x9d: {  	s8 =	simm.s32 $_size__tile_overlayer_lowered;
	s9 =	simm.s32 $_tile_overlayer_lowered  }
0x9e: {  	s23 =	simm.s32 $0x1BFF;
	s22 =	sshll.u32 s9, $0x1;
	s6 =	sadd.s32 s7, s20  }
0x9f: {  	s10 =	simm.s32 $0x0;
	s21 =	sshll.u32 s8, $0x1;
	s8 =	sadd.s32 s22, s6  }
0xa0: {  	[timem:s10], [sflag:s23] =	dma.local [hbm:s8], s21  }
0xa1: {  	_ =	swait.ge [sflag:s23], s21  }
0xa2: {  	s7 =	ssub.s32 $0x0, s21;
	[sflag:s23] =	ssyncset.done $0x0  }
0xa3: {  	[sflag:s23] =	ssyncadd.s32 s7;
	_ =	sdelay $0x1  }
0xa4: {  	s24 =	simm.s32 $0x1B8B  }
0xa5: {  	_ =	swait.ge [sflag:s24], $0x1  }
0xa6: {  	[sflag:s24] =	ssyncset.done $0x0  }
0xa7: {  	s25 =	simm.s32 $0x1B8E;
	[sflag:s24] =	ssyncadd.s32 $0xFFFFFFFF  }
0xa8: {  	s26 =	simm.s32 $execute0_lowered;
	[smem:$0x3FD2] =	sst s25  }
0xa9: {  	s7 =	sshll.u32 s26, $0x1;
	_ =	strace $0x80000046;
	[dreg:$0x1] =	wrdreg $0xFFFFFFFF  }
0xaa: {  	s28 =	simm.s32 $_size_execute0_lowered;
	s6 =	sadd.s32 s6, s7;
	[dreg:$0x0] =	wrdreg $0x0  }
0xab: {  	s7 =	sshll.u32 s28, $0x1;
	[dreg:$0x2] =	wrdreg s6  }
0xac: {  	[dreg:$0x3] =	wrdreg s7  }
0xad: {  	[dreg:$0x4] =	wrdreg $0xC0  }
0xae: {  	_ =	task [dreg:s10], $0x5FFFF  }
0xaf: {  	[dreg:$0x1] =	wrdreg $0xFFFFFFFF  }
0xb0: {  	[dreg:$0x0] =	wrdreg $0x60  }
0xb1: {  	[dreg:$0x2] =	wrdreg s2  }
0xb2: {  	[dreg:$0x3] =	wrdreg s19  }
0xb3: {  	[dreg:$0x4] =	wrdreg s4  }
0xb4: {  	[dreg:$0x5] =	wrdreg s5  }
0xb5: {  	[dreg:$0x6] =	wrdreg $0x9  }
0xb6: {  	_ =	task.clear_ibuf [dreg:s10], $0x7FFFF;
	_ =	strace $0x90000046  }
0xb7: {  	s29 =	simm.s32 $0x9;
	_ =	strace $0x80000048  }
0xb8: {  	_ =	swait.ge [sflag:s29], $0x1  }
0xb9: {  	[sflag:s29] =	ssyncadd.s32 $0xFFFFFFFF  }
0xba: {  	_ =	strace $0x90000048  }
0xbb: {  	_ =	sfence  }
0xbc: {  	s30 =	sld [smem:$0x0];
	_ =	sdelay $0x2  }
0xbd: {  	s31 =	sshll.u32 s1, $0xD;
	s1 =	sshrl.u32 s1, $0x2  }
0xbe: {  	s3 =	sand.u32 $0x4000, s31;
	s1 =	sadd.s32 s1, s30  }
0xbf: {  	s0 =	sor.u32 s3, s0;
	s1 =	sshll.u32 s1, $0x11  }
0xc0: {  	s0 =	sor.u32 s1, s0  }
0xc1: {  	s0 =	sadd.s32 $0x8F2B, s0  }
0xc2: {  	[sflag:s0] =	ssyncadd.remote.s32 $0x1  }
0xc3: {  	_ =	sfence.sel $0xFFFF  }
0xc4: {  	[dreg:$0x0] =	wrdreg $0xFFFFFFFF;
	(pc) =	sbr.abs _section_cstart, $3  }
0xc5: {  	[dreg:$0x1] =	wrdreg $0xFFFFFFFF  }
0xc6: {  	_ =	task.clear_ibuf [dreg:s10], $0x2FFFF;
	_ =	strace $0x9FFFFFFF  }
0xc7: {  	(tm) =	ssettm $0x7FFFFFFF  }
tec
execute0_lowered:
.L_overlay_start_1:
0x0: {  	(tag) =	ssettag $0x1  }
0x1: {  	s0 =	rddreg [dreg:$0x0]  }
0x2: {  	s1 =	rddreg [dreg:$0x1]  }
0x3: {  	s2 =	rddreg [dreg:$0x2]  }
0x4: {  	s8 =	rddreg [dreg:$0x3]  }
0x5: {  	s3 =	simm.s32 $0x0;
	s4 =	srdreg.scid;
	s5 =	stileid.u32  }
0x6: {  	s11 =	simm.s32 $0xB;
	s12 =	simm.s32 $0xA00;
	s13 =	simm.s32 $0x4A00  }
0x7: {  	s14 =	simm.s32 $0x200;
	s15 =	simm.s32 $0x600;
	s16 =	simm.s32 $0x7  }
0x8: {  	s17 =	simm.s32 $0x8;
	s18 =	simm.s32 $0x9;
	s19 =	simm.s32 $0xA  }
0x9: {  	s20 =	simm.s32 $0x0;
	s4 =	sand.u32 $0x1, s4;
	s5 =	sshll.u32 s5, $0x1  }
0xa: {  	[smem:$0x7FF] =	sst s3;
	s6 =	ssub.s32 $0x2, s4;
	s4 =	sor.u32 s4, s5  }
0xb: {  	_ =	strace $0x80000047;
	s31 =	sshrl.u32 s6, $0x1;
	s9 =	sshll.u32 s4, $0x10  }
0xc: {  	s7 =	sshll.u32 s4, $0xB;
	s10 =	ssub.s32 s6, s31;
	s4 =	sadd.s32 s2, s9  }
0xd: {  	s5 =	sadd.s32 s0, s7;
	s8 =	sadd.s32 s8, s9;
	s6 =	sadd.s32 $0x800, s4  }
0xe: {  	s7 =	sadd.s32 $0x80, s5;
	s9 =	sadd.s32 $0x100, s5;
	s10 =	smax.u32 s10, $0x1  }
.LBB2_1:
0xf: {  	[tilespmem:s3], [sflag:$0xB] =	stream.linear.gather [hbm4b:s1+s3], $0x200, $0x38;
	[tilespmem:$0x10A00] =	vst v63  }
0x10: {  	_ =	swait.ge [sflag:s11], $0x200  }
0x11: {  	[sflag:s11] =	ssyncset.done $0x0  }
0x12: {  	[sflag:s11] =	ssyncadd.s32 $0xFFFFFE00  }
0x13: {  	[tilespmem:s12], [sflag:$0x1] =	stream.linear.gather [hbm4b:s4+s3], $0x4000, $0x38;
	[tilespmem:$0x10A00] =	vst v63  }
0x14: {  	_ = 	snop  }
0x15: {  	[tilespmem:s13], [sflag:$0x2] =	stream.linear.gather [hbm4b:s6+s3], $0x4000, $0x38;
	[tilespmem:$0x10A00] =	vst v63  }
0x16: {  	_ = 	snop  }
0x17: {  	[tilespmem:s14], [sflag:$0x5] =	stream.linear.gather [hbm4b:s5+s3], $0x400, $0x38;
	[tilespmem:$0x10A00] =	vst v63  }
0x18: {  	p0 =	por $0x0, $0x0;
	s21 =	simm.s32 $0x0;
	s22 =	simm.s32 $0x0  }
0x19: {  	[tilespmem:s15], [sflag:$0x6] =	stream.linear.gather [hbm4b:s7+s3], $0x400, $0x38;
	[tilespmem:$0x10A00] =	vst v63  }
.LBB2_2:
0x1a: {  	p1 =	sgt.u32 s22, $0x1D  }
0x1b: {  	s0 =	sand.u32 $0x3, s21;
	s2 =	sadd.s32 $0x2, s22;
	p2 =	slt.u32 @!p1 s22, $0x2  }
0x1c: {  	s0 =	sshll.u32 s0, $0xE;
	s28 =	sand.u32 @!p1 $0x3, s2;
	p2 =	por p2, p1  }
0x1d: {  	s23 =	sshrl.u32 s22, $0x1;
	s25 =	sor.u32 $0xA00, s0;
	s0 =	sadd.s32 @!p2 $0x7, s28  }
0x1e: {  	s29 =	simm.s32 $0x1;
	s26 =	sand.u32 $0x3, s22;
	_ =	swait.ge @!p2 [sflag:s0], $0x4000  }
0x1f: {  	s29 =	simm.s32 @!p0 $0x0;
	s30 =	sshll.u32 @!p1 s28, $0xE;
	[sflag:s0] =	ssyncset.done @!p2 $0x0  }
0x20: {  	s28 =	sadd.s32 @!p1 $0x1, s28;
	[sflag:s0] =	ssyncadd.s32 @!p2 $0xFFFFC000;
	s0 =	sshll.u32 @!p1 s2, $0xB  }
0x21: {  	s2 =	sor.u32 @!p1 $0xA00, s30;
	s30 =	simm.s32 @!p1 $0x0;
	s0 =	sadd.s32 @!p1 s0, s4  }
0x22: {  	[tilespmem:s2], [sflag:s28] =	stream.linear.gather @!p1 [hbm4b:s0+s30], $0x4000, $0x38;
	[tilespmem:$0x10A00] =	vst v63  }
0x23: {  	s24 =	sand.u32 $0x1, s23;
	s29 =	sshll.u32 s29, $0xB;
	s2 =	sadd.s32 $0x1, s26  }
0x24: {  	s0 =	sshll.u32 s24, $0xC;
	s28 =	sand.u32 $0x1, s22;
	_ =	swait.ge [sflag:s2], $0x4000  }
0x25: {  	s0 =	sor.u32 s29, s0;
	p1 =	sne.s32 s28, $0x0;
	[sflag:s2] =	ssyncset.done $0x0  }
0x26: {  	s0 =	sshrl.u32 s0, $0x2;
	[sflag:s2] =	ssyncadd.s32 $0xFFFFC000;
	s2 =	sadd.s32 @!p1 $0x5, s24  }
0x27: {  	s31 =	sadd.s32 $0x300, s0;
	s0 =	sshll.u32 s26, $0xE;
	_ =	swait.ge @!p1 [sflag:s2], $0x400  }
0x28: {  	s30 =	sor.u32 $0xA00, s0;
	s0 =	sshll.u32 s24, $0xA;
	[sflag:s2] =	ssyncset.done @!p1 $0x0  }
0x29: {  	s29 =	sor.u32 $0x200, s0;
	s0 =	simm.s32 $0x0;
	[sflag:s2] =	ssyncadd.s32 @!p1 $0xFFFFFC00  }
.LBB2_3:
0x2a: {  	v15 =	vld [tilespmem:s31+$0xFFFFFF00]  }
0x2b: {  	v16 =	vld [tilespmem:s31+$0xFFFFFF80]  }
0x2c: {  	v12 =	vld [tilespmem:s31+$0x0]  }
0x2d: {  	v13 =	vld [tilespmem:s31+$0x80]  }
0x2e: {  	v37 =	vld [tilespmem:$0x0]  }
0x2f: {  	v52 =	vld [tilespmem:$0x10]  }
0x30: {  	v61 =	vld [tilespmem:$0x20]  }
0x31: {  	v53 =	vld [tilespmem:$0x30]  }
0x32: {  	v9 =	vld [tilespmem:$0x80]  }
0x33: {  	v48 =	vld [tilespmem:$0x90]  }
0x34: {  	v10 =	vld [tilespmem:$0x100]  }
0x35: {  	v11 =	vld [tilespmem:$0x180]  }
0x36: {  	v44 =	vld [tilespmem:$0x110]  }
0x37: {  	v46 =	vld [tilespmem:$0x190];
	v3 =	vbroadcast v15, $0x0;
	v2 =	vbroadcast v16, $0x0  }
0x38: {  	v50 =	vld [tilespmem:$0xA0];
	v0 =	vbroadcast v12, $0x0;
	v1 =	vbroadcast v13, $0x0  }
0x39: {  	v62 =	vld [tilespmem:$0xB0];
	v58 =	vbroadcast v15, $0x1;
	v59 =	vbroadcast v16, $0x1  }
0x3a: {  	v43 =	vld [tilespmem:$0x120];
	v60 =	vbroadcast v12, $0x1;
	v63 =	vbroadcast v13, $0x1  }
0x3b: {  	v14 =	vld [tilespmem:$0x1A0];
	v17 =	vmul.f32 v37, v3;
	v18 =	vmul.f32 v9, v2  }
0x3c: {  	v45 =	vld [tilespmem:$0x130];
	v19 =	vmul.f32 v10, v0;
	v20 =	vmul.f32 v11, v1  }
0x3d: {  	v38 =	vld [tilespmem:$0x1B0];
	v21 =	vmul.f32 v52, v3;
	v22 =	vmul.f32 v48, v2  }
0x3e: {  	v23 =	vmul.f32 v44, v0;
	v24 =	vmul.f32 v46, v1  }
0x3f: {  	v42 =	vmul.f32 v61, v3;
	v47 =	vmul.f32 v50, v2  }
0x40: {  	v49 =	vmul.f32 v43, v0;
	v51 =	vmul.f32 v14, v1  }
0x41: {  	v54 =	vmul.f32 v53, v3;
	v55 =	vmul.f32 v62, v2  }
0x42: {  	v56 =	vmul.f32 v45, v0;
	v57 =	vmul.f32 v38, v1  }
0x43: {  	v28 =	vmul.f32 v37, v58;
	v29 =	vmul.f32 v9, v59  }
0x44: {  	v31 =	vmul.f32 v10, v60;
	v32 =	vmul.f32 v11, v63  }
0x45: {  	v33 =	vmul.f32 v52, v58;
	v34 =	vmul.f32 v48, v59  }
0x46: {  	[tilespmem:$0x1FC60] =	vst v0;
	v35 =	vmul.f32 v44, v60;
	v36 =	vmul.f32 v46, v63  }
0x47: {  	[tilespmem:$0x1FC70] =	vst v1;
	v0 =	vbroadcast v12, $0x6;
	v1 =	vbroadcast v13, $0x6;
	v17 =	vadd.f32 v18, v17  }
0x48: {  	[tilespmem:$0x1FC40] =	vst v3;
	v3 =	vbroadcast v15, $0x7;
	v39 =	vadd.f32 v20, v19;
	v40 =	vadd.f32 v22, v21  }
0x49: {  	[tilespmem:$0x1FC50] =	vst v2;
	v2 =	vbroadcast v16, $0x8;
	v41 =	vadd.f32 v24, v23;
	v19 =	vadd.f32 v51, v49  }
0x4a: {  	v18 =	vadd.f32 v55, v54;
	v49 =	vmul.f32 v62, v59;
	v54 =	vmul.f32 v45, v60  }
0x4b: {  	v20 =	vadd.f32 v57, v56;
	v55 =	vmul.f32 v38, v63;
	v56 =	vbroadcast v15, $0x2  }
0x4c: {  	v57 =	vbroadcast v16, $0x2;
	v4 =	vadd.f32 v39, v17;
	v8 =	vadd.f32 v41, v40  }
0x4d: {  	v17 =	vadd.f32 v47, v42;
	v39 =	vmul.f32 v61, v58;
	v40 =	vmul.f32 v50, v59  }
0x4e: {  	[tilespmem:$0x1FC80] =	vst v58;
	v30 =	vadd.f32 v20, v18;
	v41 =	vmul.f32 v43, v60;
	v42 =	vmul.f32 v14, v63  }
0x4f: {  	[tilespmem:$0x1FC90] =	vst v59;
	v18 =	vadd.f32 v32, v31;
	v47 =	vmul.f32 v53, v58;
	v58 =	vbroadcast v12, $0x2  }
0x50: {  	[tilespmem:$0x1FCA0] =	vst v60;
	v20 =	vadd.f32 v36, v35;
	v59 =	vbroadcast v13, $0x2;
	v60 =	vmul.f32 v37, v56  }
0x51: {  	[tilespmem:$0x1FCB0] =	vst v63;
	v63 =	vmul.f32 v9, v57;
	v31 =	vmul.f32 v48, v57;
	v5 =	vadd.f32 v19, v17  }
0x52: {  	v36 =	vmul.f32 v61, v56;
	v17 =	vadd.f32 v29, v28;
	v19 =	vadd.f32 v34, v33  }
0x53: {  	v21 =	vadd.f32 v40, v39;
	v28 =	vmul.f32 v10, v58;
	v29 =	vmul.f32 v11, v59  }
0x54: {  	[tilespmem:$0x1FAA0] =	vst v30;
	v22 =	vadd.f32 v42, v41;
	v30 =	vmul.f32 v52, v56;
	v33 =	vmul.f32 v44, v58  }
0x55: {  	[tilespmem:$0x1FA90] =	vst v4;
	v34 =	vmul.f32 v46, v59;
	v39 =	vmul.f32 v50, v57;
	v4 =	vadd.f32 v18, v17  }
0x56: {  	v41 =	vmul.f32 v43, v58;
	v51 =	vadd.f32 v20, v19;
	v17 =	vadd.f32 v49, v47  }
0x57: {  	v42 =	vmul.f32 v14, v59;
	v19 =	vadd.f32 v55, v54;
	v6 =	vadd.f32 v22, v21  }
0x58: {  	[tilespmem:$0x1FCC0] =	vst v56;
	v18 =	vadd.f32 v63, v60;
	v47 =	vmul.f32 v53, v56;
	v49 =	vmul.f32 v62, v57  }
0x59: {  	[tilespmem:$0x1FCE0] =	vst v58;
	v20 =	vadd.f32 v29, v28;
	v54 =	vmul.f32 v38, v59;
	v55 =	vbroadcast v15, $0x3  }
0x5a: {  	[tilespmem:$0x1FCF0] =	vst v59;
	v21 =	vadd.f32 v31, v30;
	v56 =	vbroadcast v16, $0x3;
	v59 =	vbroadcast v13, $0x3  }
0x5b: {  	[tilespmem:$0x1FAB0] =	vst v51;
	v32 =	vadd.f32 v19, v17;
	v51 =	vmul.f32 v45, v58;
	v58 =	vbroadcast v12, $0x3  }
0x5c: {  	v17 =	vadd.f32 v34, v33;
	v63 =	vmul.f32 v37, v55;
	v24 =	vmul.f32 v9, v56  }
0x5d: {  	v35 =	vadd.f32 v20, v18;
	v27 =	vmul.f32 v11, v59;
	v28 =	vmul.f32 v52, v55  }
0x5e: {  	v18 =	vadd.f32 v39, v36;
	v29 =	vmul.f32 v48, v56;
	v31 =	vmul.f32 v46, v59  }
0x5f: {  	v20 =	vadd.f32 v42, v41;
	v33 =	vmul.f32 v50, v56;
	v41 =	vbroadcast v15, $0x4  }
0x60: {  	v19 =	vadd.f32 v49, v47;
	v42 =	vbroadcast v16, $0x4;
	v47 =	vbroadcast v12, $0x4  }
0x61: {  	[tilespmem:$0x1FAC0] =	vst v6;
	v49 =	vbroadcast v13, $0x4;
	v6 =	vmul.f32 v45, v0;
	v40 =	vadd.f32 v17, v21  }
0x62: {  	[tilespmem:$0x1FCD0] =	vst v57;
	v57 =	vadd.f32 v54, v51;
	v26 =	vmul.f32 v10, v58;
	v30 =	vmul.f32 v44, v58  }
0x63: {  	[tilespmem:$0x1FAD0] =	vst v32;
	v60 =	vadd.f32 v20, v18;
	v32 =	vmul.f32 v61, v55;
	v34 =	vmul.f32 v43, v58  }
0x64: {  	v20 =	vadd.f32 v29, v28;
	v39 =	vmul.f32 v45, v58;
	v54 =	vmul.f32 v37, v41  }
0x65: {  	[tilespmem:$0x1FD00] =	vst v55;
	v17 =	vmul.f32 v44, v47;
	v29 =	vmul.f32 v61, v41;
	v25 =	vadd.f32 v57, v19  }
0x66: {  	[tilespmem:$0x1FD10] =	vst v56;
	v19 =	vadd.f32 v27, v26;
	v26 =	vmul.f32 v53, v55;
	v27 =	vmul.f32 v62, v56  }
0x67: {  	[tilespmem:$0x1FAF0] =	vst v40;
	v40 =	vmul.f32 v38, v59;
	v55 =	vmul.f32 v9, v42  }
0x68: {  	[tilespmem:$0x1FD30] =	vst v59;
	v18 =	vadd.f32 v24, v63;
	v56 =	vmul.f32 v10, v47;
	v57 =	vmul.f32 v11, v49  }
0x69: {  	[tilespmem:$0x1FB00] =	vst v60;
	v21 =	vadd.f32 v31, v30;
	v60 =	vmul.f32 v48, v42;
	v30 =	vmul.f32 v50, v42  }
0x6a: {  	[tilespmem:$0x1FAE0] =	vst v35;
	v22 =	vadd.f32 v33, v32;
	v31 =	vmul.f32 v43, v47;
	v32 =	vmul.f32 v14, v49  }
0x6b: {  	[tilespmem:$0x1FD40] =	vst v41;
	v33 =	vmul.f32 v53, v41;
	v35 =	vadd.f32 v19, v18;
	v36 =	vadd.f32 v21, v20  }
0x6c: {  	[tilespmem:$0x1FB10] =	vst v25;
	v25 =	vmul.f32 v14, v59;
	v51 =	vadd.f32 v27, v26;
	v20 =	vadd.f32 v40, v39  }
0x6d: {  	[tilespmem:$0x1FD50] =	vst v42;
	v59 =	vmul.f32 v52, v41;
	v19 =	vmul.f32 v46, v49;
	v21 =	vadd.f32 v57, v56  }
0x6e: {  	[tilespmem:$0x1FD60] =	vst v47;
	v40 =	vbroadcast v15, $0x5;
	v41 =	vbroadcast v16, $0x5;
	v23 =	vadd.f32 v25, v34  }
0x6f: {  	[tilespmem:$0x1FB20] =	vst v35;
	v63 =	vadd.f32 v20, v51;
	v34 =	vmul.f32 v62, v42;
	v35 =	vmul.f32 v45, v47  }
0x70: {  	[tilespmem:$0x1FB30] =	vst v36;
	v25 =	vadd.f32 v55, v54;
	v36 =	vmul.f32 v38, v49;
	v42 =	vbroadcast v12, $0x5  }
0x71: {  	[tilespmem:$0x1FD70] =	vst v49;
	v20 =	vadd.f32 v19, v17;
	v47 =	vbroadcast v13, $0x5;
	v49 =	vmul.f32 v37, v40  }
0x72: {  	[tilespmem:$0x1FD20] =	vst v58;
	v51 =	vmul.f32 v9, v41;
	v56 =	vmul.f32 v52, v40;
	v58 =	vadd.f32 v23, v22  }
0x73: {  	v22 =	vadd.f32 v60, v59;
	v54 =	vmul.f32 v10, v42;
	v55 =	vmul.f32 v11, v47  }
0x74: {  	v23 =	vadd.f32 v30, v29;
	v57 =	vmul.f32 v44, v42;
	v29 =	vmul.f32 v46, v47  }
0x75: {  	v28 =	vadd.f32 v21, v25;
	v30 =	vmul.f32 v50, v41;
	v59 =	vmul.f32 v43, v42  }
0x76: {  	v39 =	vadd.f32 v34, v33;
	v33 =	vmul.f32 v62, v41;
	v34 =	vmul.f32 v45, v42  }
0x77: {  	[tilespmem:$0x1FB50] =	vst v63;
	v26 =	vadd.f32 v36, v35;
	v35 =	vmul.f32 v38, v47;
	v60 =	vbroadcast v15, $0x6  }
0x78: {  	[tilespmem:$0x1FDA0] =	vst v42;
	v63 =	vbroadcast v16, $0x6;
	v36 =	vmul.f32 v11, v1  }
0x79: {  	v42 =	vmul.f32 v46, v1;
	[tilespmem:$0x1FB60] =	vst v28;
	v25 =	vadd.f32 v20, v22;
	v28 =	vmul.f32 v48, v41  }
0x7a: {  	[tilespmem:$0x1FB40] =	vst v58;
	v22 =	vadd.f32 v32, v31;
	v58 =	vmul.f32 v61, v40;
	v31 =	vmul.f32 v14, v47  }
0x7b: {  	v21 =	vadd.f32 v26, v39;
	v32 =	vmul.f32 v53, v40;
	v17 =	vmul.f32 v37, v60  }
0x7c: {  	v26 =	vadd.f32 v55, v54;
	v18 =	vmul.f32 v9, v63;
	v20 =	vmul.f32 v10, v0  }
0x7d: {  	[tilespmem:$0x1FD80] =	vst v40;
	v27 =	vadd.f32 v29, v57;
	v39 =	vmul.f32 v52, v60;
	v40 =	vmul.f32 v48, v63  }
0x7e: {  	[tilespmem:$0x1FD90] =	vst v41;
	v19 =	vadd.f32 v35, v34;
	v41 =	vmul.f32 v44, v0;
	v54 =	vmul.f32 v50, v63  }
0x7f: {  	v57 =	vmul.f32 v43, v0;
	v24 =	vadd.f32 v22, v23;
	v22 =	vadd.f32 v51, v49  }
0x80: {  	[tilespmem:$0x1FDE0] =	vst v0;
	v0 =	vbroadcast v12, $0x8;
	v23 =	vadd.f32 v28, v56;
	v28 =	vadd.f32 v30, v58  }
0x81: {  	v29 =	vadd.f32 v31, v59;
	v7 =	vadd.f32 v33, v32;
	v51 =	vmul.f32 v61, v60  }
0x82: {  	[tilespmem:$0x1FDB0] =	vst v47;
	v31 =	vadd.f32 v18, v17;
	v58 =	vmul.f32 v14, v1;
	v59 =	vmul.f32 v53, v60  }
0x83: {  	[tilespmem:$0x1FDC0] =	vst v60;
	v47 =	vadd.f32 v36, v20;
	v60 =	vmul.f32 v62, v63;
	v17 =	vbroadcast v16, $0x7  }
0x84: {  	v20 =	vbroadcast v13, $0x7;
	v22 =	vadd.f32 v26, v22;
	v23 =	vadd.f32 v27, v23  }
0x85: {  	v34 =	vmul.f32 v45, v0;
	v27 =	vadd.f32 v29, v28;
	v26 =	vadd.f32 v19, v7  }
0x86: {  	v56 =	vadd.f32 v47, v31;
	v7 =	vmul.f32 v38, v1;
	v19 =	vbroadcast v12, $0x7  }
0x87: {  	[tilespmem:$0x1FDD0] =	vst v63;
	v63 =	vadd.f32 v58, v57;
	v47 =	vmul.f32 v37, v3;
	v57 =	vmul.f32 v11, v20  }
0x88: {  	v28 =	vadd.f32 v40, v39;
	v58 =	vmul.f32 v52, v3;
	v36 =	vmul.f32 v48, v17  }
0x89: {  	v31 =	vadd.f32 v60, v59;
	v39 =	vmul.f32 v46, v20;
	v60 =	vmul.f32 v61, v3  }
0x8a: {  	v49 =	vadd.f32 v42, v41;
	v40 =	vmul.f32 v50, v17;
	v42 =	vmul.f32 v14, v20  }
0x8b: {  	[tilespmem:$0x1FDF0] =	vst v1;
	v30 =	vadd.f32 v54, v51;
	v1 =	vbroadcast v13, $0x8;
	v29 =	vmul.f32 v10, v0  }
0x8c: {  	s2 =	sshra.s32 s0, $0x2;
	[tilespmem:$0x1FE00] =	vst v3;
	v55 =	vadd.f32 v49, v28;
	v18 =	vadd.f32 v7, v6;
	v49 =	vmul.f32 v9, v17  }
0x8d: {  	s2 =	sadd.s32 s2, s25;
	[tilespmem:$0x1FE40] =	vst v2;
	v54 =	vadd.f32 v63, v30;
	v51 =	vmul.f32 v10, v19;
	v59 =	vmul.f32 v44, v19  }
0x8e: {  	[tilespmem:s2+$0x10] =	vst.add.f32.msk $0xffff, v8;
	v33 =	vadd.f32 v36, v58;
	v41 =	vmul.f32 v43, v19;
	v7 =	vmul.f32 v45, v19  }
0x8f: {  	v40 =	vadd.f32 v40, v60;
	v60 =	vmul.f32 v46, v1;
	[tilespmem:$0x1FB70] =	vst v55;
	v55 =	vadd.f32 v18, v31  }
0x90: {  	[tilespmem:s2+$0x20] =	vst.add.f32.msk $0xffff, v5;
	v30 =	vadd.f32 v49, v47;
	v47 =	vmul.f32 v53, v3;
	v49 =	vmul.f32 v62, v17  }
0x91: {  	[tilespmem:$0x1FE10] =	vst v17;
	v32 =	vadd.f32 v39, v59;
	v17 =	vmul.f32 v38, v20;
	v39 =	vbroadcast v15, $0x8  }
0x92: {  	[tilespmem:$0x1FE30] =	vst v20;
	v31 =	vadd.f32 v57, v51;
	v20 =	vmul.f32 v9, v2;
	v51 =	vmul.f32 v11, v1  }
0x93: {  	[tilespmem:s2+$0x80] =	vst.add.f32.msk $0xffff, v4;
	v41 =	vadd.f32 v42, v41;
	v57 =	vmul.f32 v48, v2;
	v59 =	vmul.f32 v44, v0  }
0x94: {  	[tilespmem:$0x1FE50] =	vst v0;
	v42 =	vbroadcast v13, $0x9;
	v63 =	vadd.f32 v31, v30;
	v28 =	vadd.f32 v32, v33  }
0x95: {  	[tilespmem:$0x1FE20] =	vst v19;
	v18 =	vadd.f32 v49, v47;
	v19 =	vmul.f32 v37, v39;
	v36 =	vmul.f32 v52, v39  }
0x96: {  	[tilespmem:s2+$0x210] =	vst.add.f32.msk $0xffff, v25;
	v32 =	vadd.f32 v17, v7;
	v6 =	vmul.f32 v61, v39;
	v7 =	vmul.f32 v50, v2  }
0x97: {  	[tilespmem:s2+$0x230] =	vst.add.f32.msk $0xffff, v21;
	v33 =	vadd.f32 v51, v29;
	v29 =	vmul.f32 v62, v2;
	v51 =	vbroadcast v15, $0x9  }
0x98: {  	[tilespmem:s2+$0x220] =	vst.add.f32.msk $0xffff, v24;
	v35 =	vadd.f32 v41, v40;
	v49 =	vbroadcast v16, $0x9;
	v41 =	vbroadcast v12, $0x9  }
0x99: {  	[tilespmem:$0x1FE60] =	vst v1;
	v31 =	vmul.f32 v14, v42;
	v58 =	vadd.f32 v32, v18;
	v18 =	vmul.f32 v43, v0  }
0x9a: {  	[tilespmem:s2+$0x280] =	vst.add.f32.msk $0xffff, v22;
	v47 =	vadd.f32 v20, v19;
	v19 =	vmul.f32 v14, v1;
	v20 =	vmul.f32 v53, v39  }
0x9b: {  	[tilespmem:$0x1FB90] =	vst v35;
	v40 =	vadd.f32 v57, v36;
	v35 =	vmul.f32 v38, v1;
	v36 =	vmul.f32 v37, v51  }
0x9c: {  	[tilespmem:s2+$0x290] =	vst.add.f32.msk $0xffff, v23;
	v32 =	vadd.f32 v60, v59;
	v59 =	vmul.f32 v9, v49;
	v0 =	vmul.f32 v10, v41  }
0x9d: {  	[tilespmem:$0x1FB80] =	vst v63;
	v1 =	vmul.f32 v11, v42;
	v2 =	vmul.f32 v52, v51;
	v63 =	vadd.f32 v33, v47  }
0x9e: {  	[tilespmem:s2+$0x2A0] =	vst.add.f32.msk $0xffff, v27;
	v3 =	vmul.f32 v48, v49;
	v17 =	vadd.f32 v32, v40;
	v33 =	vadd.f32 v7, v6  }
0x9f: {  	[tilespmem:s2+$0x2B0] =	vst.add.f32.msk $0xffff, v26;
	v30 =	vmul.f32 v43, v41;
	v32 =	vadd.f32 v19, v18;
	v57 =	vadd.f32 v29, v20  }
0xa0: {  	[tilespmem:s2+$0x300] =	vst.add.f32.msk $0xffff, v56;
	v40 =	vadd.f32 v35, v34;
	v6 =	vmul.f32 v44, v41;
	v7 =	vmul.f32 v50, v49  }
0xa1: {  	[tilespmem:s2+$0x320] =	vst.add.f32.msk $0xffff, v54;
	v34 =	vmul.f32 v53, v51;
	v35 =	vmul.f32 v62, v49  }
0xa2: {  	[tilespmem:$0x1FBA0] =	vst v58;
	v47 =	vbroadcast v15, $0xA;
	v58 =	vadd.f32 v32, v33;
	v60 =	vadd.f32 v40, v57  }
0xa3: {  	[tilespmem:s2+$0x330] =	vst.add.f32.msk $0xffff, v55;
	v32 =	vadd.f32 v59, v36;
	v40 =	vadd.f32 v1, v0;
	v59 =	vmul.f32 v46, v42  }
0xa4: {  	v20 =	vld [tilespmem:$0x1FA90];
	[tilespmem:$0x1FBB0] =	vst v63;
	v33 =	vadd.f32 v3, v2;
	v63 =	vmul.f32 v61, v51;
	v36 =	vmul.f32 v45, v41  }
0xa5: {  	[tilespmem:s2+$0x390] =	vst.add.f32.msk $0xffff, v28;
	v3 =	vadd.f32 v31, v30;
	v2 =	vadd.f32 v35, v34;
	v30 =	vmul.f32 v37, v47  }
0xa6: {  	[tilespmem:$0x1FBC0] =	vst v17;
	v34 =	vmul.f32 v52, v47;
	v29 =	vadd.f32 v59, v6;
	v57 =	vadd.f32 v40, v32  }
0xa7: {  	v0 =	vadd.f32 v7, v63;
	v40 =	vbroadcast v16, $0xA;
	v6 =	vbroadcast v12, $0xA;
	[tilespmem:s2+$0x420] =	vst.add.f32.msk $0xffff, v58  }
0xa8: {  	v7 =	vbroadcast v13, $0xA;
	[tilespmem:s2+$0x430] =	vst.add.f32.msk $0xffff, v60;
	v59 =	vadd.f32 v29, v33;
	v29 =	vmul.f32 v38, v42  }
0xa9: {  	[tilespmem:s2+$0x0] =	vst.add.f32.msk $0xffff, v20;
	v31 =	vmul.f32 v9, v40;
	v32 =	vmul.f32 v10, v6  }
0xaa: {  	v33 =	vmul.f32 v11, v7;
	v0 =	vadd.f32 v3, v0;
	v35 =	vmul.f32 v48, v40;
	[tilespmem:$0x1FE90] =	vst v7  }
0xab: {  	v63 =	vmul.f32 v46, v7;
	v8 =	vmul.f32 v38, v7;
	[tilespmem:s2+$0x480] =	vst.add.f32.msk $0xffff, v57  }
0xac: {  	[tilespmem:$0x1FBD0] =	vst v0;
	v18 =	vadd.f32 v31, v30;
	v17 =	vadd.f32 v33, v32;
	v33 =	vmul.f32 v14, v7;
	v7 =	vld [tilespmem:$0x1FAF0]  }
0xad: {  	v1 =	vadd.f32 v29, v36;
	v0 =	vadd.f32 v35, v34;
	[tilespmem:s2+$0x490] =	vst.add.f32.msk $0xffff, v59  }
0xae: {  	v34 =	vmul.f32 v53, v47;
	v35 =	vmul.f32 v62, v40;
	v29 =	vadd.f32 v17, v18;
	v17 =	vld [tilespmem:$0x1FAB0]  }
0xaf: {  	v36 =	vmul.f32 v44, v6;
	v1 =	vadd.f32 v1, v2;
	v18 =	vld [tilespmem:$0x1FAC0]  }
0xb0: {  	[tilespmem:$0x1FE80] =	vst v6;
	v3 =	vadd.f32 v35, v34;
	v34 =	vld [tilespmem:$0x1FAE0]  }
0xb1: {  	[tilespmem:$0x1FBE0] =	vst v1;
	v1 =	vadd.f32 v63, v36;
	v36 =	vld [tilespmem:$0x1FAA0]  }
0xb2: {  	[tilespmem:$0x1FBF0] =	vst v29;
	v29 =	vld [tilespmem:$0x1FAD0]  }
0xb3: {  	v30 =	vmul.f32 v61, v47;
	v31 =	vmul.f32 v50, v40;
	[tilespmem:s2+$0x110] =	vst.add.f32.msk $0xffff, v7  }
0xb4: {  	v32 =	vmul.f32 v43, v6;
	[tilespmem:s2+$0x90] =	vst.add.f32.msk $0xffff, v17  }
0xb5: {  	v2 =	vadd.f32 v31, v30;
	v30 =	vbroadcast v15, $0xB;
	v0 =	vadd.f32 v1, v0;
	[tilespmem:s2+$0xA0] =	vst.add.f32.msk $0xffff, v18  }
0xb6: {  	v31 =	vbroadcast v16, $0xB;
	v63 =	vmul.f32 v45, v6;
	[tilespmem:s2+$0x100] =	vst.add.f32.msk $0xffff, v34  }
0xb7: {  	v35 =	vmul.f32 v52, v30;
	v18 =	vld [tilespmem:$0x1FB30];
	[tilespmem:$0x1FC00] =	vst v0  }
0xb8: {  	v1 =	vadd.f32 v8, v63;
	v63 =	vmul.f32 v48, v31;
	v0 =	vadd.f32 v33, v32;
	[tilespmem:s2+$0x30] =	vst.add.f32.msk $0xffff, v36  }
0xb9: {  	v56 =	vbroadcast v13, $0xD;
	v6 =	vbroadcast v12, $0xB;
	[tilespmem:s2+$0xB0] =	vst.add.f32.msk $0xffff, v29  }
0xba: {  	v36 =	vbroadcast v13, $0xB;
	v0 =	vadd.f32 v0, v2;
	v2 =	vadd.f32 v63, v35;
	v35 =	vld [tilespmem:$0x1FB10]  }
0xbb: {  	v19 =	vmul.f32 v37, v30;
	v20 =	vmul.f32 v9, v31;
	v63 =	vld [tilespmem:$0x1FB20]  }
0xbc: {  	v1 =	vadd.f32 v1, v3;
	v32 =	vmul.f32 v10, v6;
	v33 =	vmul.f32 v11, v36;
	[tilespmem:s2+$0x190] =	vst.add.f32.msk $0xffff, v18  }
0xbd: {  	v8 =	vmul.f32 v44, v6;
	v29 =	vmul.f32 v46, v36;
	v18 =	vld [tilespmem:$0x1FB50]  }
0xbe: {  	v54 =	vbroadcast v16, $0xD;
	v5 =	vadd.f32 v20, v19;
	[tilespmem:$0x1FC20] =	vst v1;
	v1 =	vadd.f32 v33, v32;
	v32 =	vld [tilespmem:$0x1FB00]  }
0xbf: {  	v19 =	vmul.f32 v43, v6;
	v4 =	vmul.f32 v14, v36;
	v3 =	vadd.f32 v29, v8;
	[tilespmem:s2+$0x130] =	vst.add.f32.msk $0xffff, v35  }
0xc0: {  	v34 =	vmul.f32 v50, v31;
	v33 =	vmul.f32 v61, v30;
	v35 =	vld [tilespmem:$0x1FB40]  }
0xc1: {  	v20 =	vmul.f32 v45, v6;
	v4 =	vadd.f32 v4, v19;
	v19 =	vld [tilespmem:$0x1FB60];
	v2 =	vadd.f32 v3, v2  }
0xc2: {  	v29 =	vmul.f32 v38, v36;
	[tilespmem:s2+$0x180] =	vst.add.f32.msk $0xffff, v63;
	v17 =	vadd.f32 v34, v33;
	v33 =	vbroadcast v12, $0xC  }
0xc3: {  	v63 =	vadd.f32 v1, v5;
	v5 =	vmul.f32 v53, v30;
	v1 =	vmul.f32 v62, v31;
	[tilespmem:$0x1FC30] =	vst v2  }
0xc4: {  	v34 =	vbroadcast v13, $0xC;
	v3 =	vmul.f32 v10, v33;
	[tilespmem:s2+$0x120] =	vst.add.f32.msk $0xffff, v32  }
0xc5: {  	v5 =	vadd.f32 v1, v5;
	v32 =	vbroadcast v16, $0xC;
	[tilespmem:s2+$0x1A0] =	vst.add.f32.msk $0xffff, v35;
	v35 =	vbroadcast v15, $0xC  }
0xc6: {  	[tilespmem:s2+$0x1B0] =	vst.add.f32.msk $0xffff, v18;
	v2 =	vadd.f32 v29, v20;
	v21 =	vmul.f32 v44, v33;
	v29 =	vmul.f32 v46, v34  }
0xc7: {  	v25 =	vadd.f32 v4, v17;
	[tilespmem:s2+$0x200] =	vst.add.f32.msk $0xffff, v19;
	v19 =	vmul.f32 v50, v32;
	v18 =	vmul.f32 v61, v35  }
0xc8: {  	[tilespmem:$0x1FF40] =	vst v6;
	v1 =	vmul.f32 v11, v34;
	v24 =	vadd.f32 v2, v5;
	v17 =	vadd.f32 v29, v21;
	v21 =	vld [tilespmem:$0x1FB80]  }
0xc9: {  	[tilespmem:$0x1FC10] =	vst v0;
	v20 =	vmul.f32 v48, v32;
	v7 =	vmul.f32 v52, v35;
	v5 =	vadd.f32 v19, v18;
	v18 =	vld [tilespmem:$0x1FB70]  }
0xca: {  	[tilespmem:s2+$0x580] =	vst.add.f32.msk $0xffff, v63;
	v6 =	vmul.f32 v9, v32;
	v8 =	vmul.f32 v37, v35  }
0xcb: {  	v55 =	vbroadcast v12, $0xD;
	v1 =	vadd.f32 v1, v3;
	[tilespmem:s2+$0x5A0] =	vst.add.f32.msk $0xffff, v25;
	v0 =	vadd.f32 v20, v7  }
0xcc: {  	[tilespmem:s2+$0x5B0] =	vst.add.f32.msk $0xffff, v24;
	v29 =	vmul.f32 v53, v35;
	v6 =	vadd.f32 v6, v8;
	v19 =	vmul.f32 v45, v33  }
0xcd: {  	v20 =	vmul.f32 v38, v34;
	[tilespmem:s2+$0x380] =	vst.add.f32.msk $0xffff, v21;
	v23 =	vadd.f32 v17, v0;
	v17 =	vmul.f32 v62, v32  }
0xce: {  	v26 =	vmul.f32 v43, v33;
	v27 =	vmul.f32 v14, v34;
	v22 =	vadd.f32 v1, v6;
	[tilespmem:s2+$0x310] =	vst.add.f32.msk $0xffff, v18  }
0xcf: {  	v7 =	vadd.f32 v20, v19;
	v6 =	vadd.f32 v17, v29;
	v29 =	vbroadcast v15, $0xD;
	v18 =	vld [tilespmem:$0x1FB90]  }
0xd0: {  	v3 =	vadd.f32 v27, v26;
	v27 =	vmul.f32 v10, v55;
	v17 =	vmul.f32 v11, v56;
	[tilespmem:s2+$0x600] =	vst.add.f32.msk $0xffff, v22  }
0xd1: {  	v28 =	vmul.f32 v48, v54;
	v20 =	vadd.f32 v7, v6;
	v19 =	vmul.f32 v52, v29;
	v6 =	vld [tilespmem:$0x1FBA0]  }
0xd2: {  	v4 =	vmul.f32 v14, v56;
	v17 =	vadd.f32 v17, v27;
	v27 =	vld [tilespmem:$0x1FBB0]  }
0xd3: {  	v8 =	vmul.f32 v61, v29;
	v1 =	vadd.f32 v28, v19;
	v28 =	vmul.f32 v50, v54;
	v19 =	vld [tilespmem:$0x1FBC0]  }
0xd4: {  	v26 =	vmul.f32 v9, v54;
	v7 =	vmul.f32 v43, v55;
	[tilespmem:s2+$0x3A0] =	vst.add.f32.msk $0xffff, v18  }
0xd5: {  	v21 =	vadd.f32 v3, v5;
	v5 =	vmul.f32 v37, v29;
	v28 =	vadd.f32 v28, v8;
	v8 =	vld [tilespmem:$0x1FBD0]  }
0xd6: {  	v4 =	vadd.f32 v4, v7;
	[tilespmem:s2+$0x3B0] =	vst.add.f32.msk $0xffff, v6  }
0xd7: {  	v5 =	vadd.f32 v26, v5;
	v26 =	vmul.f32 v46, v56;
	v18 =	vmul.f32 v44, v55;
	[tilespmem:s2+$0x400] =	vst.add.f32.msk $0xffff, v27  }
0xd8: {  	v27 =	vmul.f32 v38, v56;
	v6 =	vadd.f32 v4, v28;
	v28 =	vld [tilespmem:$0x1FC10]  }
0xd9: {  	v0 =	vadd.f32 v26, v18;
	v18 =	vadd.f32 v17, v5;
	v26 =	vmul.f32 v45, v55;
	v17 =	vld [tilespmem:$0x1FBE0]  }
0xda: {  	v58 =	vbroadcast v16, $0xE;
	[tilespmem:s2+$0x410] =	vst.add.f32.msk $0xffff, v19  }
0xdb: {  	v57 =	vbroadcast v15, $0xE;
	v19 =	vadd.f32 v0, v1;
	v0 =	vadd.f32 v27, v26;
	v26 =	vld [tilespmem:$0x1FBF0]  }
0xdc: {  	v2 =	vmul.f32 v62, v54;
	v5 =	vmul.f32 v53, v29;
	v27 =	vld [tilespmem:$0x1FC00]  }
0xdd: {  	v60 =	vbroadcast v13, $0xE;
	v59 =	vbroadcast v12, $0xE;
	[tilespmem:s2+$0x520] =	vst.add.f32.msk $0xffff, v28  }
0xde: {  	v7 =	vmul.f32 v9, v58;
	v2 =	vadd.f32 v2, v5;
	v5 =	vmul.f32 v37, v57;
	v28 =	vld [tilespmem:$0x1FC20]  }
0xdf: {  	v3 =	vmul.f32 v10, v59;
	v4 =	vmul.f32 v52, v57;
	[tilespmem:s2+$0x4A0] =	vst.add.f32.msk $0xffff, v8  }
0xe0: {  	v1 =	vmul.f32 v48, v58;
	v8 =	vmul.f32 v11, v60;
	v5 =	vadd.f32 v7, v5;
	[tilespmem:s2+$0x4B0] =	vst.add.f32.msk $0xffff, v17  }
0xe1: {  	v17 =	vadd.f32 v0, v2;
	v2 =	vmul.f32 v44, v59;
	v0 =	vmul.f32 v46, v60;
	[tilespmem:s2+$0x500] =	vst.add.f32.msk $0xffff, v26  }
0xe2: {  	v63 =	vmul.f32 v43, v59;
	v1 =	vadd.f32 v1, v4;
	v3 =	vadd.f32 v8, v3;
	[tilespmem:s2+$0x510] =	vst.add.f32.msk $0xffff, v27  }
0xe3: {  	v8 =	vmul.f32 v61, v57;
	v0 =	vadd.f32 v0, v2;
	v26 =	vmul.f32 v14, v60;
	[tilespmem:s2+$0x530] =	vst.add.f32.msk $0xffff, v28  }
0xe4: {  	v2 =	vadd.f32 v3, v5;
	v27 =	vmul.f32 v50, v58;
	v5 =	vmul.f32 v45, v59;
	v28 =	vld [tilespmem:$0x1FC30]  }
0xe5: {  	[tilespmem:s2+$0x610] =	vst.add.f32.msk $0xffff, v23;
	v0 =	vadd.f32 v0, v1;
	v1 =	vadd.f32 v26, v63;
	v63 =	vmul.f32 v38, v60  }
0xe6: {  	[tilespmem:s2+$0x620] =	vst.add.f32.msk $0xffff, v21;
	v3 =	vadd.f32 v27, v8;
	v26 =	vbroadcast v15, $0xF  }
0xe7: {  	[tilespmem:s2+$0x630] =	vst.add.f32.msk $0xffff, v20;
	v27 =	vmul.f32 v53, v57;
	v5 =	vadd.f32 v63, v5;
	v63 =	vbroadcast v12, $0xF  }
0xe8: {  	[tilespmem:s2+$0x690] =	vst.add.f32.msk $0xffff, v19;
	v23 =	vmul.f32 v37, v26;
	v12 =	vmul.f32 v52, v26  }
0xe9: {  	v19 =	vmul.f32 v61, v26;
	[tilespmem:s2+$0x590] =	vst.add.f32.msk $0xffff, v28;
	v28 =	vmul.f32 v62, v58  }
0xea: {  	[tilespmem:s2+$0x680] =	vst.add.f32.msk $0xffff, v18;
	v25 =	vmul.f32 v10, v63;
	v15 =	vmul.f32 v44, v63  }
0xeb: {  	[tilespmem:s2+$0x6A0] =	vst.add.f32.msk $0xffff, v6;
	v4 =	vadd.f32 v28, v27;
	v27 =	vbroadcast v16, $0xF;
	v28 =	vbroadcast v13, $0xF  }
0xec: {  	[tilespmem:s2+$0x6B0] =	vst.add.f32.msk $0xffff, v17;
	v21 =	vmul.f32 v43, v63;
	v43 =	vmul.f32 v45, v63  }
0xed: {  	[tilespmem:s2+$0x700] =	vst.add.f32.msk $0xffff, v2;
	v1 =	vadd.f32 v1, v3;
	v24 =	vmul.f32 v9, v27;
	v37 =	vmul.f32 v11, v28  }
0xee: {  	[tilespmem:s2+$0x710] =	vst.add.f32.msk $0xffff, v0;
	v4 =	vadd.f32 v5, v4;
	v13 =	vmul.f32 v48, v27;
	v16 =	vmul.f32 v46, v28  }
0xef: {  	v52 =	vld [tilespmem:$0x1FC40];
	v20 =	vmul.f32 v50, v27;
	v22 =	vmul.f32 v14, v28;
	v3 =	vadd.f32 v24, v23  }
0xf0: {  	v0 =	vld [tilespmem:$0x1FC60];
	v44 =	vmul.f32 v38, v28;
	v5 =	vadd.f32 v37, v25;
	v18 =	vadd.f32 v13, v12  }
0xf1: {  	[tilespmem:s2+$0x720] =	vst.add.f32.msk $0xffff, v1;
	v8 =	vadd.f32 v16, v15;
	v24 =	vmul.f32 v53, v26;
	v45 =	vadd.f32 v20, v19  }
0xf2: {  	v25 =	vmul.f32 v62, v27;
	v46 =	vadd.f32 v22, v21;
	[tilespmem:s2+$0x730] =	vst.add.f32.msk $0xffff, v4;
	v23 =	vadd.f32 v5, v3  }
0xf3: {  	v48 =	vadd.f32 v44, v43;
	v62 =	vld [tilespmem:$0x1FC50];
	v37 =	vadd.f32 v8, v18  }
0xf4: {  	v3 =	vadd.f32 v25, v24;
	v1 =	vadd.f32 v46, v45;
	[tilespmem:s2+$0x780] =	vst.add.f32.msk $0xffff, v23  }
0xf5: {  	[tilespmem:s2+$0x790] =	vst.add.f32.msk $0xffff, v37  }
0xf6: {  	v50 =	vadd.f32 v48, v3;
	[tilespmem:s2+$0x7A0] =	vst.add.f32.msk $0xffff, v1  }
0xf7: {  	v1 =	vld [tilespmem:$0x1FC70]  }
0xf8: {  	[tilespmem:s2+$0x7B0] =	vst.add.f32.msk $0xffff, v50  }
0xf9: {  	v13 =	vld [tilespmem:$0x40]  }
0xfa: {  	v8 =	vld [tilespmem:$0x50]  }
0xfb: {  	v12 =	vld [tilespmem:$0x60]  }
0xfc: {  	v15 =	vld [tilespmem:$0x70]  }
0xfd: {  	v14 =	vld [tilespmem:$0xC0]  }
0xfe: {  	v9 =	vld [tilespmem:$0xD0]  }
0xff: {  	v3 =	vld [tilespmem:$0xE0]  }
0x100: {  	v50 =	vld [tilespmem:$0x140]  }
0x101: {  	v61 =	vld [tilespmem:$0x1C0]  }
0x102: {  	v10 =	vld [tilespmem:$0x150]  }
0x103: {  	v11 =	vld [tilespmem:$0x1D0]  }
0x104: {  	v4 =	vld [tilespmem:$0xF0]  }
0x105: {  	v5 =	vld [tilespmem:$0x160];
	v53 =	vmul.f32 v13, v52;
	v24 =	vmul.f32 v14, v62  }
0x106: {  	v16 =	vld [tilespmem:$0x170];
	v25 =	vmul.f32 v50, v0;
	v37 =	vmul.f32 v61, v1  }
0x107: {  	v7 =	vld [tilespmem:$0x1F0];
	v38 =	vmul.f32 v8, v52;
	v43 =	vmul.f32 v9, v62  }
0x108: {  	v6 =	vld [tilespmem:$0x1E0];
	v44 =	vmul.f32 v10, v0;
	v45 =	vmul.f32 v11, v1  }
0x109: {  	v46 =	vmul.f32 v12, v52;
	v23 =	vmul.f32 v15, v52  }
0x10a: {  	v2 =	vld [tilespmem:$0x1FCB0];
	v48 =	vmul.f32 v3, v62;
	v52 =	vmul.f32 v4, v62;
	v17 =	vadd.f32 v24, v53  }
0x10b: {  	v18 =	vadd.f32 v37, v25;
	v53 =	vmul.f32 v5, v0;
	v37 =	vmul.f32 v16, v0;
	v0 =	vld [tilespmem:$0x1FC80]  }
0x10c: {  	v20 =	vadd.f32 v43, v38;
	v19 =	vadd.f32 v45, v44;
	v38 =	vmul.f32 v7, v1;
	v24 =	vld [tilespmem:$0x1FC90]  }
0x10d: {  	v62 =	vmul.f32 v6, v1;
	v21 =	vadd.f32 v48, v46;
	v44 =	vadd.f32 v52, v23;
	v1 =	vld [tilespmem:$0x1FCA0]  }
0x10e: {  	v25 =	vadd.f32 v19, v20;
	v19 =	vadd.f32 v38, v37  }
0x10f: {  	v43 =	vadd.f32 v18, v17;
	v17 =	vadd.f32 v62, v53  }
0x110: {  	v62 =	vmul.f32 v61, v2;
	v52 =	vadd.f32 v19, v44;
	v44 =	vmul.f32 v11, v2  }
0x111: {  	v46 =	vmul.f32 v13, v0;
	v48 =	vmul.f32 v14, v24  }
0x112: {  	[tilespmem:$0x1FE70] =	vst v25;
	v45 =	vadd.f32 v17, v21;
	v53 =	vmul.f32 v50, v1;
	v25 =	vmul.f32 v8, v0  }
0x113: {  	v37 =	vmul.f32 v9, v24;
	v38 =	vmul.f32 v10, v1  }
0x114: {  	[tilespmem:$0x1FEA0] =	vst v45;
	v45 =	vmul.f32 v12, v0;
	v17 =	vadd.f32 v48, v46;
	v18 =	vadd.f32 v62, v53  }
0x115: {  	v23 =	vld [tilespmem:$0x1FCC0];
	v20 =	vadd.f32 v37, v25;
	v46 =	vmul.f32 v15, v0;
	v48 =	vmul.f32 v3, v24  }
0x116: {  	v19 =	vadd.f32 v44, v38;
	v24 =	vmul.f32 v4, v24;
	v53 =	vmul.f32 v5, v1;
	v0 =	vld [tilespmem:$0x1FCE0]  }
0x117: {  	v62 =	vmul.f32 v6, v2;
	v37 =	vmul.f32 v16, v1;
	v1 =	vld [tilespmem:$0x1FCF0]  }
0x118: {  	[tilespmem:$0x1FEB0] =	vst v52;
	v38 =	vmul.f32 v7, v2;
	v52 =	vadd.f32 v18, v17;
	v25 =	vadd.f32 v19, v20  }
0x119: {  	v21 =	vadd.f32 v48, v45;
	v17 =	vadd.f32 v62, v53  }
0x11a: {  	v44 =	vadd.f32 v24, v46;
	v19 =	vadd.f32 v38, v37;
	v46 =	vmul.f32 v13, v23;
	v48 =	vld [tilespmem:$0x1FCD0]  }
0x11b: {  	[tilespmem:$0x1FED0] =	vst v25;
	v45 =	vadd.f32 v17, v21;
	v25 =	vmul.f32 v8, v23;
	v62 =	vmul.f32 v50, v0  }
0x11c: {  	v53 =	vadd.f32 v19, v44;
	v24 =	vmul.f32 v61, v1;
	v38 =	vmul.f32 v10, v0  }
0x11d: {  	v44 =	vmul.f32 v11, v1;
	[tilespmem:$0x1FEE0] =	vst v45;
	v45 =	vmul.f32 v12, v23  }
0x11e: {  	[tilespmem:$0x1FEF0] =	vst v53;
	v23 =	vmul.f32 v15, v23;
	v53 =	vmul.f32 v5, v0  }
0x11f: {  	v2 =	vld [tilespmem:$0x1FD30];
	[tilespmem:$0x1FEC0] =	vst v52;
	v52 =	vmul.f32 v14, v48;
	v37 =	vmul.f32 v9, v48  }
0x120: {  	v18 =	vadd.f32 v24, v62;
	v19 =	vadd.f32 v44, v38;
	v62 =	vmul.f32 v6, v1;
	v24 =	vld [tilespmem:$0x1FD10]  }
0x121: {  	v38 =	vmul.f32 v7, v1;
	v1 =	vld [tilespmem:$0x1FD20];
	v17 =	vadd.f32 v52, v46;
	v20 =	vadd.f32 v37, v25  }
0x122: {  	v46 =	vmul.f32 v3, v48;
	v48 =	vmul.f32 v4, v48  }
0x123: {  	v37 =	vmul.f32 v16, v0;
	v0 =	vld [tilespmem:$0x1FD00];
	v52 =	vadd.f32 v18, v17;
	v25 =	vadd.f32 v19, v20  }
0x124: {  	v17 =	vadd.f32 v62, v53;
	v44 =	vadd.f32 v48, v23  }
0x125: {  	v19 =	vadd.f32 v38, v37;
	v62 =	vmul.f32 v61, v2;
	v48 =	vmul.f32 v14, v24  }
0x126: {  	v21 =	vadd.f32 v46, v45;
	v53 =	vmul.f32 v50, v1;
	v37 =	vmul.f32 v9, v24  }
0x127: {  	v38 =	vmul.f32 v10, v1;
	[tilespmem:$0x1FF00] =	vst v52;
	v52 =	vadd.f32 v19, v44;
	v44 =	vmul.f32 v11, v2  }
0x128: {  	[tilespmem:$0x1FF10] =	vst v25;
	v45 =	vadd.f32 v17, v21;
	v46 =	vmul.f32 v13, v0;
	v25 =	vmul.f32 v8, v0  }
0x129: {  	v18 =	vadd.f32 v62, v53;
	v53 =	vmul.f32 v5, v1;
	v62 =	vmul.f32 v6, v2  }
0x12a: {  	v23 =	vld [tilespmem:$0x1FD40];
	[tilespmem:$0x1FF20] =	vst v45;
	v45 =	vmul.f32 v12, v0;
	v19 =	vadd.f32 v44, v38;
	v38 =	vmul.f32 v7, v2  }
0x12b: {  	v17 =	vadd.f32 v48, v46;
	v20 =	vadd.f32 v37, v25;
	v46 =	vmul.f32 v15, v0;
	v0 =	vld [tilespmem:$0x1FD60]  }
0x12c: {  	v48 =	vmul.f32 v3, v24;
	v37 =	vmul.f32 v16, v1;
	v1 =	vld [tilespmem:$0x1FD70]  }
0x12d: {  	[tilespmem:$0x1FF30] =	vst v52;
	v24 =	vmul.f32 v4, v24;
	v52 =	vadd.f32 v18, v17;
	v25 =	vadd.f32 v19, v20  }
0x12e: {  	v21 =	vadd.f32 v48, v45;
	v17 =	vadd.f32 v62, v53;
	v48 =	vld [tilespmem:$0x1FD50]  }
0x12f: {  	v44 =	vadd.f32 v24, v46;
	v19 =	vadd.f32 v38, v37;
	v46 =	vmul.f32 v13, v23  }
0x130: {  	[tilespmem:$0x1FF60] =	vst v25;
	v45 =	vadd.f32 v17, v21;
	v25 =	vmul.f32 v8, v23;
	v62 =	vmul.f32 v50, v0  }
0x131: {  	v24 =	vmul.f32 v61, v1;
	v38 =	vmul.f32 v10, v0  }
0x132: {  	v53 =	vadd.f32 v19, v44;
	v44 =	vmul.f32 v11, v1;
	[tilespmem:$0x1FF70] =	vst v45;
	v45 =	vmul.f32 v12, v23  }
0x133: {  	[tilespmem:$0x1FF50] =	vst v52;
	v23 =	vmul.f32 v15, v23;
	v52 =	vmul.f32 v14, v48  }
0x134: {  	v2 =	vld [tilespmem:$0x1FDB0];
	[tilespmem:$0x1FF80] =	vst v53;
	v53 =	vmul.f32 v6, v1;
	v37 =	vmul.f32 v9, v48;
	v18 =	vadd.f32 v24, v62  }
0x135: {  	v19 =	vadd.f32 v44, v38;
	v24 =	vld [tilespmem:$0x1FD90];
	v17 =	vadd.f32 v52, v46;
	v46 =	vmul.f32 v3, v48  }
0x136: {  	v20 =	vadd.f32 v37, v25;
	v52 =	vmul.f32 v5, v0;
	v25 =	vmul.f32 v16, v0;
	v0 =	vld [tilespmem:$0x1FD80]  }
0x137: {  	v48 =	vmul.f32 v4, v48;
	v37 =	vmul.f32 v7, v1;
	v1 =	vld [tilespmem:$0x1FDA0];
	v62 =	vadd.f32 v18, v17  }
0x138: {  	v20 =	vadd.f32 v19, v20;
	v21 =	vadd.f32 v46, v45  }
0x139: {  	v17 =	vadd.f32 v53, v52;
	v38 =	vadd.f32 v48, v23  }
0x13a: {  	v19 =	vadd.f32 v37, v25;
	v53 =	vmul.f32 v61, v2;
	v46 =	vmul.f32 v14, v24  }
0x13b: {  	v37 =	vmul.f32 v9, v24;
	v44 =	vadd.f32 v17, v21;
	v45 =	vmul.f32 v13, v0  }
0x13c: {  	v48 =	vadd.f32 v19, v38;
	v52 =	vmul.f32 v50, v1;
	v25 =	vmul.f32 v8, v0  }
0x13d: {  	v38 =	vmul.f32 v10, v1;
	[tilespmem:$0x1FFA0] =	vst v44;
	v44 =	vmul.f32 v11, v2  }
0x13e: {  	[tilespmem:$0x1FFB0] =	vst v48;
	v48 =	vmul.f32 v3, v24;
	v17 =	vadd.f32 v46, v45;
	v18 =	vadd.f32 v53, v52  }
0x13f: {  	v23 =	vld [tilespmem:$0x1FDC0];
	[tilespmem:$0x1FF90] =	vst v20;
	v24 =	vmul.f32 v4, v24;
	v20 =	vadd.f32 v37, v25;
	v45 =	vmul.f32 v12, v0  }
0x140: {  	v46 =	vmul.f32 v15, v0;
	v53 =	vmul.f32 v5, v1;
	v0 =	vld [tilespmem:$0x1FDE0];
	v52 =	vadd.f32 v18, v17  }
0x141: {  	v19 =	vadd.f32 v44, v38;
	v38 =	vmul.f32 v16, v1;
	v44 =	vmul.f32 v7, v2;
	v1 =	vld [tilespmem:$0x1FDF0]  }
0x142: {  	v25 =	vmul.f32 v6, v2;
	v21 =	vadd.f32 v48, v45;
	v45 =	vadd.f32 v24, v46;
	[tilespmem:$0x1FFC0] =	vst v52;
	v52 =	vld [tilespmem:$0x1FDD0]  }
0x143: {  	v37 =	vadd.f32 v19, v20;
	v19 =	vadd.f32 v44, v38  }
0x144: {  	v17 =	vadd.f32 v25, v53;
	v48 =	vmul.f32 v13, v23;
	v38 =	vmul.f32 v8, v23  }
0x145: {  	v24 =	vadd.f32 v19, v45;
	v25 =	vmul.f32 v50, v0;
	v45 =	vmul.f32 v10, v0  }
0x146: {  	v46 =	vadd.f32 v17, v21;
	[tilespmem:$0x1FFD0] =	vst v37;
	v2 =	vmul.f32 v5, v0;
	v37 =	vmul.f32 v61, v1  }
0x147: {  	v53 =	vmul.f32 v14, v52;
	v44 =	vmul.f32 v9, v52  }
0x148: {  	[tilespmem:$0x1FFE0] =	vst v46;
	v46 =	vmul.f32 v11, v1;
	v18 =	vadd.f32 v37, v25;
	v37 =	vmul.f32 v6, v1  }
0x149: {  	v17 =	vadd.f32 v53, v48;
	v20 =	vadd.f32 v44, v38;
	v38 =	vmul.f32 v16, v0;
	v0 =	vld [tilespmem:$0x1FE00]  }
0x14a: {  	v22 =	vadd.f32 v46, v45;
	v44 =	vmul.f32 v7, v1;
	v1 =	vld [tilespmem:$0x1FE10]  }
0x14b: {  	v45 =	vadd.f32 v18, v17;
	v17 =	vadd.f32 v37, v2;
	v2 =	vld [tilespmem:$0x1FE20]  }
0x14c: {  	v21 =	vmul.f32 v12, v23;
	[tilespmem:$0x1FFF0] =	vst v24;
	v24 =	vmul.f32 v3, v52;
	v18 =	vld [tilespmem:$0x1FE30]  }
0x14d: {  	v23 =	vmul.f32 v15, v23;
	v48 =	vmul.f32 v4, v52  }
0x14e: {  	v21 =	vadd.f32 v24, v21;
	v52 =	vadd.f32 v22, v20  }
0x14f: {  	v23 =	vadd.f32 v48, v23;
	v20 =	vadd.f32 v44, v38;
	v46 =	vmul.f32 v13, v0  }
0x150: {  	v48 =	vadd.f32 v17, v21;
	v24 =	vmul.f32 v14, v1;
	v38 =	vmul.f32 v8, v0  }
0x151: {  	v53 =	vadd.f32 v20, v23;
	v25 =	vmul.f32 v50, v2;
	v37 =	vmul.f32 v61, v18  }
0x152: {  	v44 =	vmul.f32 v9, v1;
	v23 =	vmul.f32 v15, v0;
	v17 =	vadd.f32 v24, v46  }
0x153: {  	v46 =	vmul.f32 v10, v2;
	v19 =	vmul.f32 v11, v18;
	v20 =	vadd.f32 v37, v25  }
0x154: {  	v21 =	vadd.f32 v44, v38;
	v24 =	vmul.f32 v6, v18;
	v38 =	vmul.f32 v7, v18;
	v18 =	vld [tilespmem:$0x1FE50]  }
0x155: {  	v25 =	vmul.f32 v12, v0;
	v22 =	vadd.f32 v19, v46;
	v44 =	vadd.f32 v20, v17;
	v20 =	vld [tilespmem:$0x1FE40]  }
0x156: {  	v0 =	vmul.f32 v3, v1;
	v19 =	vld [tilespmem:$0x1FE60];
	v17 =	vmul.f32 v5, v2  }
0x157: {  	v1 =	vmul.f32 v4, v1;
	v37 =	vmul.f32 v16, v2;
	v46 =	vadd.f32 v22, v21  }
0x158: {  	v0 =	vadd.f32 v0, v25;
	v17 =	vadd.f32 v24, v17  }
0x159: {  	v1 =	vadd.f32 v1, v23;
	v21 =	vadd.f32 v38, v37  }
0x15a: {  	v37 =	vadd.f32 v17, v0;
	v0 =	vmul.f32 v13, v39;
	v22 =	vmul.f32 v14, v20  }
0x15b: {  	v38 =	vadd.f32 v21, v1;
	v24 =	vmul.f32 v50, v18;
	v25 =	vmul.f32 v61, v19  }
0x15c: {  	v23 =	vmul.f32 v9, v20;
	v17 =	vadd.f32 v22, v0;
	v22 =	vmul.f32 v8, v39  }
0x15d: {  	v2 =	vmul.f32 v11, v19;
	v1 =	vadd.f32 v25, v24;
	v0 =	vmul.f32 v10, v18  }
0x15e: {  	v25 =	vmul.f32 v3, v20;
	v22 =	vadd.f32 v23, v22;
	v23 =	vmul.f32 v12, v39  }
0x15f: {  	v39 =	vmul.f32 v15, v39;
	v21 =	vadd.f32 v2, v0;
	v2 =	vmul.f32 v4, v20  }
0x160: {  	v20 =	vadd.f32 v1, v17;
	v1 =	vmul.f32 v5, v18;
	v17 =	vmul.f32 v6, v19  }
0x161: {  	v18 =	vmul.f32 v16, v18;
	v19 =	vmul.f32 v7, v19  }
0x162: {  	v23 =	vadd.f32 v25, v23;
	v0 =	vadd.f32 v17, v1  }
0x163: {  	v25 =	vadd.f32 v2, v39;
	v39 =	vadd.f32 v19, v18;
	v17 =	vmul.f32 v13, v51  }
0x164: {  	v24 =	vadd.f32 v21, v22;
	v18 =	vmul.f32 v14, v49;
	v19 =	vmul.f32 v50, v41  }
0x165: {  	v22 =	vadd.f32 v0, v23;
	v21 =	vadd.f32 v39, v25;
	v39 =	vmul.f32 v61, v42  }
0x166: {  	v0 =	vadd.f32 v18, v17;
	v23 =	vmul.f32 v8, v51;
	v17 =	vmul.f32 v9, v49  }
0x167: {  	v25 =	vmul.f32 v12, v51;
	v51 =	vmul.f32 v15, v51  }
0x168: {  	v1 =	vadd.f32 v39, v19;
	v39 =	vmul.f32 v3, v49;
	v49 =	vmul.f32 v4, v49  }
0x169: {  	v18 =	vmul.f32 v10, v41  }
0x16a: {  	v19 =	vmul.f32 v11, v42;
	v25 =	vadd.f32 v39, v25;
	v39 =	vadd.f32 v49, v51;
	v51 =	vld [tilespmem:$0x1FEA0]  }
0x16b: {  	[tilespmem:s2+$0x40] =	vst.add.f32.msk $0xffff, v43  }
0x16c: {  	[tilespmem:s2+$0x240] =	vst.add.f32.msk $0xffff, v62;
	v23 =	vadd.f32 v17, v23;
	v2 =	vadd.f32 v19, v18  }
0x16d: {  	v62 =	vld [tilespmem:$0x1FF90]  }
0x16e: {  	v19 =	vadd.f32 v2, v23;
	v2 =	vld [tilespmem:$0x1FE80]  }
0x16f: {  	v17 =	vmul.f32 v7, v42;
	v23 =	vmul.f32 v16, v41;
	[tilespmem:s2+$0x60] =	vst.add.f32.msk $0xffff, v51  }
0x170: {  	v18 =	vadd.f32 v1, v0;
	v51 =	vld [tilespmem:$0x1FEC0]  }
0x171: {  	v1 =	vmul.f32 v5, v41;
	v0 =	vmul.f32 v6, v42;
	v23 =	vadd.f32 v17, v23;
	v17 =	vld [tilespmem:$0x1FE90]  }
0x172: {  	v49 =	vld [tilespmem:$0x1FE70]  }
0x173: {  	[tilespmem:s2+$0x250] =	vst.add.f32.msk $0xffff, v62;
	v0 =	vadd.f32 v0, v1  }
0x174: {  	v62 =	vld [tilespmem:$0x1FFA0]  }
0x175: {  	v43 =	vadd.f32 v0, v25;
	v0 =	vmul.f32 v13, v47;
	v25 =	vmul.f32 v14, v40;
	[tilespmem:s2+$0xC0] =	vst.add.f32.msk $0xffff, v51  }
0x176: {  	v42 =	vadd.f32 v23, v39;
	v1 =	vmul.f32 v50, v2;
	v23 =	vmul.f32 v61, v17;
	v51 =	vld [tilespmem:$0x1FED0]  }
0x177: {  	[tilespmem:s2+$0x50] =	vst.add.f32.msk $0xffff, v49  }
0x178: {  	v49 =	vld [tilespmem:$0x1FEB0];
	v0 =	vadd.f32 v25, v0;
	v1 =	vadd.f32 v23, v1  }
0x179: {  	[tilespmem:s2+$0x260] =	vst.add.f32.msk $0xffff, v62  }
0x17a: {  	v41 =	vadd.f32 v1, v0;
	v0 =	vld [tilespmem:$0x1FEF0]  }
0x17b: {  	[tilespmem:s2+$0xD0] =	vst.add.f32.msk $0xffff, v51  }
0x17c: {  	v25 =	vmul.f32 v8, v47;
	v39 =	vmul.f32 v9, v40;
	v51 =	vld [tilespmem:$0x1FEE0]  }
0x17d: {  	[tilespmem:s2+$0x70] =	vst.add.f32.msk $0xffff, v49;
	v49 =	vmul.f32 v11, v17;
	v23 =	vmul.f32 v10, v2  }
0x17e: {  	[tilespmem:s2+$0x340] =	vst.add.f32.msk $0xffff, v45  }
0x17f: {  	[tilespmem:s2+$0x350] =	vst.add.f32.msk $0xffff, v52;
	v25 =	vadd.f32 v39, v25;
	v39 =	vmul.f32 v12, v47;
	v23 =	vadd.f32 v49, v23  }
0x180: {  	v47 =	vmul.f32 v15, v47;
	v49 =	vmul.f32 v3, v40;
	[tilespmem:s2+$0xF0] =	vst.add.f32.msk $0xffff, v0  }
0x181: {  	v40 =	vmul.f32 v4, v40;
	v23 =	vadd.f32 v23, v25;
	v25 =	vmul.f32 v16, v2;
	[tilespmem:s2+$0xE0] =	vst.add.f32.msk $0xffff, v51  }
0x182: {  	v0 =	vmul.f32 v7, v17;
	v51 =	vmul.f32 v6, v17;
	v17 =	vld [tilespmem:$0x1FF00]  }
0x183: {  	[tilespmem:s2+$0x370] =	vst.add.f32.msk $0xffff, v53;
	v39 =	vadd.f32 v49, v39  }
0x184: {  	v40 =	vadd.f32 v40, v47;
	v49 =	vld [tilespmem:$0x1FF20];
	v0 =	vadd.f32 v0, v25  }
0x185: {  	v47 =	vld [tilespmem:$0x1FF30]  }
0x186: {  	v1 =	vmul.f32 v5, v2;
	v2 =	vadd.f32 v0, v40;
	v0 =	vld [tilespmem:$0x1FF40]  }
0x187: {  	[tilespmem:s2+$0x140] =	vst.add.f32.msk $0xffff, v17  }
0x188: {  	v17 =	vld [tilespmem:$0x1FF10]  }
0x189: {  	[tilespmem:s2+$0x160] =	vst.add.f32.msk $0xffff, v49  }
0x18a: {  	v25 =	vmul.f32 v13, v30;
	[tilespmem:s2+$0x170] =	vst.add.f32.msk $0xffff, v47;
	v1 =	vadd.f32 v51, v1;
	v51 =	vmul.f32 v14, v31  }
0x18b: {  	v49 =	vld [tilespmem:$0x1FF50]  }
0x18c: {  	v47 =	vmul.f32 v61, v36;
	v25 =	vadd.f32 v51, v25;
	v51 =	vld [tilespmem:$0x1FF60];
	v40 =	vmul.f32 v50, v0  }
0x18d: {  	[tilespmem:s2+$0x150] =	vst.add.f32.msk $0xffff, v17  }
0x18e: {  	v40 =	vadd.f32 v47, v40;
	v47 =	vmul.f32 v10, v0;
	v17 =	vmov v0;
	v0 =	vld [tilespmem:$0x1FF70]  }
0x18f: {  	[tilespmem:s2+$0x3D0] =	vst.add.f32.msk $0xffff, v46  }
0x190: {  	v1 =	vadd.f32 v1, v39;
	v39 =	vmul.f32 v8, v30;
	[tilespmem:s2+$0x1C0] =	vst.add.f32.msk $0xffff, v49;
	v49 =	vmul.f32 v9, v31  }
0x191: {  	[tilespmem:s2+$0x1D0] =	vst.add.f32.msk $0xffff, v51;
	v51 =	vmul.f32 v11, v36  }
0x192: {  	[tilespmem:s2+$0x3F0] =	vst.add.f32.msk $0xffff, v38;
	v39 =	vadd.f32 v49, v39  }
0x193: {  	v49 =	vmul.f32 v12, v30;
	v47 =	vadd.f32 v51, v47;
	v51 =	vmul.f32 v3, v31;
	[tilespmem:s2+$0x1E0] =	vst.add.f32.msk $0xffff, v0  }
0x194: {  	v0 =	vld [tilespmem:$0x1FF80]  }
0x195: {  	v49 =	vadd.f32 v51, v49;
	v51 =	vld [tilespmem:$0x1FFB0]  }
0x196: {  	[tilespmem:s2+$0x3E0] =	vst.add.f32.msk $0xffff, v37  }
0x197: {  	v45 =	vmul.f32 v12, v35;
	v52 =	vmul.f32 v14, v54;
	[tilespmem:s2+$0x4E0] =	vst.add.f32.msk $0xffff, v43  }
0x198: {  	v53 =	vmul.f32 v50, v55;
	v46 =	vmul.f32 v6, v56;
	[tilespmem:s2+$0x4F0] =	vst.add.f32.msk $0xffff, v42  }
0x199: {  	v25 =	vadd.f32 v40, v25;
	v40 =	vmul.f32 v5, v17;
	[tilespmem:s2+$0x1F0] =	vst.add.f32.msk $0xffff, v0;
	v0 =	vmul.f32 v6, v36  }
0x19a: {  	v30 =	vmul.f32 v15, v30;
	v31 =	vmul.f32 v4, v31;
	v39 =	vadd.f32 v47, v39;
	[tilespmem:s2+$0x270] =	vst.add.f32.msk $0xffff, v51  }
0x19b: {  	v47 =	vmul.f32 v16, v17;
	v51 =	vld [tilespmem:$0x1FFD0];
	v36 =	vmul.f32 v7, v36;
	v0 =	vadd.f32 v0, v40  }
0x19c: {  	v38 =	vmul.f32 v11, v60;
	v37 =	vmul.f32 v10, v59;
	[tilespmem:s2+$0x540] =	vst.add.f32.msk $0xffff, v41;
	v30 =	vadd.f32 v31, v30  }
0x19d: {  	v43 =	vmul.f32 v6, v60;
	v62 =	vadd.f32 v36, v47;
	v0 =	vadd.f32 v0, v49;
	v49 =	vld [tilespmem:$0x1FFE0]  }
0x19e: {  	v42 =	vmul.f32 v5, v59;
	v41 =	vmul.f32 v3, v58;
	v47 =	vld [tilespmem:$0x1FFC0]  }
0x19f: {  	v31 =	vmul.f32 v50, v33;
	v30 =	vadd.f32 v62, v30;
	v62 =	vmul.f32 v61, v34  }
0x1a0: {  	v36 =	vmul.f32 v13, v35;
	v40 =	vmul.f32 v14, v32;
	[tilespmem:s2+$0x2D0] =	vst.add.f32.msk $0xffff, v51  }
0x1a1: {  	v17 =	vmul.f32 v11, v34;
	v51 =	vld [tilespmem:$0x1FFF0];
	v31 =	vadd.f32 v62, v31;
	v62 =	vmul.f32 v10, v33  }
0x1a2: {  	v36 =	vadd.f32 v40, v36;
	v40 =	vmul.f32 v8, v35;
	[tilespmem:s2+$0x2E0] =	vst.add.f32.msk $0xffff, v49;
	v49 =	vmul.f32 v9, v32  }
0x1a3: {  	v35 =	vmul.f32 v15, v35;
	[tilespmem:s2+$0x2C0] =	vst.add.f32.msk $0xffff, v47;
	v47 =	vadd.f32 v17, v62;
	v62 =	vmul.f32 v5, v33  }
0x1a4: {  	v17 =	vmul.f32 v6, v34;
	v33 =	vmul.f32 v16, v33;
	v40 =	vadd.f32 v49, v40  }
0x1a5: {  	v31 =	vadd.f32 v31, v36;
	v34 =	vmul.f32 v7, v34;
	v49 =	vmul.f32 v3, v32  }
0x1a6: {  	[tilespmem:s2+$0x2F0] =	vst.add.f32.msk $0xffff, v51;
	v51 =	vmul.f32 v13, v29;
	v32 =	vmul.f32 v4, v32;
	v36 =	vadd.f32 v47, v40  }
0x1a7: {  	[tilespmem:s2+$0x360] =	vst.add.f32.msk $0xffff, v48;
	v48 =	vadd.f32 v49, v45;
	v49 =	vadd.f32 v17, v62;
	v62 =	vmul.f32 v61, v56  }
0x1a8: {  	[tilespmem:s2+$0x3C0] =	vst.add.f32.msk $0xffff, v44;
	v17 =	vadd.f32 v52, v51;
	v47 =	vmul.f32 v8, v29;
	v51 =	vmul.f32 v10, v55  }
0x1a9: {  	[tilespmem:s2+$0x440] =	vst.add.f32.msk $0xffff, v20;
	v33 =	vadd.f32 v34, v33;
	v52 =	vmul.f32 v11, v56;
	v40 =	vmul.f32 v3, v54  }
0x1aa: {  	[tilespmem:s2+$0x450] =	vst.add.f32.msk $0xffff, v24;
	v32 =	vadd.f32 v32, v35;
	v45 =	vmul.f32 v5, v55;
	v10 =	vmul.f32 v10, v63  }
0x1ab: {  	[tilespmem:s2+$0x550] =	vst.add.f32.msk $0xffff, v23;
	v23 =	vadd.f32 v43, v42;
	v11 =	vmul.f32 v11, v28;
	v3 =	vmul.f32 v3, v27  }
0x1ac: {  	[tilespmem:s2+$0x460] =	vst.add.f32.msk $0xffff, v22;
	v34 =	vadd.f32 v49, v48;
	v32 =	vadd.f32 v33, v32;
	v48 =	vmul.f32 v9, v54  }
0x1ad: {  	[tilespmem:s2+$0x470] =	vst.add.f32.msk $0xffff, v21;
	v49 =	vadd.f32 v62, v53;
	v62 =	vmul.f32 v12, v29;
	v44 =	vadd.f32 v52, v51  }
0x1ae: {  	[tilespmem:s2+$0x4C0] =	vst.add.f32.msk $0xffff, v18;
	v51 =	vmul.f32 v7, v56;
	v33 =	vadd.f32 v46, v45;
	v56 =	vmul.f32 v61, v60  }
0x1af: {  	[tilespmem:s2+$0x4D0] =	vst.add.f32.msk $0xffff, v19;
	v45 =	vmul.f32 v15, v57;
	v46 =	vmul.f32 v4, v58;
	v10 =	vadd.f32 v11, v10  }
0x1b0: {  	[tilespmem:s2+$0x570] =	vst.add.f32.msk $0xffff, v2;
	v53 =	vadd.f32 v48, v47;
	v47 =	vmul.f32 v15, v29;
	v48 =	vmul.f32 v4, v54  }
0x1b1: {  	[tilespmem:s2+$0x560] =	vst.add.f32.msk $0xffff, v1;
	v18 =	vadd.f32 v49, v17;
	v49 =	vmul.f32 v16, v55;
	v54 =	vmul.f32 v14, v58  }
0x1b2: {  	[tilespmem:s2+$0x5C0] =	vst.add.f32.msk $0xffff, v25;
	v52 =	vadd.f32 v40, v62;
	v55 =	vmul.f32 v50, v59;
	v29 =	vmul.f32 v8, v57  }
0x1b3: {  	[tilespmem:s2+$0x5D0] =	vst.add.f32.msk $0xffff, v39;
	v40 =	vmul.f32 v12, v57;
	v1 =	vadd.f32 v46, v45;
	v14 =	vmul.f32 v14, v27  }
0x1b4: {  	[tilespmem:s2+$0x5E0] =	vst.add.f32.msk $0xffff, v0;
	v8 =	vmul.f32 v8, v26;
	v4 =	vmul.f32 v4, v27;
	v19 =	vadd.f32 v44, v53  }
0x1b5: {  	[tilespmem:s2+$0x5F0] =	vst.add.f32.msk $0xffff, v30;
	v20 =	vadd.f32 v48, v47;
	v21 =	vadd.f32 v51, v49;
	v53 =	vmul.f32 v13, v57  }
0x1b6: {  	[tilespmem:s2+$0x640] =	vst.add.f32.msk $0xffff, v31;
	v17 =	vadd.f32 v33, v52;
	v33 =	vmul.f32 v9, v58;
	v47 =	vmul.f32 v16, v59  }
0x1b7: {  	[tilespmem:s2+$0x650] =	vst.add.f32.msk $0xffff, v36;
	v35 =	vadd.f32 v56, v55;
	v48 =	vmul.f32 v7, v60;
	v13 =	vmul.f32 v13, v26  }
0x1b8: {  	[tilespmem:s2+$0x660] =	vst.add.f32.msk $0xffff, v34;
	v24 =	vadd.f32 v41, v40;
	v52 =	vmul.f32 v50, v63;
	v9 =	vmul.f32 v9, v27  }
0x1b9: {  	[tilespmem:s2+$0x670] =	vst.add.f32.msk $0xffff, v32;
	v55 =	vmul.f32 v15, v26;
	v20 =	vadd.f32 v21, v20;
	v62 =	vadd.f32 v54, v53  }
0x1ba: {  	[tilespmem:s2+$0x6C0] =	vst.add.f32.msk $0xffff, v18;
	v57 =	vmul.f32 v5, v63;
	v22 =	vadd.f32 v33, v29;
	v21 =	vadd.f32 v38, v37  }
0x1bb: {  	v60 =	vmul.f32 v16, v63;
	v49 =	vadd.f32 v48, v47;
	v51 =	vadd.f32 v23, v24;
	[tilespmem:s2+$0x6D0] =	vst.add.f32.msk $0xffff, v19  }
0x1bc: {  	v7 =	vmul.f32 v7, v28;
	v13 =	vadd.f32 v14, v13;
	[tilespmem:s2+$0x6E0] =	vst.add.f32.msk $0xffff, v17;
	v8 =	vadd.f32 v9, v8  }
0x1bd: {  	v53 =	vmul.f32 v61, v28;
	v61 =	vadd.f32 v4, v55;
	v44 =	vadd.f32 v35, v62;
	[tilespmem:s2+$0x6F0] =	vst.add.f32.msk $0xffff, v20  }
0x1be: {  	v54 =	vmul.f32 v12, v26;
	v21 =	vadd.f32 v21, v22;
	v1 =	vadd.f32 v49, v1;
	[tilespmem:s2+$0x760] =	vst.add.f32.msk $0xffff, v51  }
0x1bf: {  	v58 =	vmul.f32 v6, v28;
	v2 =	vadd.f32 v53, v52;
	v59 =	vadd.f32 v10, v8;
	[tilespmem:s2+$0x740] =	vst.add.f32.msk $0xffff, v44  }
0x1c0: {  	p1 =	sne.s32 s0, $0xE000;
	v3 =	vadd.f32 v3, v54;
	v62 =	vadd.f32 v7, v60;
	[tilespmem:s2+$0x750] =	vst.add.f32.msk $0xffff, v21  }
.Ltmp0:
0x1c1: {  	v56 =	vadd.f32 v2, v13;
	v2 =	vadd.f32 v58, v57;
	[tilespmem:s2+$0x770] =	vst.add.f32.msk $0xffff, v1;
	(pc) =	sbr.rel @p1 .LBB2_3-.Ltmp0, $4  }
0x1c2: {  	[tilespmem:s2+$0x7D0] =	vst.add.f32.msk $0xffff, v59;
	v1 =	vadd.f32 v62, v61  }
0x1c3: {  	[tilespmem:s2+$0x7C0] =	vst.add.f32.msk $0xffff, v56;
	v63 =	vadd.f32 v2, v3  }
0x1c4: {  	[tilespmem:s2+$0x7F0] =	vst.add.f32.msk $0xffff, v1  }
0x1c5: {  	s31 =	sadd.s32 $0x10, s31;
	s0 =	sadd.s32 $0x2000, s0;
	[tilespmem:s2+$0x7E0] =	vst.add.f32.msk $0xffff, v63  }
0x1c6: {  	s0 =	sshll.u32 s22, $0xB;
	p1 =	seq.s32 s28, $0x1;
	p2 =	sgt.u32 s22, $0x1C  }
0x1c7: {  	s2 =	sadd.s32 $0x7, s26;
	s0 =	sadd.s32 s0, s8;
	p1 =	por !p1, p2  }
0x1c8: {  	[hbm4b:s0+s3] =	stream.linear.scatter [tilespmem:s30], [sflag:s2], $0x4000, $0x38;
	[tilespmem:$0x10A00] =	vst v63  }
0x1c9: {  	s22 =	sadd.s32 $0x1, s22;
	s0 =	sshll.u32 @!p1 s23, $0x7  }
0x1ca: {  	s2 =	sadd.s32 @!p1 $0x5, s24;
	s23 =	simm.s32 @!p1 $0x0;
	s0 =	sadd.s32 @!p1 s0, s9  }
0x1cb: {  	[tilespmem:s29], [sflag:s2] =	stream.linear.gather @!p1 [hbm4b:s0+s23], $0x400, $0x38;
	[tilespmem:$0x10A00] =	vst v63  }
0x1cc: {  	p1 =	sne.s32 s22, $0x20  }
.Ltmp1:
0x1cd: {  	_ = 	snop;
	(pc) =	sbr.rel @p1 .LBB2_2-.Ltmp1, $2  }
0x1ce: {  	_ =	sdelay $0x2  }
0x1cf: {  	s21 =	sadd.s32 $0x1, s21;
	p0 =	por !p0, !p0  }
0x1d0: {  	_ =	swait.ge [sflag:s16], $0x4000  }
0x1d1: {  	[sflag:s16] =	ssyncset.done $0x0  }
0x1d2: {  	[sflag:s16] =	ssyncadd.s32 $0xFFFFC000  }
0x1d3: {  	_ =	swait.ge [sflag:s17], $0x4000  }
0x1d4: {  	[sflag:s17] =	ssyncset.done $0x0  }
0x1d5: {  	s20 =	sadd.s32 $0x1, s20;
	[sflag:s17] =	ssyncadd.s32 $0xFFFFC000  }
0x1d6: {  	p0 =	sne.s32 s20, s10;
	_ =	swait.ge [sflag:s18], $0x4000  }
.Ltmp2:
0x1d7: {  	[sflag:s18] =	ssyncset.done $0x0;
	(pc) =	sbr.rel @p0 .LBB2_1-.Ltmp2, $4  }
0x1d8: {  	[sflag:s18] =	ssyncadd.s32 $0xFFFFC000  }
0x1d9: {  	_ =	swait.ge [sflag:s19], $0x4000  }
0x1da: {  	[sflag:s19] =	ssyncset.done $0x0  }
0x1db: {  	[sflag:s19] =	ssyncadd.s32 $0xFFFFC000  }
0x1dc: {  	_ =	sfence.sel $0x180000  }
0x1dd: {  	[bflag:$0x0] =	sbarrier.arrive $0xFFFF  }
0x1de: {  	_ =	strace $0x90000047  }
0x1df: {  	s0 =	stileid.u32;
	[bflag:$0x2] =	sbarrier.arrive $0xFFFF  }
0x1e0: {  	p0 =	sne.s32 s0, $0x0;
	s0 =	rddreg [dreg:$0x4]  }
0x1e1: {  	s0 =	sadd.s32 @!p0 $0x100000, s0  }
0x1e2: {  	[sflag:s0] =	ssyncadd.tile.s32 @!p0 $0x1;
	_ =	shalt  }
.Lfunc_end2:
_tile_overlayer_lowered:
.L_overlay_start_2:
0x1e3: {  	(tag) =	ssettag $0x2  }
0x1e4: {  	s0 =	rddreg [dreg:$0x0];
	s2 =	stileid.u32  }
0x1e5: {  	s1 =	rddreg [dreg:$0x1];
	p0 =	sne.s32 s2, $0x0  }
0x1e6: {  	s3 =	rddreg [dreg:$0x2];
	[bflag:$0x3] =	sbarrier.arrive $0xFFFF;
	s2 =	simm.s32 @!p0 $0x1C0B  }
0x1e7: {  	[timem:s3], [sflag:s2] =	dma.local @!p0 [hbm:s0], s1  }
0x1e8: {  	s0 =	simm.s32 @!p0 $0xB  }
0x1e9: {  	_ =	swait.ge @!p0 [sflag:s0], s1  }
0x1ea: {  	s1 =	ssub.s32 @!p0 $0x0, s1;
	[sflag:s0] =	ssyncset.done @!p0 $0x0  }
0x1eb: {  	[sflag:s0] =	ssyncadd.s32 @!p0 s1  }
0x1ec: {  	[bflag:$0x3] =	sbarrier.arrive $0xFFFF  }
0x1ed: {  	_ =	shalt  }

</sc_bundles>
